<compile_context>
chip_gen: v7x
topology: tpu7x:2x2x1
jax: 0.10.2.dev20260603
libtpu: 0.0.44.dev20260713+nightly
codegen_flags: <defaults>
</compile_context>

<pallas_src>
import functools

import jax
import jax.numpy as jnp
from jax import lax
from jax.experimental import pallas as pl
from jax.experimental.pallas import tpu as pltpu
from jax.experimental.pallas import tpu_sc as plsc

N_NODES = 10000
N_EDGES = 320000
D_FEAT = 128
D_HID = 64
D_EMB = 32

NC = 2
NS = 16
NW = NC * NS
EPW = N_EDGES // NW
CHUNK = 1008
NFULL = EPW // CHUNK
TAILC = EPW - NFULL * CHUNK
STRIPE = 624
TAIL = N_NODES - NS * STRIPE


def _spmm_body(feat_hbm, src_hbm, dst_hbm, w_hbm, zeros_hbm, out_hbm,
               srcv, dstv, wv, rows, acc, sem):
    cid = lax.axis_index("c")
    sid = lax.axis_index("s")
    wid = sid * NC + cid

    soff = pl.multiple_of(sid * STRIPE, 8)
    pltpu.sync_copy(zeros_hbm.at[pl.ds(soff, STRIPE)],
                    acc.at[pl.ds(soff, STRIPE)])

    @pl.when(sid == 0)
    def _zero_tail():
        pltpu.sync_copy(zeros_hbm.at[pl.ds(NS * STRIPE, TAIL)],
                        acc.at[pl.ds(NS * STRIPE, TAIL)])

    plsc.subcore_barrier()

    e_base = pl.multiple_of(wid * EPW, 8)

    def do_chunk(eb, n):
        sv = srcv.at[pl.ds(0, n)]
        dv = dstv.at[pl.ds(0, n)]
        wvv = wv.at[pl.ds(0, n)]
        rv = rows.at[pl.ds(0, n)]
        pltpu.sync_copy(src_hbm.at[pl.ds(eb, n)], sv)
        pltpu.sync_copy(dst_hbm.at[pl.ds(eb, n)], dv)
        pltpu.sync_copy(w_hbm.at[pl.ds(eb, n)], wvv)
        pltpu.async_copy(feat_hbm.at[sv], rv, sem).wait()

        def e_body(eg, c2):
            w16 = wv[pl.ds(pl.multiple_of(eg * 16, 16), 16)]
            for de in range(16):
                e = eg * 16 + de
                wb = jnp.broadcast_to(w16[de], (16,))
                for q in range(D_HID // 16):
                    sl = pl.ds(q * 16, 16)
                    rows[e, sl] = rows[e, sl] * wb
            return c2

        lax.fori_loop(0, n // 16, e_body, 0)
        pltpu.sync_copy(rv, acc.at[dv], add=True)

    def chunk_body(j, carry):
        do_chunk(pl.multiple_of(e_base + j * CHUNK, 8), CHUNK)
        return carry

    lax.fori_loop(0, NFULL, chunk_body, 0)
    if TAILC:
        do_chunk(pl.multiple_of(e_base + NFULL * CHUNK, 8), TAILC)
    plsc.subcore_barrier()
    pltpu.sync_copy(acc.at[pl.ds(soff, STRIPE)],
                    out_hbm.at[cid, pl.ds(soff, STRIPE)])

    @pl.when(sid == 0)
    def _out_tail():
        pltpu.sync_copy(acc.at[pl.ds(NS * STRIPE, TAIL)],
                        out_hbm.at[cid, pl.ds(NS * STRIPE, TAIL)])


_spmm_sc = pl.kernel(
    _spmm_body,
    out_type=jax.ShapeDtypeStruct((NC, N_NODES, D_HID), jnp.float32),
    mesh=plsc.VectorSubcoreMesh(core_axis_name="c", subcore_axis_name="s"),
    scratch_types=[
        pltpu.VMEM((CHUNK,), jnp.int32),
        pltpu.VMEM((CHUNK,), jnp.int32),
        pltpu.VMEM((CHUNK,), jnp.float32),
        pltpu.VMEM((CHUNK, D_HID), jnp.float32),
        pltpu.VMEM_SHARED((N_NODES, D_HID), jnp.float32),
        pltpu.SemaphoreType.DMA,
    ],
    compiler_params=pltpu.CompilerParams(use_tc_tiling_on_sc=False),
)


_BLK = 1000


def _mm1_body(x_ref, w_ref, o_ref):
    o_ref[...] = jnp.dot(x_ref[...], w_ref[...],
                         preferred_element_type=jnp.float32)


_mm1 = pl.pallas_call(
    _mm1_body,
    grid=(N_NODES // _BLK,),
    in_specs=[
        pl.BlockSpec((_BLK, D_FEAT), lambda i: (i, 0)),
        pl.BlockSpec((D_FEAT, D_HID), lambda i: (0, 0)),
    ],
    out_specs=pl.BlockSpec((_BLK, D_HID), lambda i: (i, 0)),
    out_shape=jax.ShapeDtypeStruct((N_NODES, D_HID), jnp.float32),
)


def _mid_body(p_ref, w_ref, o_ref):
    h = jnp.maximum(p_ref[0] + p_ref[1], 0.0)
    o_ref[...] = jnp.dot(h, w_ref[...], preferred_element_type=jnp.float32)


_mid = pl.pallas_call(
    _mid_body,
    grid=(N_NODES // _BLK,),
    in_specs=[
        pl.BlockSpec((NC, _BLK, D_HID), lambda i: (0, i, 0)),
        pl.BlockSpec((D_HID, 2 * D_EMB), lambda i: (0, 0)),
    ],
    out_specs=pl.BlockSpec((_BLK, 2 * D_EMB), lambda i: (i, 0)),
    out_shape=jax.ShapeDtypeStruct((N_NODES, 2 * D_EMB), jnp.float32),
)


def _fin_body(q_ref, eps_ref, o_ref):
    qs = q_ref[0] + q_ref[1]
    mu = qs[:, :D_EMB]
    ls2 = qs[:, D_EMB:]
    o_ref[...] = eps_ref[...] * jnp.exp(ls2 * 0.5) + mu


_fin = pl.pallas_call(
    _fin_body,
    grid=(N_NODES // _BLK,),
    in_specs=[
        pl.BlockSpec((NC, _BLK, 2 * D_EMB), lambda i: (0, i, 0)),
        pl.BlockSpec((_BLK, D_EMB), lambda i: (i, 0)),
    ],
    out_specs=pl.BlockSpec((_BLK, D_EMB), lambda i: (i, 0)),
    out_shape=jax.ShapeDtypeStruct((N_NODES, D_EMB), jnp.float32),
)


def kernel(x, edge_index, edge_weight, eps, W0, W1, W2):
    src = edge_index[0].astype(jnp.int32)
    dst = edge_index[1].astype(jnp.int32)
    w = edge_weight.astype(jnp.float32)
    zeros = jnp.zeros((N_NODES, D_HID), jnp.float32)

    xw = _mm1(x, W0)
    p = _spmm_sc(xw, src, dst, w, zeros)
    Wc = jnp.concatenate([W1, W2], axis=1)
    hw = _mid(p, Wc)
    q = _spmm_sc(hw, src, dst, w, zeros)
    z = _fin(q, eps)
    return z

# --- scband reference (transcript-rebuilt; emitter-appended) ---
"""Pipeline reference for scband-mix-curv-diff-36816459661903 (READ-ONLY COPY).

The authoritative reference and input builder live on the scoring server;
editing this copy changes nothing except your own understanding.
"""

import jax, jax.numpy as jnp
import numpy as np

N_NODES = 10000
N_EDGES = 320000
D_FEAT = 128
D_HID = 64
D_EMB = 32


def setup_inputs(seed: int = 0) -> dict:
    key = jax.random.key(seed)
    ks = jax.random.split(key, 8)
    x = jax.random.normal(ks[0], (N_NODES, D_FEAT), dtype=jnp.float32)
    edge_index = jax.random.randint(ks[1], (2, N_EDGES), 0, N_NODES).astype(jnp.int64)
    edge_weight = jax.random.uniform(ks[2], (N_EDGES,), dtype=jnp.float32)
    eps = jax.random.normal(ks[3], (N_NODES, D_EMB), dtype=jnp.float32)
    # GraphConvSparse weights (glorot-like init)
    W0 = jax.random.normal(ks[4], (D_FEAT, D_HID), dtype=jnp.float32) * (1.0 / np.sqrt(D_FEAT))
    W1 = jax.random.normal(ks[5], (D_HID, D_EMB), dtype=jnp.float32) * (1.0 / np.sqrt(D_HID))
    W2 = jax.random.normal(ks[6], (D_HID, D_EMB), dtype=jnp.float32) * (1.0 / np.sqrt(D_HID))
    return {"x": x, "edge_index": edge_index, "edge_weight": edge_weight, "eps": eps, "W0": W0, "W1": W1, "W2": W2}


def reference(x, edge_index, edge_weight, eps, W0, W1, W2):
    # MixCurvDiff.encode with T=1: base_gcn -> gcn_mean / gcn_logsigma2 -> reparameterized z
    # GraphConvSparse(x, adj): out = act(adj @ (x @ W)); sparse adj as (edge_index, edge_weight)
    src = edge_index[0]
    dst = edge_index[1]
    n = x.shape[0]

    def spmm(feat):
        # adj @ feat : gather rows by src, weight, scatter-add into dst
        return jax.ops.segment_sum(edge_weight[:, None] * jnp.take(feat, src, axis=0), dst, num_segments=n)

    h = jax.nn.relu(spmm(x @ W0))          # base_gcn with ReLU
    mu = spmm(h @ W1)                      # gcn_mean (identity activation)
    ls2 = spmm(h @ W2)                     # gcn_logsigma2 (identity activation)
    z = eps * jnp.exp(ls2 / 2.0) + mu      # reparameterization: randn_like(mu)*exp(ls2/2)+mu
    return z

if __name__ == "__main__":
    import jax
    _d = setup_inputs()
    print(jax.jit(kernel)(*tuple(_d.values())))

</pallas_src>

<mosaic_0001>
#map = affine_map<(d0, d1) -> (0, 0)>
#map1 = affine_map<(d0, d1) -> (0)>
#map2 = affine_map<(d0, d1) -> (0, 0, 0)>
module attributes {stable_mosaic.version = 14 : i64} {
  func.func @_spmm_body(%arg0: i32, %arg1: i32, %arg2: memref<10000x64xf32, #tpu.memory_space<hbm>>, %arg3: memref<320000xi32, #tpu.memory_space<hbm>>, %arg4: memref<320000xi32, #tpu.memory_space<hbm>>, %arg5: memref<320000xf32, #tpu.memory_space<hbm>>, %arg6: memref<10000x64xf32, #tpu.memory_space<hbm>>, %arg7: memref<2x10000x64xf32, #tpu.memory_space<hbm>>, %arg8: memref<1008xi32, #tpu.memory_space<vmem>>, %arg9: memref<1008xi32, #tpu.memory_space<vmem>>, %arg10: memref<1008xf32, #tpu.memory_space<vmem>>, %arg11: memref<1008x64xf32, #tpu.memory_space<vmem>>, %arg12: memref<10000x64xf32, #tpu.memory_space<vmem_shared>>, %arg13: memref<!tpu.dma_semaphore, #tpu.memory_space<semaphore_mem>>) attributes {dimension_semantics = [#tpu.dimension_semantics<core_parallel>, #tpu.dimension_semantics<subcore_parallel>], iteration_bounds = array<i64: 2, 16>, scalar_prefetch = 0 : i64, scratch_operands = 6 : i64, tpu.core_type = #tpu.core_type<sc_vector_subcore>, window_params = [{transform_indices = #map}, {transform_indices = #map1}, {transform_indices = #map1}, {transform_indices = #map1}, {transform_indices = #map}, {transform_indices = #map2}]} {
    %mul3A = arith.constant 2 : i32
    %mul3A_0 = arith.muli %arg1, %mul3A : i32
    %add3A = arith.addi %mul3A_0, %arg0 : i32
    %mul3A_1 = arith.constant 624 : i32
    %mul3A_2 = arith.muli %arg1, %mul3A_1 : i32
    %multiple_of3A = tpu.assume_multiple %mul3A_2, 8 : i32
    "tpu.region"() ({
      %run_scoped3A = tpu.sem_alloc : memref<!tpu.dma_semaphore, #tpu.memory_space<semaphore_mem>>
      %dma_start3A_42 = arith.constant 0 : i32
      %dma_start3A_43 = tpu.memref_slice %arg12[%multiple_of3A, %dma_start3A_42] : memref<10000x64xf32, #tpu.memory_space<vmem_shared>> -> memref<624x64xf32, #tpu.memory_space<vmem_shared>>
      %dma_start3A_44 = arith.constant 0 : i32
      %dma_start3A_45 = tpu.memref_slice %arg6[%multiple_of3A, %dma_start3A_44] : memref<10000x64xf32, #tpu.memory_space<hbm>> -> memref<624x64xf32, #tpu.memory_space<hbm>>
      tpu.enqueue_dma source(%dma_start3A_45 : memref<624x64xf32, #tpu.memory_space<hbm>>) target(%dma_start3A_43 : memref<624x64xf32, #tpu.memory_space<vmem_shared>>) target_semaphore(%run_scoped3A : memref<!tpu.dma_semaphore, #tpu.memory_space<semaphore_mem>>)
      %dma_wait3A_46 = arith.constant 0 : i32
      %dma_wait3A_47 = tpu.memref_slice %arg12[%multiple_of3A, %dma_wait3A_46] : memref<10000x64xf32, #tpu.memory_space<vmem_shared>> -> memref<624x64xf32, #tpu.memory_space<vmem_shared>>
      %dma_wait3A_48 = arith.constant 0 : i32
      %dma_wait3A_49 = tpu.memref_slice %arg6[%multiple_of3A, %dma_wait3A_48] : memref<10000x64xf32, #tpu.memory_space<hbm>> -> memref<624x64xf32, #tpu.memory_space<hbm>>
      tpu.wait_dma2 semaphore(%run_scoped3A : memref<!tpu.dma_semaphore, #tpu.memory_space<semaphore_mem>>) src(%dma_wait3A_49 : memref<624x64xf32, #tpu.memory_space<hbm>>) dst(%dma_wait3A_47 : memref<624x64xf32, #tpu.memory_space<vmem_shared>>)
      tpu.yield
    }) : () -> ()
    %eq3A = arith.constant 0 : i32
    %eq3A_3 = arith.cmpi eq, %arg1, %eq3A : i32
    %convert_element_type3A = arith.extui %eq3A_3 : i1 to i32
    %cond3A = arith.constant 0 : i32
    %cond3A_4 = arith.cmpi ne, %convert_element_type3A, %cond3A : i32
    scf.if %cond3A_4 {
      "tpu.region"() ({
        %run_scoped3A = tpu.sem_alloc : memref<!tpu.dma_semaphore, #tpu.memory_space<semaphore_mem>>
        %dma_start3A_42 = arith.constant 9984 : i32
        %dma_start3A_43 = arith.constant 0 : i32
        %dma_start3A_44 = tpu.memref_slice %arg12[%dma_start3A_42, %dma_start3A_43] : memref<10000x64xf32, #tpu.memory_space<vmem_shared>> -> memref<16x64xf32, #tpu.memory_space<vmem_shared>>
        %dma_start3A_45 = arith.constant 9984 : i32
        %dma_start3A_46 = arith.constant 0 : i32
        %dma_start3A_47 = tpu.memref_slice %arg6[%dma_start3A_45, %dma_start3A_46] : memref<10000x64xf32, #tpu.memory_space<hbm>> -> memref<16x64xf32, #tpu.memory_space<hbm>>
        tpu.enqueue_dma source(%dma_start3A_47 : memref<16x64xf32, #tpu.memory_space<hbm>>) target(%dma_start3A_44 : memref<16x64xf32, #tpu.memory_space<vmem_shared>>) target_semaphore(%run_scoped3A : memref<!tpu.dma_semaphore, #tpu.memory_space<semaphore_mem>>)
        %dma_wait3A_48 = arith.constant 9984 : i32
        %dma_wait3A_49 = arith.constant 0 : i32
        %dma_wait3A_50 = tpu.memref_slice %arg12[%dma_wait3A_48, %dma_wait3A_49] : memref<10000x64xf32, #tpu.memory_space<vmem_shared>> -> memref<16x64xf32, #tpu.memory_space<vmem_shared>>
        %dma_wait3A_51 = arith.constant 9984 : i32
        %dma_wait3A_52 = arith.constant 0 : i32
        %dma_wait3A_53 = tpu.memref_slice %arg6[%dma_wait3A_51, %dma_wait3A_52] : memref<10000x64xf32, #tpu.memory_space<hbm>> -> memref<16x64xf32, #tpu.memory_space<hbm>>
        tpu.wait_dma2 semaphore(%run_scoped3A : memref<!tpu.dma_semaphore, #tpu.memory_space<semaphore_mem>>) src(%dma_wait3A_53 : memref<16x64xf32, #tpu.memory_space<hbm>>) dst(%dma_wait3A_50 : memref<16x64xf32, #tpu.memory_space<vmem_shared>>)
        tpu.yield
      }) : () -> ()
    } else {
    }
    %barrier3A = arith.constant 0 : index
    tpu.barrier barrier_id(%barrier3A)
    %mul3A_5 = arith.constant 10000 : i32
    %mul3A_6 = arith.muli %add3A, %mul3A_5 : i32
    %multiple_of3A_7 = tpu.assume_multiple %mul3A_6, 8 : i32
    %scan3A = arith.constant 0 : i32
    %scan3A_8 = arith.constant 0 : i32
    %scan3A_9 = arith.constant 9 : i32
    %scan3A_10 = arith.addi %scan3A_8, %scan3A_9 : i32
    %scan3A_11 = arith.constant 1 : i32
    scf.for %scan3A_42 = %scan3A_8 to %scan3A_10 step %scan3A_11  : i32 {
      %mul3A_43 = arith.constant 1008 : i32
      %mul3A_44 = arith.muli %scan3A_42, %mul3A_43 : i32
      %add3A_45 = arith.addi %multiple_of3A_7, %mul3A_44 : i32
      %multiple_of3A_46 = tpu.assume_multiple %add3A_45, 8 : i32
      "tpu.region"() ({
        %run_scoped3A = tpu.sem_alloc : memref<!tpu.dma_semaphore, #tpu.memory_space<semaphore_mem>>
        %dma_start3A_69 = arith.constant 0 : i32
        %dma_start3A_70 = tpu.memref_slice %arg8[%dma_start3A_69] : memref<1008xi32, #tpu.memory_space<vmem>> -> memref<1008xi32, #tpu.memory_space<vmem>>
        %dma_start3A_71 = tpu.memref_slice %arg3[%multiple_of3A_46] : memref<320000xi32, #tpu.memory_space<hbm>> -> memref<1008xi32, #tpu.memory_space<hbm>>
        %dma_start3A_72 = arith.constant 0 : i32
        %dma_start3A_73 = tpu.memref_slice %arg8[%dma_start3A_72] : memref<1008xi32, #tpu.memory_space<vmem>> -> memref<1008xi32, #tpu.memory_space<vmem>>
        %dma_start3A_74 = tpu.memref_slice %arg3[%multiple_of3A_46] : memref<320000xi32, #tpu.memory_space<hbm>> -> memref<1008xi32, #tpu.memory_space<hbm>>
        tpu.enqueue_dma source(%dma_start3A_74 : memref<1008xi32, #tpu.memory_space<hbm>>) target(%dma_start3A_73 : memref<1008xi32, #tpu.memory_space<vmem>>) target_semaphore(%run_scoped3A : memref<!tpu.dma_semaphore, #tpu.memory_space<semaphore_mem>>)
        %dma_wait3A_75 = arith.constant 0 : i32
        %dma_wait3A_76 = tpu.memref_slice %arg8[%dma_wait3A_75] : memref<1008xi32, #tpu.memory_space<vmem>> -> memref<1008xi32, #tpu.memory_space<vmem>>
        %dma_wait3A_77 = tpu.memref_slice %arg3[%multiple_of3A_46] : memref<320000xi32, #tpu.memory_space<hbm>> -> memref<1008xi32, #tpu.memory_space<hbm>>
        %dma_wait3A_78 = arith.constant 0 : i32
        %dma_wait3A_79 = tpu.memref_slice %arg8[%dma_wait3A_78] : memref<1008xi32, #tpu.memory_space<vmem>> -> memref<1008xi32, #tpu.memory_space<vmem>>
        %dma_wait3A_80 = tpu.memref_slice %arg3[%multiple_of3A_46] : memref<320000xi32, #tpu.memory_space<hbm>> -> memref<1008xi32, #tpu.memory_space<hbm>>
        tpu.wait_dma2 semaphore(%run_scoped3A : memref<!tpu.dma_semaphore, #tpu.memory_space<semaphore_mem>>) src(%dma_wait3A_80 : memref<1008xi32, #tpu.memory_space<hbm>>) dst(%dma_wait3A_79 : memref<1008xi32, #tpu.memory_space<vmem>>)
        tpu.yield
      }) : () -> ()
      "tpu.region"() ({
        %run_scoped3A = tpu.sem_alloc : memref<!tpu.dma_semaphore, #tpu.memory_space<semaphore_mem>>
        %dma_start3A_69 = arith.constant 0 : i32
        %dma_start3A_70 = tpu.memref_slice %arg9[%dma_start3A_69] : memref<1008xi32, #tpu.memory_space<vmem>> -> memref<1008xi32, #tpu.memory_space<vmem>>
        %dma_start3A_71 = tpu.memref_slice %arg4[%multiple_of3A_46] : memref<320000xi32, #tpu.memory_space<hbm>> -> memref<1008xi32, #tpu.memory_space<hbm>>
        %dma_start3A_72 = arith.constant 0 : i32
        %dma_start3A_73 = tpu.memref_slice %arg9[%dma_start3A_72] : memref<1008xi32, #tpu.memory_space<vmem>> -> memref<1008xi32, #tpu.memory_space<vmem>>
        %dma_start3A_74 = tpu.memref_slice %arg4[%multiple_of3A_46] : memref<320000xi32, #tpu.memory_space<hbm>> -> memref<1008xi32, #tpu.memory_space<hbm>>
        tpu.enqueue_dma source(%dma_start3A_74 : memref<1008xi32, #tpu.memory_space<hbm>>) target(%dma_start3A_73 : memref<1008xi32, #tpu.memory_space<vmem>>) target_semaphore(%run_scoped3A : memref<!tpu.dma_semaphore, #tpu.memory_space<semaphore_mem>>)
        %dma_wait3A_75 = arith.constant 0 : i32
        %dma_wait3A_76 = tpu.memref_slice %arg9[%dma_wait3A_75] : memref<1008xi32, #tpu.memory_space<vmem>> -> memref<1008xi32, #tpu.memory_space<vmem>>
        %dma_wait3A_77 = tpu.memref_slice %arg4[%multiple_of3A_46] : memref<320000xi32, #tpu.memory_space<hbm>> -> memref<1008xi32, #tpu.memory_space<hbm>>
        %dma_wait3A_78 = arith.constant 0 : i32
        %dma_wait3A_79 = tpu.memref_slice %arg9[%dma_wait3A_78] : memref<1008xi32, #tpu.memory_space<vmem>> -> memref<1008xi32, #tpu.memory_space<vmem>>
        %dma_wait3A_80 = tpu.memref_slice %arg4[%multiple_of3A_46] : memref<320000xi32, #tpu.memory_space<hbm>> -> memref<1008xi32, #tpu.memory_space<hbm>>
        tpu.wait_dma2 semaphore(%run_scoped3A : memref<!tpu.dma_semaphore, #tpu.memory_space<semaphore_mem>>) src(%dma_wait3A_80 : memref<1008xi32, #tpu.memory_space<hbm>>) dst(%dma_wait3A_79 : memref<1008xi32, #tpu.memory_space<vmem>>)
        tpu.yield
      }) : () -> ()
      "tpu.region"() ({
        %run_scoped3A = tpu.sem_alloc : memref<!tpu.dma_semaphore, #tpu.memory_space<semaphore_mem>>
        %dma_start3A_69 = arith.constant 0 : i32
        %dma_start3A_70 = tpu.memref_slice %arg10[%dma_start3A_69] : memref<1008xf32, #tpu.memory_space<vmem>> -> memref<1008xf32, #tpu.memory_space<vmem>>
        %dma_start3A_71 = tpu.memref_slice %arg5[%multiple_of3A_46] : memref<320000xf32, #tpu.memory_space<hbm>> -> memref<1008xf32, #tpu.memory_space<hbm>>
        %dma_start3A_72 = arith.constant 0 : i32
        %dma_start3A_73 = tpu.memref_slice %arg10[%dma_start3A_72] : memref<1008xf32, #tpu.memory_space<vmem>> -> memref<1008xf32, #tpu.memory_space<vmem>>
        %dma_start3A_74 = tpu.memref_slice %arg5[%multiple_of3A_46] : memref<320000xf32, #tpu.memory_space<hbm>> -> memref<1008xf32, #tpu.memory_space<hbm>>
        tpu.enqueue_dma source(%dma_start3A_74 : memref<1008xf32, #tpu.memory_space<hbm>>) target(%dma_start3A_73 : memref<1008xf32, #tpu.memory_space<vmem>>) target_semaphore(%run_scoped3A : memref<!tpu.dma_semaphore, #tpu.memory_space<semaphore_mem>>)
        %dma_wait3A_75 = arith.constant 0 : i32
        %dma_wait3A_76 = tpu.memref_slice %arg10[%dma_wait3A_75] : memref<1008xf32, #tpu.memory_space<vmem>> -> memref<1008xf32, #tpu.memory_space<vmem>>
        %dma_wait3A_77 = tpu.memref_slice %arg5[%multiple_of3A_46] : memref<320000xf32, #tpu.memory_space<hbm>> -> memref<1008xf32, #tpu.memory_space<hbm>>
        %dma_wait3A_78 = arith.constant 0 : i32
        %dma_wait3A_79 = tpu.memref_slice %arg10[%dma_wait3A_78] : memref<1008xf32, #tpu.memory_space<vmem>> -> memref<1008xf32, #tpu.memory_space<vmem>>
        %dma_wait3A_80 = tpu.memref_slice %arg5[%multiple_of3A_46] : memref<320000xf32, #tpu.memory_space<hbm>> -> memref<1008xf32, #tpu.memory_space<hbm>>
        tpu.wait_dma2 semaphore(%run_scoped3A : memref<!tpu.dma_semaphore, #tpu.memory_space<semaphore_mem>>) src(%dma_wait3A_80 : memref<1008xf32, #tpu.memory_space<hbm>>) dst(%dma_wait3A_79 : memref<1008xf32, #tpu.memory_space<vmem>>)
        tpu.yield
      }) : () -> ()
      %dma_start3A_47 = arith.constant 0 : i32
      %dma_start3A_48 = arith.constant 0 : i32
      %dma_start3A_49 = tpu.memref_slice %arg11[%dma_start3A_47, %dma_start3A_48] : memref<1008x64xf32, #tpu.memory_space<vmem>> -> memref<1008x64xf32, #tpu.memory_space<vmem>>
      %dma_start3A_50 = arith.constant 0 : i32
      %dma_start3A_51 = tpu.memref_slice %arg8[%dma_start3A_50] : memref<1008xi32, #tpu.memory_space<vmem>> -> memref<1008xi32, #tpu.memory_space<vmem>>
      %dma_start3A_52 = arith.constant 0 : i32
      %dma_start3A_53 = arith.constant 0 : i32
      %dma_start3A_54 = tpu.memref_slice %arg2[%dma_start3A_52, %dma_start3A_53] : memref<10000x64xf32, #tpu.memory_space<hbm>> -> memref<10000x64xf32, #tpu.memory_space<hbm>>
      tpu.enqueue_indirect_dma source(%dma_start3A_54 : memref<10000x64xf32, #tpu.memory_space<hbm>>) target(%dma_start3A_49 : memref<1008x64xf32, #tpu.memory_space<vmem>>) offsets(%dma_start3A_51 : memref<1008xi32, #tpu.memory_space<vmem>>) semaphore(%arg13 : memref<!tpu.dma_semaphore, #tpu.memory_space<semaphore_mem>>)
      %dma_wait3A_55 = arith.constant 0 : i32
      %dma_wait3A_56 = arith.constant 0 : i32
      %dma_wait3A_57 = tpu.memref_slice %arg11[%dma_wait3A_55, %dma_wait3A_56] : memref<1008x64xf32, #tpu.memory_space<vmem>> -> memref<1008x64xf32, #tpu.memory_space<vmem>>
      %dma_wait3A_58 = arith.constant 0 : i32
      %dma_wait3A_59 = tpu.memref_slice %arg8[%dma_wait3A_58] : memref<1008xi32, #tpu.memory_space<vmem>> -> memref<1008xi32, #tpu.memory_space<vmem>>
      %dma_wait3A_60 = arith.constant 0 : i32
      %dma_wait3A_61 = arith.constant 0 : i32
      %dma_wait3A_62 = tpu.memref_slice %arg2[%dma_wait3A_60, %dma_wait3A_61] : memref<10000x64xf32, #tpu.memory_space<hbm>> -> memref<10000x64xf32, #tpu.memory_space<hbm>>
      tpu.wait_indirect_dma semaphore(%arg13 : memref<!tpu.dma_semaphore, #tpu.memory_space<semaphore_mem>>) src(%dma_wait3A_62 : memref<10000x64xf32, #tpu.memory_space<hbm>>) dst(%dma_wait3A_57 : memref<1008x64xf32, #tpu.memory_space<vmem>>)
      %scan3A_63 = arith.constant 0 : i32
      %scan3A_64 = arith.constant 0 : i32
      %scan3A_65 = arith.constant 63 : i32
      %scan3A_66 = arith.addi %scan3A_64, %scan3A_65 : i32
      %scan3A_67 = arith.constant 1 : i32
      scf.for %scan3A_69 = %scan3A_64 to %scan3A_66 step %scan3A_67  : i32 {
        %mul3A_70 = arith.constant 16 : i32
        %mul3A_71 = arith.muli %scan3A_69, %mul3A_70 : i32
        %multiple_of3A_72 = tpu.assume_multiple %mul3A_71, 16 : i32
        %get3A = arith.index_cast %multiple_of3A_72 : i32 to index
        %get3A_73 = tpu.vector_load %arg10[%get3A] {strides = array<i32>} : memref<1008xf32, #tpu.memory_space<vmem>>, vector<16xf32>,
        %get3A_74 = vector.shape_cast %get3A_73 : vector<16xf32> to vector<16xf32>
        %mul3A_75 = arith.constant 16 : i32
        %mul3A_76 = arith.muli %scan3A_69, %mul3A_75 : i32
        %add3A_77 = arith.constant 0 : i32
        %add3A_78 = arith.addi %mul3A_76, %add3A_77 : i32
        %slice3A = vector.extract_strided_slice %get3A_74 {offsets = [0], sizes = [1], strides = [1]} : vector<16xf32> to vector<1xf32>
        %squeeze3A = vector.extract %slice3A[0] : f32 from vector<1xf32>
        %broadcast_in_dim3A = vector.broadcast %squeeze3A : f32 to vector<16xf32>
        %get3A_79 = arith.index_cast %add3A_78 : i32 to index
        %get3A_80 = arith.constant 0 : index
        %get3A_81 = tpu.vector_load %arg11[%get3A_79, %get3A_80] {strides = array<i32>} : memref<1008x64xf32, #tpu.memory_space<vmem>>, vector<1x16xf32>,
        %get3A_82 = vector.shape_cast %get3A_81 : vector<1x16xf32> to vector<16xf32>
        %mul3A_83 = arith.mulf %get3A_82, %broadcast_in_dim3A : vector<16xf32>
        %swap3A = arith.index_cast %add3A_78 : i32 to index
        %swap3A_84 = arith.constant 0 : index
        %swap3A_85 = tpu.vector_load %arg11[%swap3A, %swap3A_84] {strides = array<i32>} : memref<1008x64xf32, #tpu.memory_space<vmem>>, vector<1x16xf32>,
        %swap3A_86 = vector.shape_cast %swap3A_85 : vector<1x16xf32> to vector<16xf32>
        %swap3A_87 = vector.shape_cast %mul3A_83 : vector<16xf32> to vector<1x16xf32>
        tpu.vector_store %arg11[%swap3A, %swap3A_84], %swap3A_87 {strides = array<i32>} : memref<1008x64xf32, #tpu.memory_space<vmem>>, vector<1x16xf32>,
        %get3A_88 = arith.index_cast %add3A_78 : i32 to index
        %get3A_89 = arith.constant 16 : index
        %get3A_90 = tpu.vector_load %arg11[%get3A_88, %get3A_89] {strides = array<i32>} : memref<1008x64xf32, #tpu.memory_space<vmem>>, vector<1x16xf32>,
        %get3A_91 = vector.shape_cast %get3A_90 : vector<1x16xf32> to vector<16xf32>
        %mul3A_92 = arith.mulf %get3A_91, %broadcast_in_dim3A : vector<16xf32>
        %swap3A_93 = arith.index_cast %add3A_78 : i32 to index
        %swap3A_94 = arith.constant 16 : index
        %swap3A_95 = tpu.vector_load %arg11[%swap3A_93, %swap3A_94] {strides = array<i32>} : memref<1008x64xf32, #tpu.memory_space<vmem>>, vector<1x16xf32>,
        %swap3A_96 = vector.shape_cast %swap3A_95 : vector<1x16xf32> to vector<16xf32>
        %swap3A_97 = vector.shape_cast %mul3A_92 : vector<16xf32> to vector<1x16xf32>
        tpu.vector_store %arg11[%swap3A_93, %swap3A_94], %swap3A_97 {strides = array<i32>} : memref<1008x64xf32, #tpu.memory_space<vmem>>, vector<1x16xf32>,
        %get3A_98 = arith.index_cast %add3A_78 : i32 to index
        %get3A_99 = arith.constant 32 : index
        %get3A_100 = tpu.vector_load %arg11[%get3A_98, %get3A_99] {strides = array<i32>} : memref<1008x64xf32, #tpu.memory_space<vmem>>, vector<1x16xf32>,
        %get3A_101 = vector.shape_cast %get3A_100 : vector<1x16xf32> to vector<16xf32>
        %mul3A_102 = arith.mulf %get3A_101, %broadcast_in_dim3A : vector<16xf32>
        %swap3A_103 = arith.index_cast %add3A_78 : i32 to index
        %swap3A_104 = arith.constant 32 : index
        %swap3A_105 = tpu.vector_load %arg11[%swap3A_103, %swap3A_104] {strides = array<i32>} : memref<1008x64xf32, #tpu.memory_space<vmem>>, vector<1x16xf32>,
        %swap3A_106 = vector.shape_cast %swap3A_105 : vector<1x16xf32> to vector<16xf32>
        %swap3A_107 = vector.shape_cast %mul3A_102 : vector<16xf32> to vector<1x16xf32>
        tpu.vector_store %arg11[%swap3A_103, %swap3A_104], %swap3A_107 {strides = array<i32>} : memref<1008x64xf32, #tpu.memory_space<vmem>>, vector<1x16xf32>,
        %get3A_108 = arith.index_cast %add3A_78 : i32 to index
        %get3A_109 = arith.constant 48 : index
        %get3A_110 = tpu.vector_load %arg11[%get3A_108, %get3A_109] {strides = array<i32>} : memref<1008x64xf32, #tpu.memory_space<vmem>>, vector<1x16xf32>,
        %get3A_111 = vector.shape_cast %get3A_110 : vector<1x16xf32> to vector<16xf32>
        %mul3A_112 = arith.mulf %get3A_111, %broadcast_in_dim3A : vector<16xf32>
        %swap3A_113 = arith.index_cast %add3A_78 : i32 to index
        %swap3A_114 = arith.constant 48 : index
        %swap3A_115 = tpu.vector_load %arg11[%swap3A_113, %swap3A_114] {strides = array<i32>} : memref<1008x64xf32, #tpu.memory_space<vmem>>, vector<1x16xf32>,
        %swap3A_116 = vector.shape_cast %swap3A_115 : vector<1x16xf32> to vector<16xf32>
        %swap3A_117 = vector.shape_cast %mul3A_112 : vector<16xf32> to vector<1x16xf32>
        tpu.vector_store %arg11[%swap3A_113, %swap3A_114], %swap3A_117 {strides = array<i32>} : memref<1008x64xf32, #tpu.memory_space<vmem>>, vector<1x16xf32>,
        %mul3A_118 = arith.constant 16 : i32
        %mul3A_119 = arith.muli %scan3A_69, %mul3A_118 : i32
        %add3A_120 = arith.constant 1 : i32
        %add3A_121 = arith.addi %mul3A_119, %add3A_120 : i32
        %slice3A_122 = vector.extract_strided_slice %get3A_74 {offsets = [1], sizes = [1], strides = [1]} : vector<16xf32> to vector<1xf32>
        %squeeze3A_123 = vector.extract %slice3A_122[0] : f32 from vector<1xf32>
        %broadcast_in_dim3A_124 = vector.broadcast %squeeze3A_123 : f32 to vector<16xf32>
        %get3A_125 = arith.index_cast %add3A_121 : i32 to index
        %get3A_126 = arith.constant 0 : index
        %get3A_127 = tpu.vector_load %arg11[%get3A_125, %get3A_126] {strides = array<i32>} : memref<1008x64xf32, #tpu.memory_space<vmem>>, vector<1x16xf32>,
        %get3A_128 = vector.shape_cast %get3A_127 : vector<1x16xf32> to vector<16xf32>
        %mul3A_129 = arith.mulf %get3A_128, %broadcast_in_dim3A_124 : vector<16xf32>
        %swap3A_130 = arith.index_cast %add3A_121 : i32 to index
        %swap3A_131 = arith.constant 0 : index
        %swap3A_132 = tpu.vector_load %arg11[%swap3A_130, %swap3A_131] {strides = array<i32>} : memref<1008x64xf32, #tpu.memory_space<vmem>>, vector<1x16xf32>,
        %swap3A_133 = vector.shape_cast %swap3A_132 : vector<1x16xf32> to vector<16xf32>
        %swap3A_134 = vector.shape_cast %mul3A_129 : vector<16xf32> to vector<1x16xf32>
        tpu.vector_store %arg11[%swap3A_130, %swap3A_131], %swap3A_134 {strides = array<i32>} : memref<1008x64xf32, #tpu.memory_space<vmem>>, vector<1x16xf32>,
        %get3A_135 = arith.index_cast %add3A_121 : i32 to index
        %get3A_136 = arith.constant 16 : index
        %get3A_137 = tpu.vector_load %arg11[%get3A_135, %get3A_136] {strides = array<i32>} : memref<1008x64xf32, #tpu.memory_space<vmem>>, vector<1x16xf32>,
        %get3A_138 = vector.shape_cast %get3A_137 : vector<1x16xf32> to vector<16xf32>
        %mul3A_139 = arith.mulf %get3A_138, %broadcast_in_dim3A_124 : vector<16xf32>
        %swap3A_140 = arith.index_cast %add3A_121 : i32 to index
        %swap3A_141 = arith.constant 16 : index
        %swap3A_142 = tpu.vector_load %arg11[%swap3A_140, %swap3A_141] {strides = array<i32>} : memref<1008x64xf32, #tpu.memory_space<vmem>>, vector<1x16xf32>,
        %swap3A_143 = vector.shape_cast %swap3A_142 : vector<1x16xf32> to vector<16xf32>
        %swap3A_144 = vector.shape_cast %mul3A_139 : vector<16xf32> to vector<1x16xf32>
        tpu.vector_store %arg11[%swap3A_140, %swap3A_141], %swap3A_144 {strides = array<i32>} : memref<1008x64xf32, #tpu.memory_space<vmem>>, vector<1x16xf32>,
        %get3A_145 = arith.index_cast %add3A_121 : i32 to index
        %get3A_146 = arith.constant 32 : index
        %get3A_147 = tpu.vector_load %arg11[%get3A_145, %get3A_146] {strides = array<i32>} : memref<1008x64xf32, #tpu.memory_space<vmem>>, vector<1x16xf32>,
        %get3A_148 = vector.shape_cast %get3A_147 : vector<1x16xf32> to vector<16xf32>
        %mul3A_149 = arith.mulf %get3A_148, %broadcast_in_dim3A_124 : vector<16xf32>
        %swap3A_150 = arith.index_cast %add3A_121 : i32 to index
        %swap3A_151 = arith.constant 32 : index
        %swap3A_152 = tpu.vector_load %arg11[%swap3A_150, %swap3A_151] {strides = array<i32>} : memref<1008x64xf32, #tpu.memory_space<vmem>>, vector<1x16xf32>,
        %swap3A_153 = vector.shape_cast %swap3A_152 : vector<1x16xf32> to vector<16xf32>
        %swap3A_154 = vector.shape_cast %mul3A_149 : vector<16xf32> to vector<1x16xf32>
        tpu.vector_store %arg11[%swap3A_150, %swap3A_151], %swap3A_154 {strides = array<i32>} : memref<1008x64xf32, #tpu.memory_space<vmem>>, vector<1x16xf32>,
        %get3A_155 = arith.index_cast %add3A_121 : i32 to index
        %get3A_156 = arith.constant 48 : index
        %get3A_157 = tpu.vector_load %arg11[%get3A_155, %get3A_156] {strides = array<i32>} : memref<1008x64xf32, #tpu.memory_space<vmem>>, vector<1x16xf32>,
        %get3A_158 = vector.shape_cast %get3A_157 : vector<1x16xf32> to vector<16xf32>
        %mul3A_159 = arith.mulf %get3A_158, %broadcast_in_dim3A_124 : vector<16xf32>
        %swap3A_160 = arith.index_cast %add3A_121 : i32 to index
        %swap3A_161 = arith.constant 48 : index
        %swap3A_162 = tpu.vector_load %arg11[%swap3A_160, %swap3A_161] {strides = array<i32>} : memref<1008x64xf32, #tpu.memory_space<vmem>>, vector<1x16xf32>,
        %swap3A_163 = vector.shape_cast %swap3A_162 : vector<1x16xf32> to vector<16xf32>
        %swap3A_164 = vector.shape_cast %mul3A_159 : vector<16xf32> to vector<1x16xf32>
        tpu.vector_store %arg11[%swap3A_160, %swap3A_161], %swap3A_164 {strides = array<i32>} : memref<1008x64xf32, #tpu.memory_space<vmem>>, vector<1x16xf32>,
        %mul3A_165 = arith.constant 16 : i32
        %mul3A_166 = arith.muli %scan3A_69, %mul3A_165 : i32
        %add3A_167 = arith.constant 2 : i32
        %add3A_168 = arith.addi %mul3A_166, %add3A_167 : i32
        %slice3A_169 = vector.extract_strided_slice %get3A_74 {offsets = [2], sizes = [1], strides = [1]} : vector<16xf32> to vector<1xf32>
        %squeeze3A_170 = vector.extract %slice3A_169[0] : f32 from vector<1xf32>
        %broadcast_in_dim3A_171 = vector.broadcast %squeeze3A_170 : f32 to vector<16xf32>
        %get3A_172 = arith.index_cast %add3A_168 : i32 to index
        %get3A_173 = arith.constant 0 : index
        %get3A_174 = tpu.vector_load %arg11[%get3A_172, %get3A_173] {strides = array<i32>} : memref<1008x64xf32, #tpu.memory_space<vmem>>, vector<1x16xf32>,
        %get3A_175 = vector.shape_cast %get3A_174 : vector<1x16xf32> to vector<16xf32>
        %mul3A_176 = arith.mulf %get3A_175, %broadcast_in_dim3A_171 : vector<16xf32>
        %swap3A_177 = arith.index_cast %add3A_168 : i32 to index
        %swap3A_178 = arith.constant 0 : index
        %swap3A_179 = tpu.vector_load %arg11[%swap3A_177, %swap3A_178] {strides = array<i32>} : memref<1008x64xf32, #tpu.memory_space<vmem>>, vector<1x16xf32>,
        %swap3A_180 = vector.shape_cast %swap3A_179 : vector<1x16xf32> to vector<16xf32>
        %swap3A_181 = vector.shape_cast %mul3A_176 : vector<16xf32> to vector<1x16xf32>
        tpu.vector_store %arg11[%swap3A_177, %swap3A_178], %swap3A_181 {strides = array<i32>} : memref<1008x64xf32, #tpu.memory_space<vmem>>, vector<1x16xf32>,
        %get3A_182 = arith.index_cast %add3A_168 : i32 to index
        %get3A_183 = arith.constant 16 : index
        %get3A_184 = tpu.vector_load %arg11[%get3A_182, %get3A_183] {strides = array<i32>} : memref<1008x64xf32, #tpu.memory_space<vmem>>, vector<1x16xf32>,
        %get3A_185 = vector.shape_cast %get3A_184 : vector<1x16xf32> to vector<16xf32>
        %mul3A_186 = arith.mulf %get3A_185, %broadcast_in_dim3A_171 : vector<16xf32>
        %swap3A_187 = arith.index_cast %add3A_168 : i32 to index
        %swap3A_188 = arith.constant 16 : index
        %swap3A_189 = tpu.vector_load %arg11[%swap3A_187, %swap3A_188] {strides = array<i32>} : memref<1008x64xf32, #tpu.memory_space<vmem>>, vector<1x16xf32>,
        %swap3A_190 = vector.shape_cast %swap3A_189 : vector<1x16xf32> to vector<16xf32>
        %swap3A_191 = vector.shape_cast %mul3A_186 : vector<16xf32> to vector<1x16xf32>
        tpu.vector_store %arg11[%swap3A_187, %swap3A_188], %swap3A_191 {strides = array<i32>} : memref<1008x64xf32, #tpu.memory_space<vmem>>, vector<1x16xf32>,
        %get3A_192 = arith.index_cast %add3A_168 : i32 to index
        %get3A_193 = arith.constant 32 : index
        %get3A_194 = tpu.vector_load %arg11[%get3A_192, %get3A_193] {strides = array<i32>} : memref<1008x64xf32, #tpu.memory_space<vmem>>, vector<1x16xf32>,
        %get3A_195 = vector.shape_cast %get3A_194 : vector<1x16xf32> to vector<16xf32>
        %mul3A_196 = arith.mulf %get3A_195, %broadcast_in_dim3A_171 : vector<16xf32>
        %swap3A_197 = arith.index_cast %add3A_168 : i32 to index
        %swap3A_198 = arith.constant 32 : index
        %swap3A_199 = tpu.vector_load %arg11[%swap3A_197, %swap3A_198] {strides = array<i32>} : memref<1008x64xf32, #tpu.memory_space<vmem>>, vector<1x16xf32>,
        %swap3A_200 = vector.shape_cast %swap3A_199 : vector<1x16xf32> to vector<16xf32>
        %swap3A_201 = vector.shape_cast %mul3A_196 : vector<16xf32> to vector<1x16xf32>
        tpu.vector_store %arg11[%swap3A_197, %swap3A_198], %swap3A_201 {strides = array<i32>} : memref<1008x64xf32, #tpu.memory_space<vmem>>, vector<1x16xf32>,
        %get3A_202 = arith.index_cast %add3A_168 : i32 to index
        %get3A_203 = arith.constant 48 : index
        %get3A_204 = tpu.vector_load %arg11[%get3A_202, %get3A_203] {strides = array<i32>} : memref<1008x64xf32, #tpu.memory_space<vmem>>, vector<1x16xf32>,
        %get3A_205 = vector.shape_cast %get3A_204 : vector<1x16xf32> to vector<16xf32>
        %mul3A_206 = arith.mulf %get3A_205, %broadcast_in_dim3A_171 : vector<16xf32>
        %swap3A_207 = arith.index_cast %add3A_168 : i32 to index
        %swap3A_208 = arith.constant 48 : index
        %swap3A_209 = tpu.vector_load %arg11[%swap3A_207, %swap3A_208] {strides = array<i32>} : memref<1008x64xf32, #tpu.memory_space<vmem>>, vector<1x16xf32>,
        %swap3A_210 = vector.shape_cast %swap3A_209 : vector<1x16xf32> to vector<16xf32>
        %swap3A_211 = vector.shape_cast %mul3A_206 : vector<16xf32> to vector<1x16xf32>
        tpu.vector_store %arg11[%swap3A_207, %swap3A_208], %swap3A_211 {strides = array<i32>} : memref<1008x64xf32, #tpu.memory_space<vmem>>, vector<1x16xf32>,
        %mul3A_212 = arith.constant 16 : i32
        %mul3A_213 = arith.muli %scan3A_69, %mul3A_212 : i32
        %add3A_214 = arith.constant 3 : i32
        %add3A_215 = arith.addi %mul3A_213, %add3A_214 : i32
        %slice3A_216 = vector.extract_strided_slice %get3A_74 {offsets = [3], sizes = [1], strides = [1]} : vector<16xf32> to vector<1xf32>
        %squeeze3A_217 = vector.extract %slice3A_216[0] : f32 from vector<1xf32>
        %broadcast_in_dim3A_218 = vector.broadcast %squeeze3A_217 : f32 to vector<16xf32>
        %get3A_219 = arith.index_cast %add3A_215 : i32 to index
        %get3A_220 = arith.constant 0 : index
        %get3A_221 = tpu.vector_load %arg11[%get3A_219, %get3A_220] {strides = array<i32>} : memref<1008x64xf32, #tpu.memory_space<vmem>>, vector<1x16xf32>,
        %get3A_222 = vector.shape_cast %get3A_221 : vector<1x16xf32> to vector<16xf32>
        %mul3A_223 = arith.mulf %get3A_222, %broadcast_in_dim3A_218 : vector<16xf32>
        %swap3A_224 = arith.index_cast %add3A_215 : i32 to index
        %swap3A_225 = arith.constant 0 : index
        %swap3A_226 = tpu.vector_load %arg11[%swap3A_224, %swap3A_225] {strides = array<i32>} : memref<1008x64xf32, #tpu.memory_space<vmem>>, vector<1x16xf32>,
        %swap3A_227 = vector.shape_cast %swap3A_226 : vector<1x16xf32> to vector<16xf32>
        %swap3A_228 = vector.shape_cast %mul3A_223 : vector<16xf32> to vector<1x16xf32>
        tpu.vector_store %arg11[%swap3A_224, %swap3A_225], %swap3A_228 {strides = array<i32>} : memref<1008x64xf32, #tpu.memory_space<vmem>>, vector<1x16xf32>,
        %get3A_229 = arith.index_cast %add3A_215 : i32 to index
        %get3A_230 = arith.constant 16 : index
        %get3A_231 = tpu.vector_load %arg11[%get3A_229, %get3A_230] {strides = array<i32>} : memref<1008x64xf32, #tpu.memory_space<vmem>>, vector<1x16xf32>,
        %get3A_232 = vector.shape_cast %get3A_231 : vector<1x16xf32> to vector<16xf32>
        %mul3A_233 = arith.mulf %get3A_232, %broadcast_in_dim3A_218 : vector<16xf32>
        %swap3A_234 = arith.index_cast %add3A_215 : i32 to index
        %swap3A_235 = arith.constant 16 : index
        %swap3A_236 = tpu.vector_load %arg11[%swap3A_234, %swap3A_235] {strides = array<i32>} : memref<1008x64xf32, #tpu.memory_space<vmem>>, vector<1x16xf32>,
        %swap3A_237 = vector.shape_cast %swap3A_236 : vector<1x16xf32> to vector<16xf32>
        %swap3A_238 = vector.shape_cast %mul3A_233 : vector<16xf32> to vector<1x16xf32>
        tpu.vector_store %arg11[%swap3A_234, %swap3A_235], %swap3A_238 {strides = array<i32>} : memref<1008x64xf32, #tpu.memory_space<vmem>>, vector<1x16xf32>,
        %get3A_239 = arith.index_cast %add3A_215 : i32 to index
        %get3A_240 = arith.constant 32 : index
        %get3A_241 = tpu.vector_load %arg11[%get3A_239, %get3A_240] {strides = array<i32>} : memref<1008x64xf32, #tpu.memory_space<vmem>>, vector<1x16xf32>,
        %get3A_242 = vector.shape_cast %get3A_241 : vector<1x16xf32> to vector<16xf32>
        %mul3A_243 = arith.mulf %get3A_242, %broadcast_in_dim3A_218 : vector<16xf32>
        %swap3A_244 = arith.index_cast %add3A_215 : i32 to index
        %swap3A_245 = arith.constant 32 : index
        %swap3A_246 = tpu.vector_load %arg11[%swap3A_244, %swap3A_245] {strides = array<i32>} : memref<1008x64xf32, #tpu.memory_space<vmem>>, vector<1x16xf32>,
        %swap3A_247 = vector.shape_cast %swap3A_246 : vector<1x16xf32> to vector<16xf32>
        %swap3A_248 = vector.shape_cast %mul3A_243 : vector<16xf32> to vector<1x16xf32>
        tpu.vector_store %arg11[%swap3A_244, %swap3A_245], %swap3A_248 {strides = array<i32>} : memref<1008x64xf32, #tpu.memory_space<vmem>>, vector<1x16xf32>,
        %get3A_249 = arith.index_cast %add3A_215 : i32 to index
        %get3A_250 = arith.constant 48 : index
        %get3A_251 = tpu.vector_load %arg11[%get3A_249, %get3A_250] {strides = array<i32>} : memref<1008x64xf32, #tpu.memory_space<vmem>>, vector<1x16xf32>,
        %get3A_252 = vector.shape_cast %get3A_251 : vector<1x16xf32> to vector<16xf32>
        %mul3A_253 = arith.mulf %get3A_252, %broadcast_in_dim3A_218 : vector<16xf32>
        %swap3A_254 = arith.index_cast %add3A_215 : i32 to index
        %swap3A_255 = arith.constant 48 : index
        %swap3A_256 = tpu.vector_load %arg11[%swap3A_254, %swap3A_255] {strides = array<i32>} : memref<1008x64xf32, #tpu.memory_space<vmem>>, vector<1x16xf32>,
        %swap3A_257 = vector.shape_cast %swap3A_256 : vector<1x16xf32> to vector<16xf32>
        %swap3A_258 = vector.shape_cast %mul3A_253 : vector<16xf32> to vector<1x16xf32>
        tpu.vector_store %arg11[%swap3A_254, %swap3A_255], %swap3A_258 {strides = array<i32>} : memref<1008x64xf32, #tpu.memory_space<vmem>>, vector<1x16xf32>,
        %mul3A_259 = arith.constant 16 : i32
        %mul3A_260 = arith.muli %scan3A_69, %mul3A_259 : i32
        %add3A_261 = arith.constant 4 : i32
        %add3A_262 = arith.addi %mul3A_260, %add3A_261 : i32
        %slice3A_263 = vector.extract_strided_slice %get3A_74 {offsets = [4], sizes = [1], strides = [1]} : vector<16xf32> to vector<1xf32>
        %squeeze3A_264 = vector.extract %slice3A_263[0] : f32 from vector<1xf32>
        %broadcast_in_dim3A_265 = vector.broadcast %squeeze3A_264 : f32 to vector<16xf32>
        %get3A_266 = arith.index_cast %add3A_262 : i32 to index
        %get3A_267 = arith.constant 0 : index
        %get3A_268 = tpu.vector_load %arg11[%get3A_266, %get3A_267] {strides = array<i32>} : memref<1008x64xf32, #tpu.memory_space<vmem>>, vector<1x16xf32>,
        %get3A_269 = vector.shape_cast %get3A_268 : vector<1x16xf32> to vector<16xf32>
        %mul3A_270 = arith.mulf %get3A_269, %broadcast_in_dim3A_265 : vector<16xf32>
        %swap3A_271 = arith.index_cast %add3A_262 : i32 to index
        %swap3A_272 = arith.constant 0 : index
        %swap3A_273 = tpu.vector_load %arg11[%swap3A_271, %swap3A_272] {strides = array<i32>} : memref<1008x64xf32, #tpu.memory_space<vmem>>, vector<1x16xf32>,
        %swap3A_274 = vector.shape_cast %swap3A_273 : vector<1x16xf32> to vector<16xf32>
        %swap3A_275 = vector.shape_cast %mul3A_270 : vector<16xf32> to vector<1x16xf32>
        tpu.vector_store %arg11[%swap3A_271, %swap3A_272], %swap3A_275 {strides = array<i32>} : memref<1008x64xf32, #tpu.memory_space<vmem>>, vector<1x16xf32>,
        %get3A_276 = arith.index_cast %add3A_262 : i32 to index
        %get3A_277 = arith.constant 16 : index
        %get3A_278 = tpu.vector_load %arg11[%get3A_276, %get3A_277] {strides = array<i32>} : memref<1008x64xf32, #tpu.memory_space<vmem>>, vector<1x16xf32>,
        %get3A_279 = vector.shape_cast %get3A_278 : vector<1x16xf32> to vector<16xf32>
        %mul3A_280 = arith.mulf %get3A_279, %broadcast_in_dim3A_265 : vector<16xf32>
        %swap3A_281 = arith.index_cast %add3A_262 : i32 to index
        %swap3A_282 = arith.constant 16 : index
        %swap3A_283 = tpu.vector_load %arg11[%swap3A_281, %swap3A_282] {strides = array<i32>} : memref<1008x64xf32, #tpu.memory_space<vmem>>, vector<1x16xf32>,
        %swap3A_284 = vector.shape_cast %swap3A_283 : vector<1x16xf32> to vector<16xf32>
        %swap3A_285 = vector.shape_cast %mul3A_280 : vector<16xf32> to vector<1x16xf32>
        tpu.vector_store %arg11[%swap3A_281, %swap3A_282], %swap3A_285 {strides = array<i32>} : memref<1008x64xf32, #tpu.memory_space<vmem>>, vector<1x16xf32>,
        %get3A_286 = arith.index_cast %add3A_262 : i32 to index
        %get3A_287 = arith.constant 32 : index
        %get3A_288 = tpu.vector_load %arg11[%get3A_286, %get3A_287] {strides = array<i32>} : memref<1008x64xf32, #tpu.memory_space<vmem>>, vector<1x16xf32>,
        %get3A_289 = vector.shape_cast %get3A_288 : vector<1x16xf32> to vector<16xf32>
        %mul3A_290 = arith.mulf %get3A_289, %broadcast_in_dim3A_265 : vector<16xf32>
        %swap3A_291 = arith.index_cast %add3A_262 : i32 to index
        %swap3A_292 = arith.constant 32 : index
        %swap3A_293 = tpu.vector_load %arg11[%swap3A_291, %swap3A_292] {strides = array<i32>} : memref<1008x64xf32, #tpu.memory_space<vmem>>, vector<1x16xf32>,
        %swap3A_294 = vector.shape_cast %swap3A_293 : vector<1x16xf32> to vector<16xf32>
        %swap3A_295 = vector.shape_cast %mul3A_290 : vector<16xf32> to vector<1x16xf32>
        tpu.vector_store %arg11[%swap3A_291, %swap3A_292], %swap3A_295 {strides = array<i32>} : memref<1008x64xf32, #tpu.memory_space<vmem>>, vector<1x16xf32>,
        %get3A_296 = arith.index_cast %add3A_262 : i32 to index
        %get3A_297 = arith.constant 48 : index
        %get3A_298 = tpu.vector_load %arg11[%get3A_296, %get3A_297] {strides = array<i32>} : memref<1008x64xf32, #tpu.memory_space<vmem>>, vector<1x16xf32>,
        %get3A_299 = vector.shape_cast %get3A_298 : vector<1x16xf32> to vector<16xf32>
        %mul3A_300 = arith.mulf %get3A_299, %broadcast_in_dim3A_265 : vector<16xf32>
        %swap3A_301 = arith.index_cast %add3A_262 : i32 to index
        %swap3A_302 = arith.constant 48 : index
        %swap3A_303 = tpu.vector_load %arg11[%swap3A_301, %swap3A_302] {strides = array<i32>} : memref<1008x64xf32, #tpu.memory_space<vmem>>, vector<1x16xf32>,
        %swap3A_304 = vector.shape_cast %swap3A_303 : vector<1x16xf32> to vector<16xf32>
        %swap3A_305 = vector.shape_cast %mul3A_300 : vector<16xf32> to vector<1x16xf32>
        tpu.vector_store %arg11[%swap3A_301, %swap3A_302], %swap3A_305 {strides = array<i32>} : memref<1008x64xf32, #tpu.memory_space<vmem>>, vector<1x16xf32>,
        %mul3A_306 = arith.constant 16 : i32
        %mul3A_307 = arith.muli %scan3A_69, %mul3A_306 : i32
        %add3A_308 = arith.constant 5 : i32
        %add3A_309 = arith.addi %mul3A_307, %add3A_308 : i32
        %slice3A_310 = vector.extract_strided_slice %get3A_74 {offsets = [5], sizes = [1], strides = [1]} : vector<16xf32> to vector<1xf32>
        %squeeze3A_311 = vector.extract %slice3A_310[0] : f32 from vector<1xf32>
        %broadcast_in_dim3A_312 = vector.broadcast %squeeze3A_311 : f32 to vector<16xf32>
        %get3A_313 = arith.index_cast %add3A_309 : i32 to index
        %get3A_314 = arith.constant 0 : index
        %get3A_315 = tpu.vector_load %arg11[%get3A_313, %get3A_314] {strides = array<i32>} : memref<1008x64xf32, #tpu.memory_space<vmem>>, vector<1x16xf32>,
        %get3A_316 = vector.shape_cast %get3A_315 : vector<1x16xf32> to vector<16xf32>
        %mul3A_317 = arith.mulf %get3A_316, %broadcast_in_dim3A_312 : vector<16xf32>
        %swap3A_318 = arith.index_cast %add3A_309 : i32 to index
        %swap3A_319 = arith.constant 0 : index
        %swap3A_320 = tpu.vector_load %arg11[%swap3A_318, %swap3A_319] {strides = array<i32>} : memref<1008x64xf32, #tpu.memory_space<vmem>>, vector<1x16xf32>,
        %swap3A_321 = vector.shape_cast %swap3A_320 : vector<1x16xf32> to vector<16xf32>
        %swap3A_322 = vector.shape_cast %mul3A_317 : vector<16xf32> to vector<1x16xf32>
        tpu.vector_store %arg11[%swap3A_318, %swap3A_319], %swap3A_322 {strides = array<i32>} : memref<1008x64xf32, #tpu.memory_space<vmem>>, vector<1x16xf32>,
        %get3A_323 = arith.index_cast %add3A_309 : i32 to index
        %get3A_324 = arith.constant 16 : index
        %get3A_325 = tpu.vector_load %arg11[%get3A_323, %get3A_324] {strides = array<i32>} : memref<1008x64xf32, #tpu.memory_space<vmem>>, vector<1x16xf32>,
        %get3A_326 = vector.shape_cast %get3A_325 : vector<1x16xf32> to vector<16xf32>
        %mul3A_327 = arith.mulf %get3A_326, %broadcast_in_dim3A_312 : vector<16xf32>
        %swap3A_328 = arith.index_cast %add3A_309 : i32 to index
        %swap3A_329 = arith.constant 16 : index
        %swap3A_330 = tpu.vector_load %arg11[%swap3A_328, %swap3A_329] {strides = array<i32>} : memref<1008x64xf32, #tpu.memory_space<vmem>>, vector<1x16xf32>,
        %swap3A_331 = vector.shape_cast %swap3A_330 : vector<1x16xf32> to vector<16xf32>
        %swap3A_332 = vector.shape_cast %mul3A_327 : vector<16xf32> to vector<1x16xf32>
        tpu.vector_store %arg11[%swap3A_328, %swap3A_329], %swap3A_332 {strides = array<i32>} : memref<1008x64xf32, #tpu.memory_space<vmem>>, vector<1x16xf32>,
        %get3A_333 = arith.index_cast %add3A_309 : i32 to index
        %get3A_334 = arith.constant 32 : index
        %get3A_335 = tpu.vector_load %arg11[%get3A_333, %get3A_334] {strides = array<i32>} : memref<1008x64xf32, #tpu.memory_space<vmem>>, vector<1x16xf32>,
        %get3A_336 = vector.shape_cast %get3A_335 : vector<1x16xf32> to vector<16xf32>
        %mul3A_337 = arith.mulf %get3A_336, %broadcast_in_dim3A_312 : vector<16xf32>
        %swap3A_338 = arith.index_cast %add3A_309 : i32 to index
        %swap3A_339 = arith.constant 32 : index
        %swap3A_340 = tpu.vector_load %arg11[%swap3A_338, %swap3A_339] {strides = array<i32>} : memref<1008x64xf32, #tpu.memory_space<vmem>>, vector<1x16xf32>,
        %swap3A_341 = vector.shape_cast %swap3A_340 : vector<1x16xf32> to vector<16xf32>
        %swap3A_342 = vector.shape_cast %mul3A_337 : vector<16xf32> to vector<1x16xf32>
        tpu.vector_store %arg11[%swap3A_338, %swap3A_339], %swap3A_342 {strides = array<i32>} : memref<1008x64xf32, #tpu.memory_space<vmem>>, vector<1x16xf32>,
        %get3A_343 = arith.index_cast %add3A_309 : i32 to index
        %get3A_344 = arith.constant 48 : index
        %get3A_345 = tpu.vector_load %arg11[%get3A_343, %get3A_344] {strides = array<i32>} : memref<1008x64xf32, #tpu.memory_space<vmem>>, vector<1x16xf32>,
        %get3A_346 = vector.shape_cast %get3A_345 : vector<1x16xf32> to vector<16xf32>
        %mul3A_347 = arith.mulf %get3A_346, %broadcast_in_dim3A_312 : vector<16xf32>
        %swap3A_348 = arith.index_cast %add3A_309 : i32 to index
        %swap3A_349 = arith.constant 48 : index
        %swap3A_350 = tpu.vector_load %arg11[%swap3A_348, %swap3A_349] {strides = array<i32>} : memref<1008x64xf32, #tpu.memory_space<vmem>>, vector<1x16xf32>,
        %swap3A_351 = vector.shape_cast %swap3A_350 : vector<1x16xf32> to vector<16xf32>
        %swap3A_352 = vector.shape_cast %mul3A_347 : vector<16xf32> to vector<1x16xf32>
        tpu.vector_store %arg11[%swap3A_348, %swap3A_349], %swap3A_352 {strides = array<i32>} : memref<1008x64xf32, #tpu.memory_space<vmem>>, vector<1x16xf32>,
        %mul3A_353 = arith.constant 16 : i32
        %mul3A_354 = arith.muli %scan3A_69, %mul3A_353 : i32
        %add3A_355 = arith.constant 6 : i32
        %add3A_356 = arith.addi %mul3A_354, %add3A_355 : i32
        %slice3A_357 = vector.extract_strided_slice %get3A_74 {offsets = [6], sizes = [1], strides = [1]} : vector<16xf32> to vector<1xf32>
        %squeeze3A_358 = vector.extract %slice3A_357[0] : f32 from vector<1xf32>
        %broadcast_in_dim3A_359 = vector.broadcast %squeeze3A_358 : f32 to vector<16xf32>
        %get3A_360 = arith.index_cast %add3A_356 : i32 to index
        %get3A_361 = arith.constant 0 : index
        %get3A_362 = tpu.vector_load %arg11[%get3A_360, %get3A_361] {strides = array<i32>} : memref<1008x64xf32, #tpu.memory_space<vmem>>, vector<1x16xf32>,
        %get3A_363 = vector.shape_cast %get3A_362 : vector<1x16xf32> to vector<16xf32>
        %mul3A_364 = arith.mulf %get3A_363, %broadcast_in_dim3A_359 : vector<16xf32>
        %swap3A_365 = arith.index_cast %add3A_356 : i32 to index
        %swap3A_366 = arith.constant 0 : index
        %swap3A_367 = tpu.vector_load %arg11[%swap3A_365, %swap3A_366] {strides = array<i32>} : memref<1008x64xf32, #tpu.memory_space<vmem>>, vector<1x16xf32>,
        %swap3A_368 = vector.shape_cast %swap3A_367 : vector<1x16xf32> to vector<16xf32>
        %swap3A_369 = vector.shape_cast %mul3A_364 : vector<16xf32> to vector<1x16xf32>
        tpu.vector_store %arg11[%swap3A_365, %swap3A_366], %swap3A_369 {strides = array<i32>} : memref<1008x64xf32, #tpu.memory_space<vmem>>, vector<1x16xf32>,
        %get3A_370 = arith.index_cast %add3A_356 : i32 to index
        %get3A_371 = arith.constant 16 : index
        %get3A_372 = tpu.vector_load %arg11[%get3A_370, %get3A_371] {strides = array<i32>} : memref<1008x64xf32, #tpu.memory_space<vmem>>, vector<1x16xf32>,
        %get3A_373 = vector.shape_cast %get3A_372 : vector<1x16xf32> to vector<16xf32>
        %mul3A_374 = arith.mulf %get3A_373, %broadcast_in_dim3A_359 : vector<16xf32>
        %swap3A_375 = arith.index_cast %add3A_356 : i32 to index
        %swap3A_376 = arith.constant 16 : index
        %swap3A_377 = tpu.vector_load %arg11[%swap3A_375, %swap3A_376] {strides = array<i32>} : memref<1008x64xf32, #tpu.memory_space<vmem>>, vector<1x16xf32>,
        %swap3A_378 = vector.shape_cast %swap3A_377 : vector<1x16xf32> to vector<16xf32>
        %swap3A_379 = vector.shape_cast %mul3A_374 : vector<16xf32> to vector<1x16xf32>
        tpu.vector_store %arg11[%swap3A_375, %swap3A_376], %swap3A_379 {strides = array<i32>} : memref<1008x64xf32, #tpu.memory_space<vmem>>, vector<1x16xf32>,
        %get3A_380 = arith.index_cast %add3A_356 : i32 to index
        %get3A_381 = arith.constant 32 : index
        %get3A_382 = tpu.vector_load %arg11[%get3A_380, %get3A_381] {strides = array<i32>} : memref<1008x64xf32, #tpu.memory_space<vmem>>, vector<1x16xf32>,
        %get3A_383 = vector.shape_cast %get3A_382 : vector<1x16xf32> to vector<16xf32>
        %mul3A_384 = arith.mulf %get3A_383, %broadcast_in_dim3A_359 : vector<16xf32>
        %swap3A_385 = arith.index_cast %add3A_356 : i32 to index
        %swap3A_386 = arith.constant 32 : index
        %swap3A_387 = tpu.vector_load %arg11[%swap3A_385, %swap3A_386] {strides = array<i32>} : memref<1008x64xf32, #tpu.memory_space<vmem>>, vector<1x16xf32>,
        %swap3A_388 = vector.shape_cast %swap3A_387 : vector<1x16xf32> to vector<16xf32>
        %swap3A_389 = vector.shape_cast %mul3A_384 : vector<16xf32> to vector<1x16xf32>
        tpu.vector_store %arg11[%swap3A_385, %swap3A_386], %swap3A_389 {strides = array<i32>} : memref<1008x64xf32, #tpu.memory_space<vmem>>, vector<1x16xf32>,
        %get3A_390 = arith.index_cast %add3A_356 : i32 to index
        %get3A_391 = arith.constant 48 : index
        %get3A_392 = tpu.vector_load %arg11[%get3A_390, %get3A_391] {strides = array<i32>} : memref<1008x64xf32, #tpu.memory_space<vmem>>, vector<1x16xf32>,
        %get3A_393 = vector.shape_cast %get3A_392 : vector<1x16xf32> to vector<16xf32>
        %mul3A_394 = arith.mulf %get3A_393, %broadcast_in_dim3A_359 : vector<16xf32>
        %swap3A_395 = arith.index_cast %add3A_356 : i32 to index
        %swap3A_396 = arith.constant 48 : index
        %swap3A_397 = tpu.vector_load %arg11[%swap3A_395, %swap3A_396] {strides = array<i32>} : memref<1008x64xf32, #tpu.memory_space<vmem>>, vector<1x16xf32>,
        %swap3A_398 = vector.shape_cast %swap3A_397 : vector<1x16xf32> to vector<16xf32>
        %swap3A_399 = vector.shape_cast %mul3A_394 : vector<16xf32> to vector<1x16xf32>
        tpu.vector_store %arg11[%swap3A_395, %swap3A_396], %swap3A_399 {strides = array<i32>} : memref<1008x64xf32, #tpu.memory_space<vmem>>, vector<1x16xf32>,
        %mul3A_400 = arith.constant 16 : i32
        %mul3A_401 = arith.muli %scan3A_69, %mul3A_400 : i32
        %add3A_402 = arith.constant 7 : i32
        %add3A_403 = arith.addi %mul3A_401, %add3A_402 : i32
        %slice3A_404 = vector.extract_strided_slice %get3A_74 {offsets = [7], sizes = [1], strides = [1]} : vector<16xf32> to vector<1xf32>
        %squeeze3A_405 = vector.extract %slice3A_404[0] : f32 from vector<1xf32>
        %broadcast_in_dim3A_406 = vector.broadcast %squeeze3A_405 : f32 to vector<16xf32>
        %get3A_407 = arith.index_cast %add3A_403 : i32 to index
        %get3A_408 = arith.constant 0 : index
        %get3A_409 = tpu.vector_load %arg11[%get3A_407, %get3A_408] {strides = array<i32>} : memref<1008x64xf32, #tpu.memory_space<vmem>>, vector<1x16xf32>,
        %get3A_410 = vector.shape_cast %get3A_409 : vector<1x16xf32> to vector<16xf32>
        %mul3A_411 = arith.mulf %get3A_410, %broadcast_in_dim3A_406 : vector<16xf32>
        %swap3A_412 = arith.index_cast %add3A_403 : i32 to index
        %swap3A_413 = arith.constant 0 : index
        %swap3A_414 = tpu.vector_load %arg11[%swap3A_412, %swap3A_413] {strides = array<i32>} : memref<1008x64xf32, #tpu.memory_space<vmem>>, vector<1x16xf32>,
        %swap3A_415 = vector.shape_cast %swap3A_414 : vector<1x16xf32> to vector<16xf32>
        %swap3A_416 = vector.shape_cast %mul3A_411 : vector<16xf32> to vector<1x16xf32>
        tpu.vector_store %arg11[%swap3A_412, %swap3A_413], %swap3A_416 {strides = array<i32>} : memref<1008x64xf32, #tpu.memory_space<vmem>>, vector<1x16xf32>,
        %get3A_417 = arith.index_cast %add3A_403 : i32 to index
        %get3A_418 = arith.constant 16 : index
        %get3A_419 = tpu.vector_load %arg11[%get3A_417, %get3A_418] {strides = array<i32>} : memref<1008x64xf32, #tpu.memory_space<vmem>>, vector<1x16xf32>,
        %get3A_420 = vector.shape_cast %get3A_419 : vector<1x16xf32> to vector<16xf32>
        %mul3A_421 = arith.mulf %get3A_420, %broadcast_in_dim3A_406 : vector<16xf32>
        %swap3A_422 = arith.index_cast %add3A_403 : i32 to index
        %swap3A_423 = arith.constant 16 : index
        %swap3A_424 = tpu.vector_load %arg11[%swap3A_422, %swap3A_423] {strides = array<i32>} : memref<1008x64xf32, #tpu.memory_space<vmem>>, vector<1x16xf32>,
        %swap3A_425 = vector.shape_cast %swap3A_424 : vector<1x16xf32> to vector<16xf32>
        %swap3A_426 = vector.shape_cast %mul3A_421 : vector<16xf32> to vector<1x16xf32>
        tpu.vector_store %arg11[%swap3A_422, %swap3A_423], %swap3A_426 {strides = array<i32>} : memref<1008x64xf32, #tpu.memory_space<vmem>>, vector<1x16xf32>,
        %get3A_427 = arith.index_cast %add3A_403 : i32 to index
        %get3A_428 = arith.constant 32 : index
        %get3A_429 = tpu.vector_load %arg11[%get3A_427, %get3A_428] {strides = array<i32>} : memref<1008x64xf32, #tpu.memory_space<vmem>>, vector<1x16xf32>,
        %get3A_430 = vector.shape_cast %get3A_429 : vector<1x16xf32> to vector<16xf32>
        %mul3A_431 = arith.mulf %get3A_430, %broadcast_in_dim3A_406 : vector<16xf32>
        %swap3A_432 = arith.index_cast %add3A_403 : i32 to index
        %swap3A_433 = arith.constant 32 : index
        %swap3A_434 = tpu.vector_load %arg11[%swap3A_432, %swap3A_433] {strides = array<i32>} : memref<1008x64xf32, #tpu.memory_space<vmem>>, vector<1x16xf32>,
        %swap3A_435 = vector.shape_cast %swap3A_434 : vector<1x16xf32> to vector<16xf32>
        %swap3A_436 = vector.shape_cast %mul3A_431 : vector<16xf32> to vector<1x16xf32>
        tpu.vector_store %arg11[%swap3A_432, %swap3A_433], %swap3A_436 {strides = array<i32>} : memref<1008x64xf32, #tpu.memory_space<vmem>>, vector<1x16xf32>,
        %get3A_437 = arith.index_cast %add3A_403 : i32 to index
        %get3A_438 = arith.constant 48 : index
        %get3A_439 = tpu.vector_load %arg11[%get3A_437, %get3A_438] {strides = array<i32>} : memref<1008x64xf32, #tpu.memory_space<vmem>>, vector<1x16xf32>,
        %get3A_440 = vector.shape_cast %get3A_439 : vector<1x16xf32> to vector<16xf32>
        %mul3A_441 = arith.mulf %get3A_440, %broadcast_in_dim3A_406 : vector<16xf32>
        %swap3A_442 = arith.index_cast %add3A_403 : i32 to index
        %swap3A_443 = arith.constant 48 : index
        %swap3A_444 = tpu.vector_load %arg11[%swap3A_442, %swap3A_443] {strides = array<i32>} : memref<1008x64xf32, #tpu.memory_space<vmem>>, vector<1x16xf32>,
        %swap3A_445 = vector.shape_cast %swap3A_444 : vector<1x16xf32> to vector<16xf32>
        %swap3A_446 = vector.shape_cast %mul3A_441 : vector<16xf32> to vector<1x16xf32>
        tpu.vector_store %arg11[%swap3A_442, %swap3A_443], %swap3A_446 {strides = array<i32>} : memref<1008x64xf32, #tpu.memory_space<vmem>>, vector<1x16xf32>,
        %mul3A_447 = arith.constant 16 : i32
        %mul3A_448 = arith.muli %scan3A_69, %mul3A_447 : i32
        %add3A_449 = arith.constant 8 : i32
        %add3A_450 = arith.addi %mul3A_448, %add3A_449 : i32
        %slice3A_451 = vector.extract_strided_slice %get3A_74 {offsets = [8], sizes = [1], strides = [1]} : vector<16xf32> to vector<1xf32>
        %squeeze3A_452 = vector.extract %slice3A_451[0] : f32 from vector<1xf32>
        %broadcast_in_dim3A_453 = vector.broadcast %squeeze3A_452 : f32 to vector<16xf32>
        %get3A_454 = arith.index_cast %add3A_450 : i32 to index
        %get3A_455 = arith.constant 0 : index
        %get3A_456 = tpu.vector_load %arg11[%get3A_454, %get3A_455] {strides = array<i32>} : memref<1008x64xf32, #tpu.memory_space<vmem>>, vector<1x16xf32>,
        %get3A_457 = vector.shape_cast %get3A_456 : vector<1x16xf32> to vector<16xf32>
        %mul3A_458 = arith.mulf %get3A_457, %broadcast_in_dim3A_453 : vector<16xf32>
        %swap3A_459 = arith.index_cast %add3A_450 : i32 to index
        %swap3A_460 = arith.constant 0 : index
        %swap3A_461 = tpu.vector_load %arg11[%swap3A_459, %swap3A_460] {strides = array<i32>} : memref<1008x64xf32, #tpu.memory_space<vmem>>, vector<1x16xf32>,
        %swap3A_462 = vector.shape_cast %swap3A_461 : vector<1x16xf32> to vector<16xf32>
        %swap3A_463 = vector.shape_cast %mul3A_458 : vector<16xf32> to vector<1x16xf32>
        tpu.vector_store %arg11[%swap3A_459, %swap3A_460], %swap3A_463 {strides = array<i32>} : memref<1008x64xf32, #tpu.memory_space<vmem>>, vector<1x16xf32>,
        %get3A_464 = arith.index_cast %add3A_450 : i32 to index
        %get3A_465 = arith.constant 16 : index
        %get3A_466 = tpu.vector_load %arg11[%get3A_464, %get3A_465] {strides = array<i32>} : memref<1008x64xf32, #tpu.memory_space<vmem>>, vector<1x16xf32>,
        %get3A_467 = vector.shape_cast %get3A_466 : vector<1x16xf32> to vector<16xf32>
        %mul3A_468 = arith.mulf %get3A_467, %broadcast_in_dim3A_453 : vector<16xf32>
        %swap3A_469 = arith.index_cast %add3A_450 : i32 to index
        %swap3A_470 = arith.constant 16 : index
        %swap3A_471 = tpu.vector_load %arg11[%swap3A_469, %swap3A_470] {strides = array<i32>} : memref<1008x64xf32, #tpu.memory_space<vmem>>, vector<1x16xf32>,
        %swap3A_472 = vector.shape_cast %swap3A_471 : vector<1x16xf32> to vector<16xf32>
        %swap3A_473 = vector.shape_cast %mul3A_468 : vector<16xf32> to vector<1x16xf32>
        tpu.vector_store %arg11[%swap3A_469, %swap3A_470], %swap3A_473 {strides = array<i32>} : memref<1008x64xf32, #tpu.memory_space<vmem>>, vector<1x16xf32>,
        %get3A_474 = arith.index_cast %add3A_450 : i32 to index
        %get3A_475 = arith.constant 32 : index
        %get3A_476 = tpu.vector_load %arg11[%get3A_474, %get3A_475] {strides = array<i32>} : memref<1008x64xf32, #tpu.memory_space<vmem>>, vector<1x16xf32>,
        %get3A_477 = vector.shape_cast %get3A_476 : vector<1x16xf32> to vector<16xf32>
        %mul3A_478 = arith.mulf %get3A_477, %broadcast_in_dim3A_453 : vector<16xf32>
        %swap3A_479 = arith.index_cast %add3A_450 : i32 to index
        %swap3A_480 = arith.constant 32 : index
        %swap3A_481 = tpu.vector_load %arg11[%swap3A_479, %swap3A_480] {strides = array<i32>} : memref<1008x64xf32, #tpu.memory_space<vmem>>, vector<1x16xf32>,
        %swap3A_482 = vector.shape_cast %swap3A_481 : vector<1x16xf32> to vector<16xf32>
        %swap3A_483 = vector.shape_cast %mul3A_478 : vector<16xf32> to vector<1x16xf32>
        tpu.vector_store %arg11[%swap3A_479, %swap3A_480], %swap3A_483 {strides = array<i32>} : memref<1008x64xf32, #tpu.memory_space<vmem>>, vector<1x16xf32>,
        %get3A_484 = arith.index_cast %add3A_450 : i32 to index
        %get3A_485 = arith.constant 48 : index
        %get3A_486 = tpu.vector_load %arg11[%get3A_484, %get3A_485] {strides = array<i32>} : memref<1008x64xf32, #tpu.memory_space<vmem>>, vector<1x16xf32>,
        %get3A_487 = vector.shape_cast %get3A_486 : vector<1x16xf32> to vector<16xf32>
        %mul3A_488 = arith.mulf %get3A_487, %broadcast_in_dim3A_453 : vector<16xf32>
        %swap3A_489 = arith.index_cast %add3A_450 : i32 to index
        %swap3A_490 = arith.constant 48 : index
        %swap3A_491 = tpu.vector_load %arg11[%swap3A_489, %swap3A_490] {strides = array<i32>} : memref<1008x64xf32, #tpu.memory_space<vmem>>, vector<1x16xf32>,
        %swap3A_492 = vector.shape_cast %swap3A_491 : vector<1x16xf32> to vector<16xf32>
        %swap3A_493 = vector.shape_cast %mul3A_488 : vector<16xf32> to vector<1x16xf32>
        tpu.vector_store %arg11[%swap3A_489, %swap3A_490], %swap3A_493 {strides = array<i32>} : memref<1008x64xf32, #tpu.memory_space<vmem>>, vector<1x16xf32>,
        %mul3A_494 = arith.constant 16 : i32
        %mul3A_495 = arith.muli %scan3A_69, %mul3A_494 : i32
        %add3A_496 = arith.constant 9 : i32
        %add3A_497 = arith.addi %mul3A_495, %add3A_496 : i32
        %slice3A_498 = vector.extract_strided_slice %get3A_74 {offsets = [9], sizes = [1], strides = [1]} : vector<16xf32> to vector<1xf32>
        %squeeze3A_499 = vector.extract %slice3A_498[0] : f32 from vector<1xf32>
        %broadcast_in_dim3A_500 = vector.broadcast %squeeze3A_499 : f32 to vector<16xf32>
        %get3A_501 = arith.index_cast %add3A_497 : i32 to index
        %get3A_502 = arith.constant 0 : index
        %get3A_503 = tpu.vector_load %arg11[%get3A_501, %get3A_502] {strides = array<i32>} : memref<1008x64xf32, #tpu.memory_space<vmem>>, vector<1x16xf32>,
        %get3A_504 = vector.shape_cast %get3A_503 : vector<1x16xf32> to vector<16xf32>
        %mul3A_505 = arith.mulf %get3A_504, %broadcast_in_dim3A_500 : vector<16xf32>
        %swap3A_506 = arith.index_cast %add3A_497 : i32 to index
        %swap3A_507 = arith.constant 0 : index
        %swap3A_508 = tpu.vector_load %arg11[%swap3A_506, %swap3A_507] {strides = array<i32>} : memref<1008x64xf32, #tpu.memory_space<vmem>>, vector<1x16xf32>,
        %swap3A_509 = vector.shape_cast %swap3A_508 : vector<1x16xf32> to vector<16xf32>
        %swap3A_510 = vector.shape_cast %mul3A_505 : vector<16xf32> to vector<1x16xf32>
        tpu.vector_store %arg11[%swap3A_506, %swap3A_507], %swap3A_510 {strides = array<i32>} : memref<1008x64xf32, #tpu.memory_space<vmem>>, vector<1x16xf32>,
        %get3A_511 = arith.index_cast %add3A_497 : i32 to index
        %get3A_512 = arith.constant 16 : index
        %get3A_513 = tpu.vector_load %arg11[%get3A_511, %get3A_512] {strides = array<i32>} : memref<1008x64xf32, #tpu.memory_space<vmem>>, vector<1x16xf32>,
        %get3A_514 = vector.shape_cast %get3A_513 : vector<1x16xf32> to vector<16xf32>
        %mul3A_515 = arith.mulf %get3A_514, %broadcast_in_dim3A_500 : vector<16xf32>
        %swap3A_516 = arith.index_cast %add3A_497 : i32 to index
        %swap3A_517 = arith.constant 16 : index
        %swap3A_518 = tpu.vector_load %arg11[%swap3A_516, %swap3A_517] {strides = array<i32>} : memref<1008x64xf32, #tpu.memory_space<vmem>>, vector<1x16xf32>,
        %swap3A_519 = vector.shape_cast %swap3A_518 : vector<1x16xf32> to vector<16xf32>
        %swap3A_520 = vector.shape_cast %mul3A_515 : vector<16xf32> to vector<1x16xf32>
        tpu.vector_store %arg11[%swap3A_516, %swap3A_517], %swap3A_520 {strides = array<i32>} : memref<1008x64xf32, #tpu.memory_space<vmem>>, vector<1x16xf32>,
        %get3A_521 = arith.index_cast %add3A_497 : i32 to index
        %get3A_522 = arith.constant 32 : index
        %get3A_523 = tpu.vector_load %arg11[%get3A_521, %get3A_522] {strides = array<i32>} : memref<1008x64xf32, #tpu.memory_space<vmem>>, vector<1x16xf32>,
        %get3A_524 = vector.shape_cast %get3A_523 : vector<1x16xf32> to vector<16xf32>
        %mul3A_525 = arith.mulf %get3A_524, %broadcast_in_dim3A_500 : vector<16xf32>
        %swap3A_526 = arith.index_cast %add3A_497 : i32 to index
        %swap3A_527 = arith.constant 32 : index
        %swap3A_528 = tpu.vector_load %arg11[%swap3A_526, %swap3A_527] {strides = array<i32>} : memref<1008x64xf32, #tpu.memory_space<vmem>>, vector<1x16xf32>,
        %swap3A_529 = vector.shape_cast %swap3A_528 : vector<1x16xf32> to vector<16xf32>
        %swap3A_530 = vector.shape_cast %mul3A_525 : vector<16xf32> to vector<1x16xf32>
        tpu.vector_store %arg11[%swap3A_526, %swap3A_527], %swap3A_530 {strides = array<i32>} : memref<1008x64xf32, #tpu.memory_space<vmem>>, vector<1x16xf32>,
        %get3A_531 = arith.index_cast %add3A_497 : i32 to index
        %get3A_532 = arith.constant 48 : index
        %get3A_533 = tpu.vector_load %arg11[%get3A_531, %get3A_532] {strides = array<i32>} : memref<1008x64xf32, #tpu.memory_space<vmem>>, vector<1x16xf32>,
        %get3A_534 = vector.shape_cast %get3A_533 : vector<1x16xf32> to vector<16xf32>
        %mul3A_535 = arith.mulf %get3A_534, %broadcast_in_dim3A_500 : vector<16xf32>
        %swap3A_536 = arith.index_cast %add3A_497 : i32 to index
        %swap3A_537 = arith.constant 48 : index
        %swap3A_538 = tpu.vector_load %arg11[%swap3A_536, %swap3A_537] {strides = array<i32>} : memref<1008x64xf32, #tpu.memory_space<vmem>>, vector<1x16xf32>,
        %swap3A_539 = vector.shape_cast %swap3A_538 : vector<1x16xf32> to vector<16xf32>
        %swap3A_540 = vector.shape_cast %mul3A_535 : vector<16xf32> to vector<1x16xf32>
        tpu.vector_store %arg11[%swap3A_536, %swap3A_537], %swap3A_540 {strides = array<i32>} : memref<1008x64xf32, #tpu.memory_space<vmem>>, vector<1x16xf32>,
        %mul3A_541 = arith.constant 16 : i32
        %mul3A_542 = arith.muli %scan3A_69, %mul3A_541 : i32
        %add3A_543 = arith.constant 10 : i32
        %add3A_544 = arith.addi %mul3A_542, %add3A_543 : i32
        %slice3A_545 = vector.extract_strided_slice %get3A_74 {offsets = [10], sizes = [1], strides = [1]} : vector<16xf32> to vector<1xf32>
        %squeeze3A_546 = vector.extract %slice3A_545[0] : f32 from vector<1xf32>
        %broadcast_in_dim3A_547 = vector.broadcast %squeeze3A_546 : f32 to vector<16xf32>
        %get3A_548 = arith.index_cast %add3A_544 : i32 to index
        %get3A_549 = arith.constant 0 : index
        %get3A_550 = tpu.vector_load %arg11[%get3A_548, %get3A_549] {strides = array<i32>} : memref<1008x64xf32, #tpu.memory_space<vmem>>, vector<1x16xf32>,
        %get3A_551 = vector.shape_cast %get3A_550 : vector<1x16xf32> to vector<16xf32>
        %mul3A_552 = arith.mulf %get3A_551, %broadcast_in_dim3A_547 : vector<16xf32>
        %swap3A_553 = arith.index_cast %add3A_544 : i32 to index
        %swap3A_554 = arith.constant 0 : index
        %swap3A_555 = tpu.vector_load %arg11[%swap3A_553, %swap3A_554] {strides = array<i32>} : memref<1008x64xf32, #tpu.memory_space<vmem>>, vector<1x16xf32>,
        %swap3A_556 = vector.shape_cast %swap3A_555 : vector<1x16xf32> to vector<16xf32>
        %swap3A_557 = vector.shape_cast %mul3A_552 : vector<16xf32> to vector<1x16xf32>
        tpu.vector_store %arg11[%swap3A_553, %swap3A_554], %swap3A_557 {strides = array<i32>} : memref<1008x64xf32, #tpu.memory_space<vmem>>, vector<1x16xf32>,
        %get3A_558 = arith.index_cast %add3A_544 : i32 to index
        %get3A_559 = arith.constant 16 : index
        %get3A_560 = tpu.vector_load %arg11[%get3A_558, %get3A_559] {strides = array<i32>} : memref<1008x64xf32, #tpu.memory_space<vmem>>, vector<1x16xf32>,
        %get3A_561 = vector.shape_cast %get3A_560 : vector<1x16xf32> to vector<16xf32>
        %mul3A_562 = arith.mulf %get3A_561, %broadcast_in_dim3A_547 : vector<16xf32>
        %swap3A_563 = arith.index_cast %add3A_544 : i32 to index
        %swap3A_564 = arith.constant 16 : index
        %swap3A_565 = tpu.vector_load %arg11[%swap3A_563, %swap3A_564] {strides = array<i32>} : memref<1008x64xf32, #tpu.memory_space<vmem>>, vector<1x16xf32>,
        %swap3A_566 = vector.shape_cast %swap3A_565 : vector<1x16xf32> to vector<16xf32>
        %swap3A_567 = vector.shape_cast %mul3A_562 : vector<16xf32> to vector<1x16xf32>
        tpu.vector_store %arg11[%swap3A_563, %swap3A_564], %swap3A_567 {strides = array<i32>} : memref<1008x64xf32, #tpu.memory_space<vmem>>, vector<1x16xf32>,
        %get3A_568 = arith.index_cast %add3A_544 : i32 to index
        %get3A_569 = arith.constant 32 : index
        %get3A_570 = tpu.vector_load %arg11[%get3A_568, %get3A_569] {strides = array<i32>} : memref<1008x64xf32, #tpu.memory_space<vmem>>, vector<1x16xf32>,
        %get3A_571 = vector.shape_cast %get3A_570 : vector<1x16xf32> to vector<16xf32>
        %mul3A_572 = arith.mulf %get3A_571, %broadcast_in_dim3A_547 : vector<16xf32>
        %swap3A_573 = arith.index_cast %add3A_544 : i32 to index
        %swap3A_574 = arith.constant 32 : index
        %swap3A_575 = tpu.vector_load %arg11[%swap3A_573, %swap3A_574] {strides = array<i32>} : memref<1008x64xf32, #tpu.memory_space<vmem>>, vector<1x16xf32>,
        %swap3A_576 = vector.shape_cast %swap3A_575 : vector<1x16xf32> to vector<16xf32>
        %swap3A_577 = vector.shape_cast %mul3A_572 : vector<16xf32> to vector<1x16xf32>
        tpu.vector_store %arg11[%swap3A_573, %swap3A_574], %swap3A_577 {strides = array<i32>} : memref<1008x64xf32, #tpu.memory_space<vmem>>, vector<1x16xf32>,
        %get3A_578 = arith.index_cast %add3A_544 : i32 to index
        %get3A_579 = arith.constant 48 : index
        %get3A_580 = tpu.vector_load %arg11[%get3A_578, %get3A_579] {strides = array<i32>} : memref<1008x64xf32, #tpu.memory_space<vmem>>, vector<1x16xf32>,
        %get3A_581 = vector.shape_cast %get3A_580 : vector<1x16xf32> to vector<16xf32>
        %mul3A_582 = arith.mulf %get3A_581, %broadcast_in_dim3A_547 : vector<16xf32>
        %swap3A_583 = arith.index_cast %add3A_544 : i32 to index
        %swap3A_584 = arith.constant 48 : index
        %swap3A_585 = tpu.vector_load %arg11[%swap3A_583, %swap3A_584] {strides = array<i32>} : memref<1008x64xf32, #tpu.memory_space<vmem>>, vector<1x16xf32>,
        %swap3A_586 = vector.shape_cast %swap3A_585 : vector<1x16xf32> to vector<16xf32>
        %swap3A_587 = vector.shape_cast %mul3A_582 : vector<16xf32> to vector<1x16xf32>
        tpu.vector_store %arg11[%swap3A_583, %swap3A_584], %swap3A_587 {strides = array<i32>} : memref<1008x64xf32, #tpu.memory_space<vmem>>, vector<1x16xf32>,
        %mul3A_588 = arith.constant 16 : i32
        %mul3A_589 = arith.muli %scan3A_69, %mul3A_588 : i32
        %add3A_590 = arith.constant 11 : i32
        %add3A_591 = arith.addi %mul3A_589, %add3A_590 : i32
        %slice3A_592 = vector.extract_strided_slice %get3A_74 {offsets = [11], sizes = [1], strides = [1]} : vector<16xf32> to vector<1xf32>
        %squeeze3A_593 = vector.extract %slice3A_592[0] : f32 from vector<1xf32>
        %broadcast_in_dim3A_594 = vector.broadcast %squeeze3A_593 : f32 to vector<16xf32>
        %get3A_595 = arith.index_cast %add3A_591 : i32 to index
        %get3A_596 = arith.constant 0 : index
        %get3A_597 = tpu.vector_load %arg11[%get3A_595, %get3A_596] {strides = array<i32>} : memref<1008x64xf32, #tpu.memory_space<vmem>>, vector<1x16xf32>,
        %get3A_598 = vector.shape_cast %get3A_597 : vector<1x16xf32> to vector<16xf32>
        %mul3A_599 = arith.mulf %get3A_598, %broadcast_in_dim3A_594 : vector<16xf32>
        %swap3A_600 = arith.index_cast %add3A_591 : i32 to index
        %swap3A_601 = arith.constant 0 : index
        %swap3A_602 = tpu.vector_load %arg11[%swap3A_600, %swap3A_601] {strides = array<i32>} : memref<1008x64xf32, #tpu.memory_space<vmem>>, vector<1x16xf32>,
        %swap3A_603 = vector.shape_cast %swap3A_602 : vector<1x16xf32> to vector<16xf32>
        %swap3A_604 = vector.shape_cast %mul3A_599 : vector<16xf32> to vector<1x16xf32>
        tpu.vector_store %arg11[%swap3A_600, %swap3A_601], %swap3A_604 {strides = array<i32>} : memref<1008x64xf32, #tpu.memory_space<vmem>>, vector<1x16xf32>,
        %get3A_605 = arith.index_cast %add3A_591 : i32 to index
        %get3A_606 = arith.constant 16 : index
        %get3A_607 = tpu.vector_load %arg11[%get3A_605, %get3A_606] {strides = array<i32>} : memref<1008x64xf32, #tpu.memory_space<vmem>>, vector<1x16xf32>,
        %get3A_608 = vector.shape_cast %get3A_607 : vector<1x16xf32> to vector<16xf32>
        %mul3A_609 = arith.mulf %get3A_608, %broadcast_in_dim3A_594 : vector<16xf32>
        %swap3A_610 = arith.index_cast %add3A_591 : i32 to index
        %swap3A_611 = arith.constant 16 : index
        %swap3A_612 = tpu.vector_load %arg11[%swap3A_610, %swap3A_611] {strides = array<i32>} : memref<1008x64xf32, #tpu.memory_space<vmem>>, vector<1x16xf32>,
        %swap3A_613 = vector.shape_cast %swap3A_612 : vector<1x16xf32> to vector<16xf32>
        %swap3A_614 = vector.shape_cast %mul3A_609 : vector<16xf32> to vector<1x16xf32>
        tpu.vector_store %arg11[%swap3A_610, %swap3A_611], %swap3A_614 {strides = array<i32>} : memref<1008x64xf32, #tpu.memory_space<vmem>>, vector<1x16xf32>,
        %get3A_615 = arith.index_cast %add3A_591 : i32 to index
        %get3A_616 = arith.constant 32 : index
        %get3A_617 = tpu.vector_load %arg11[%get3A_615, %get3A_616] {strides = array<i32>} : memref<1008x64xf32, #tpu.memory_space<vmem>>, vector<1x16xf32>,
        %get3A_618 = vector.shape_cast %get3A_617 : vector<1x16xf32> to vector<16xf32>
        %mul3A_619 = arith.mulf %get3A_618, %broadcast_in_dim3A_594 : vector<16xf32>
        %swap3A_620 = arith.index_cast %add3A_591 : i32 to index
        %swap3A_621 = arith.constant 32 : index
        %swap3A_622 = tpu.vector_load %arg11[%swap3A_620, %swap3A_621] {strides = array<i32>} : memref<1008x64xf32, #tpu.memory_space<vmem>>, vector<1x16xf32>,
        %swap3A_623 = vector.shape_cast %swap3A_622 : vector<1x16xf32> to vector<16xf32>
        %swap3A_624 = vector.shape_cast %mul3A_619 : vector<16xf32> to vector<1x16xf32>
        tpu.vector_store %arg11[%swap3A_620, %swap3A_621], %swap3A_624 {strides = array<i32>} : memref<1008x64xf32, #tpu.memory_space<vmem>>, vector<1x16xf32>,
        %get3A_625 = arith.index_cast %add3A_591 : i32 to index
        %get3A_626 = arith.constant 48 : index
        %get3A_627 = tpu.vector_load %arg11[%get3A_625, %get3A_626] {strides = array<i32>} : memref<1008x64xf32, #tpu.memory_space<vmem>>, vector<1x16xf32>,
        %get3A_628 = vector.shape_cast %get3A_627 : vector<1x16xf32> to vector<16xf32>
        %mul3A_629 = arith.mulf %get3A_628, %broadcast_in_dim3A_594 : vector<16xf32>
        %swap3A_630 = arith.index_cast %add3A_591 : i32 to index
        %swap3A_631 = arith.constant 48 : index
        %swap3A_632 = tpu.vector_load %arg11[%swap3A_630, %swap3A_631] {strides = array<i32>} : memref<1008x64xf32, #tpu.memory_space<vmem>>, vector<1x16xf32>,
        %swap3A_633 = vector.shape_cast %swap3A_632 : vector<1x16xf32> to vector<16xf32>
        %swap3A_634 = vector.shape_cast %mul3A_629 : vector<16xf32> to vector<1x16xf32>
        tpu.vector_store %arg11[%swap3A_630, %swap3A_631], %swap3A_634 {strides = array<i32>} : memref<1008x64xf32, #tpu.memory_space<vmem>>, vector<1x16xf32>,
        %mul3A_635 = arith.constant 16 : i32
        %mul3A_636 = arith.muli %scan3A_69, %mul3A_635 : i32
        %add3A_637 = arith.constant 12 : i32
        %add3A_638 = arith.addi %mul3A_636, %add3A_637 : i32
        %slice3A_639 = vector.extract_strided_slice %get3A_74 {offsets = [12], sizes = [1], strides = [1]} : vector<16xf32> to vector<1xf32>
        %squeeze3A_640 = vector.extract %slice3A_639[0] : f32 from vector<1xf32>
        %broadcast_in_dim3A_641 = vector.broadcast %squeeze3A_640 : f32 to vector<16xf32>
        %get3A_642 = arith.index_cast %add3A_638 : i32 to index
        %get3A_643 = arith.constant 0 : index
        %get3A_644 = tpu.vector_load %arg11[%get3A_642, %get3A_643] {strides = array<i32>} : memref<1008x64xf32, #tpu.memory_space<vmem>>, vector<1x16xf32>,
        %get3A_645 = vector.shape_cast %get3A_644 : vector<1x16xf32> to vector<16xf32>
        %mul3A_646 = arith.mulf %get3A_645, %broadcast_in_dim3A_641 : vector<16xf32>
        %swap3A_647 = arith.index_cast %add3A_638 : i32 to index
        %swap3A_648 = arith.constant 0 : index
        %swap3A_649 = tpu.vector_load %arg11[%swap3A_647, %swap3A_648] {strides = array<i32>} : memref<1008x64xf32, #tpu.memory_space<vmem>>, vector<1x16xf32>,
        %swap3A_650 = vector.shape_cast %swap3A_649 : vector<1x16xf32> to vector<16xf32>
        %swap3A_651 = vector.shape_cast %mul3A_646 : vector<16xf32> to vector<1x16xf32>
        tpu.vector_store %arg11[%swap3A_647, %swap3A_648], %swap3A_651 {strides = array<i32>} : memref<1008x64xf32, #tpu.memory_space<vmem>>, vector<1x16xf32>,
        %get3A_652 = arith.index_cast %add3A_638 : i32 to index
        %get3A_653 = arith.constant 16 : index
        %get3A_654 = tpu.vector_load %arg11[%get3A_652, %get3A_653] {strides = array<i32>} : memref<1008x64xf32, #tpu.memory_space<vmem>>, vector<1x16xf32>,
        %get3A_655 = vector.shape_cast %get3A_654 : vector<1x16xf32> to vector<16xf32>
        %mul3A_656 = arith.mulf %get3A_655, %broadcast_in_dim3A_641 : vector<16xf32>
        %swap3A_657 = arith.index_cast %add3A_638 : i32 to index
        %swap3A_658 = arith.constant 16 : index
        %swap3A_659 = tpu.vector_load %arg11[%swap3A_657, %swap3A_658] {strides = array<i32>} : memref<1008x64xf32, #tpu.memory_space<vmem>>, vector<1x16xf32>,
        %swap3A_660 = vector.shape_cast %swap3A_659 : vector<1x16xf32> to vector<16xf32>
        %swap3A_661 = vector.shape_cast %mul3A_656 : vector<16xf32> to vector<1x16xf32>
        tpu.vector_store %arg11[%swap3A_657, %swap3A_658], %swap3A_661 {strides = array<i32>} : memref<1008x64xf32, #tpu.memory_space<vmem>>, vector<1x16xf32>,
        %get3A_662 = arith.index_cast %add3A_638 : i32 to index
        %get3A_663 = arith.constant 32 : index
        %get3A_664 = tpu.vector_load %arg11[%get3A_662, %get3A_663] {strides = array<i32>} : memref<1008x64xf32, #tpu.memory_space<vmem>>, vector<1x16xf32>,
        %get3A_665 = vector.shape_cast %get3A_664 : vector<1x16xf32> to vector<16xf32>
        %mul3A_666 = arith.mulf %get3A_665, %broadcast_in_dim3A_641 : vector<16xf32>
        %swap3A_667 = arith.index_cast %add3A_638 : i32 to index
        %swap3A_668 = arith.constant 32 : index
        %swap3A_669 = tpu.vector_load %arg11[%swap3A_667, %swap3A_668] {strides = array<i32>} : memref<1008x64xf32, #tpu.memory_space<vmem>>, vector<1x16xf32>,
        %swap3A_670 = vector.shape_cast %swap3A_669 : vector<1x16xf32> to vector<16xf32>
        %swap3A_671 = vector.shape_cast %mul3A_666 : vector<16xf32> to vector<1x16xf32>
        tpu.vector_store %arg11[%swap3A_667, %swap3A_668], %swap3A_671 {strides = array<i32>} : memref<1008x64xf32, #tpu.memory_space<vmem>>, vector<1x16xf32>,
        %get3A_672 = arith.index_cast %add3A_638 : i32 to index
        %get3A_673 = arith.constant 48 : index
        %get3A_674 = tpu.vector_load %arg11[%get3A_672, %get3A_673] {strides = array<i32>} : memref<1008x64xf32, #tpu.memory_space<vmem>>, vector<1x16xf32>,
        %get3A_675 = vector.shape_cast %get3A_674 : vector<1x16xf32> to vector<16xf32>
        %mul3A_676 = arith.mulf %get3A_675, %broadcast_in_dim3A_641 : vector<16xf32>
        %swap3A_677 = arith.index_cast %add3A_638 : i32 to index
        %swap3A_678 = arith.constant 48 : index
        %swap3A_679 = tpu.vector_load %arg11[%swap3A_677, %swap3A_678] {strides = array<i32>} : memref<1008x64xf32, #tpu.memory_space<vmem>>, vector<1x16xf32>,
        %swap3A_680 = vector.shape_cast %swap3A_679 : vector<1x16xf32> to vector<16xf32>
        %swap3A_681 = vector.shape_cast %mul3A_676 : vector<16xf32> to vector<1x16xf32>
        tpu.vector_store %arg11[%swap3A_677, %swap3A_678], %swap3A_681 {strides = array<i32>} : memref<1008x64xf32, #tpu.memory_space<vmem>>, vector<1x16xf32>,
        %mul3A_682 = arith.constant 16 : i32
        %mul3A_683 = arith.muli %scan3A_69, %mul3A_682 : i32
        %add3A_684 = arith.constant 13 : i32
        %add3A_685 = arith.addi %mul3A_683, %add3A_684 : i32
        %slice3A_686 = vector.extract_strided_slice %get3A_74 {offsets = [13], sizes = [1], strides = [1]} : vector<16xf32> to vector<1xf32>
        %squeeze3A_687 = vector.extract %slice3A_686[0] : f32 from vector<1xf32>
        %broadcast_in_dim3A_688 = vector.broadcast %squeeze3A_687 : f32 to vector<16xf32>
        %get3A_689 = arith.index_cast %add3A_685 : i32 to index
        %get3A_690 = arith.constant 0 : index
        %get3A_691 = tpu.vector_load %arg11[%get3A_689, %get3A_690] {strides = array<i32>} : memref<1008x64xf32, #tpu.memory_space<vmem>>, vector<1x16xf32>,
        %get3A_692 = vector.shape_cast %get3A_691 : vector<1x16xf32> to vector<16xf32>
        %mul3A_693 = arith.mulf %get3A_692, %broadcast_in_dim3A_688 : vector<16xf32>
        %swap3A_694 = arith.index_cast %add3A_685 : i32 to index
        %swap3A_695 = arith.constant 0 : index
        %swap3A_696 = tpu.vector_load %arg11[%swap3A_694, %swap3A_695] {strides = array<i32>} : memref<1008x64xf32, #tpu.memory_space<vmem>>, vector<1x16xf32>,
        %swap3A_697 = vector.shape_cast %swap3A_696 : vector<1x16xf32> to vector<16xf32>
        %swap3A_698 = vector.shape_cast %mul3A_693 : vector<16xf32> to vector<1x16xf32>
        tpu.vector_store %arg11[%swap3A_694, %swap3A_695], %swap3A_698 {strides = array<i32>} : memref<1008x64xf32, #tpu.memory_space<vmem>>, vector<1x16xf32>,
        %get3A_699 = arith.index_cast %add3A_685 : i32 to index
        %get3A_700 = arith.constant 16 : index
        %get3A_701 = tpu.vector_load %arg11[%get3A_699, %get3A_700] {strides = array<i32>} : memref<1008x64xf32, #tpu.memory_space<vmem>>, vector<1x16xf32>,
        %get3A_702 = vector.shape_cast %get3A_701 : vector<1x16xf32> to vector<16xf32>
        %mul3A_703 = arith.mulf %get3A_702, %broadcast_in_dim3A_688 : vector<16xf32>
        %swap3A_704 = arith.index_cast %add3A_685 : i32 to index
        %swap3A_705 = arith.constant 16 : index
        %swap3A_706 = tpu.vector_load %arg11[%swap3A_704, %swap3A_705] {strides = array<i32>} : memref<1008x64xf32, #tpu.memory_space<vmem>>, vector<1x16xf32>,
        %swap3A_707 = vector.shape_cast %swap3A_706 : vector<1x16xf32> to vector<16xf32>
        %swap3A_708 = vector.shape_cast %mul3A_703 : vector<16xf32> to vector<1x16xf32>
        tpu.vector_store %arg11[%swap3A_704, %swap3A_705], %swap3A_708 {strides = array<i32>} : memref<1008x64xf32, #tpu.memory_space<vmem>>, vector<1x16xf32>,
        %get3A_709 = arith.index_cast %add3A_685 : i32 to index
        %get3A_710 = arith.constant 32 : index
        %get3A_711 = tpu.vector_load %arg11[%get3A_709, %get3A_710] {strides = array<i32>} : memref<1008x64xf32, #tpu.memory_space<vmem>>, vector<1x16xf32>,
        %get3A_712 = vector.shape_cast %get3A_711 : vector<1x16xf32> to vector<16xf32>
        %mul3A_713 = arith.mulf %get3A_712, %broadcast_in_dim3A_688 : vector<16xf32>
        %swap3A_714 = arith.index_cast %add3A_685 : i32 to index
        %swap3A_715 = arith.constant 32 : index
        %swap3A_716 = tpu.vector_load %arg11[%swap3A_714, %swap3A_715] {strides = array<i32>} : memref<1008x64xf32, #tpu.memory_space<vmem>>, vector<1x16xf32>,
        %swap3A_717 = vector.shape_cast %swap3A_716 : vector<1x16xf32> to vector<16xf32>
        %swap3A_718 = vector.shape_cast %mul3A_713 : vector<16xf32> to vector<1x16xf32>
        tpu.vector_store %arg11[%swap3A_714, %swap3A_715], %swap3A_718 {strides = array<i32>} : memref<1008x64xf32, #tpu.memory_space<vmem>>, vector<1x16xf32>,
        %get3A_719 = arith.index_cast %add3A_685 : i32 to index
        %get3A_720 = arith.constant 48 : index
        %get3A_721 = tpu.vector_load %arg11[%get3A_719, %get3A_720] {strides = array<i32>} : memref<1008x64xf32, #tpu.memory_space<vmem>>, vector<1x16xf32>,
        %get3A_722 = vector.shape_cast %get3A_721 : vector<1x16xf32> to vector<16xf32>
        %mul3A_723 = arith.mulf %get3A_722, %broadcast_in_dim3A_688 : vector<16xf32>
        %swap3A_724 = arith.index_cast %add3A_685 : i32 to index
        %swap3A_725 = arith.constant 48 : index
        %swap3A_726 = tpu.vector_load %arg11[%swap3A_724, %swap3A_725] {strides = array<i32>} : memref<1008x64xf32, #tpu.memory_space<vmem>>, vector<1x16xf32>,
        %swap3A_727 = vector.shape_cast %swap3A_726 : vector<1x16xf32> to vector<16xf32>
        %swap3A_728 = vector.shape_cast %mul3A_723 : vector<16xf32> to vector<1x16xf32>
        tpu.vector_store %arg11[%swap3A_724, %swap3A_725], %swap3A_728 {strides = array<i32>} : memref<1008x64xf32, #tpu.memory_space<vmem>>, vector<1x16xf32>,
        %mul3A_729 = arith.constant 16 : i32
        %mul3A_730 = arith.muli %scan3A_69, %mul3A_729 : i32
        %add3A_731 = arith.constant 14 : i32
        %add3A_732 = arith.addi %mul3A_730, %add3A_731 : i32
        %slice3A_733 = vector.extract_strided_slice %get3A_74 {offsets = [14], sizes = [1], strides = [1]} : vector<16xf32> to vector<1xf32>
        %squeeze3A_734 = vector.extract %slice3A_733[0] : f32 from vector<1xf32>
        %broadcast_in_dim3A_735 = vector.broadcast %squeeze3A_734 : f32 to vector<16xf32>
        %get3A_736 = arith.index_cast %add3A_732 : i32 to index
        %get3A_737 = arith.constant 0 : index
        %get3A_738 = tpu.vector_load %arg11[%get3A_736, %get3A_737] {strides = array<i32>} : memref<1008x64xf32, #tpu.memory_space<vmem>>, vector<1x16xf32>,
        %get3A_739 = vector.shape_cast %get3A_738 : vector<1x16xf32> to vector<16xf32>
        %mul3A_740 = arith.mulf %get3A_739, %broadcast_in_dim3A_735 : vector<16xf32>
        %swap3A_741 = arith.index_cast %add3A_732 : i32 to index
        %swap3A_742 = arith.constant 0 : index
        %swap3A_743 = tpu.vector_load %arg11[%swap3A_741, %swap3A_742] {strides = array<i32>} : memref<1008x64xf32, #tpu.memory_space<vmem>>, vector<1x16xf32>,
        %swap3A_744 = vector.shape_cast %swap3A_743 : vector<1x16xf32> to vector<16xf32>
        %swap3A_745 = vector.shape_cast %mul3A_740 : vector<16xf32> to vector<1x16xf32>
        tpu.vector_store %arg11[%swap3A_741, %swap3A_742], %swap3A_745 {strides = array<i32>} : memref<1008x64xf32, #tpu.memory_space<vmem>>, vector<1x16xf32>,
        %get3A_746 = arith.index_cast %add3A_732 : i32 to index
        %get3A_747 = arith.constant 16 : index
        %get3A_748 = tpu.vector_load %arg11[%get3A_746, %get3A_747] {strides = array<i32>} : memref<1008x64xf32, #tpu.memory_space<vmem>>, vector<1x16xf32>,
        %get3A_749 = vector.shape_cast %get3A_748 : vector<1x16xf32> to vector<16xf32>
        %mul3A_750 = arith.mulf %get3A_749, %broadcast_in_dim3A_735 : vector<16xf32>
        %swap3A_751 = arith.index_cast %add3A_732 : i32 to index
        %swap3A_752 = arith.constant 16 : index
        %swap3A_753 = tpu.vector_load %arg11[%swap3A_751, %swap3A_752] {strides = array<i32>} : memref<1008x64xf32, #tpu.memory_space<vmem>>, vector<1x16xf32>,
        %swap3A_754 = vector.shape_cast %swap3A_753 : vector<1x16xf32> to vector<16xf32>
        %swap3A_755 = vector.shape_cast %mul3A_750 : vector<16xf32> to vector<1x16xf32>
        tpu.vector_store %arg11[%swap3A_751, %swap3A_752], %swap3A_755 {strides = array<i32>} : memref<1008x64xf32, #tpu.memory_space<vmem>>, vector<1x16xf32>,
        %get3A_756 = arith.index_cast %add3A_732 : i32 to index
        %get3A_757 = arith.constant 32 : index
        %get3A_758 = tpu.vector_load %arg11[%get3A_756, %get3A_757] {strides = array<i32>} : memref<1008x64xf32, #tpu.memory_space<vmem>>, vector<1x16xf32>,
        %get3A_759 = vector.shape_cast %get3A_758 : vector<1x16xf32> to vector<16xf32>
        %mul3A_760 = arith.mulf %get3A_759, %broadcast_in_dim3A_735 : vector<16xf32>
        %swap3A_761 = arith.index_cast %add3A_732 : i32 to index
        %swap3A_762 = arith.constant 32 : index
        %swap3A_763 = tpu.vector_load %arg11[%swap3A_761, %swap3A_762] {strides = array<i32>} : memref<1008x64xf32, #tpu.memory_space<vmem>>, vector<1x16xf32>,
        %swap3A_764 = vector.shape_cast %swap3A_763 : vector<1x16xf32> to vector<16xf32>
        %swap3A_765 = vector.shape_cast %mul3A_760 : vector<16xf32> to vector<1x16xf32>
        tpu.vector_store %arg11[%swap3A_761, %swap3A_762], %swap3A_765 {strides = array<i32>} : memref<1008x64xf32, #tpu.memory_space<vmem>>, vector<1x16xf32>,
        %get3A_766 = arith.index_cast %add3A_732 : i32 to index
        %get3A_767 = arith.constant 48 : index
        %get3A_768 = tpu.vector_load %arg11[%get3A_766, %get3A_767] {strides = array<i32>} : memref<1008x64xf32, #tpu.memory_space<vmem>>, vector<1x16xf32>,
        %get3A_769 = vector.shape_cast %get3A_768 : vector<1x16xf32> to vector<16xf32>
        %mul3A_770 = arith.mulf %get3A_769, %broadcast_in_dim3A_735 : vector<16xf32>
        %swap3A_771 = arith.index_cast %add3A_732 : i32 to index
        %swap3A_772 = arith.constant 48 : index
        %swap3A_773 = tpu.vector_load %arg11[%swap3A_771, %swap3A_772] {strides = array<i32>} : memref<1008x64xf32, #tpu.memory_space<vmem>>, vector<1x16xf32>,
        %swap3A_774 = vector.shape_cast %swap3A_773 : vector<1x16xf32> to vector<16xf32>
        %swap3A_775 = vector.shape_cast %mul3A_770 : vector<16xf32> to vector<1x16xf32>
        tpu.vector_store %arg11[%swap3A_771, %swap3A_772], %swap3A_775 {strides = array<i32>} : memref<1008x64xf32, #tpu.memory_space<vmem>>, vector<1x16xf32>,
        %mul3A_776 = arith.constant 16 : i32
        %mul3A_777 = arith.muli %scan3A_69, %mul3A_776 : i32
        %add3A_778 = arith.constant 15 : i32
        %add3A_779 = arith.addi %mul3A_777, %add3A_778 : i32
        %slice3A_780 = vector.extract_strided_slice %get3A_74 {offsets = [15], sizes = [1], strides = [1]} : vector<16xf32> to vector<1xf32>
        %squeeze3A_781 = vector.extract %slice3A_780[0] : f32 from vector<1xf32>
        %broadcast_in_dim3A_782 = vector.broadcast %squeeze3A_781 : f32 to vector<16xf32>
        %get3A_783 = arith.index_cast %add3A_779 : i32 to index
        %get3A_784 = arith.constant 0 : index
        %get3A_785 = tpu.vector_load %arg11[%get3A_783, %get3A_784] {strides = array<i32>} : memref<1008x64xf32, #tpu.memory_space<vmem>>, vector<1x16xf32>,
        %get3A_786 = vector.shape_cast %get3A_785 : vector<1x16xf32> to vector<16xf32>
        %mul3A_787 = arith.mulf %get3A_786, %broadcast_in_dim3A_782 : vector<16xf32>
        %swap3A_788 = arith.index_cast %add3A_779 : i32 to index
        %swap3A_789 = arith.constant 0 : index
        %swap3A_790 = tpu.vector_load %arg11[%swap3A_788, %swap3A_789] {strides = array<i32>} : memref<1008x64xf32, #tpu.memory_space<vmem>>, vector<1x16xf32>,
        %swap3A_791 = vector.shape_cast %swap3A_790 : vector<1x16xf32> to vector<16xf32>
        %swap3A_792 = vector.shape_cast %mul3A_787 : vector<16xf32> to vector<1x16xf32>
        tpu.vector_store %arg11[%swap3A_788, %swap3A_789], %swap3A_792 {strides = array<i32>} : memref<1008x64xf32, #tpu.memory_space<vmem>>, vector<1x16xf32>,
        %get3A_793 = arith.index_cast %add3A_779 : i32 to index
        %get3A_794 = arith.constant 16 : index
        %get3A_795 = tpu.vector_load %arg11[%get3A_793, %get3A_794] {strides = array<i32>} : memref<1008x64xf32, #tpu.memory_space<vmem>>, vector<1x16xf32>,
        %get3A_796 = vector.shape_cast %get3A_795 : vector<1x16xf32> to vector<16xf32>
        %mul3A_797 = arith.mulf %get3A_796, %broadcast_in_dim3A_782 : vector<16xf32>
        %swap3A_798 = arith.index_cast %add3A_779 : i32 to index
        %swap3A_799 = arith.constant 16 : index
        %swap3A_800 = tpu.vector_load %arg11[%swap3A_798, %swap3A_799] {strides = array<i32>} : memref<1008x64xf32, #tpu.memory_space<vmem>>, vector<1x16xf32>,
        %swap3A_801 = vector.shape_cast %swap3A_800 : vector<1x16xf32> to vector<16xf32>
        %swap3A_802 = vector.shape_cast %mul3A_797 : vector<16xf32> to vector<1x16xf32>
        tpu.vector_store %arg11[%swap3A_798, %swap3A_799], %swap3A_802 {strides = array<i32>} : memref<1008x64xf32, #tpu.memory_space<vmem>>, vector<1x16xf32>,
        %get3A_803 = arith.index_cast %add3A_779 : i32 to index
        %get3A_804 = arith.constant 32 : index
        %get3A_805 = tpu.vector_load %arg11[%get3A_803, %get3A_804] {strides = array<i32>} : memref<1008x64xf32, #tpu.memory_space<vmem>>, vector<1x16xf32>,
        %get3A_806 = vector.shape_cast %get3A_805 : vector<1x16xf32> to vector<16xf32>
        %mul3A_807 = arith.mulf %get3A_806, %broadcast_in_dim3A_782 : vector<16xf32>
        %swap3A_808 = arith.index_cast %add3A_779 : i32 to index
        %swap3A_809 = arith.constant 32 : index
        %swap3A_810 = tpu.vector_load %arg11[%swap3A_808, %swap3A_809] {strides = array<i32>} : memref<1008x64xf32, #tpu.memory_space<vmem>>, vector<1x16xf32>,
        %swap3A_811 = vector.shape_cast %swap3A_810 : vector<1x16xf32> to vector<16xf32>
        %swap3A_812 = vector.shape_cast %mul3A_807 : vector<16xf32> to vector<1x16xf32>
        tpu.vector_store %arg11[%swap3A_808, %swap3A_809], %swap3A_812 {strides = array<i32>} : memref<1008x64xf32, #tpu.memory_space<vmem>>, vector<1x16xf32>,
        %get3A_813 = arith.index_cast %add3A_779 : i32 to index
        %get3A_814 = arith.constant 48 : index
        %get3A_815 = tpu.vector_load %arg11[%get3A_813, %get3A_814] {strides = array<i32>} : memref<1008x64xf32, #tpu.memory_space<vmem>>, vector<1x16xf32>,
        %get3A_816 = vector.shape_cast %get3A_815 : vector<1x16xf32> to vector<16xf32>
        %mul3A_817 = arith.mulf %get3A_816, %broadcast_in_dim3A_782 : vector<16xf32>
        %swap3A_818 = arith.index_cast %add3A_779 : i32 to index
        %swap3A_819 = arith.constant 48 : index
        %swap3A_820 = tpu.vector_load %arg11[%swap3A_818, %swap3A_819] {strides = array<i32>} : memref<1008x64xf32, #tpu.memory_space<vmem>>, vector<1x16xf32>,
        %swap3A_821 = vector.shape_cast %swap3A_820 : vector<1x16xf32> to vector<16xf32>
        %swap3A_822 = vector.shape_cast %mul3A_817 : vector<16xf32> to vector<1x16xf32>
        tpu.vector_store %arg11[%swap3A_818, %swap3A_819], %swap3A_822 {strides = array<i32>} : memref<1008x64xf32, #tpu.memory_space<vmem>>, vector<1x16xf32>,
      }
      %scan3A_68 = arith.constant 63 : i32
      "tpu.region"() ({
        %run_scoped3A = tpu.sem_alloc : memref<!tpu.dma_semaphore, #tpu.memory_space<semaphore_mem>>
        %dma_start3A_69 = arith.constant 0 : i32
        %dma_start3A_70 = arith.constant 0 : i32
        %dma_start3A_71 = tpu.memref_slice %arg11[%dma_start3A_69, %dma_start3A_70] : memref<1008x64xf32, #tpu.memory_space<vmem>> -> memref<1008x64xf32, #tpu.memory_space<vmem>>
        %dma_start3A_72 = arith.constant 0 : i32
        %dma_start3A_73 = tpu.memref_slice %arg9[%dma_start3A_72] : memref<1008xi32, #tpu.memory_space<vmem>> -> memref<1008xi32, #tpu.memory_space<vmem>>
        %dma_start3A_74 = arith.constant 0 : i32
        %dma_start3A_75 = arith.constant 0 : i32
        %dma_start3A_76 = tpu.memref_slice %arg12[%dma_start3A_74, %dma_start3A_75] : memref<10000x64xf32, #tpu.memory_space<vmem_shared>> -> memref<10000x64xf32, #tpu.memory_space<vmem_shared>>
        tpu.enqueue_indirect_dma source(%dma_start3A_71 : memref<1008x64xf32, #tpu.memory_space<vmem>>) target(%dma_start3A_76 : memref<10000x64xf32, #tpu.memory_space<vmem_shared>>) offsets(%dma_start3A_73 : memref<1008xi32, #tpu.memory_space<vmem>>) semaphore(%run_scoped3A : memref<!tpu.dma_semaphore, #tpu.memory_space<semaphore_mem>>) {add = true}
        %dma_wait3A_77 = arith.constant 0 : i32
        %dma_wait3A_78 = arith.constant 0 : i32
        %dma_wait3A_79 = tpu.memref_slice %arg11[%dma_wait3A_77, %dma_wait3A_78] : memref<1008x64xf32, #tpu.memory_space<vmem>> -> memref<1008x64xf32, #tpu.memory_space<vmem>>
        %dma_wait3A_80 = arith.constant 0 : i32
        %dma_wait3A_81 = tpu.memref_slice %arg9[%dma_wait3A_80] : memref<1008xi32, #tpu.memory_space<vmem>> -> memref<1008xi32, #tpu.memory_space<vmem>>
        %dma_wait3A_82 = arith.constant 0 : i32
        %dma_wait3A_83 = arith.constant 0 : i32
        %dma_wait3A_84 = tpu.memref_slice %arg12[%dma_wait3A_82, %dma_wait3A_83] : memref<10000x64xf32, #tpu.memory_space<vmem_shared>> -> memref<10000x64xf32, #tpu.memory_space<vmem_shared>>
        tpu.wait_indirect_dma semaphore(%run_scoped3A : memref<!tpu.dma_semaphore, #tpu.memory_space<semaphore_mem>>) src(%dma_wait3A_79 : memref<1008x64xf32, #tpu.memory_space<vmem>>) dst(%dma_wait3A_84 : memref<10000x64xf32, #tpu.memory_space<vmem_shared>>)
        tpu.yield
      }) : () -> ()
    }
    %scan3A_12 = arith.constant 9 : i32
    %add3A_13 = arith.constant 9072 : i32
    %add3A_14 = arith.addi %multiple_of3A_7, %add3A_13 : i32
    %multiple_of3A_15 = tpu.assume_multiple %add3A_14, 8 : i32
    "tpu.region"() ({
      %run_scoped3A = tpu.sem_alloc : memref<!tpu.dma_semaphore, #tpu.memory_space<semaphore_mem>>
      %dma_start3A_42 = arith.constant 0 : i32
      %dma_start3A_43 = tpu.memref_slice %arg8[%dma_start3A_42] : memref<1008xi32, #tpu.memory_space<vmem>> -> memref<928xi32, #tpu.memory_space<vmem>>
      %dma_start3A_44 = tpu.memref_slice %arg3[%multiple_of3A_15] : memref<320000xi32, #tpu.memory_space<hbm>> -> memref<928xi32, #tpu.memory_space<hbm>>
      %dma_start3A_45 = arith.constant 0 : i32
      %dma_start3A_46 = tpu.memref_slice %arg8[%dma_start3A_45] : memref<1008xi32, #tpu.memory_space<vmem>> -> memref<928xi32, #tpu.memory_space<vmem>>
      %dma_start3A_47 = tpu.memref_slice %arg3[%multiple_of3A_15] : memref<320000xi32, #tpu.memory_space<hbm>> -> memref<928xi32, #tpu.memory_space<hbm>>
      tpu.enqueue_dma source(%dma_start3A_47 : memref<928xi32, #tpu.memory_space<hbm>>) target(%dma_start3A_46 : memref<928xi32, #tpu.memory_space<vmem>>) target_semaphore(%run_scoped3A : memref<!tpu.dma_semaphore, #tpu.memory_space<semaphore_mem>>)
      %dma_wait3A_48 = arith.constant 0 : i32
      %dma_wait3A_49 = tpu.memref_slice %arg8[%dma_wait3A_48] : memref<1008xi32, #tpu.memory_space<vmem>> -> memref<928xi32, #tpu.memory_space<vmem>>
      %dma_wait3A_50 = tpu.memref_slice %arg3[%multiple_of3A_15] : memref<320000xi32, #tpu.memory_space<hbm>> -> memref<928xi32, #tpu.memory_space<hbm>>
      %dma_wait3A_51 = arith.constant 0 : i32
      %dma_wait3A_52 = tpu.memref_slice %arg8[%dma_wait3A_51] : memref<1008xi32, #tpu.memory_space<vmem>> -> memref<928xi32, #tpu.memory_space<vmem>>
      %dma_wait3A_53 = tpu.memref_slice %arg3[%multiple_of3A_15] : memref<320000xi32, #tpu.memory_space<hbm>> -> memref<928xi32, #tpu.memory_space<hbm>>
      tpu.wait_dma2 semaphore(%run_scoped3A : memref<!tpu.dma_semaphore, #tpu.memory_space<semaphore_mem>>) src(%dma_wait3A_53 : memref<928xi32, #tpu.memory_space<hbm>>) dst(%dma_wait3A_52 : memref<928xi32, #tpu.memory_space<vmem>>)
      tpu.yield
    }) : () -> ()
    "tpu.region"() ({
      %run_scoped3A = tpu.sem_alloc : memref<!tpu.dma_semaphore, #tpu.memory_space<semaphore_mem>>
      %dma_start3A_42 = arith.constant 0 : i32
      %dma_start3A_43 = tpu.memref_slice %arg9[%dma_start3A_42] : memref<1008xi32, #tpu.memory_space<vmem>> -> memref<928xi32, #tpu.memory_space<vmem>>
      %dma_start3A_44 = tpu.memref_slice %arg4[%multiple_of3A_15] : memref<320000xi32, #tpu.memory_space<hbm>> -> memref<928xi32, #tpu.memory_space<hbm>>
      %dma_start3A_45 = arith.constant 0 : i32
      %dma_start3A_46 = tpu.memref_slice %arg9[%dma_start3A_45] : memref<1008xi32, #tpu.memory_space<vmem>> -> memref<928xi32, #tpu.memory_space<vmem>>
      %dma_start3A_47 = tpu.memref_slice %arg4[%multiple_of3A_15] : memref<320000xi32, #tpu.memory_space<hbm>> -> memref<928xi32, #tpu.memory_space<hbm>>
      tpu.enqueue_dma source(%dma_start3A_47 : memref<928xi32, #tpu.memory_space<hbm>>) target(%dma_start3A_46 : memref<928xi32, #tpu.memory_space<vmem>>) target_semaphore(%run_scoped3A : memref<!tpu.dma_semaphore, #tpu.memory_space<semaphore_mem>>)
      %dma_wait3A_48 = arith.constant 0 : i32
      %dma_wait3A_49 = tpu.memref_slice %arg9[%dma_wait3A_48] : memref<1008xi32, #tpu.memory_space<vmem>> -> memref<928xi32, #tpu.memory_space<vmem>>
      %dma_wait3A_50 = tpu.memref_slice %arg4[%multiple_of3A_15] : memref<320000xi32, #tpu.memory_space<hbm>> -> memref<928xi32, #tpu.memory_space<hbm>>
      %dma_wait3A_51 = arith.constant 0 : i32
      %dma_wait3A_52 = tpu.memref_slice %arg9[%dma_wait3A_51] : memref<1008xi32, #tpu.memory_space<vmem>> -> memref<928xi32, #tpu.memory_space<vmem>>
      %dma_wait3A_53 = tpu.memref_slice %arg4[%multiple_of3A_15] : memref<320000xi32, #tpu.memory_space<hbm>> -> memref<928xi32, #tpu.memory_space<hbm>>
      tpu.wait_dma2 semaphore(%run_scoped3A : memref<!tpu.dma_semaphore, #tpu.memory_space<semaphore_mem>>) src(%dma_wait3A_53 : memref<928xi32, #tpu.memory_space<hbm>>) dst(%dma_wait3A_52 : memref<928xi32, #tpu.memory_space<vmem>>)
      tpu.yield
    }) : () -> ()
    "tpu.region"() ({
      %run_scoped3A = tpu.sem_alloc : memref<!tpu.dma_semaphore, #tpu.memory_space<semaphore_mem>>
      %dma_start3A_42 = arith.constant 0 : i32
      %dma_start3A_43 = tpu.memref_slice %arg10[%dma_start3A_42] : memref<1008xf32, #tpu.memory_space<vmem>> -> memref<928xf32, #tpu.memory_space<vmem>>
      %dma_start3A_44 = tpu.memref_slice %arg5[%multiple_of3A_15] : memref<320000xf32, #tpu.memory_space<hbm>> -> memref<928xf32, #tpu.memory_space<hbm>>
      %dma_start3A_45 = arith.constant 0 : i32
      %dma_start3A_46 = tpu.memref_slice %arg10[%dma_start3A_45] : memref<1008xf32, #tpu.memory_space<vmem>> -> memref<928xf32, #tpu.memory_space<vmem>>
      %dma_start3A_47 = tpu.memref_slice %arg5[%multiple_of3A_15] : memref<320000xf32, #tpu.memory_space<hbm>> -> memref<928xf32, #tpu.memory_space<hbm>>
      tpu.enqueue_dma source(%dma_start3A_47 : memref<928xf32, #tpu.memory_space<hbm>>) target(%dma_start3A_46 : memref<928xf32, #tpu.memory_space<vmem>>) target_semaphore(%run_scoped3A : memref<!tpu.dma_semaphore, #tpu.memory_space<semaphore_mem>>)
      %dma_wait3A_48 = arith.constant 0 : i32
      %dma_wait3A_49 = tpu.memref_slice %arg10[%dma_wait3A_48] : memref<1008xf32, #tpu.memory_space<vmem>> -> memref<928xf32, #tpu.memory_space<vmem>>
      %dma_wait3A_50 = tpu.memref_slice %arg5[%multiple_of3A_15] : memref<320000xf32, #tpu.memory_space<hbm>> -> memref<928xf32, #tpu.memory_space<hbm>>
      %dma_wait3A_51 = arith.constant 0 : i32
      %dma_wait3A_52 = tpu.memref_slice %arg10[%dma_wait3A_51] : memref<1008xf32, #tpu.memory_space<vmem>> -> memref<928xf32, #tpu.memory_space<vmem>>
      %dma_wait3A_53 = tpu.memref_slice %arg5[%multiple_of3A_15] : memref<320000xf32, #tpu.memory_space<hbm>> -> memref<928xf32, #tpu.memory_space<hbm>>
      tpu.wait_dma2 semaphore(%run_scoped3A : memref<!tpu.dma_semaphore, #tpu.memory_space<semaphore_mem>>) src(%dma_wait3A_53 : memref<928xf32, #tpu.memory_space<hbm>>) dst(%dma_wait3A_52 : memref<928xf32, #tpu.memory_space<vmem>>)
      tpu.yield
    }) : () -> ()
    %dma_start3A = arith.constant 0 : i32
    %dma_start3A_16 = arith.constant 0 : i32
    %dma_start3A_17 = tpu.memref_slice %arg11[%dma_start3A, %dma_start3A_16] : memref<1008x64xf32, #tpu.memory_space<vmem>> -> memref<928x64xf32, #tpu.memory_space<vmem>>
    %dma_start3A_18 = arith.constant 0 : i32
    %dma_start3A_19 = tpu.memref_slice %arg8[%dma_start3A_18] : memref<1008xi32, #tpu.memory_space<vmem>> -> memref<928xi32, #tpu.memory_space<vmem>>
    %dma_start3A_20 = arith.constant 0 : i32
    %dma_start3A_21 = arith.constant 0 : i32
    %dma_start3A_22 = tpu.memref_slice %arg2[%dma_start3A_20, %dma_start3A_21] : memref<10000x64xf32, #tpu.memory_space<hbm>> -> memref<10000x64xf32, #tpu.memory_space<hbm>>
    tpu.enqueue_indirect_dma source(%dma_start3A_22 : memref<10000x64xf32, #tpu.memory_space<hbm>>) target(%dma_start3A_17 : memref<928x64xf32, #tpu.memory_space<vmem>>) offsets(%dma_start3A_19 : memref<928xi32, #tpu.memory_space<vmem>>) semaphore(%arg13 : memref<!tpu.dma_semaphore, #tpu.memory_space<semaphore_mem>>)
    %dma_wait3A = arith.constant 0 : i32
    %dma_wait3A_23 = arith.constant 0 : i32
    %dma_wait3A_24 = tpu.memref_slice %arg11[%dma_wait3A, %dma_wait3A_23] : memref<1008x64xf32, #tpu.memory_space<vmem>> -> memref<928x64xf32, #tpu.memory_space<vmem>>
    %dma_wait3A_25 = arith.constant 0 : i32
    %dma_wait3A_26 = tpu.memref_slice %arg8[%dma_wait3A_25] : memref<1008xi32, #tpu.memory_space<vmem>> -> memref<928xi32, #tpu.memory_space<vmem>>
    %dma_wait3A_27 = arith.constant 0 : i32
    %dma_wait3A_28 = arith.constant 0 : i32
    %dma_wait3A_29 = tpu.memref_slice %arg2[%dma_wait3A_27, %dma_wait3A_28] : memref<10000x64xf32, #tpu.memory_space<hbm>> -> memref<10000x64xf32, #tpu.memory_space<hbm>>
    tpu.wait_indirect_dma semaphore(%arg13 : memref<!tpu.dma_semaphore, #tpu.memory_space<semaphore_mem>>) src(%dma_wait3A_29 : memref<10000x64xf32, #tpu.memory_space<hbm>>) dst(%dma_wait3A_24 : memref<928x64xf32, #tpu.memory_space<vmem>>)
    %scan3A_30 = arith.constant 0 : i32
    %scan3A_31 = arith.constant 0 : i32
    %scan3A_32 = arith.constant 58 : i32
    %scan3A_33 = arith.addi %scan3A_31, %scan3A_32 : i32
    %scan3A_34 = arith.constant 1 : i32
    scf.for %scan3A_42 = %scan3A_31 to %scan3A_33 step %scan3A_34  : i32 {
      %mul3A_43 = arith.constant 16 : i32
      %mul3A_44 = arith.muli %scan3A_42, %mul3A_43 : i32
      %multiple_of3A_45 = tpu.assume_multiple %mul3A_44, 16 : i32
      %get3A = arith.index_cast %multiple_of3A_45 : i32 to index
      %get3A_46 = tpu.vector_load %arg10[%get3A] {strides = array<i32>} : memref<1008xf32, #tpu.memory_space<vmem>>, vector<16xf32>,
      %get3A_47 = vector.shape_cast %get3A_46 : vector<16xf32> to vector<16xf32>
      %mul3A_48 = arith.constant 16 : i32
      %mul3A_49 = arith.muli %scan3A_42, %mul3A_48 : i32
      %add3A_50 = arith.constant 0 : i32
      %add3A_51 = arith.addi %mul3A_49, %add3A_50 : i32
      %slice3A = vector.extract_strided_slice %get3A_47 {offsets = [0], sizes = [1], strides = [1]} : vector<16xf32> to vector<1xf32>
      %squeeze3A = vector.extract %slice3A[0] : f32 from vector<1xf32>
      %broadcast_in_dim3A = vector.broadcast %squeeze3A : f32 to vector<16xf32>
      %get3A_52 = arith.index_cast %add3A_51 : i32 to index
      %get3A_53 = arith.constant 0 : index
      %get3A_54 = tpu.vector_load %arg11[%get3A_52, %get3A_53] {strides = array<i32>} : memref<1008x64xf32, #tpu.memory_space<vmem>>, vector<1x16xf32>,
      %get3A_55 = vector.shape_cast %get3A_54 : vector<1x16xf32> to vector<16xf32>
      %mul3A_56 = arith.mulf %get3A_55, %broadcast_in_dim3A : vector<16xf32>
      %swap3A = arith.index_cast %add3A_51 : i32 to index
      %swap3A_57 = arith.constant 0 : index
      %swap3A_58 = tpu.vector_load %arg11[%swap3A, %swap3A_57] {strides = array<i32>} : memref<1008x64xf32, #tpu.memory_space<vmem>>, vector<1x16xf32>,
      %swap3A_59 = vector.shape_cast %swap3A_58 : vector<1x16xf32> to vector<16xf32>
      %swap3A_60 = vector.shape_cast %mul3A_56 : vector<16xf32> to vector<1x16xf32>
      tpu.vector_store %arg11[%swap3A, %swap3A_57], %swap3A_60 {strides = array<i32>} : memref<1008x64xf32, #tpu.memory_space<vmem>>, vector<1x16xf32>,
      %get3A_61 = arith.index_cast %add3A_51 : i32 to index
      %get3A_62 = arith.constant 16 : index
      %get3A_63 = tpu.vector_load %arg11[%get3A_61, %get3A_62] {strides = array<i32>} : memref<1008x64xf32, #tpu.memory_space<vmem>>, vector<1x16xf32>,
      %get3A_64 = vector.shape_cast %get3A_63 : vector<1x16xf32> to vector<16xf32>
      %mul3A_65 = arith.mulf %get3A_64, %broadcast_in_dim3A : vector<16xf32>
      %swap3A_66 = arith.index_cast %add3A_51 : i32 to index
      %swap3A_67 = arith.constant 16 : index
      %swap3A_68 = tpu.vector_load %arg11[%swap3A_66, %swap3A_67] {strides = array<i32>} : memref<1008x64xf32, #tpu.memory_space<vmem>>, vector<1x16xf32>,
      %swap3A_69 = vector.shape_cast %swap3A_68 : vector<1x16xf32> to vector<16xf32>
      %swap3A_70 = vector.shape_cast %mul3A_65 : vector<16xf32> to vector<1x16xf32>
      tpu.vector_store %arg11[%swap3A_66, %swap3A_67], %swap3A_70 {strides = array<i32>} : memref<1008x64xf32, #tpu.memory_space<vmem>>, vector<1x16xf32>,
      %get3A_71 = arith.index_cast %add3A_51 : i32 to index
      %get3A_72 = arith.constant 32 : index
      %get3A_73 = tpu.vector_load %arg11[%get3A_71, %get3A_72] {strides = array<i32>} : memref<1008x64xf32, #tpu.memory_space<vmem>>, vector<1x16xf32>,
      %get3A_74 = vector.shape_cast %get3A_73 : vector<1x16xf32> to vector<16xf32>
      %mul3A_75 = arith.mulf %get3A_74, %broadcast_in_dim3A : vector<16xf32>
      %swap3A_76 = arith.index_cast %add3A_51 : i32 to index
      %swap3A_77 = arith.constant 32 : index
      %swap3A_78 = tpu.vector_load %arg11[%swap3A_76, %swap3A_77] {strides = array<i32>} : memref<1008x64xf32, #tpu.memory_space<vmem>>, vector<1x16xf32>,
      %swap3A_79 = vector.shape_cast %swap3A_78 : vector<1x16xf32> to vector<16xf32>
      %swap3A_80 = vector.shape_cast %mul3A_75 : vector<16xf32> to vector<1x16xf32>
      tpu.vector_store %arg11[%swap3A_76, %swap3A_77], %swap3A_80 {strides = array<i32>} : memref<1008x64xf32, #tpu.memory_space<vmem>>, vector<1x16xf32>,
      %get3A_81 = arith.index_cast %add3A_51 : i32 to index
      %get3A_82 = arith.constant 48 : index
      %get3A_83 = tpu.vector_load %arg11[%get3A_81, %get3A_82] {strides = array<i32>} : memref<1008x64xf32, #tpu.memory_space<vmem>>, vector<1x16xf32>,
      %get3A_84 = vector.shape_cast %get3A_83 : vector<1x16xf32> to vector<16xf32>
      %mul3A_85 = arith.mulf %get3A_84, %broadcast_in_dim3A : vector<16xf32>
      %swap3A_86 = arith.index_cast %add3A_51 : i32 to index
      %swap3A_87 = arith.constant 48 : index
      %swap3A_88 = tpu.vector_load %arg11[%swap3A_86, %swap3A_87] {strides = array<i32>} : memref<1008x64xf32, #tpu.memory_space<vmem>>, vector<1x16xf32>,
      %swap3A_89 = vector.shape_cast %swap3A_88 : vector<1x16xf32> to vector<16xf32>
      %swap3A_90 = vector.shape_cast %mul3A_85 : vector<16xf32> to vector<1x16xf32>
      tpu.vector_store %arg11[%swap3A_86, %swap3A_87], %swap3A_90 {strides = array<i32>} : memref<1008x64xf32, #tpu.memory_space<vmem>>, vector<1x16xf32>,
      %mul3A_91 = arith.constant 16 : i32
      %mul3A_92 = arith.muli %scan3A_42, %mul3A_91 : i32
      %add3A_93 = arith.constant 1 : i32
      %add3A_94 = arith.addi %mul3A_92, %add3A_93 : i32
      %slice3A_95 = vector.extract_strided_slice %get3A_47 {offsets = [1], sizes = [1], strides = [1]} : vector<16xf32> to vector<1xf32>
      %squeeze3A_96 = vector.extract %slice3A_95[0] : f32 from vector<1xf32>
      %broadcast_in_dim3A_97 = vector.broadcast %squeeze3A_96 : f32 to vector<16xf32>
      %get3A_98 = arith.index_cast %add3A_94 : i32 to index
      %get3A_99 = arith.constant 0 : index
      %get3A_100 = tpu.vector_load %arg11[%get3A_98, %get3A_99] {strides = array<i32>} : memref<1008x64xf32, #tpu.memory_space<vmem>>, vector<1x16xf32>,
      %get3A_101 = vector.shape_cast %get3A_100 : vector<1x16xf32> to vector<16xf32>
      %mul3A_102 = arith.mulf %get3A_101, %broadcast_in_dim3A_97 : vector<16xf32>
      %swap3A_103 = arith.index_cast %add3A_94 : i32 to index
      %swap3A_104 = arith.constant 0 : index
      %swap3A_105 = tpu.vector_load %arg11[%swap3A_103, %swap3A_104] {strides = array<i32>} : memref<1008x64xf32, #tpu.memory_space<vmem>>, vector<1x16xf32>,
      %swap3A_106 = vector.shape_cast %swap3A_105 : vector<1x16xf32> to vector<16xf32>
      %swap3A_107 = vector.shape_cast %mul3A_102 : vector<16xf32> to vector<1x16xf32>
      tpu.vector_store %arg11[%swap3A_103, %swap3A_104], %swap3A_107 {strides = array<i32>} : memref<1008x64xf32, #tpu.memory_space<vmem>>, vector<1x16xf32>,
      %get3A_108 = arith.index_cast %add3A_94 : i32 to index
      %get3A_109 = arith.constant 16 : index
      %get3A_110 = tpu.vector_load %arg11[%get3A_108, %get3A_109] {strides = array<i32>} : memref<1008x64xf32, #tpu.memory_space<vmem>>, vector<1x16xf32>,
      %get3A_111 = vector.shape_cast %get3A_110 : vector<1x16xf32> to vector<16xf32>
      %mul3A_112 = arith.mulf %get3A_111, %broadcast_in_dim3A_97 : vector<16xf32>
      %swap3A_113 = arith.index_cast %add3A_94 : i32 to index
      %swap3A_114 = arith.constant 16 : index
      %swap3A_115 = tpu.vector_load %arg11[%swap3A_113, %swap3A_114] {strides = array<i32>} : memref<1008x64xf32, #tpu.memory_space<vmem>>, vector<1x16xf32>,
      %swap3A_116 = vector.shape_cast %swap3A_115 : vector<1x16xf32> to vector<16xf32>
      %swap3A_117 = vector.shape_cast %mul3A_112 : vector<16xf32> to vector<1x16xf32>
      tpu.vector_store %arg11[%swap3A_113, %swap3A_114], %swap3A_117 {strides = array<i32>} : memref<1008x64xf32, #tpu.memory_space<vmem>>, vector<1x16xf32>,
      %get3A_118 = arith.index_cast %add3A_94 : i32 to index
      %get3A_119 = arith.constant 32 : index
      %get3A_120 = tpu.vector_load %arg11[%get3A_118, %get3A_119] {strides = array<i32>} : memref<1008x64xf32, #tpu.memory_space<vmem>>, vector<1x16xf32>,
      %get3A_121 = vector.shape_cast %get3A_120 : vector<1x16xf32> to vector<16xf32>
      %mul3A_122 = arith.mulf %get3A_121, %broadcast_in_dim3A_97 : vector<16xf32>
      %swap3A_123 = arith.index_cast %add3A_94 : i32 to index
      %swap3A_124 = arith.constant 32 : index
      %swap3A_125 = tpu.vector_load %arg11[%swap3A_123, %swap3A_124] {strides = array<i32>} : memref<1008x64xf32, #tpu.memory_space<vmem>>, vector<1x16xf32>,
      %swap3A_126 = vector.shape_cast %swap3A_125 : vector<1x16xf32> to vector<16xf32>
      %swap3A_127 = vector.shape_cast %mul3A_122 : vector<16xf32> to vector<1x16xf32>
      tpu.vector_store %arg11[%swap3A_123, %swap3A_124], %swap3A_127 {strides = array<i32>} : memref<1008x64xf32, #tpu.memory_space<vmem>>, vector<1x16xf32>,
      %get3A_128 = arith.index_cast %add3A_94 : i32 to index
      %get3A_129 = arith.constant 48 : index
      %get3A_130 = tpu.vector_load %arg11[%get3A_128, %get3A_129] {strides = array<i32>} : memref<1008x64xf32, #tpu.memory_space<vmem>>, vector<1x16xf32>,
      %get3A_131 = vector.shape_cast %get3A_130 : vector<1x16xf32> to vector<16xf32>
      %mul3A_132 = arith.mulf %get3A_131, %broadcast_in_dim3A_97 : vector<16xf32>
      %swap3A_133 = arith.index_cast %add3A_94 : i32 to index
      %swap3A_134 = arith.constant 48 : index
      %swap3A_135 = tpu.vector_load %arg11[%swap3A_133, %swap3A_134] {strides = array<i32>} : memref<1008x64xf32, #tpu.memory_space<vmem>>, vector<1x16xf32>,
      %swap3A_136 = vector.shape_cast %swap3A_135 : vector<1x16xf32> to vector<16xf32>
      %swap3A_137 = vector.shape_cast %mul3A_132 : vector<16xf32> to vector<1x16xf32>
      tpu.vector_store %arg11[%swap3A_133, %swap3A_134], %swap3A_137 {strides = array<i32>} : memref<1008x64xf32, #tpu.memory_space<vmem>>, vector<1x16xf32>,
      %mul3A_138 = arith.constant 16 : i32
      %mul3A_139 = arith.muli %scan3A_42, %mul3A_138 : i32
      %add3A_140 = arith.constant 2 : i32
      %add3A_141 = arith.addi %mul3A_139, %add3A_140 : i32
      %slice3A_142 = vector.extract_strided_slice %get3A_47 {offsets = [2], sizes = [1], strides = [1]} : vector<16xf32> to vector<1xf32>
      %squeeze3A_143 = vector.extract %slice3A_142[0] : f32 from vector<1xf32>
      %broadcast_in_dim3A_144 = vector.broadcast %squeeze3A_143 : f32 to vector<16xf32>
      %get3A_145 = arith.index_cast %add3A_141 : i32 to index
      %get3A_146 = arith.constant 0 : index
      %get3A_147 = tpu.vector_load %arg11[%get3A_145, %get3A_146] {strides = array<i32>} : memref<1008x64xf32, #tpu.memory_space<vmem>>, vector<1x16xf32>,
      %get3A_148 = vector.shape_cast %get3A_147 : vector<1x16xf32> to vector<16xf32>
      %mul3A_149 = arith.mulf %get3A_148, %broadcast_in_dim3A_144 : vector<16xf32>
      %swap3A_150 = arith.index_cast %add3A_141 : i32 to index
      %swap3A_151 = arith.constant 0 : index
      %swap3A_152 = tpu.vector_load %arg11[%swap3A_150, %swap3A_151] {strides = array<i32>} : memref<1008x64xf32, #tpu.memory_space<vmem>>, vector<1x16xf32>,
      %swap3A_153 = vector.shape_cast %swap3A_152 : vector<1x16xf32> to vector<16xf32>
      %swap3A_154 = vector.shape_cast %mul3A_149 : vector<16xf32> to vector<1x16xf32>
      tpu.vector_store %arg11[%swap3A_150, %swap3A_151], %swap3A_154 {strides = array<i32>} : memref<1008x64xf32, #tpu.memory_space<vmem>>, vector<1x16xf32>,
      %get3A_155 = arith.index_cast %add3A_141 : i32 to index
      %get3A_156 = arith.constant 16 : index
      %get3A_157 = tpu.vector_load %arg11[%get3A_155, %get3A_156] {strides = array<i32>} : memref<1008x64xf32, #tpu.memory_space<vmem>>, vector<1x16xf32>,
      %get3A_158 = vector.shape_cast %get3A_157 : vector<1x16xf32> to vector<16xf32>
      %mul3A_159 = arith.mulf %get3A_158, %broadcast_in_dim3A_144 : vector<16xf32>
      %swap3A_160 = arith.index_cast %add3A_141 : i32 to index
      %swap3A_161 = arith.constant 16 : index
      %swap3A_162 = tpu.vector_load %arg11[%swap3A_160, %swap3A_161] {strides = array<i32>} : memref<1008x64xf32, #tpu.memory_space<vmem>>, vector<1x16xf32>,
      %swap3A_163 = vector.shape_cast %swap3A_162 : vector<1x16xf32> to vector<16xf32>
      %swap3A_164 = vector.shape_cast %mul3A_159 : vector<16xf32> to vector<1x16xf32>
      tpu.vector_store %arg11[%swap3A_160, %swap3A_161], %swap3A_164 {strides = array<i32>} : memref<1008x64xf32, #tpu.memory_space<vmem>>, vector<1x16xf32>,
      %get3A_165 = arith.index_cast %add3A_141 : i32 to index
      %get3A_166 = arith.constant 32 : index
      %get3A_167 = tpu.vector_load %arg11[%get3A_165, %get3A_166] {strides = array<i32>} : memref<1008x64xf32, #tpu.memory_space<vmem>>, vector<1x16xf32>,
      %get3A_168 = vector.shape_cast %get3A_167 : vector<1x16xf32> to vector<16xf32>
      %mul3A_169 = arith.mulf %get3A_168, %broadcast_in_dim3A_144 : vector<16xf32>
      %swap3A_170 = arith.index_cast %add3A_141 : i32 to index
      %swap3A_171 = arith.constant 32 : index
      %swap3A_172 = tpu.vector_load %arg11[%swap3A_170, %swap3A_171] {strides = array<i32>} : memref<1008x64xf32, #tpu.memory_space<vmem>>, vector<1x16xf32>,
      %swap3A_173 = vector.shape_cast %swap3A_172 : vector<1x16xf32> to vector<16xf32>
      %swap3A_174 = vector.shape_cast %mul3A_169 : vector<16xf32> to vector<1x16xf32>
      tpu.vector_store %arg11[%swap3A_170, %swap3A_171], %swap3A_174 {strides = array<i32>} : memref<1008x64xf32, #tpu.memory_space<vmem>>, vector<1x16xf32>,
      %get3A_175 = arith.index_cast %add3A_141 : i32 to index
      %get3A_176 = arith.constant 48 : index
      %get3A_177 = tpu.vector_load %arg11[%get3A_175, %get3A_176] {strides = array<i32>} : memref<1008x64xf32, #tpu.memory_space<vmem>>, vector<1x16xf32>,
      %get3A_178 = vector.shape_cast %get3A_177 : vector<1x16xf32> to vector<16xf32>
      %mul3A_179 = arith.mulf %get3A_178, %broadcast_in_dim3A_144 : vector<16xf32>
      %swap3A_180 = arith.index_cast %add3A_141 : i32 to index
      %swap3A_181 = arith.constant 48 : index
      %swap3A_182 = tpu.vector_load %arg11[%swap3A_180, %swap3A_181] {strides = array<i32>} : memref<1008x64xf32, #tpu.memory_space<vmem>>, vector<1x16xf32>,
      %swap3A_183 = vector.shape_cast %swap3A_182 : vector<1x16xf32> to vector<16xf32>
      %swap3A_184 = vector.shape_cast %mul3A_179 : vector<16xf32> to vector<1x16xf32>
      tpu.vector_store %arg11[%swap3A_180, %swap3A_181], %swap3A_184 {strides = array<i32>} : memref<1008x64xf32, #tpu.memory_space<vmem>>, vector<1x16xf32>,
      %mul3A_185 = arith.constant 16 : i32
      %mul3A_186 = arith.muli %scan3A_42, %mul3A_185 : i32
      %add3A_187 = arith.constant 3 : i32
      %add3A_188 = arith.addi %mul3A_186, %add3A_187 : i32
      %slice3A_189 = vector.extract_strided_slice %get3A_47 {offsets = [3], sizes = [1], strides = [1]} : vector<16xf32> to vector<1xf32>
      %squeeze3A_190 = vector.extract %slice3A_189[0] : f32 from vector<1xf32>
      %broadcast_in_dim3A_191 = vector.broadcast %squeeze3A_190 : f32 to vector<16xf32>
      %get3A_192 = arith.index_cast %add3A_188 : i32 to index
      %get3A_193 = arith.constant 0 : index
      %get3A_194 = tpu.vector_load %arg11[%get3A_192, %get3A_193] {strides = array<i32>} : memref<1008x64xf32, #tpu.memory_space<vmem>>, vector<1x16xf32>,
      %get3A_195 = vector.shape_cast %get3A_194 : vector<1x16xf32> to vector<16xf32>
      %mul3A_196 = arith.mulf %get3A_195, %broadcast_in_dim3A_191 : vector<16xf32>
      %swap3A_197 = arith.index_cast %add3A_188 : i32 to index
      %swap3A_198 = arith.constant 0 : index
      %swap3A_199 = tpu.vector_load %arg11[%swap3A_197, %swap3A_198] {strides = array<i32>} : memref<1008x64xf32, #tpu.memory_space<vmem>>, vector<1x16xf32>,
      %swap3A_200 = vector.shape_cast %swap3A_199 : vector<1x16xf32> to vector<16xf32>
      %swap3A_201 = vector.shape_cast %mul3A_196 : vector<16xf32> to vector<1x16xf32>
      tpu.vector_store %arg11[%swap3A_197, %swap3A_198], %swap3A_201 {strides = array<i32>} : memref<1008x64xf32, #tpu.memory_space<vmem>>, vector<1x16xf32>,
      %get3A_202 = arith.index_cast %add3A_188 : i32 to index
      %get3A_203 = arith.constant 16 : index
      %get3A_204 = tpu.vector_load %arg11[%get3A_202, %get3A_203] {strides = array<i32>} : memref<1008x64xf32, #tpu.memory_space<vmem>>, vector<1x16xf32>,
      %get3A_205 = vector.shape_cast %get3A_204 : vector<1x16xf32> to vector<16xf32>
      %mul3A_206 = arith.mulf %get3A_205, %broadcast_in_dim3A_191 : vector<16xf32>
      %swap3A_207 = arith.index_cast %add3A_188 : i32 to index
      %swap3A_208 = arith.constant 16 : index
      %swap3A_209 = tpu.vector_load %arg11[%swap3A_207, %swap3A_208] {strides = array<i32>} : memref<1008x64xf32, #tpu.memory_space<vmem>>, vector<1x16xf32>,
      %swap3A_210 = vector.shape_cast %swap3A_209 : vector<1x16xf32> to vector<16xf32>
      %swap3A_211 = vector.shape_cast %mul3A_206 : vector<16xf32> to vector<1x16xf32>
      tpu.vector_store %arg11[%swap3A_207, %swap3A_208], %swap3A_211 {strides = array<i32>} : memref<1008x64xf32, #tpu.memory_space<vmem>>, vector<1x16xf32>,
      %get3A_212 = arith.index_cast %add3A_188 : i32 to index
      %get3A_213 = arith.constant 32 : index
      %get3A_214 = tpu.vector_load %arg11[%get3A_212, %get3A_213] {strides = array<i32>} : memref<1008x64xf32, #tpu.memory_space<vmem>>, vector<1x16xf32>,
      %get3A_215 = vector.shape_cast %get3A_214 : vector<1x16xf32> to vector<16xf32>
      %mul3A_216 = arith.mulf %get3A_215, %broadcast_in_dim3A_191 : vector<16xf32>
      %swap3A_217 = arith.index_cast %add3A_188 : i32 to index
      %swap3A_218 = arith.constant 32 : index
      %swap3A_219 = tpu.vector_load %arg11[%swap3A_217, %swap3A_218] {strides = array<i32>} : memref<1008x64xf32, #tpu.memory_space<vmem>>, vector<1x16xf32>,
      %swap3A_220 = vector.shape_cast %swap3A_219 : vector<1x16xf32> to vector<16xf32>
      %swap3A_221 = vector.shape_cast %mul3A_216 : vector<16xf32> to vector<1x16xf32>
      tpu.vector_store %arg11[%swap3A_217, %swap3A_218], %swap3A_221 {strides = array<i32>} : memref<1008x64xf32, #tpu.memory_space<vmem>>, vector<1x16xf32>,
      %get3A_222 = arith.index_cast %add3A_188 : i32 to index
      %get3A_223 = arith.constant 48 : index
      %get3A_224 = tpu.vector_load %arg11[%get3A_222, %get3A_223] {strides = array<i32>} : memref<1008x64xf32, #tpu.memory_space<vmem>>, vector<1x16xf32>,
      %get3A_225 = vector.shape_cast %get3A_224 : vector<1x16xf32> to vector<16xf32>
      %mul3A_226 = arith.mulf %get3A_225, %broadcast_in_dim3A_191 : vector<16xf32>
      %swap3A_227 = arith.index_cast %add3A_188 : i32 to index
      %swap3A_228 = arith.constant 48 : index
      %swap3A_229 = tpu.vector_load %arg11[%swap3A_227, %swap3A_228] {strides = array<i32>} : memref<1008x64xf32, #tpu.memory_space<vmem>>, vector<1x16xf32>,
      %swap3A_230 = vector.shape_cast %swap3A_229 : vector<1x16xf32> to vector<16xf32>
      %swap3A_231 = vector.shape_cast %mul3A_226 : vector<16xf32> to vector<1x16xf32>
      tpu.vector_store %arg11[%swap3A_227, %swap3A_228], %swap3A_231 {strides = array<i32>} : memref<1008x64xf32, #tpu.memory_space<vmem>>, vector<1x16xf32>,
      %mul3A_232 = arith.constant 16 : i32
      %mul3A_233 = arith.muli %scan3A_42, %mul3A_232 : i32
      %add3A_234 = arith.constant 4 : i32
      %add3A_235 = arith.addi %mul3A_233, %add3A_234 : i32
      %slice3A_236 = vector.extract_strided_slice %get3A_47 {offsets = [4], sizes = [1], strides = [1]} : vector<16xf32> to vector<1xf32>
      %squeeze3A_237 = vector.extract %slice3A_236[0] : f32 from vector<1xf32>
      %broadcast_in_dim3A_238 = vector.broadcast %squeeze3A_237 : f32 to vector<16xf32>
      %get3A_239 = arith.index_cast %add3A_235 : i32 to index
      %get3A_240 = arith.constant 0 : index
      %get3A_241 = tpu.vector_load %arg11[%get3A_239, %get3A_240] {strides = array<i32>} : memref<1008x64xf32, #tpu.memory_space<vmem>>, vector<1x16xf32>,
      %get3A_242 = vector.shape_cast %get3A_241 : vector<1x16xf32> to vector<16xf32>
      %mul3A_243 = arith.mulf %get3A_242, %broadcast_in_dim3A_238 : vector<16xf32>
      %swap3A_244 = arith.index_cast %add3A_235 : i32 to index
      %swap3A_245 = arith.constant 0 : index
      %swap3A_246 = tpu.vector_load %arg11[%swap3A_244, %swap3A_245] {strides = array<i32>} : memref<1008x64xf32, #tpu.memory_space<vmem>>, vector<1x16xf32>,
      %swap3A_247 = vector.shape_cast %swap3A_246 : vector<1x16xf32> to vector<16xf32>
      %swap3A_248 = vector.shape_cast %mul3A_243 : vector<16xf32> to vector<1x16xf32>
      tpu.vector_store %arg11[%swap3A_244, %swap3A_245], %swap3A_248 {strides = array<i32>} : memref<1008x64xf32, #tpu.memory_space<vmem>>, vector<1x16xf32>,
      %get3A_249 = arith.index_cast %add3A_235 : i32 to index
      %get3A_250 = arith.constant 16 : index
      %get3A_251 = tpu.vector_load %arg11[%get3A_249, %get3A_250] {strides = array<i32>} : memref<1008x64xf32, #tpu.memory_space<vmem>>, vector<1x16xf32>,
      %get3A_252 = vector.shape_cast %get3A_251 : vector<1x16xf32> to vector<16xf32>
      %mul3A_253 = arith.mulf %get3A_252, %broadcast_in_dim3A_238 : vector<16xf32>
      %swap3A_254 = arith.index_cast %add3A_235 : i32 to index
      %swap3A_255 = arith.constant 16 : index
      %swap3A_256 = tpu.vector_load %arg11[%swap3A_254, %swap3A_255] {strides = array<i32>} : memref<1008x64xf32, #tpu.memory_space<vmem>>, vector<1x16xf32>,
      %swap3A_257 = vector.shape_cast %swap3A_256 : vector<1x16xf32> to vector<16xf32>
      %swap3A_258 = vector.shape_cast %mul3A_253 : vector<16xf32> to vector<1x16xf32>
      tpu.vector_store %arg11[%swap3A_254, %swap3A_255], %swap3A_258 {strides = array<i32>} : memref<1008x64xf32, #tpu.memory_space<vmem>>, vector<1x16xf32>,
      %get3A_259 = arith.index_cast %add3A_235 : i32 to index
      %get3A_260 = arith.constant 32 : index
      %get3A_261 = tpu.vector_load %arg11[%get3A_259, %get3A_260] {strides = array<i32>} : memref<1008x64xf32, #tpu.memory_space<vmem>>, vector<1x16xf32>,
      %get3A_262 = vector.shape_cast %get3A_261 : vector<1x16xf32> to vector<16xf32>
      %mul3A_263 = arith.mulf %get3A_262, %broadcast_in_dim3A_238 : vector<16xf32>
      %swap3A_264 = arith.index_cast %add3A_235 : i32 to index
      %swap3A_265 = arith.constant 32 : index
      %swap3A_266 = tpu.vector_load %arg11[%swap3A_264, %swap3A_265] {strides = array<i32>} : memref<1008x64xf32, #tpu.memory_space<vmem>>, vector<1x16xf32>,
      %swap3A_267 = vector.shape_cast %swap3A_266 : vector<1x16xf32> to vector<16xf32>
      %swap3A_268 = vector.shape_cast %mul3A_263 : vector<16xf32> to vector<1x16xf32>
      tpu.vector_store %arg11[%swap3A_264, %swap3A_265], %swap3A_268 {strides = array<i32>} : memref<1008x64xf32, #tpu.memory_space<vmem>>, vector<1x16xf32>,
      %get3A_269 = arith.index_cast %add3A_235 : i32 to index
      %get3A_270 = arith.constant 48 : index
      %get3A_271 = tpu.vector_load %arg11[%get3A_269, %get3A_270] {strides = array<i32>} : memref<1008x64xf32, #tpu.memory_space<vmem>>, vector<1x16xf32>,
      %get3A_272 = vector.shape_cast %get3A_271 : vector<1x16xf32> to vector<16xf32>
      %mul3A_273 = arith.mulf %get3A_272, %broadcast_in_dim3A_238 : vector<16xf32>
      %swap3A_274 = arith.index_cast %add3A_235 : i32 to index
      %swap3A_275 = arith.constant 48 : index
      %swap3A_276 = tpu.vector_load %arg11[%swap3A_274, %swap3A_275] {strides = array<i32>} : memref<1008x64xf32, #tpu.memory_space<vmem>>, vector<1x16xf32>,
      %swap3A_277 = vector.shape_cast %swap3A_276 : vector<1x16xf32> to vector<16xf32>
      %swap3A_278 = vector.shape_cast %mul3A_273 : vector<16xf32> to vector<1x16xf32>
      tpu.vector_store %arg11[%swap3A_274, %swap3A_275], %swap3A_278 {strides = array<i32>} : memref<1008x64xf32, #tpu.memory_space<vmem>>, vector<1x16xf32>,
      %mul3A_279 = arith.constant 16 : i32
      %mul3A_280 = arith.muli %scan3A_42, %mul3A_279 : i32
      %add3A_281 = arith.constant 5 : i32
      %add3A_282 = arith.addi %mul3A_280, %add3A_281 : i32
      %slice3A_283 = vector.extract_strided_slice %get3A_47 {offsets = [5], sizes = [1], strides = [1]} : vector<16xf32> to vector<1xf32>
      %squeeze3A_284 = vector.extract %slice3A_283[0] : f32 from vector<1xf32>
      %broadcast_in_dim3A_285 = vector.broadcast %squeeze3A_284 : f32 to vector<16xf32>
      %get3A_286 = arith.index_cast %add3A_282 : i32 to index
      %get3A_287 = arith.constant 0 : index
      %get3A_288 = tpu.vector_load %arg11[%get3A_286, %get3A_287] {strides = array<i32>} : memref<1008x64xf32, #tpu.memory_space<vmem>>, vector<1x16xf32>,
      %get3A_289 = vector.shape_cast %get3A_288 : vector<1x16xf32> to vector<16xf32>
      %mul3A_290 = arith.mulf %get3A_289, %broadcast_in_dim3A_285 : vector<16xf32>
      %swap3A_291 = arith.index_cast %add3A_282 : i32 to index
      %swap3A_292 = arith.constant 0 : index
      %swap3A_293 = tpu.vector_load %arg11[%swap3A_291, %swap3A_292] {strides = array<i32>} : memref<1008x64xf32, #tpu.memory_space<vmem>>, vector<1x16xf32>,
      %swap3A_294 = vector.shape_cast %swap3A_293 : vector<1x16xf32> to vector<16xf32>
      %swap3A_295 = vector.shape_cast %mul3A_290 : vector<16xf32> to vector<1x16xf32>
      tpu.vector_store %arg11[%swap3A_291, %swap3A_292], %swap3A_295 {strides = array<i32>} : memref<1008x64xf32, #tpu.memory_space<vmem>>, vector<1x16xf32>,
      %get3A_296 = arith.index_cast %add3A_282 : i32 to index
      %get3A_297 = arith.constant 16 : index
      %get3A_298 = tpu.vector_load %arg11[%get3A_296, %get3A_297] {strides = array<i32>} : memref<1008x64xf32, #tpu.memory_space<vmem>>, vector<1x16xf32>,
      %get3A_299 = vector.shape_cast %get3A_298 : vector<1x16xf32> to vector<16xf32>
      %mul3A_300 = arith.mulf %get3A_299, %broadcast_in_dim3A_285 : vector<16xf32>
      %swap3A_301 = arith.index_cast %add3A_282 : i32 to index
      %swap3A_302 = arith.constant 16 : index
      %swap3A_303 = tpu.vector_load %arg11[%swap3A_301, %swap3A_302] {strides = array<i32>} : memref<1008x64xf32, #tpu.memory_space<vmem>>, vector<1x16xf32>,
      %swap3A_304 = vector.shape_cast %swap3A_303 : vector<1x16xf32> to vector<16xf32>
      %swap3A_305 = vector.shape_cast %mul3A_300 : vector<16xf32> to vector<1x16xf32>
      tpu.vector_store %arg11[%swap3A_301, %swap3A_302], %swap3A_305 {strides = array<i32>} : memref<1008x64xf32, #tpu.memory_space<vmem>>, vector<1x16xf32>,
      %get3A_306 = arith.index_cast %add3A_282 : i32 to index
      %get3A_307 = arith.constant 32 : index
      %get3A_308 = tpu.vector_load %arg11[%get3A_306, %get3A_307] {strides = array<i32>} : memref<1008x64xf32, #tpu.memory_space<vmem>>, vector<1x16xf32>,
      %get3A_309 = vector.shape_cast %get3A_308 : vector<1x16xf32> to vector<16xf32>
      %mul3A_310 = arith.mulf %get3A_309, %broadcast_in_dim3A_285 : vector<16xf32>
      %swap3A_311 = arith.index_cast %add3A_282 : i32 to index
      %swap3A_312 = arith.constant 32 : index
      %swap3A_313 = tpu.vector_load %arg11[%swap3A_311, %swap3A_312] {strides = array<i32>} : memref<1008x64xf32, #tpu.memory_space<vmem>>, vector<1x16xf32>,
      %swap3A_314 = vector.shape_cast %swap3A_313 : vector<1x16xf32> to vector<16xf32>
      %swap3A_315 = vector.shape_cast %mul3A_310 : vector<16xf32> to vector<1x16xf32>
      tpu.vector_store %arg11[%swap3A_311, %swap3A_312], %swap3A_315 {strides = array<i32>} : memref<1008x64xf32, #tpu.memory_space<vmem>>, vector<1x16xf32>,
      %get3A_316 = arith.index_cast %add3A_282 : i32 to index
      %get3A_317 = arith.constant 48 : index
      %get3A_318 = tpu.vector_load %arg11[%get3A_316, %get3A_317] {strides = array<i32>} : memref<1008x64xf32, #tpu.memory_space<vmem>>, vector<1x16xf32>,
      %get3A_319 = vector.shape_cast %get3A_318 : vector<1x16xf32> to vector<16xf32>
      %mul3A_320 = arith.mulf %get3A_319, %broadcast_in_dim3A_285 : vector<16xf32>
      %swap3A_321 = arith.index_cast %add3A_282 : i32 to index
      %swap3A_322 = arith.constant 48 : index
      %swap3A_323 = tpu.vector_load %arg11[%swap3A_321, %swap3A_322] {strides = array<i32>} : memref<1008x64xf32, #tpu.memory_space<vmem>>, vector<1x16xf32>,
      %swap3A_324 = vector.shape_cast %swap3A_323 : vector<1x16xf32> to vector<16xf32>
      %swap3A_325 = vector.shape_cast %mul3A_320 : vector<16xf32> to vector<1x16xf32>
      tpu.vector_store %arg11[%swap3A_321, %swap3A_322], %swap3A_325 {strides = array<i32>} : memref<1008x64xf32, #tpu.memory_space<vmem>>, vector<1x16xf32>,
      %mul3A_326 = arith.constant 16 : i32
      %mul3A_327 = arith.muli %scan3A_42, %mul3A_326 : i32
      %add3A_328 = arith.constant 6 : i32
      %add3A_329 = arith.addi %mul3A_327, %add3A_328 : i32
      %slice3A_330 = vector.extract_strided_slice %get3A_47 {offsets = [6], sizes = [1], strides = [1]} : vector<16xf32> to vector<1xf32>
      %squeeze3A_331 = vector.extract %slice3A_330[0] : f32 from vector<1xf32>
      %broadcast_in_dim3A_332 = vector.broadcast %squeeze3A_331 : f32 to vector<16xf32>
      %get3A_333 = arith.index_cast %add3A_329 : i32 to index
      %get3A_334 = arith.constant 0 : index
      %get3A_335 = tpu.vector_load %arg11[%get3A_333, %get3A_334] {strides = array<i32>} : memref<1008x64xf32, #tpu.memory_space<vmem>>, vector<1x16xf32>,
      %get3A_336 = vector.shape_cast %get3A_335 : vector<1x16xf32> to vector<16xf32>
      %mul3A_337 = arith.mulf %get3A_336, %broadcast_in_dim3A_332 : vector<16xf32>
      %swap3A_338 = arith.index_cast %add3A_329 : i32 to index
      %swap3A_339 = arith.constant 0 : index
      %swap3A_340 = tpu.vector_load %arg11[%swap3A_338, %swap3A_339] {strides = array<i32>} : memref<1008x64xf32, #tpu.memory_space<vmem>>, vector<1x16xf32>,
      %swap3A_341 = vector.shape_cast %swap3A_340 : vector<1x16xf32> to vector<16xf32>
      %swap3A_342 = vector.shape_cast %mul3A_337 : vector<16xf32> to vector<1x16xf32>
      tpu.vector_store %arg11[%swap3A_338, %swap3A_339], %swap3A_342 {strides = array<i32>} : memref<1008x64xf32, #tpu.memory_space<vmem>>, vector<1x16xf32>,
      %get3A_343 = arith.index_cast %add3A_329 : i32 to index
      %get3A_344 = arith.constant 16 : index
      %get3A_345 = tpu.vector_load %arg11[%get3A_343, %get3A_344] {strides = array<i32>} : memref<1008x64xf32, #tpu.memory_space<vmem>>, vector<1x16xf32>,
      %get3A_346 = vector.shape_cast %get3A_345 : vector<1x16xf32> to vector<16xf32>
      %mul3A_347 = arith.mulf %get3A_346, %broadcast_in_dim3A_332 : vector<16xf32>
      %swap3A_348 = arith.index_cast %add3A_329 : i32 to index
      %swap3A_349 = arith.constant 16 : index
      %swap3A_350 = tpu.vector_load %arg11[%swap3A_348, %swap3A_349] {strides = array<i32>} : memref<1008x64xf32, #tpu.memory_space<vmem>>, vector<1x16xf32>,
      %swap3A_351 = vector.shape_cast %swap3A_350 : vector<1x16xf32> to vector<16xf32>
      %swap3A_352 = vector.shape_cast %mul3A_347 : vector<16xf32> to vector<1x16xf32>
      tpu.vector_store %arg11[%swap3A_348, %swap3A_349], %swap3A_352 {strides = array<i32>} : memref<1008x64xf32, #tpu.memory_space<vmem>>, vector<1x16xf32>,
      %get3A_353 = arith.index_cast %add3A_329 : i32 to index
      %get3A_354 = arith.constant 32 : index
      %get3A_355 = tpu.vector_load %arg11[%get3A_353, %get3A_354] {strides = array<i32>} : memref<1008x64xf32, #tpu.memory_space<vmem>>, vector<1x16xf32>,
      %get3A_356 = vector.shape_cast %get3A_355 : vector<1x16xf32> to vector<16xf32>
      %mul3A_357 = arith.mulf %get3A_356, %broadcast_in_dim3A_332 : vector<16xf32>
      %swap3A_358 = arith.index_cast %add3A_329 : i32 to index
      %swap3A_359 = arith.constant 32 : index
      %swap3A_360 = tpu.vector_load %arg11[%swap3A_358, %swap3A_359] {strides = array<i32>} : memref<1008x64xf32, #tpu.memory_space<vmem>>, vector<1x16xf32>,
      %swap3A_361 = vector.shape_cast %swap3A_360 : vector<1x16xf32> to vector<16xf32>
      %swap3A_362 = vector.shape_cast %mul3A_357 : vector<16xf32> to vector<1x16xf32>
      tpu.vector_store %arg11[%swap3A_358, %swap3A_359], %swap3A_362 {strides = array<i32>} : memref<1008x64xf32, #tpu.memory_space<vmem>>, vector<1x16xf32>,
      %get3A_363 = arith.index_cast %add3A_329 : i32 to index
      %get3A_364 = arith.constant 48 : index
      %get3A_365 = tpu.vector_load %arg11[%get3A_363, %get3A_364] {strides = array<i32>} : memref<1008x64xf32, #tpu.memory_space<vmem>>, vector<1x16xf32>,
      %get3A_366 = vector.shape_cast %get3A_365 : vector<1x16xf32> to vector<16xf32>
      %mul3A_367 = arith.mulf %get3A_366, %broadcast_in_dim3A_332 : vector<16xf32>
      %swap3A_368 = arith.index_cast %add3A_329 : i32 to index
      %swap3A_369 = arith.constant 48 : index
      %swap3A_370 = tpu.vector_load %arg11[%swap3A_368, %swap3A_369] {strides = array<i32>} : memref<1008x64xf32, #tpu.memory_space<vmem>>, vector<1x16xf32>,
      %swap3A_371 = vector.shape_cast %swap3A_370 : vector<1x16xf32> to vector<16xf32>
      %swap3A_372 = vector.shape_cast %mul3A_367 : vector<16xf32> to vector<1x16xf32>
      tpu.vector_store %arg11[%swap3A_368, %swap3A_369], %swap3A_372 {strides = array<i32>} : memref<1008x64xf32, #tpu.memory_space<vmem>>, vector<1x16xf32>,
      %mul3A_373 = arith.constant 16 : i32
      %mul3A_374 = arith.muli %scan3A_42, %mul3A_373 : i32
      %add3A_375 = arith.constant 7 : i32
      %add3A_376 = arith.addi %mul3A_374, %add3A_375 : i32
      %slice3A_377 = vector.extract_strided_slice %get3A_47 {offsets = [7], sizes = [1], strides = [1]} : vector<16xf32> to vector<1xf32>
      %squeeze3A_378 = vector.extract %slice3A_377[0] : f32 from vector<1xf32>
      %broadcast_in_dim3A_379 = vector.broadcast %squeeze3A_378 : f32 to vector<16xf32>
      %get3A_380 = arith.index_cast %add3A_376 : i32 to index
      %get3A_381 = arith.constant 0 : index
      %get3A_382 = tpu.vector_load %arg11[%get3A_380, %get3A_381] {strides = array<i32>} : memref<1008x64xf32, #tpu.memory_space<vmem>>, vector<1x16xf32>,
      %get3A_383 = vector.shape_cast %get3A_382 : vector<1x16xf32> to vector<16xf32>
      %mul3A_384 = arith.mulf %get3A_383, %broadcast_in_dim3A_379 : vector<16xf32>
      %swap3A_385 = arith.index_cast %add3A_376 : i32 to index
      %swap3A_386 = arith.constant 0 : index
      %swap3A_387 = tpu.vector_load %arg11[%swap3A_385, %swap3A_386] {strides = array<i32>} : memref<1008x64xf32, #tpu.memory_space<vmem>>, vector<1x16xf32>,
      %swap3A_388 = vector.shape_cast %swap3A_387 : vector<1x16xf32> to vector<16xf32>
      %swap3A_389 = vector.shape_cast %mul3A_384 : vector<16xf32> to vector<1x16xf32>
      tpu.vector_store %arg11[%swap3A_385, %swap3A_386], %swap3A_389 {strides = array<i32>} : memref<1008x64xf32, #tpu.memory_space<vmem>>, vector<1x16xf32>,
      %get3A_390 = arith.index_cast %add3A_376 : i32 to index
      %get3A_391 = arith.constant 16 : index
      %get3A_392 = tpu.vector_load %arg11[%get3A_390, %get3A_391] {strides = array<i32>} : memref<1008x64xf32, #tpu.memory_space<vmem>>, vector<1x16xf32>,
      %get3A_393 = vector.shape_cast %get3A_392 : vector<1x16xf32> to vector<16xf32>
      %mul3A_394 = arith.mulf %get3A_393, %broadcast_in_dim3A_379 : vector<16xf32>
      %swap3A_395 = arith.index_cast %add3A_376 : i32 to index
      %swap3A_396 = arith.constant 16 : index
      %swap3A_397 = tpu.vector_load %arg11[%swap3A_395, %swap3A_396] {strides = array<i32>} : memref<1008x64xf32, #tpu.memory_space<vmem>>, vector<1x16xf32>,
      %swap3A_398 = vector.shape_cast %swap3A_397 : vector<1x16xf32> to vector<16xf32>
      %swap3A_399 = vector.shape_cast %mul3A_394 : vector<16xf32> to vector<1x16xf32>
      tpu.vector_store %arg11[%swap3A_395, %swap3A_396], %swap3A_399 {strides = array<i32>} : memref<1008x64xf32, #tpu.memory_space<vmem>>, vector<1x16xf32>,
      %get3A_400 = arith.index_cast %add3A_376 : i32 to index
      %get3A_401 = arith.constant 32 : index
      %get3A_402 = tpu.vector_load %arg11[%get3A_400, %get3A_401] {strides = array<i32>} : memref<1008x64xf32, #tpu.memory_space<vmem>>, vector<1x16xf32>,
      %get3A_403 = vector.shape_cast %get3A_402 : vector<1x16xf32> to vector<16xf32>
      %mul3A_404 = arith.mulf %get3A_403, %broadcast_in_dim3A_379 : vector<16xf32>
      %swap3A_405 = arith.index_cast %add3A_376 : i32 to index
      %swap3A_406 = arith.constant 32 : index
      %swap3A_407 = tpu.vector_load %arg11[%swap3A_405, %swap3A_406] {strides = array<i32>} : memref<1008x64xf32, #tpu.memory_space<vmem>>, vector<1x16xf32>,
      %swap3A_408 = vector.shape_cast %swap3A_407 : vector<1x16xf32> to vector<16xf32>
      %swap3A_409 = vector.shape_cast %mul3A_404 : vector<16xf32> to vector<1x16xf32>
      tpu.vector_store %arg11[%swap3A_405, %swap3A_406], %swap3A_409 {strides = array<i32>} : memref<1008x64xf32, #tpu.memory_space<vmem>>, vector<1x16xf32>,
      %get3A_410 = arith.index_cast %add3A_376 : i32 to index
      %get3A_411 = arith.constant 48 : index
      %get3A_412 = tpu.vector_load %arg11[%get3A_410, %get3A_411] {strides = array<i32>} : memref<1008x64xf32, #tpu.memory_space<vmem>>, vector<1x16xf32>,
      %get3A_413 = vector.shape_cast %get3A_412 : vector<1x16xf32> to vector<16xf32>
      %mul3A_414 = arith.mulf %get3A_413, %broadcast_in_dim3A_379 : vector<16xf32>
      %swap3A_415 = arith.index_cast %add3A_376 : i32 to index
      %swap3A_416 = arith.constant 48 : index
      %swap3A_417 = tpu.vector_load %arg11[%swap3A_415, %swap3A_416] {strides = array<i32>} : memref<1008x64xf32, #tpu.memory_space<vmem>>, vector<1x16xf32>,
      %swap3A_418 = vector.shape_cast %swap3A_417 : vector<1x16xf32> to vector<16xf32>
      %swap3A_419 = vector.shape_cast %mul3A_414 : vector<16xf32> to vector<1x16xf32>
      tpu.vector_store %arg11[%swap3A_415, %swap3A_416], %swap3A_419 {strides = array<i32>} : memref<1008x64xf32, #tpu.memory_space<vmem>>, vector<1x16xf32>,
      %mul3A_420 = arith.constant 16 : i32
      %mul3A_421 = arith.muli %scan3A_42, %mul3A_420 : i32
      %add3A_422 = arith.constant 8 : i32
      %add3A_423 = arith.addi %mul3A_421, %add3A_422 : i32
      %slice3A_424 = vector.extract_strided_slice %get3A_47 {offsets = [8], sizes = [1], strides = [1]} : vector<16xf32> to vector<1xf32>
      %squeeze3A_425 = vector.extract %slice3A_424[0] : f32 from vector<1xf32>
      %broadcast_in_dim3A_426 = vector.broadcast %squeeze3A_425 : f32 to vector<16xf32>
      %get3A_427 = arith.index_cast %add3A_423 : i32 to index
      %get3A_428 = arith.constant 0 : index
      %get3A_429 = tpu.vector_load %arg11[%get3A_427, %get3A_428] {strides = array<i32>} : memref<1008x64xf32, #tpu.memory_space<vmem>>, vector<1x16xf32>,
      %get3A_430 = vector.shape_cast %get3A_429 : vector<1x16xf32> to vector<16xf32>
      %mul3A_431 = arith.mulf %get3A_430, %broadcast_in_dim3A_426 : vector<16xf32>
      %swap3A_432 = arith.index_cast %add3A_423 : i32 to index
      %swap3A_433 = arith.constant 0 : index
      %swap3A_434 = tpu.vector_load %arg11[%swap3A_432, %swap3A_433] {strides = array<i32>} : memref<1008x64xf32, #tpu.memory_space<vmem>>, vector<1x16xf32>,
      %swap3A_435 = vector.shape_cast %swap3A_434 : vector<1x16xf32> to vector<16xf32>
      %swap3A_436 = vector.shape_cast %mul3A_431 : vector<16xf32> to vector<1x16xf32>
      tpu.vector_store %arg11[%swap3A_432, %swap3A_433], %swap3A_436 {strides = array<i32>} : memref<1008x64xf32, #tpu.memory_space<vmem>>, vector<1x16xf32>,
      %get3A_437 = arith.index_cast %add3A_423 : i32 to index
      %get3A_438 = arith.constant 16 : index
      %get3A_439 = tpu.vector_load %arg11[%get3A_437, %get3A_438] {strides = array<i32>} : memref<1008x64xf32, #tpu.memory_space<vmem>>, vector<1x16xf32>,
      %get3A_440 = vector.shape_cast %get3A_439 : vector<1x16xf32> to vector<16xf32>
      %mul3A_441 = arith.mulf %get3A_440, %broadcast_in_dim3A_426 : vector<16xf32>
      %swap3A_442 = arith.index_cast %add3A_423 : i32 to index
      %swap3A_443 = arith.constant 16 : index
      %swap3A_444 = tpu.vector_load %arg11[%swap3A_442, %swap3A_443] {strides = array<i32>} : memref<1008x64xf32, #tpu.memory_space<vmem>>, vector<1x16xf32>,
      %swap3A_445 = vector.shape_cast %swap3A_444 : vector<1x16xf32> to vector<16xf32>
      %swap3A_446 = vector.shape_cast %mul3A_441 : vector<16xf32> to vector<1x16xf32>
      tpu.vector_store %arg11[%swap3A_442, %swap3A_443], %swap3A_446 {strides = array<i32>} : memref<1008x64xf32, #tpu.memory_space<vmem>>, vector<1x16xf32>,
      %get3A_447 = arith.index_cast %add3A_423 : i32 to index
      %get3A_448 = arith.constant 32 : index
      %get3A_449 = tpu.vector_load %arg11[%get3A_447, %get3A_448] {strides = array<i32>} : memref<1008x64xf32, #tpu.memory_space<vmem>>, vector<1x16xf32>,
      %get3A_450 = vector.shape_cast %get3A_449 : vector<1x16xf32> to vector<16xf32>
      %mul3A_451 = arith.mulf %get3A_450, %broadcast_in_dim3A_426 : vector<16xf32>
      %swap3A_452 = arith.index_cast %add3A_423 : i32 to index
      %swap3A_453 = arith.constant 32 : index
      %swap3A_454 = tpu.vector_load %arg11[%swap3A_452, %swap3A_453] {strides = array<i32>} : memref<1008x64xf32, #tpu.memory_space<vmem>>, vector<1x16xf32>,
      %swap3A_455 = vector.shape_cast %swap3A_454 : vector<1x16xf32> to vector<16xf32>
      %swap3A_456 = vector.shape_cast %mul3A_451 : vector<16xf32> to vector<1x16xf32>
      tpu.vector_store %arg11[%swap3A_452, %swap3A_453], %swap3A_456 {strides = array<i32>} : memref<1008x64xf32, #tpu.memory_space<vmem>>, vector<1x16xf32>,
      %get3A_457 = arith.index_cast %add3A_423 : i32 to index
      %get3A_458 = arith.constant 48 : index
      %get3A_459 = tpu.vector_load %arg11[%get3A_457, %get3A_458] {strides = array<i32>} : memref<1008x64xf32, #tpu.memory_space<vmem>>, vector<1x16xf32>,
      %get3A_460 = vector.shape_cast %get3A_459 : vector<1x16xf32> to vector<16xf32>
      %mul3A_461 = arith.mulf %get3A_460, %broadcast_in_dim3A_426 : vector<16xf32>
      %swap3A_462 = arith.index_cast %add3A_423 : i32 to index
      %swap3A_463 = arith.constant 48 : index
      %swap3A_464 = tpu.vector_load %arg11[%swap3A_462, %swap3A_463] {strides = array<i32>} : memref<1008x64xf32, #tpu.memory_space<vmem>>, vector<1x16xf32>,
      %swap3A_465 = vector.shape_cast %swap3A_464 : vector<1x16xf32> to vector<16xf32>
      %swap3A_466 = vector.shape_cast %mul3A_461 : vector<16xf32> to vector<1x16xf32>
      tpu.vector_store %arg11[%swap3A_462, %swap3A_463], %swap3A_466 {strides = array<i32>} : memref<1008x64xf32, #tpu.memory_space<vmem>>, vector<1x16xf32>,
      %mul3A_467 = arith.constant 16 : i32
      %mul3A_468 = arith.muli %scan3A_42, %mul3A_467 : i32
      %add3A_469 = arith.constant 9 : i32
      %add3A_470 = arith.addi %mul3A_468, %add3A_469 : i32
      %slice3A_471 = vector.extract_strided_slice %get3A_47 {offsets = [9], sizes = [1], strides = [1]} : vector<16xf32> to vector<1xf32>
      %squeeze3A_472 = vector.extract %slice3A_471[0] : f32 from vector<1xf32>
      %broadcast_in_dim3A_473 = vector.broadcast %squeeze3A_472 : f32 to vector<16xf32>
      %get3A_474 = arith.index_cast %add3A_470 : i32 to index
      %get3A_475 = arith.constant 0 : index
      %get3A_476 = tpu.vector_load %arg11[%get3A_474, %get3A_475] {strides = array<i32>} : memref<1008x64xf32, #tpu.memory_space<vmem>>, vector<1x16xf32>,
      %get3A_477 = vector.shape_cast %get3A_476 : vector<1x16xf32> to vector<16xf32>
      %mul3A_478 = arith.mulf %get3A_477, %broadcast_in_dim3A_473 : vector<16xf32>
      %swap3A_479 = arith.index_cast %add3A_470 : i32 to index
      %swap3A_480 = arith.constant 0 : index
      %swap3A_481 = tpu.vector_load %arg11[%swap3A_479, %swap3A_480] {strides = array<i32>} : memref<1008x64xf32, #tpu.memory_space<vmem>>, vector<1x16xf32>,
      %swap3A_482 = vector.shape_cast %swap3A_481 : vector<1x16xf32> to vector<16xf32>
      %swap3A_483 = vector.shape_cast %mul3A_478 : vector<16xf32> to vector<1x16xf32>
      tpu.vector_store %arg11[%swap3A_479, %swap3A_480], %swap3A_483 {strides = array<i32>} : memref<1008x64xf32, #tpu.memory_space<vmem>>, vector<1x16xf32>,
      %get3A_484 = arith.index_cast %add3A_470 : i32 to index
      %get3A_485 = arith.constant 16 : index
      %get3A_486 = tpu.vector_load %arg11[%get3A_484, %get3A_485] {strides = array<i32>} : memref<1008x64xf32, #tpu.memory_space<vmem>>, vector<1x16xf32>,
      %get3A_487 = vector.shape_cast %get3A_486 : vector<1x16xf32> to vector<16xf32>
      %mul3A_488 = arith.mulf %get3A_487, %broadcast_in_dim3A_473 : vector<16xf32>
      %swap3A_489 = arith.index_cast %add3A_470 : i32 to index
      %swap3A_490 = arith.constant 16 : index
      %swap3A_491 = tpu.vector_load %arg11[%swap3A_489, %swap3A_490] {strides = array<i32>} : memref<1008x64xf32, #tpu.memory_space<vmem>>, vector<1x16xf32>,
      %swap3A_492 = vector.shape_cast %swap3A_491 : vector<1x16xf32> to vector<16xf32>
      %swap3A_493 = vector.shape_cast %mul3A_488 : vector<16xf32> to vector<1x16xf32>
      tpu.vector_store %arg11[%swap3A_489, %swap3A_490], %swap3A_493 {strides = array<i32>} : memref<1008x64xf32, #tpu.memory_space<vmem>>, vector<1x16xf32>,
      %get3A_494 = arith.index_cast %add3A_470 : i32 to index
      %get3A_495 = arith.constant 32 : index
      %get3A_496 = tpu.vector_load %arg11[%get3A_494, %get3A_495] {strides = array<i32>} : memref<1008x64xf32, #tpu.memory_space<vmem>>, vector<1x16xf32>,
      %get3A_497 = vector.shape_cast %get3A_496 : vector<1x16xf32> to vector<16xf32>
      %mul3A_498 = arith.mulf %get3A_497, %broadcast_in_dim3A_473 : vector<16xf32>
      %swap3A_499 = arith.index_cast %add3A_470 : i32 to index
      %swap3A_500 = arith.constant 32 : index
      %swap3A_501 = tpu.vector_load %arg11[%swap3A_499, %swap3A_500] {strides = array<i32>} : memref<1008x64xf32, #tpu.memory_space<vmem>>, vector<1x16xf32>,
      %swap3A_502 = vector.shape_cast %swap3A_501 : vector<1x16xf32> to vector<16xf32>
      %swap3A_503 = vector.shape_cast %mul3A_498 : vector<16xf32> to vector<1x16xf32>
      tpu.vector_store %arg11[%swap3A_499, %swap3A_500], %swap3A_503 {strides = array<i32>} : memref<1008x64xf32, #tpu.memory_space<vmem>>, vector<1x16xf32>,
      %get3A_504 = arith.index_cast %add3A_470 : i32 to index
      %get3A_505 = arith.constant 48 : index
      %get3A_506 = tpu.vector_load %arg11[%get3A_504, %get3A_505] {strides = array<i32>} : memref<1008x64xf32, #tpu.memory_space<vmem>>, vector<1x16xf32>,
      %get3A_507 = vector.shape_cast %get3A_506 : vector<1x16xf32> to vector<16xf32>
      %mul3A_508 = arith.mulf %get3A_507, %broadcast_in_dim3A_473 : vector<16xf32>
      %swap3A_509 = arith.index_cast %add3A_470 : i32 to index
      %swap3A_510 = arith.constant 48 : index
      %swap3A_511 = tpu.vector_load %arg11[%swap3A_509, %swap3A_510] {strides = array<i32>} : memref<1008x64xf32, #tpu.memory_space<vmem>>, vector<1x16xf32>,
      %swap3A_512 = vector.shape_cast %swap3A_511 : vector<1x16xf32> to vector<16xf32>
      %swap3A_513 = vector.shape_cast %mul3A_508 : vector<16xf32> to vector<1x16xf32>
      tpu.vector_store %arg11[%swap3A_509, %swap3A_510], %swap3A_513 {strides = array<i32>} : memref<1008x64xf32, #tpu.memory_space<vmem>>, vector<1x16xf32>,
      %mul3A_514 = arith.constant 16 : i32
      %mul3A_515 = arith.muli %scan3A_42, %mul3A_514 : i32
      %add3A_516 = arith.constant 10 : i32
      %add3A_517 = arith.addi %mul3A_515, %add3A_516 : i32
      %slice3A_518 = vector.extract_strided_slice %get3A_47 {offsets = [10], sizes = [1], strides = [1]} : vector<16xf32> to vector<1xf32>
      %squeeze3A_519 = vector.extract %slice3A_518[0] : f32 from vector<1xf32>
      %broadcast_in_dim3A_520 = vector.broadcast %squeeze3A_519 : f32 to vector<16xf32>
      %get3A_521 = arith.index_cast %add3A_517 : i32 to index
      %get3A_522 = arith.constant 0 : index
      %get3A_523 = tpu.vector_load %arg11[%get3A_521, %get3A_522] {strides = array<i32>} : memref<1008x64xf32, #tpu.memory_space<vmem>>, vector<1x16xf32>,
      %get3A_524 = vector.shape_cast %get3A_523 : vector<1x16xf32> to vector<16xf32>
      %mul3A_525 = arith.mulf %get3A_524, %broadcast_in_dim3A_520 : vector<16xf32>
      %swap3A_526 = arith.index_cast %add3A_517 : i32 to index
      %swap3A_527 = arith.constant 0 : index
      %swap3A_528 = tpu.vector_load %arg11[%swap3A_526, %swap3A_527] {strides = array<i32>} : memref<1008x64xf32, #tpu.memory_space<vmem>>, vector<1x16xf32>,
      %swap3A_529 = vector.shape_cast %swap3A_528 : vector<1x16xf32> to vector<16xf32>
      %swap3A_530 = vector.shape_cast %mul3A_525 : vector<16xf32> to vector<1x16xf32>
      tpu.vector_store %arg11[%swap3A_526, %swap3A_527], %swap3A_530 {strides = array<i32>} : memref<1008x64xf32, #tpu.memory_space<vmem>>, vector<1x16xf32>,
      %get3A_531 = arith.index_cast %add3A_517 : i32 to index
      %get3A_532 = arith.constant 16 : index
      %get3A_533 = tpu.vector_load %arg11[%get3A_531, %get3A_532] {strides = array<i32>} : memref<1008x64xf32, #tpu.memory_space<vmem>>, vector<1x16xf32>,
      %get3A_534 = vector.shape_cast %get3A_533 : vector<1x16xf32> to vector<16xf32>
      %mul3A_535 = arith.mulf %get3A_534, %broadcast_in_dim3A_520 : vector<16xf32>
      %swap3A_536 = arith.index_cast %add3A_517 : i32 to index
      %swap3A_537 = arith.constant 16 : index
      %swap3A_538 = tpu.vector_load %arg11[%swap3A_536, %swap3A_537] {strides = array<i32>} : memref<1008x64xf32, #tpu.memory_space<vmem>>, vector<1x16xf32>,
      %swap3A_539 = vector.shape_cast %swap3A_538 : vector<1x16xf32> to vector<16xf32>
      %swap3A_540 = vector.shape_cast %mul3A_535 : vector<16xf32> to vector<1x16xf32>
      tpu.vector_store %arg11[%swap3A_536, %swap3A_537], %swap3A_540 {strides = array<i32>} : memref<1008x64xf32, #tpu.memory_space<vmem>>, vector<1x16xf32>,
      %get3A_541 = arith.index_cast %add3A_517 : i32 to index
      %get3A_542 = arith.constant 32 : index
      %get3A_543 = tpu.vector_load %arg11[%get3A_541, %get3A_542] {strides = array<i32>} : memref<1008x64xf32, #tpu.memory_space<vmem>>, vector<1x16xf32>,
      %get3A_544 = vector.shape_cast %get3A_543 : vector<1x16xf32> to vector<16xf32>
      %mul3A_545 = arith.mulf %get3A_544, %broadcast_in_dim3A_520 : vector<16xf32>
      %swap3A_546 = arith.index_cast %add3A_517 : i32 to index
      %swap3A_547 = arith.constant 32 : index
      %swap3A_548 = tpu.vector_load %arg11[%swap3A_546, %swap3A_547] {strides = array<i32>} : memref<1008x64xf32, #tpu.memory_space<vmem>>, vector<1x16xf32>,
      %swap3A_549 = vector.shape_cast %swap3A_548 : vector<1x16xf32> to vector<16xf32>
      %swap3A_550 = vector.shape_cast %mul3A_545 : vector<16xf32> to vector<1x16xf32>
      tpu.vector_store %arg11[%swap3A_546, %swap3A_547], %swap3A_550 {strides = array<i32>} : memref<1008x64xf32, #tpu.memory_space<vmem>>, vector<1x16xf32>,
      %get3A_551 = arith.index_cast %add3A_517 : i32 to index
      %get3A_552 = arith.constant 48 : index
      %get3A_553 = tpu.vector_load %arg11[%get3A_551, %get3A_552] {strides = array<i32>} : memref<1008x64xf32, #tpu.memory_space<vmem>>, vector<1x16xf32>,
      %get3A_554 = vector.shape_cast %get3A_553 : vector<1x16xf32> to vector<16xf32>
      %mul3A_555 = arith.mulf %get3A_554, %broadcast_in_dim3A_520 : vector<16xf32>
      %swap3A_556 = arith.index_cast %add3A_517 : i32 to index
      %swap3A_557 = arith.constant 48 : index
      %swap3A_558 = tpu.vector_load %arg11[%swap3A_556, %swap3A_557] {strides = array<i32>} : memref<1008x64xf32, #tpu.memory_space<vmem>>, vector<1x16xf32>,
      %swap3A_559 = vector.shape_cast %swap3A_558 : vector<1x16xf32> to vector<16xf32>
      %swap3A_560 = vector.shape_cast %mul3A_555 : vector<16xf32> to vector<1x16xf32>
      tpu.vector_store %arg11[%swap3A_556, %swap3A_557], %swap3A_560 {strides = array<i32>} : memref<1008x64xf32, #tpu.memory_space<vmem>>, vector<1x16xf32>,
      %mul3A_561 = arith.constant 16 : i32
      %mul3A_562 = arith.muli %scan3A_42, %mul3A_561 : i32
      %add3A_563 = arith.constant 11 : i32
      %add3A_564 = arith.addi %mul3A_562, %add3A_563 : i32
      %slice3A_565 = vector.extract_strided_slice %get3A_47 {offsets = [11], sizes = [1], strides = [1]} : vector<16xf32> to vector<1xf32>
      %squeeze3A_566 = vector.extract %slice3A_565[0] : f32 from vector<1xf32>
      %broadcast_in_dim3A_567 = vector.broadcast %squeeze3A_566 : f32 to vector<16xf32>
      %get3A_568 = arith.index_cast %add3A_564 : i32 to index
      %get3A_569 = arith.constant 0 : index
      %get3A_570 = tpu.vector_load %arg11[%get3A_568, %get3A_569] {strides = array<i32>} : memref<1008x64xf32, #tpu.memory_space<vmem>>, vector<1x16xf32>,
      %get3A_571 = vector.shape_cast %get3A_570 : vector<1x16xf32> to vector<16xf32>
      %mul3A_572 = arith.mulf %get3A_571, %broadcast_in_dim3A_567 : vector<16xf32>
      %swap3A_573 = arith.index_cast %add3A_564 : i32 to index
      %swap3A_574 = arith.constant 0 : index
      %swap3A_575 = tpu.vector_load %arg11[%swap3A_573, %swap3A_574] {strides = array<i32>} : memref<1008x64xf32, #tpu.memory_space<vmem>>, vector<1x16xf32>,
      %swap3A_576 = vector.shape_cast %swap3A_575 : vector<1x16xf32> to vector<16xf32>
      %swap3A_577 = vector.shape_cast %mul3A_572 : vector<16xf32> to vector<1x16xf32>
      tpu.vector_store %arg11[%swap3A_573, %swap3A_574], %swap3A_577 {strides = array<i32>} : memref<1008x64xf32, #tpu.memory_space<vmem>>, vector<1x16xf32>,
      %get3A_578 = arith.index_cast %add3A_564 : i32 to index
      %get3A_579 = arith.constant 16 : index
      %get3A_580 = tpu.vector_load %arg11[%get3A_578, %get3A_579] {strides = array<i32>} : memref<1008x64xf32, #tpu.memory_space<vmem>>, vector<1x16xf32>,
      %get3A_581 = vector.shape_cast %get3A_580 : vector<1x16xf32> to vector<16xf32>
      %mul3A_582 = arith.mulf %get3A_581, %broadcast_in_dim3A_567 : vector<16xf32>
      %swap3A_583 = arith.index_cast %add3A_564 : i32 to index
      %swap3A_584 = arith.constant 16 : index
      %swap3A_585 = tpu.vector_load %arg11[%swap3A_583, %swap3A_584] {strides = array<i32>} : memref<1008x64xf32, #tpu.memory_space<vmem>>, vector<1x16xf32>,
      %swap3A_586 = vector.shape_cast %swap3A_585 : vector<1x16xf32> to vector<16xf32>
      %swap3A_587 = vector.shape_cast %mul3A_582 : vector<16xf32> to vector<1x16xf32>
      tpu.vector_store %arg11[%swap3A_583, %swap3A_584], %swap3A_587 {strides = array<i32>} : memref<1008x64xf32, #tpu.memory_space<vmem>>, vector<1x16xf32>,
      %get3A_588 = arith.index_cast %add3A_564 : i32 to index
      %get3A_589 = arith.constant 32 : index
      %get3A_590 = tpu.vector_load %arg11[%get3A_588, %get3A_589] {strides = array<i32>} : memref<1008x64xf32, #tpu.memory_space<vmem>>, vector<1x16xf32>,
      %get3A_591 = vector.shape_cast %get3A_590 : vector<1x16xf32> to vector<16xf32>
      %mul3A_592 = arith.mulf %get3A_591, %broadcast_in_dim3A_567 : vector<16xf32>
      %swap3A_593 = arith.index_cast %add3A_564 : i32 to index
      %swap3A_594 = arith.constant 32 : index
      %swap3A_595 = tpu.vector_load %arg11[%swap3A_593, %swap3A_594] {strides = array<i32>} : memref<1008x64xf32, #tpu.memory_space<vmem>>, vector<1x16xf32>,
      %swap3A_596 = vector.shape_cast %swap3A_595 : vector<1x16xf32> to vector<16xf32>
      %swap3A_597 = vector.shape_cast %mul3A_592 : vector<16xf32> to vector<1x16xf32>
      tpu.vector_store %arg11[%swap3A_593, %swap3A_594], %swap3A_597 {strides = array<i32>} : memref<1008x64xf32, #tpu.memory_space<vmem>>, vector<1x16xf32>,
      %get3A_598 = arith.index_cast %add3A_564 : i32 to index
      %get3A_599 = arith.constant 48 : index
      %get3A_600 = tpu.vector_load %arg11[%get3A_598, %get3A_599] {strides = array<i32>} : memref<1008x64xf32, #tpu.memory_space<vmem>>, vector<1x16xf32>,
      %get3A_601 = vector.shape_cast %get3A_600 : vector<1x16xf32> to vector<16xf32>
      %mul3A_602 = arith.mulf %get3A_601, %broadcast_in_dim3A_567 : vector<16xf32>
      %swap3A_603 = arith.index_cast %add3A_564 : i32 to index
      %swap3A_604 = arith.constant 48 : index
      %swap3A_605 = tpu.vector_load %arg11[%swap3A_603, %swap3A_604] {strides = array<i32>} : memref<1008x64xf32, #tpu.memory_space<vmem>>, vector<1x16xf32>,
      %swap3A_606 = vector.shape_cast %swap3A_605 : vector<1x16xf32> to vector<16xf32>
      %swap3A_607 = vector.shape_cast %mul3A_602 : vector<16xf32> to vector<1x16xf32>
      tpu.vector_store %arg11[%swap3A_603, %swap3A_604], %swap3A_607 {strides = array<i32>} : memref<1008x64xf32, #tpu.memory_space<vmem>>, vector<1x16xf32>,
      %mul3A_608 = arith.constant 16 : i32
      %mul3A_609 = arith.muli %scan3A_42, %mul3A_608 : i32
      %add3A_610 = arith.constant 12 : i32
      %add3A_611 = arith.addi %mul3A_609, %add3A_610 : i32
      %slice3A_612 = vector.extract_strided_slice %get3A_47 {offsets = [12], sizes = [1], strides = [1]} : vector<16xf32> to vector<1xf32>
      %squeeze3A_613 = vector.extract %slice3A_612[0] : f32 from vector<1xf32>
      %broadcast_in_dim3A_614 = vector.broadcast %squeeze3A_613 : f32 to vector<16xf32>
      %get3A_615 = arith.index_cast %add3A_611 : i32 to index
      %get3A_616 = arith.constant 0 : index
      %get3A_617 = tpu.vector_load %arg11[%get3A_615, %get3A_616] {strides = array<i32>} : memref<1008x64xf32, #tpu.memory_space<vmem>>, vector<1x16xf32>,
      %get3A_618 = vector.shape_cast %get3A_617 : vector<1x16xf32> to vector<16xf32>
      %mul3A_619 = arith.mulf %get3A_618, %broadcast_in_dim3A_614 : vector<16xf32>
      %swap3A_620 = arith.index_cast %add3A_611 : i32 to index
      %swap3A_621 = arith.constant 0 : index
      %swap3A_622 = tpu.vector_load %arg11[%swap3A_620, %swap3A_621] {strides = array<i32>} : memref<1008x64xf32, #tpu.memory_space<vmem>>, vector<1x16xf32>,
      %swap3A_623 = vector.shape_cast %swap3A_622 : vector<1x16xf32> to vector<16xf32>
      %swap3A_624 = vector.shape_cast %mul3A_619 : vector<16xf32> to vector<1x16xf32>
      tpu.vector_store %arg11[%swap3A_620, %swap3A_621], %swap3A_624 {strides = array<i32>} : memref<1008x64xf32, #tpu.memory_space<vmem>>, vector<1x16xf32>,
      %get3A_625 = arith.index_cast %add3A_611 : i32 to index
      %get3A_626 = arith.constant 16 : index
      %get3A_627 = tpu.vector_load %arg11[%get3A_625, %get3A_626] {strides = array<i32>} : memref<1008x64xf32, #tpu.memory_space<vmem>>, vector<1x16xf32>,
      %get3A_628 = vector.shape_cast %get3A_627 : vector<1x16xf32> to vector<16xf32>
      %mul3A_629 = arith.mulf %get3A_628, %broadcast_in_dim3A_614 : vector<16xf32>
      %swap3A_630 = arith.index_cast %add3A_611 : i32 to index
      %swap3A_631 = arith.constant 16 : index
      %swap3A_632 = tpu.vector_load %arg11[%swap3A_630, %swap3A_631] {strides = array<i32>} : memref<1008x64xf32, #tpu.memory_space<vmem>>, vector<1x16xf32>,
      %swap3A_633 = vector.shape_cast %swap3A_632 : vector<1x16xf32> to vector<16xf32>
      %swap3A_634 = vector.shape_cast %mul3A_629 : vector<16xf32> to vector<1x16xf32>
      tpu.vector_store %arg11[%swap3A_630, %swap3A_631], %swap3A_634 {strides = array<i32>} : memref<1008x64xf32, #tpu.memory_space<vmem>>, vector<1x16xf32>,
      %get3A_635 = arith.index_cast %add3A_611 : i32 to index
      %get3A_636 = arith.constant 32 : index
      %get3A_637 = tpu.vector_load %arg11[%get3A_635, %get3A_636] {strides = array<i32>} : memref<1008x64xf32, #tpu.memory_space<vmem>>, vector<1x16xf32>,
      %get3A_638 = vector.shape_cast %get3A_637 : vector<1x16xf32> to vector<16xf32>
      %mul3A_639 = arith.mulf %get3A_638, %broadcast_in_dim3A_614 : vector<16xf32>
      %swap3A_640 = arith.index_cast %add3A_611 : i32 to index
      %swap3A_641 = arith.constant 32 : index
      %swap3A_642 = tpu.vector_load %arg11[%swap3A_640, %swap3A_641] {strides = array<i32>} : memref<1008x64xf32, #tpu.memory_space<vmem>>, vector<1x16xf32>,
      %swap3A_643 = vector.shape_cast %swap3A_642 : vector<1x16xf32> to vector<16xf32>
      %swap3A_644 = vector.shape_cast %mul3A_639 : vector<16xf32> to vector<1x16xf32>
      tpu.vector_store %arg11[%swap3A_640, %swap3A_641], %swap3A_644 {strides = array<i32>} : memref<1008x64xf32, #tpu.memory_space<vmem>>, vector<1x16xf32>,
      %get3A_645 = arith.index_cast %add3A_611 : i32 to index
      %get3A_646 = arith.constant 48 : index
      %get3A_647 = tpu.vector_load %arg11[%get3A_645, %get3A_646] {strides = array<i32>} : memref<1008x64xf32, #tpu.memory_space<vmem>>, vector<1x16xf32>,
      %get3A_648 = vector.shape_cast %get3A_647 : vector<1x16xf32> to vector<16xf32>
      %mul3A_649 = arith.mulf %get3A_648, %broadcast_in_dim3A_614 : vector<16xf32>
      %swap3A_650 = arith.index_cast %add3A_611 : i32 to index
      %swap3A_651 = arith.constant 48 : index
      %swap3A_652 = tpu.vector_load %arg11[%swap3A_650, %swap3A_651] {strides = array<i32>} : memref<1008x64xf32, #tpu.memory_space<vmem>>, vector<1x16xf32>,
      %swap3A_653 = vector.shape_cast %swap3A_652 : vector<1x16xf32> to vector<16xf32>
      %swap3A_654 = vector.shape_cast %mul3A_649 : vector<16xf32> to vector<1x16xf32>
      tpu.vector_store %arg11[%swap3A_650, %swap3A_651], %swap3A_654 {strides = array<i32>} : memref<1008x64xf32, #tpu.memory_space<vmem>>, vector<1x16xf32>,
      %mul3A_655 = arith.constant 16 : i32
      %mul3A_656 = arith.muli %scan3A_42, %mul3A_655 : i32
      %add3A_657 = arith.constant 13 : i32
      %add3A_658 = arith.addi %mul3A_656, %add3A_657 : i32
      %slice3A_659 = vector.extract_strided_slice %get3A_47 {offsets = [13], sizes = [1], strides = [1]} : vector<16xf32> to vector<1xf32>
      %squeeze3A_660 = vector.extract %slice3A_659[0] : f32 from vector<1xf32>
      %broadcast_in_dim3A_661 = vector.broadcast %squeeze3A_660 : f32 to vector<16xf32>
      %get3A_662 = arith.index_cast %add3A_658 : i32 to index
      %get3A_663 = arith.constant 0 : index
      %get3A_664 = tpu.vector_load %arg11[%get3A_662, %get3A_663] {strides = array<i32>} : memref<1008x64xf32, #tpu.memory_space<vmem>>, vector<1x16xf32>,
      %get3A_665 = vector.shape_cast %get3A_664 : vector<1x16xf32> to vector<16xf32>
      %mul3A_666 = arith.mulf %get3A_665, %broadcast_in_dim3A_661 : vector<16xf32>
      %swap3A_667 = arith.index_cast %add3A_658 : i32 to index
      %swap3A_668 = arith.constant 0 : index
      %swap3A_669 = tpu.vector_load %arg11[%swap3A_667, %swap3A_668] {strides = array<i32>} : memref<1008x64xf32, #tpu.memory_space<vmem>>, vector<1x16xf32>,
      %swap3A_670 = vector.shape_cast %swap3A_669 : vector<1x16xf32> to vector<16xf32>
      %swap3A_671 = vector.shape_cast %mul3A_666 : vector<16xf32> to vector<1x16xf32>
      tpu.vector_store %arg11[%swap3A_667, %swap3A_668], %swap3A_671 {strides = array<i32>} : memref<1008x64xf32, #tpu.memory_space<vmem>>, vector<1x16xf32>,
      %get3A_672 = arith.index_cast %add3A_658 : i32 to index
      %get3A_673 = arith.constant 16 : index
      %get3A_674 = tpu.vector_load %arg11[%get3A_672, %get3A_673] {strides = array<i32>} : memref<1008x64xf32, #tpu.memory_space<vmem>>, vector<1x16xf32>,
      %get3A_675 = vector.shape_cast %get3A_674 : vector<1x16xf32> to vector<16xf32>
      %mul3A_676 = arith.mulf %get3A_675, %broadcast_in_dim3A_661 : vector<16xf32>
      %swap3A_677 = arith.index_cast %add3A_658 : i32 to index
      %swap3A_678 = arith.constant 16 : index
      %swap3A_679 = tpu.vector_load %arg11[%swap3A_677, %swap3A_678] {strides = array<i32>} : memref<1008x64xf32, #tpu.memory_space<vmem>>, vector<1x16xf32>,
      %swap3A_680 = vector.shape_cast %swap3A_679 : vector<1x16xf32> to vector<16xf32>
      %swap3A_681 = vector.shape_cast %mul3A_676 : vector<16xf32> to vector<1x16xf32>
      tpu.vector_store %arg11[%swap3A_677, %swap3A_678], %swap3A_681 {strides = array<i32>} : memref<1008x64xf32, #tpu.memory_space<vmem>>, vector<1x16xf32>,
      %get3A_682 = arith.index_cast %add3A_658 : i32 to index
      %get3A_683 = arith.constant 32 : index
      %get3A_684 = tpu.vector_load %arg11[%get3A_682, %get3A_683] {strides = array<i32>} : memref<1008x64xf32, #tpu.memory_space<vmem>>, vector<1x16xf32>,
      %get3A_685 = vector.shape_cast %get3A_684 : vector<1x16xf32> to vector<16xf32>
      %mul3A_686 = arith.mulf %get3A_685, %broadcast_in_dim3A_661 : vector<16xf32>
      %swap3A_687 = arith.index_cast %add3A_658 : i32 to index
      %swap3A_688 = arith.constant 32 : index
      %swap3A_689 = tpu.vector_load %arg11[%swap3A_687, %swap3A_688] {strides = array<i32>} : memref<1008x64xf32, #tpu.memory_space<vmem>>, vector<1x16xf32>,
      %swap3A_690 = vector.shape_cast %swap3A_689 : vector<1x16xf32> to vector<16xf32>
      %swap3A_691 = vector.shape_cast %mul3A_686 : vector<16xf32> to vector<1x16xf32>
      tpu.vector_store %arg11[%swap3A_687, %swap3A_688], %swap3A_691 {strides = array<i32>} : memref<1008x64xf32, #tpu.memory_space<vmem>>, vector<1x16xf32>,
      %get3A_692 = arith.index_cast %add3A_658 : i32 to index
      %get3A_693 = arith.constant 48 : index
      %get3A_694 = tpu.vector_load %arg11[%get3A_692, %get3A_693] {strides = array<i32>} : memref<1008x64xf32, #tpu.memory_space<vmem>>, vector<1x16xf32>,
      %get3A_695 = vector.shape_cast %get3A_694 : vector<1x16xf32> to vector<16xf32>
      %mul3A_696 = arith.mulf %get3A_695, %broadcast_in_dim3A_661 : vector<16xf32>
      %swap3A_697 = arith.index_cast %add3A_658 : i32 to index
      %swap3A_698 = arith.constant 48 : index
      %swap3A_699 = tpu.vector_load %arg11[%swap3A_697, %swap3A_698] {strides = array<i32>} : memref<1008x64xf32, #tpu.memory_space<vmem>>, vector<1x16xf32>,
      %swap3A_700 = vector.shape_cast %swap3A_699 : vector<1x16xf32> to vector<16xf32>
      %swap3A_701 = vector.shape_cast %mul3A_696 : vector<16xf32> to vector<1x16xf32>
      tpu.vector_store %arg11[%swap3A_697, %swap3A_698], %swap3A_701 {strides = array<i32>} : memref<1008x64xf32, #tpu.memory_space<vmem>>, vector<1x16xf32>,
      %mul3A_702 = arith.constant 16 : i32
      %mul3A_703 = arith.muli %scan3A_42, %mul3A_702 : i32
      %add3A_704 = arith.constant 14 : i32
      %add3A_705 = arith.addi %mul3A_703, %add3A_704 : i32
      %slice3A_706 = vector.extract_strided_slice %get3A_47 {offsets = [14], sizes = [1], strides = [1]} : vector<16xf32> to vector<1xf32>
      %squeeze3A_707 = vector.extract %slice3A_706[0] : f32 from vector<1xf32>
      %broadcast_in_dim3A_708 = vector.broadcast %squeeze3A_707 : f32 to vector<16xf32>
      %get3A_709 = arith.index_cast %add3A_705 : i32 to index
      %get3A_710 = arith.constant 0 : index
      %get3A_711 = tpu.vector_load %arg11[%get3A_709, %get3A_710] {strides = array<i32>} : memref<1008x64xf32, #tpu.memory_space<vmem>>, vector<1x16xf32>,
      %get3A_712 = vector.shape_cast %get3A_711 : vector<1x16xf32> to vector<16xf32>
      %mul3A_713 = arith.mulf %get3A_712, %broadcast_in_dim3A_708 : vector<16xf32>
      %swap3A_714 = arith.index_cast %add3A_705 : i32 to index
      %swap3A_715 = arith.constant 0 : index
      %swap3A_716 = tpu.vector_load %arg11[%swap3A_714, %swap3A_715] {strides = array<i32>} : memref<1008x64xf32, #tpu.memory_space<vmem>>, vector<1x16xf32>,
      %swap3A_717 = vector.shape_cast %swap3A_716 : vector<1x16xf32> to vector<16xf32>
      %swap3A_718 = vector.shape_cast %mul3A_713 : vector<16xf32> to vector<1x16xf32>
      tpu.vector_store %arg11[%swap3A_714, %swap3A_715], %swap3A_718 {strides = array<i32>} : memref<1008x64xf32, #tpu.memory_space<vmem>>, vector<1x16xf32>,
      %get3A_719 = arith.index_cast %add3A_705 : i32 to index
      %get3A_720 = arith.constant 16 : index
      %get3A_721 = tpu.vector_load %arg11[%get3A_719, %get3A_720] {strides = array<i32>} : memref<1008x64xf32, #tpu.memory_space<vmem>>, vector<1x16xf32>,
      %get3A_722 = vector.shape_cast %get3A_721 : vector<1x16xf32> to vector<16xf32>
      %mul3A_723 = arith.mulf %get3A_722, %broadcast_in_dim3A_708 : vector<16xf32>
      %swap3A_724 = arith.index_cast %add3A_705 : i32 to index
      %swap3A_725 = arith.constant 16 : index
      %swap3A_726 = tpu.vector_load %arg11[%swap3A_724, %swap3A_725] {strides = array<i32>} : memref<1008x64xf32, #tpu.memory_space<vmem>>, vector<1x16xf32>,
      %swap3A_727 = vector.shape_cast %swap3A_726 : vector<1x16xf32> to vector<16xf32>
      %swap3A_728 = vector.shape_cast %mul3A_723 : vector<16xf32> to vector<1x16xf32>
      tpu.vector_store %arg11[%swap3A_724, %swap3A_725], %swap3A_728 {strides = array<i32>} : memref<1008x64xf32, #tpu.memory_space<vmem>>, vector<1x16xf32>,
      %get3A_729 = arith.index_cast %add3A_705 : i32 to index
      %get3A_730 = arith.constant 32 : index
      %get3A_731 = tpu.vector_load %arg11[%get3A_729, %get3A_730] {strides = array<i32>} : memref<1008x64xf32, #tpu.memory_space<vmem>>, vector<1x16xf32>,
      %get3A_732 = vector.shape_cast %get3A_731 : vector<1x16xf32> to vector<16xf32>
      %mul3A_733 = arith.mulf %get3A_732, %broadcast_in_dim3A_708 : vector<16xf32>
      %swap3A_734 = arith.index_cast %add3A_705 : i32 to index
      %swap3A_735 = arith.constant 32 : index
      %swap3A_736 = tpu.vector_load %arg11[%swap3A_734, %swap3A_735] {strides = array<i32>} : memref<1008x64xf32, #tpu.memory_space<vmem>>, vector<1x16xf32>,
      %swap3A_737 = vector.shape_cast %swap3A_736 : vector<1x16xf32> to vector<16xf32>
      %swap3A_738 = vector.shape_cast %mul3A_733 : vector<16xf32> to vector<1x16xf32>
      tpu.vector_store %arg11[%swap3A_734, %swap3A_735], %swap3A_738 {strides = array<i32>} : memref<1008x64xf32, #tpu.memory_space<vmem>>, vector<1x16xf32>,
      %get3A_739 = arith.index_cast %add3A_705 : i32 to index
      %get3A_740 = arith.constant 48 : index
      %get3A_741 = tpu.vector_load %arg11[%get3A_739, %get3A_740] {strides = array<i32>} : memref<1008x64xf32, #tpu.memory_space<vmem>>, vector<1x16xf32>,
      %get3A_742 = vector.shape_cast %get3A_741 : vector<1x16xf32> to vector<16xf32>
      %mul3A_743 = arith.mulf %get3A_742, %broadcast_in_dim3A_708 : vector<16xf32>
      %swap3A_744 = arith.index_cast %add3A_705 : i32 to index
      %swap3A_745 = arith.constant 48 : index
      %swap3A_746 = tpu.vector_load %arg11[%swap3A_744, %swap3A_745] {strides = array<i32>} : memref<1008x64xf32, #tpu.memory_space<vmem>>, vector<1x16xf32>,
      %swap3A_747 = vector.shape_cast %swap3A_746 : vector<1x16xf32> to vector<16xf32>
      %swap3A_748 = vector.shape_cast %mul3A_743 : vector<16xf32> to vector<1x16xf32>
      tpu.vector_store %arg11[%swap3A_744, %swap3A_745], %swap3A_748 {strides = array<i32>} : memref<1008x64xf32, #tpu.memory_space<vmem>>, vector<1x16xf32>,
      %mul3A_749 = arith.constant 16 : i32
      %mul3A_750 = arith.muli %scan3A_42, %mul3A_749 : i32
      %add3A_751 = arith.constant 15 : i32
      %add3A_752 = arith.addi %mul3A_750, %add3A_751 : i32
      %slice3A_753 = vector.extract_strided_slice %get3A_47 {offsets = [15], sizes = [1], strides = [1]} : vector<16xf32> to vector<1xf32>
      %squeeze3A_754 = vector.extract %slice3A_753[0] : f32 from vector<1xf32>
      %broadcast_in_dim3A_755 = vector.broadcast %squeeze3A_754 : f32 to vector<16xf32>
      %get3A_756 = arith.index_cast %add3A_752 : i32 to index
      %get3A_757 = arith.constant 0 : index
      %get3A_758 = tpu.vector_load %arg11[%get3A_756, %get3A_757] {strides = array<i32>} : memref<1008x64xf32, #tpu.memory_space<vmem>>, vector<1x16xf32>,
      %get3A_759 = vector.shape_cast %get3A_758 : vector<1x16xf32> to vector<16xf32>
      %mul3A_760 = arith.mulf %get3A_759, %broadcast_in_dim3A_755 : vector<16xf32>
      %swap3A_761 = arith.index_cast %add3A_752 : i32 to index
      %swap3A_762 = arith.constant 0 : index
      %swap3A_763 = tpu.vector_load %arg11[%swap3A_761, %swap3A_762] {strides = array<i32>} : memref<1008x64xf32, #tpu.memory_space<vmem>>, vector<1x16xf32>,
      %swap3A_764 = vector.shape_cast %swap3A_763 : vector<1x16xf32> to vector<16xf32>
      %swap3A_765 = vector.shape_cast %mul3A_760 : vector<16xf32> to vector<1x16xf32>
      tpu.vector_store %arg11[%swap3A_761, %swap3A_762], %swap3A_765 {strides = array<i32>} : memref<1008x64xf32, #tpu.memory_space<vmem>>, vector<1x16xf32>,
      %get3A_766 = arith.index_cast %add3A_752 : i32 to index
      %get3A_767 = arith.constant 16 : index
      %get3A_768 = tpu.vector_load %arg11[%get3A_766, %get3A_767] {strides = array<i32>} : memref<1008x64xf32, #tpu.memory_space<vmem>>, vector<1x16xf32>,
      %get3A_769 = vector.shape_cast %get3A_768 : vector<1x16xf32> to vector<16xf32>
      %mul3A_770 = arith.mulf %get3A_769, %broadcast_in_dim3A_755 : vector<16xf32>
      %swap3A_771 = arith.index_cast %add3A_752 : i32 to index
      %swap3A_772 = arith.constant 16 : index
      %swap3A_773 = tpu.vector_load %arg11[%swap3A_771, %swap3A_772] {strides = array<i32>} : memref<1008x64xf32, #tpu.memory_space<vmem>>, vector<1x16xf32>,
      %swap3A_774 = vector.shape_cast %swap3A_773 : vector<1x16xf32> to vector<16xf32>
      %swap3A_775 = vector.shape_cast %mul3A_770 : vector<16xf32> to vector<1x16xf32>
      tpu.vector_store %arg11[%swap3A_771, %swap3A_772], %swap3A_775 {strides = array<i32>} : memref<1008x64xf32, #tpu.memory_space<vmem>>, vector<1x16xf32>,
      %get3A_776 = arith.index_cast %add3A_752 : i32 to index
      %get3A_777 = arith.constant 32 : index
      %get3A_778 = tpu.vector_load %arg11[%get3A_776, %get3A_777] {strides = array<i32>} : memref<1008x64xf32, #tpu.memory_space<vmem>>, vector<1x16xf32>,
      %get3A_779 = vector.shape_cast %get3A_778 : vector<1x16xf32> to vector<16xf32>
      %mul3A_780 = arith.mulf %get3A_779, %broadcast_in_dim3A_755 : vector<16xf32>
      %swap3A_781 = arith.index_cast %add3A_752 : i32 to index
      %swap3A_782 = arith.constant 32 : index
      %swap3A_783 = tpu.vector_load %arg11[%swap3A_781, %swap3A_782] {strides = array<i32>} : memref<1008x64xf32, #tpu.memory_space<vmem>>, vector<1x16xf32>,
      %swap3A_784 = vector.shape_cast %swap3A_783 : vector<1x16xf32> to vector<16xf32>
      %swap3A_785 = vector.shape_cast %mul3A_780 : vector<16xf32> to vector<1x16xf32>
      tpu.vector_store %arg11[%swap3A_781, %swap3A_782], %swap3A_785 {strides = array<i32>} : memref<1008x64xf32, #tpu.memory_space<vmem>>, vector<1x16xf32>,
      %get3A_786 = arith.index_cast %add3A_752 : i32 to index
      %get3A_787 = arith.constant 48 : index
      %get3A_788 = tpu.vector_load %arg11[%get3A_786, %get3A_787] {strides = array<i32>} : memref<1008x64xf32, #tpu.memory_space<vmem>>, vector<1x16xf32>,
      %get3A_789 = vector.shape_cast %get3A_788 : vector<1x16xf32> to vector<16xf32>
      %mul3A_790 = arith.mulf %get3A_789, %broadcast_in_dim3A_755 : vector<16xf32>
      %swap3A_791 = arith.index_cast %add3A_752 : i32 to index
      %swap3A_792 = arith.constant 48 : index
      %swap3A_793 = tpu.vector_load %arg11[%swap3A_791, %swap3A_792] {strides = array<i32>} : memref<1008x64xf32, #tpu.memory_space<vmem>>, vector<1x16xf32>,
      %swap3A_794 = vector.shape_cast %swap3A_793 : vector<1x16xf32> to vector<16xf32>
      %swap3A_795 = vector.shape_cast %mul3A_790 : vector<16xf32> to vector<1x16xf32>
      tpu.vector_store %arg11[%swap3A_791, %swap3A_792], %swap3A_795 {strides = array<i32>} : memref<1008x64xf32, #tpu.memory_space<vmem>>, vector<1x16xf32>,
    }
    %scan3A_35 = arith.constant 58 : i32
    "tpu.region"() ({
      %run_scoped3A = tpu.sem_alloc : memref<!tpu.dma_semaphore, #tpu.memory_space<semaphore_mem>>
      %dma_start3A_42 = arith.constant 0 : i32
      %dma_start3A_43 = arith.constant 0 : i32
      %dma_start3A_44 = tpu.memref_slice %arg11[%dma_start3A_42, %dma_start3A_43] : memref<1008x64xf32, #tpu.memory_space<vmem>> -> memref<928x64xf32, #tpu.memory_space<vmem>>
      %dma_start3A_45 = arith.constant 0 : i32
      %dma_start3A_46 = tpu.memref_slice %arg9[%dma_start3A_45] : memref<1008xi32, #tpu.memory_space<vmem>> -> memref<928xi32, #tpu.memory_space<vmem>>
      %dma_start3A_47 = arith.constant 0 : i32
      %dma_start3A_48 = arith.constant 0 : i32
      %dma_start3A_49 = tpu.memref_slice %arg12[%dma_start3A_47, %dma_start3A_48] : memref<10000x64xf32, #tpu.memory_space<vmem_shared>> -> memref<10000x64xf32, #tpu.memory_space<vmem_shared>>
      tpu.enqueue_indirect_dma source(%dma_start3A_44 : memref<928x64xf32, #tpu.memory_space<vmem>>) target(%dma_start3A_49 : memref<10000x64xf32, #tpu.memory_space<vmem_shared>>) offsets(%dma_start3A_46 : memref<928xi32, #tpu.memory_space<vmem>>) semaphore(%run_scoped3A : memref<!tpu.dma_semaphore, #tpu.memory_space<semaphore_mem>>) {add = true}
      %dma_wait3A_50 = arith.constant 0 : i32
      %dma_wait3A_51 = arith.constant 0 : i32
      %dma_wait3A_52 = tpu.memref_slice %arg11[%dma_wait3A_50, %dma_wait3A_51] : memref<1008x64xf32, #tpu.memory_space<vmem>> -> memref<928x64xf32, #tpu.memory_space<vmem>>
      %dma_wait3A_53 = arith.constant 0 : i32
      %dma_wait3A_54 = tpu.memref_slice %arg9[%dma_wait3A_53] : memref<1008xi32, #tpu.memory_space<vmem>> -> memref<928xi32, #tpu.memory_space<vmem>>
      %dma_wait3A_55 = arith.constant 0 : i32
      %dma_wait3A_56 = arith.constant 0 : i32
      %dma_wait3A_57 = tpu.memref_slice %arg12[%dma_wait3A_55, %dma_wait3A_56] : memref<10000x64xf32, #tpu.memory_space<vmem_shared>> -> memref<10000x64xf32, #tpu.memory_space<vmem_shared>>
      tpu.wait_indirect_dma semaphore(%run_scoped3A : memref<!tpu.dma_semaphore, #tpu.memory_space<semaphore_mem>>) src(%dma_wait3A_52 : memref<928x64xf32, #tpu.memory_space<vmem>>) dst(%dma_wait3A_57 : memref<10000x64xf32, #tpu.memory_space<vmem_shared>>)
      tpu.yield
    }) : () -> ()
    %barrier3A_36 = arith.constant 0 : index
    tpu.barrier barrier_id(%barrier3A_36)
    "tpu.region"() ({
      %run_scoped3A = tpu.sem_alloc : memref<!tpu.dma_semaphore, #tpu.memory_space<semaphore_mem>>
      %dma_start3A_42 = arith.constant 0 : i32
      %dma_start3A_43 = tpu.memref_slice %arg7[%arg0, %multiple_of3A, %dma_start3A_42] : memref<2x10000x64xf32, #tpu.memory_space<hbm>> -> memref<1x624x64xf32, #tpu.memory_space<hbm>>
      %dma_start3A_44 = tpu.memref_squeeze %dma_start3A_43 : memref<1x624x64xf32, #tpu.memory_space<hbm>> -> memref<624x64xf32, #tpu.memory_space<hbm>>
      %dma_start3A_45 = arith.constant 0 : i32
      %dma_start3A_46 = tpu.memref_slice %arg12[%multiple_of3A, %dma_start3A_45] : memref<10000x64xf32, #tpu.memory_space<vmem_shared>> -> memref<624x64xf32, #tpu.memory_space<vmem_shared>>
      tpu.enqueue_dma source(%dma_start3A_46 : memref<624x64xf32, #tpu.memory_space<vmem_shared>>) target(%dma_start3A_44 : memref<624x64xf32, #tpu.memory_space<hbm>>) target_semaphore(%run_scoped3A : memref<!tpu.dma_semaphore, #tpu.memory_space<semaphore_mem>>)
      %dma_wait3A_47 = arith.constant 0 : i32
      %dma_wait3A_48 = tpu.memref_slice %arg7[%arg0, %multiple_of3A, %dma_wait3A_47] : memref<2x10000x64xf32, #tpu.memory_space<hbm>> -> memref<1x624x64xf32, #tpu.memory_space<hbm>>
      %dma_wait3A_49 = tpu.memref_squeeze %dma_wait3A_48 : memref<1x624x64xf32, #tpu.memory_space<hbm>> -> memref<624x64xf32, #tpu.memory_space<hbm>>
      %dma_wait3A_50 = arith.constant 0 : i32
      %dma_wait3A_51 = tpu.memref_slice %arg12[%multiple_of3A, %dma_wait3A_50] : memref<10000x64xf32, #tpu.memory_space<vmem_shared>> -> memref<624x64xf32, #tpu.memory_space<vmem_shared>>
      tpu.wait_dma2 semaphore(%run_scoped3A : memref<!tpu.dma_semaphore, #tpu.memory_space<semaphore_mem>>) src(%dma_wait3A_51 : memref<624x64xf32, #tpu.memory_space<vmem_shared>>) dst(%dma_wait3A_49 : memref<624x64xf32, #tpu.memory_space<hbm>>)
      tpu.yield
    }) : () -> ()
    %eq3A_37 = arith.constant 0 : i32
    %eq3A_38 = arith.cmpi eq, %arg1, %eq3A_37 : i32
    %convert_element_type3A_39 = arith.extui %eq3A_38 : i1 to i32
    %cond3A_40 = arith.constant 0 : i32
    %cond3A_41 = arith.cmpi ne, %convert_element_type3A_39, %cond3A_40 : i32
    scf.if %cond3A_41 {
      "tpu.region"() ({
        %run_scoped3A = tpu.sem_alloc : memref<!tpu.dma_semaphore, #tpu.memory_space<semaphore_mem>>
        %dma_start3A_42 = arith.constant 9984 : i32
        %dma_start3A_43 = arith.constant 0 : i32
        %dma_start3A_44 = tpu.memref_slice %arg7[%arg0, %dma_start3A_42, %dma_start3A_43] : memref<2x10000x64xf32, #tpu.memory_space<hbm>> -> memref<1x16x64xf32, #tpu.memory_space<hbm>>
        %dma_start3A_45 = tpu.memref_squeeze %dma_start3A_44 : memref<1x16x64xf32, #tpu.memory_space<hbm>> -> memref<16x64xf32, #tpu.memory_space<hbm>>
        %dma_start3A_46 = arith.constant 9984 : i32
        %dma_start3A_47 = arith.constant 0 : i32
        %dma_start3A_48 = tpu.memref_slice %arg12[%dma_start3A_46, %dma_start3A_47] : memref<10000x64xf32, #tpu.memory_space<vmem_shared>> -> memref<16x64xf32, #tpu.memory_space<vmem_shared>>
        tpu.enqueue_dma source(%dma_start3A_48 : memref<16x64xf32, #tpu.memory_space<vmem_shared>>) target(%dma_start3A_45 : memref<16x64xf32, #tpu.memory_space<hbm>>) target_semaphore(%run_scoped3A : memref<!tpu.dma_semaphore, #tpu.memory_space<semaphore_mem>>)
        %dma_wait3A_49 = arith.constant 9984 : i32
        %dma_wait3A_50 = arith.constant 0 : i32
        %dma_wait3A_51 = tpu.memref_slice %arg7[%arg0, %dma_wait3A_49, %dma_wait3A_50] : memref<2x10000x64xf32, #tpu.memory_space<hbm>> -> memref<1x16x64xf32, #tpu.memory_space<hbm>>
        %dma_wait3A_52 = tpu.memref_squeeze %dma_wait3A_51 : memref<1x16x64xf32, #tpu.memory_space<hbm>> -> memref<16x64xf32, #tpu.memory_space<hbm>>
        %dma_wait3A_53 = arith.constant 9984 : i32
        %dma_wait3A_54 = arith.constant 0 : i32
        %dma_wait3A_55 = tpu.memref_slice %arg12[%dma_wait3A_53, %dma_wait3A_54] : memref<10000x64xf32, #tpu.memory_space<vmem_shared>> -> memref<16x64xf32, #tpu.memory_space<vmem_shared>>
        tpu.wait_dma2 semaphore(%run_scoped3A : memref<!tpu.dma_semaphore, #tpu.memory_space<semaphore_mem>>) src(%dma_wait3A_55 : memref<16x64xf32, #tpu.memory_space<vmem_shared>>) dst(%dma_wait3A_52 : memref<16x64xf32, #tpu.memory_space<hbm>>)
        tpu.yield
      }) : () -> ()
    } else {
    }
    return
  }
}

#map = affine_map<(d0, d1) -> (0, 0)>
#map1 = affine_map<(d0, d1) -> (0)>
#map2 = affine_map<(d0, d1) -> (0, 0, 0)>
module attributes {stable_mosaic.version = 14 : i64} {
  func.func @_spmm_body(%arg0: i32, %arg1: i32, %arg2: memref<10000x64xf32, #tpu.memory_space<hbm>>, %arg3: memref<320000xi32, #tpu.memory_space<hbm>>, %arg4: memref<320000xi32, #tpu.memory_space<hbm>>, %arg5: memref<320000xf32, #tpu.memory_space<hbm>>, %arg6: memref<10000x64xf32, #tpu.memory_space<hbm>>, %arg7: memref<2x10000x64xf32, #tpu.memory_space<hbm>>, %arg8: memref<1008xi32, #tpu.memory_space<vmem>>, %arg9: memref<1008xi32, #tpu.memory_space<vmem>>, %arg10: memref<1008xf32, #tpu.memory_space<vmem>>, %arg11: memref<1008x64xf32, #tpu.memory_space<vmem>>, %arg12: memref<10000x64xf32, #tpu.memory_space<vmem_shared>>, %arg13: memref<!tpu.dma_semaphore, #tpu.memory_space<semaphore_mem>>) attributes {dimension_semantics = [#tpu.dimension_semantics<core_parallel>, #tpu.dimension_semantics<subcore_parallel>], iteration_bounds = array<i64: 2, 16>, scalar_prefetch = 0 : i64, scratch_operands = 6 : i64, tpu.core_type = #tpu.core_type<sc_vector_subcore>, window_params = [{transform_indices = #map}, {transform_indices = #map1}, {transform_indices = #map1}, {transform_indices = #map1}, {transform_indices = #map}, {transform_indices = #map2}]} {
    %mul3A = arith.constant 2 : i32
    %mul3A_0 = arith.muli %arg1, %mul3A : i32
    %add3A = arith.addi %mul3A_0, %arg0 : i32
    %mul3A_1 = arith.constant 624 : i32
    %mul3A_2 = arith.muli %arg1, %mul3A_1 : i32
    %multiple_of3A = tpu.assume_multiple %mul3A_2, 8 : i32
    "tpu.region"() ({
      %run_scoped3A = tpu.sem_alloc : memref<!tpu.dma_semaphore, #tpu.memory_space<semaphore_mem>>
      %dma_start3A_42 = arith.constant 0 : i32
      %dma_start3A_43 = tpu.memref_slice %arg12[%multiple_of3A, %dma_start3A_42] : memref<10000x64xf32, #tpu.memory_space<vmem_shared>> -> memref<624x64xf32, #tpu.memory_space<vmem_shared>>
      %dma_start3A_44 = arith.constant 0 : i32
      %dma_start3A_45 = tpu.memref_slice %arg6[%multiple_of3A, %dma_start3A_44] : memref<10000x64xf32, #tpu.memory_space<hbm>> -> memref<624x64xf32, #tpu.memory_space<hbm>>
      tpu.enqueue_dma source(%dma_start3A_45 : memref<624x64xf32, #tpu.memory_space<hbm>>) target(%dma_start3A_43 : memref<624x64xf32, #tpu.memory_space<vmem_shared>>) target_semaphore(%run_scoped3A : memref<!tpu.dma_semaphore, #tpu.memory_space<semaphore_mem>>)
      %dma_wait3A_46 = arith.constant 0 : i32
      %dma_wait3A_47 = tpu.memref_slice %arg12[%multiple_of3A, %dma_wait3A_46] : memref<10000x64xf32, #tpu.memory_space<vmem_shared>> -> memref<624x64xf32, #tpu.memory_space<vmem_shared>>
      %dma_wait3A_48 = arith.constant 0 : i32
      %dma_wait3A_49 = tpu.memref_slice %arg6[%multiple_of3A, %dma_wait3A_48] : memref<10000x64xf32, #tpu.memory_space<hbm>> -> memref<624x64xf32, #tpu.memory_space<hbm>>
      tpu.wait_dma2 semaphore(%run_scoped3A : memref<!tpu.dma_semaphore, #tpu.memory_space<semaphore_mem>>) src(%dma_wait3A_49 : memref<624x64xf32, #tpu.memory_space<hbm>>) dst(%dma_wait3A_47 : memref<624x64xf32, #tpu.memory_space<vmem_shared>>)
      tpu.yield
    }) : () -> ()
    %eq3A = arith.constant 0 : i32
    %eq3A_3 = arith.cmpi eq, %arg1, %eq3A : i32
    %convert_element_type3A = arith.extui %eq3A_3 : i1 to i32
    %cond3A = arith.constant 0 : i32
    %cond3A_4 = arith.cmpi ne, %convert_element_type3A, %cond3A : i32
    scf.if %cond3A_4 {
      "tpu.region"() ({
        %run_scoped3A = tpu.sem_alloc : memref<!tpu.dma_semaphore, #tpu.memory_space<semaphore_mem>>
        %dma_start3A_42 = arith.constant 9984 : i32
        %dma_start3A_43 = arith.constant 0 : i32
        %dma_start3A_44 = tpu.memref_slice %arg12[%dma_start3A_42, %dma_start3A_43] : memref<10000x64xf32, #tpu.memory_space<vmem_shared>> -> memref<16x64xf32, #tpu.memory_space<vmem_shared>>
        %dma_start3A_45 = arith.constant 9984 : i32
        %dma_start3A_46 = arith.constant 0 : i32
        %dma_start3A_47 = tpu.memref_slice %arg6[%dma_start3A_45, %dma_start3A_46] : memref<10000x64xf32, #tpu.memory_space<hbm>> -> memref<16x64xf32, #tpu.memory_space<hbm>>
        tpu.enqueue_dma source(%dma_start3A_47 : memref<16x64xf32, #tpu.memory_space<hbm>>) target(%dma_start3A_44 : memref<16x64xf32, #tpu.memory_space<vmem_shared>>) target_semaphore(%run_scoped3A : memref<!tpu.dma_semaphore, #tpu.memory_space<semaphore_mem>>)
        %dma_wait3A_48 = arith.constant 9984 : i32
        %dma_wait3A_49 = arith.constant 0 : i32
        %dma_wait3A_50 = tpu.memref_slice %arg12[%dma_wait3A_48, %dma_wait3A_49] : memref<10000x64xf32, #tpu.memory_space<vmem_shared>> -> memref<16x64xf32, #tpu.memory_space<vmem_shared>>
        %dma_wait3A_51 = arith.constant 9984 : i32
        %dma_wait3A_52 = arith.constant 0 : i32
        %dma_wait3A_53 = tpu.memref_slice %arg6[%dma_wait3A_51, %dma_wait3A_52] : memref<10000x64xf32, #tpu.memory_space<hbm>> -> memref<16x64xf32, #tpu.memory_space<hbm>>
        tpu.wait_dma2 semaphore(%run_scoped3A : memref<!tpu.dma_semaphore, #tpu.memory_space<semaphore_mem>>) src(%dma_wait3A_53 : memref<16x64xf32, #tpu.memory_space<hbm>>) dst(%dma_wait3A_50 : memref<16x64xf32, #tpu.memory_space<vmem_shared>>)
        tpu.yield
      }) : () -> ()
    } else {
    }
    %barrier3A = arith.constant 0 : index
    tpu.barrier barrier_id(%barrier3A)
    %mul3A_5 = arith.constant 10000 : i32
    %mul3A_6 = arith.muli %add3A, %mul3A_5 : i32
    %multiple_of3A_7 = tpu.assume_multiple %mul3A_6, 8 : i32
    %scan3A = arith.constant 0 : i32
    %scan3A_8 = arith.constant 0 : i32
    %scan3A_9 = arith.constant 9 : i32
    %scan3A_10 = arith.addi %scan3A_8, %scan3A_9 : i32
    %scan3A_11 = arith.constant 1 : i32
    scf.for %scan3A_42 = %scan3A_8 to %scan3A_10 step %scan3A_11  : i32 {
      %mul3A_43 = arith.constant 1008 : i32
      %mul3A_44 = arith.muli %scan3A_42, %mul3A_43 : i32
      %add3A_45 = arith.addi %multiple_of3A_7, %mul3A_44 : i32
      %multiple_of3A_46 = tpu.assume_multiple %add3A_45, 8 : i32
      "tpu.region"() ({
        %run_scoped3A = tpu.sem_alloc : memref<!tpu.dma_semaphore, #tpu.memory_space<semaphore_mem>>
        %dma_start3A_69 = arith.constant 0 : i32
        %dma_start3A_70 = tpu.memref_slice %arg8[%dma_start3A_69] : memref<1008xi32, #tpu.memory_space<vmem>> -> memref<1008xi32, #tpu.memory_space<vmem>>
        %dma_start3A_71 = tpu.memref_slice %arg3[%multiple_of3A_46] : memref<320000xi32, #tpu.memory_space<hbm>> -> memref<1008xi32, #tpu.memory_space<hbm>>
        %dma_start3A_72 = arith.constant 0 : i32
        %dma_start3A_73 = tpu.memref_slice %arg8[%dma_start3A_72] : memref<1008xi32, #tpu.memory_space<vmem>> -> memref<1008xi32, #tpu.memory_space<vmem>>
        %dma_start3A_74 = tpu.memref_slice %arg3[%multiple_of3A_46] : memref<320000xi32, #tpu.memory_space<hbm>> -> memref<1008xi32, #tpu.memory_space<hbm>>
        tpu.enqueue_dma source(%dma_start3A_74 : memref<1008xi32, #tpu.memory_space<hbm>>) target(%dma_start3A_73 : memref<1008xi32, #tpu.memory_space<vmem>>) target_semaphore(%run_scoped3A : memref<!tpu.dma_semaphore, #tpu.memory_space<semaphore_mem>>)
        %dma_wait3A_75 = arith.constant 0 : i32
        %dma_wait3A_76 = tpu.memref_slice %arg8[%dma_wait3A_75] : memref<1008xi32, #tpu.memory_space<vmem>> -> memref<1008xi32, #tpu.memory_space<vmem>>
        %dma_wait3A_77 = tpu.memref_slice %arg3[%multiple_of3A_46] : memref<320000xi32, #tpu.memory_space<hbm>> -> memref<1008xi32, #tpu.memory_space<hbm>>
        %dma_wait3A_78 = arith.constant 0 : i32
        %dma_wait3A_79 = tpu.memref_slice %arg8[%dma_wait3A_78] : memref<1008xi32, #tpu.memory_space<vmem>> -> memref<1008xi32, #tpu.memory_space<vmem>>
        %dma_wait3A_80 = tpu.memref_slice %arg3[%multiple_of3A_46] : memref<320000xi32, #tpu.memory_space<hbm>> -> memref<1008xi32, #tpu.memory_space<hbm>>
        tpu.wait_dma2 semaphore(%run_scoped3A : memref<!tpu.dma_semaphore, #tpu.memory_space<semaphore_mem>>) src(%dma_wait3A_80 : memref<1008xi32, #tpu.memory_space<hbm>>) dst(%dma_wait3A_79 : memref<1008xi32, #tpu.memory_space<vmem>>)
        tpu.yield
      }) : () -> ()
      "tpu.region"() ({
        %run_scoped3A = tpu.sem_alloc : memref<!tpu.dma_semaphore, #tpu.memory_space<semaphore_mem>>
        %dma_start3A_69 = arith.constant 0 : i32
        %dma_start3A_70 = tpu.memref_slice %arg9[%dma_start3A_69] : memref<1008xi32, #tpu.memory_space<vmem>> -> memref<1008xi32, #tpu.memory_space<vmem>>
        %dma_start3A_71 = tpu.memref_slice %arg4[%multiple_of3A_46] : memref<320000xi32, #tpu.memory_space<hbm>> -> memref<1008xi32, #tpu.memory_space<hbm>>
        %dma_start3A_72 = arith.constant 0 : i32
        %dma_start3A_73 = tpu.memref_slice %arg9[%dma_start3A_72] : memref<1008xi32, #tpu.memory_space<vmem>> -> memref<1008xi32, #tpu.memory_space<vmem>>
        %dma_start3A_74 = tpu.memref_slice %arg4[%multiple_of3A_46] : memref<320000xi32, #tpu.memory_space<hbm>> -> memref<1008xi32, #tpu.memory_space<hbm>>
        tpu.enqueue_dma source(%dma_start3A_74 : memref<1008xi32, #tpu.memory_space<hbm>>) target(%dma_start3A_73 : memref<1008xi32, #tpu.memory_space<vmem>>) target_semaphore(%run_scoped3A : memref<!tpu.dma_semaphore, #tpu.memory_space<semaphore_mem>>)
        %dma_wait3A_75 = arith.constant 0 : i32
        %dma_wait3A_76 = tpu.memref_slice %arg9[%dma_wait3A_75] : memref<1008xi32, #tpu.memory_space<vmem>> -> memref<1008xi32, #tpu.memory_space<vmem>>
        %dma_wait3A_77 = tpu.memref_slice %arg4[%multiple_of3A_46] : memref<320000xi32, #tpu.memory_space<hbm>> -> memref<1008xi32, #tpu.memory_space<hbm>>
        %dma_wait3A_78 = arith.constant 0 : i32
        %dma_wait3A_79 = tpu.memref_slice %arg9[%dma_wait3A_78] : memref<1008xi32, #tpu.memory_space<vmem>> -> memref<1008xi32, #tpu.memory_space<vmem>>
        %dma_wait3A_80 = tpu.memref_slice %arg4[%multiple_of3A_46] : memref<320000xi32, #tpu.memory_space<hbm>> -> memref<1008xi32, #tpu.memory_space<hbm>>
        tpu.wait_dma2 semaphore(%run_scoped3A : memref<!tpu.dma_semaphore, #tpu.memory_space<semaphore_mem>>) src(%dma_wait3A_80 : memref<1008xi32, #tpu.memory_space<hbm>>) dst(%dma_wait3A_79 : memref<1008xi32, #tpu.memory_space<vmem>>)
        tpu.yield
      }) : () -> ()
      "tpu.region"() ({
        %run_scoped3A = tpu.sem_alloc : memref<!tpu.dma_semaphore, #tpu.memory_space<semaphore_mem>>
        %dma_start3A_69 = arith.constant 0 : i32
        %dma_start3A_70 = tpu.memref_slice %arg10[%dma_start3A_69] : memref<1008xf32, #tpu.memory_space<vmem>> -> memref<1008xf32, #tpu.memory_space<vmem>>
        %dma_start3A_71 = tpu.memref_slice %arg5[%multiple_of3A_46] : memref<320000xf32, #tpu.memory_space<hbm>> -> memref<1008xf32, #tpu.memory_space<hbm>>
        %dma_start3A_72 = arith.constant 0 : i32
        %dma_start3A_73 = tpu.memref_slice %arg10[%dma_start3A_72] : memref<1008xf32, #tpu.memory_space<vmem>> -> memref<1008xf32, #tpu.memory_space<vmem>>
        %dma_start3A_74 = tpu.memref_slice %arg5[%multiple_of3A_46] : memref<320000xf32, #tpu.memory_space<hbm>> -> memref<1008xf32, #tpu.memory_space<hbm>>
        tpu.enqueue_dma source(%dma_start3A_74 : memref<1008xf32, #tpu.memory_space<hbm>>) target(%dma_start3A_73 : memref<1008xf32, #tpu.memory_space<vmem>>) target_semaphore(%run_scoped3A : memref<!tpu.dma_semaphore, #tpu.memory_space<semaphore_mem>>)
        %dma_wait3A_75 = arith.constant 0 : i32
        %dma_wait3A_76 = tpu.memref_slice %arg10[%dma_wait3A_75] : memref<1008xf32, #tpu.memory_space<vmem>> -> memref<1008xf32, #tpu.memory_space<vmem>>
        %dma_wait3A_77 = tpu.memref_slice %arg5[%multiple_of3A_46] : memref<320000xf32, #tpu.memory_space<hbm>> -> memref<1008xf32, #tpu.memory_space<hbm>>
        %dma_wait3A_78 = arith.constant 0 : i32
        %dma_wait3A_79 = tpu.memref_slice %arg10[%dma_wait3A_78] : memref<1008xf32, #tpu.memory_space<vmem>> -> memref<1008xf32, #tpu.memory_space<vmem>>
        %dma_wait3A_80 = tpu.memref_slice %arg5[%multiple_of3A_46] : memref<320000xf32, #tpu.memory_space<hbm>> -> memref<1008xf32, #tpu.memory_space<hbm>>
        tpu.wait_dma2 semaphore(%run_scoped3A : memref<!tpu.dma_semaphore, #tpu.memory_space<semaphore_mem>>) src(%dma_wait3A_80 : memref<1008xf32, #tpu.memory_space<hbm>>) dst(%dma_wait3A_79 : memref<1008xf32, #tpu.memory_space<vmem>>)
        tpu.yield
      }) : () -> ()
      %dma_start3A_47 = arith.constant 0 : i32
      %dma_start3A_48 = arith.constant 0 : i32
      %dma_start3A_49 = tpu.memref_slice %arg11[%dma_start3A_47, %dma_start3A_48] : memref<1008x64xf32, #tpu.memory_space<vmem>> -> memref<1008x64xf32, #tpu.memory_space<vmem>>
      %dma_start3A_50 = arith.constant 0 : i32
      %dma_start3A_51 = tpu.memref_slice %arg8[%dma_start3A_50] : memref<1008xi32, #tpu.memory_space<vmem>> -> memref<1008xi32, #tpu.memory_space<vmem>>
      %dma_start3A_52 = arith.constant 0 : i32
      %dma_start3A_53 = arith.constant 0 : i32
      %dma_start3A_54 = tpu.memref_slice %arg2[%dma_start3A_52, %dma_start3A_53] : memref<10000x64xf32, #tpu.memory_space<hbm>> -> memref<10000x64xf32, #tpu.memory_space<hbm>>
      tpu.enqueue_indirect_dma source(%dma_start3A_54 : memref<10000x64xf32, #tpu.memory_space<hbm>>) target(%dma_start3A_49 : memref<1008x64xf32, #tpu.memory_space<vmem>>) offsets(%dma_start3A_51 : memref<1008xi32, #tpu.memory_space<vmem>>) semaphore(%arg13 : memref<!tpu.dma_semaphore, #tpu.memory_space<semaphore_mem>>)
      %dma_wait3A_55 = arith.constant 0 : i32
      %dma_wait3A_56 = arith.constant 0 : i32
      %dma_wait3A_57 = tpu.memref_slice %arg11[%dma_wait3A_55, %dma_wait3A_56] : memref<1008x64xf32, #tpu.memory_space<vmem>> -> memref<1008x64xf32, #tpu.memory_space<vmem>>
      %dma_wait3A_58 = arith.constant 0 : i32
      %dma_wait3A_59 = tpu.memref_slice %arg8[%dma_wait3A_58] : memref<1008xi32, #tpu.memory_space<vmem>> -> memref<1008xi32, #tpu.memory_space<vmem>>
      %dma_wait3A_60 = arith.constant 0 : i32
      %dma_wait3A_61 = arith.constant 0 : i32
      %dma_wait3A_62 = tpu.memref_slice %arg2[%dma_wait3A_60, %dma_wait3A_61] : memref<10000x64xf32, #tpu.memory_space<hbm>> -> memref<10000x64xf32, #tpu.memory_space<hbm>>
      tpu.wait_indirect_dma semaphore(%arg13 : memref<!tpu.dma_semaphore, #tpu.memory_space<semaphore_mem>>) src(%dma_wait3A_62 : memref<10000x64xf32, #tpu.memory_space<hbm>>) dst(%dma_wait3A_57 : memref<1008x64xf32, #tpu.memory_space<vmem>>)
      %scan3A_63 = arith.constant 0 : i32
      %scan3A_64 = arith.constant 0 : i32
      %scan3A_65 = arith.constant 63 : i32
      %scan3A_66 = arith.addi %scan3A_64, %scan3A_65 : i32
      %scan3A_67 = arith.constant 1 : i32
      scf.for %scan3A_69 = %scan3A_64 to %scan3A_66 step %scan3A_67  : i32 {
        %mul3A_70 = arith.constant 16 : i32
        %mul3A_71 = arith.muli %scan3A_69, %mul3A_70 : i32
        %multiple_of3A_72 = tpu.assume_multiple %mul3A_71, 16 : i32
        %get3A = arith.index_cast %multiple_of3A_72 : i32 to index
        %get3A_73 = tpu.vector_load %arg10[%get3A] {strides = array<i32>} : memref<1008xf32, #tpu.memory_space<vmem>>, vector<16xf32>,
        %get3A_74 = vector.shape_cast %get3A_73 : vector<16xf32> to vector<16xf32>
        %mul3A_75 = arith.constant 16 : i32
        %mul3A_76 = arith.muli %scan3A_69, %mul3A_75 : i32
        %add3A_77 = arith.constant 0 : i32
        %add3A_78 = arith.addi %mul3A_76, %add3A_77 : i32
        %slice3A = vector.extract_strided_slice %get3A_74 {offsets = [0], sizes = [1], strides = [1]} : vector<16xf32> to vector<1xf32>
        %squeeze3A = vector.extract %slice3A[0] : f32 from vector<1xf32>
        %broadcast_in_dim3A = vector.broadcast %squeeze3A : f32 to vector<16xf32>
        %get3A_79 = arith.index_cast %add3A_78 : i32 to index
        %get3A_80 = arith.constant 0 : index
        %get3A_81 = tpu.vector_load %arg11[%get3A_79, %get3A_80] {strides = array<i32>} : memref<1008x64xf32, #tpu.memory_space<vmem>>, vector<1x16xf32>,
        %get3A_82 = vector.shape_cast %get3A_81 : vector<1x16xf32> to vector<16xf32>
        %mul3A_83 = arith.mulf %get3A_82, %broadcast_in_dim3A : vector<16xf32>
        %swap3A = arith.index_cast %add3A_78 : i32 to index
        %swap3A_84 = arith.constant 0 : index
        %swap3A_85 = tpu.vector_load %arg11[%swap3A, %swap3A_84] {strides = array<i32>} : memref<1008x64xf32, #tpu.memory_space<vmem>>, vector<1x16xf32>,
        %swap3A_86 = vector.shape_cast %swap3A_85 : vector<1x16xf32> to vector<16xf32>
        %swap3A_87 = vector.shape_cast %mul3A_83 : vector<16xf32> to vector<1x16xf32>
        tpu.vector_store %arg11[%swap3A, %swap3A_84], %swap3A_87 {strides = array<i32>} : memref<1008x64xf32, #tpu.memory_space<vmem>>, vector<1x16xf32>,
        %get3A_88 = arith.index_cast %add3A_78 : i32 to index
        %get3A_89 = arith.constant 16 : index
        %get3A_90 = tpu.vector_load %arg11[%get3A_88, %get3A_89] {strides = array<i32>} : memref<1008x64xf32, #tpu.memory_space<vmem>>, vector<1x16xf32>,
        %get3A_91 = vector.shape_cast %get3A_90 : vector<1x16xf32> to vector<16xf32>
        %mul3A_92 = arith.mulf %get3A_91, %broadcast_in_dim3A : vector<16xf32>
        %swap3A_93 = arith.index_cast %add3A_78 : i32 to index
        %swap3A_94 = arith.constant 16 : index
        %swap3A_95 = tpu.vector_load %arg11[%swap3A_93, %swap3A_94] {strides = array<i32>} : memref<1008x64xf32, #tpu.memory_space<vmem>>, vector<1x16xf32>,
        %swap3A_96 = vector.shape_cast %swap3A_95 : vector<1x16xf32> to vector<16xf32>
        %swap3A_97 = vector.shape_cast %mul3A_92 : vector<16xf32> to vector<1x16xf32>
        tpu.vector_store %arg11[%swap3A_93, %swap3A_94], %swap3A_97 {strides = array<i32>} : memref<1008x64xf32, #tpu.memory_space<vmem>>, vector<1x16xf32>,
        %get3A_98 = arith.index_cast %add3A_78 : i32 to index
        %get3A_99 = arith.constant 32 : index
        %get3A_100 = tpu.vector_load %arg11[%get3A_98, %get3A_99] {strides = array<i32>} : memref<1008x64xf32, #tpu.memory_space<vmem>>, vector<1x16xf32>,
        %get3A_101 = vector.shape_cast %get3A_100 : vector<1x16xf32> to vector<16xf32>
        %mul3A_102 = arith.mulf %get3A_101, %broadcast_in_dim3A : vector<16xf32>
        %swap3A_103 = arith.index_cast %add3A_78 : i32 to index
        %swap3A_104 = arith.constant 32 : index
        %swap3A_105 = tpu.vector_load %arg11[%swap3A_103, %swap3A_104] {strides = array<i32>} : memref<1008x64xf32, #tpu.memory_space<vmem>>, vector<1x16xf32>,
        %swap3A_106 = vector.shape_cast %swap3A_105 : vector<1x16xf32> to vector<16xf32>
        %swap3A_107 = vector.shape_cast %mul3A_102 : vector<16xf32> to vector<1x16xf32>
        tpu.vector_store %arg11[%swap3A_103, %swap3A_104], %swap3A_107 {strides = array<i32>} : memref<1008x64xf32, #tpu.memory_space<vmem>>, vector<1x16xf32>,
        %get3A_108 = arith.index_cast %add3A_78 : i32 to index
        %get3A_109 = arith.constant 48 : index
        %get3A_110 = tpu.vector_load %arg11[%get3A_108, %get3A_109] {strides = array<i32>} : memref<1008x64xf32, #tpu.memory_space<vmem>>, vector<1x16xf32>,
        %get3A_111 = vector.shape_cast %get3A_110 : vector<1x16xf32> to vector<16xf32>
        %mul3A_112 = arith.mulf %get3A_111, %broadcast_in_dim3A : vector<16xf32>
        %swap3A_113 = arith.index_cast %add3A_78 : i32 to index
        %swap3A_114 = arith.constant 48 : index
        %swap3A_115 = tpu.vector_load %arg11[%swap3A_113, %swap3A_114] {strides = array<i32>} : memref<1008x64xf32, #tpu.memory_space<vmem>>, vector<1x16xf32>,
        %swap3A_116 = vector.shape_cast %swap3A_115 : vector<1x16xf32> to vector<16xf32>
        %swap3A_117 = vector.shape_cast %mul3A_112 : vector<16xf32> to vector<1x16xf32>
        tpu.vector_store %arg11[%swap3A_113, %swap3A_114], %swap3A_117 {strides = array<i32>} : memref<1008x64xf32, #tpu.memory_space<vmem>>, vector<1x16xf32>,
        %mul3A_118 = arith.constant 16 : i32
        %mul3A_119 = arith.muli %scan3A_69, %mul3A_118 : i32
        %add3A_120 = arith.constant 1 : i32
        %add3A_121 = arith.addi %mul3A_119, %add3A_120 : i32
        %slice3A_122 = vector.extract_strided_slice %get3A_74 {offsets = [1], sizes = [1], strides = [1]} : vector<16xf32> to vector<1xf32>
        %squeeze3A_123 = vector.extract %slice3A_122[0] : f32 from vector<1xf32>
        %broadcast_in_dim3A_124 = vector.broadcast %squeeze3A_123 : f32 to vector<16xf32>
        %get3A_125 = arith.index_cast %add3A_121 : i32 to index
        %get3A_126 = arith.constant 0 : index
        %get3A_127 = tpu.vector_load %arg11[%get3A_125, %get3A_126] {strides = array<i32>} : memref<1008x64xf32, #tpu.memory_space<vmem>>, vector<1x16xf32>,
        %get3A_128 = vector.shape_cast %get3A_127 : vector<1x16xf32> to vector<16xf32>
        %mul3A_129 = arith.mulf %get3A_128, %broadcast_in_dim3A_124 : vector<16xf32>
        %swap3A_130 = arith.index_cast %add3A_121 : i32 to index
        %swap3A_131 = arith.constant 0 : index
        %swap3A_132 = tpu.vector_load %arg11[%swap3A_130, %swap3A_131] {strides = array<i32>} : memref<1008x64xf32, #tpu.memory_space<vmem>>, vector<1x16xf32>,
        %swap3A_133 = vector.shape_cast %swap3A_132 : vector<1x16xf32> to vector<16xf32>
        %swap3A_134 = vector.shape_cast %mul3A_129 : vector<16xf32> to vector<1x16xf32>
        tpu.vector_store %arg11[%swap3A_130, %swap3A_131], %swap3A_134 {strides = array<i32>} : memref<1008x64xf32, #tpu.memory_space<vmem>>, vector<1x16xf32>,
        %get3A_135 = arith.index_cast %add3A_121 : i32 to index
        %get3A_136 = arith.constant 16 : index
        %get3A_137 = tpu.vector_load %arg11[%get3A_135, %get3A_136] {strides = array<i32>} : memref<1008x64xf32, #tpu.memory_space<vmem>>, vector<1x16xf32>,
        %get3A_138 = vector.shape_cast %get3A_137 : vector<1x16xf32> to vector<16xf32>
        %mul3A_139 = arith.mulf %get3A_138, %broadcast_in_dim3A_124 : vector<16xf32>
        %swap3A_140 = arith.index_cast %add3A_121 : i32 to index
        %swap3A_141 = arith.constant 16 : index
        %swap3A_142 = tpu.vector_load %arg11[%swap3A_140, %swap3A_141] {strides = array<i32>} : memref<1008x64xf32, #tpu.memory_space<vmem>>, vector<1x16xf32>,
        %swap3A_143 = vector.shape_cast %swap3A_142 : vector<1x16xf32> to vector<16xf32>
        %swap3A_144 = vector.shape_cast %mul3A_139 : vector<16xf32> to vector<1x16xf32>
        tpu.vector_store %arg11[%swap3A_140, %swap3A_141], %swap3A_144 {strides = array<i32>} : memref<1008x64xf32, #tpu.memory_space<vmem>>, vector<1x16xf32>,
        %get3A_145 = arith.index_cast %add3A_121 : i32 to index
        %get3A_146 = arith.constant 32 : index
        %get3A_147 = tpu.vector_load %arg11[%get3A_145, %get3A_146] {strides = array<i32>} : memref<1008x64xf32, #tpu.memory_space<vmem>>, vector<1x16xf32>,
        %get3A_148 = vector.shape_cast %get3A_147 : vector<1x16xf32> to vector<16xf32>
        %mul3A_149 = arith.mulf %get3A_148, %broadcast_in_dim3A_124 : vector<16xf32>
        %swap3A_150 = arith.index_cast %add3A_121 : i32 to index
        %swap3A_151 = arith.constant 32 : index
        %swap3A_152 = tpu.vector_load %arg11[%swap3A_150, %swap3A_151] {strides = array<i32>} : memref<1008x64xf32, #tpu.memory_space<vmem>>, vector<1x16xf32>,
        %swap3A_153 = vector.shape_cast %swap3A_152 : vector<1x16xf32> to vector<16xf32>
        %swap3A_154 = vector.shape_cast %mul3A_149 : vector<16xf32> to vector<1x16xf32>
        tpu.vector_store %arg11[%swap3A_150, %swap3A_151], %swap3A_154 {strides = array<i32>} : memref<1008x64xf32, #tpu.memory_space<vmem>>, vector<1x16xf32>,
        %get3A_155 = arith.index_cast %add3A_121 : i32 to index
        %get3A_156 = arith.constant 48 : index
        %get3A_157 = tpu.vector_load %arg11[%get3A_155, %get3A_156] {strides = array<i32>} : memref<1008x64xf32, #tpu.memory_space<vmem>>, vector<1x16xf32>,
        %get3A_158 = vector.shape_cast %get3A_157 : vector<1x16xf32> to vector<16xf32>
        %mul3A_159 = arith.mulf %get3A_158, %broadcast_in_dim3A_124 : vector<16xf32>
        %swap3A_160 = arith.index_cast %add3A_121 : i32 to index
        %swap3A_161 = arith.constant 48 : index
        %swap3A_162 = tpu.vector_load %arg11[%swap3A_160, %swap3A_161] {strides = array<i32>} : memref<1008x64xf32, #tpu.memory_space<vmem>>, vector<1x16xf32>,
        %swap3A_163 = vector.shape_cast %swap3A_162 : vector<1x16xf32> to vector<16xf32>
        %swap3A_164 = vector.shape_cast %mul3A_159 : vector<16xf32> to vector<1x16xf32>
        tpu.vector_store %arg11[%swap3A_160, %swap3A_161], %swap3A_164 {strides = array<i32>} : memref<1008x64xf32, #tpu.memory_space<vmem>>, vector<1x16xf32>,
        %mul3A_165 = arith.constant 16 : i32
        %mul3A_166 = arith.muli %scan3A_69, %mul3A_165 : i32
        %add3A_167 = arith.constant 2 : i32
        %add3A_168 = arith.addi %mul3A_166, %add3A_167 : i32
        %slice3A_169 = vector.extract_strided_slice %get3A_74 {offsets = [2], sizes = [1], strides = [1]} : vector<16xf32> to vector<1xf32>
        %squeeze3A_170 = vector.extract %slice3A_169[0] : f32 from vector<1xf32>
        %broadcast_in_dim3A_171 = vector.broadcast %squeeze3A_170 : f32 to vector<16xf32>
        %get3A_172 = arith.index_cast %add3A_168 : i32 to index
        %get3A_173 = arith.constant 0 : index
        %get3A_174 = tpu.vector_load %arg11[%get3A_172, %get3A_173] {strides = array<i32>} : memref<1008x64xf32, #tpu.memory_space<vmem>>, vector<1x16xf32>,
        %get3A_175 = vector.shape_cast %get3A_174 : vector<1x16xf32> to vector<16xf32>
        %mul3A_176 = arith.mulf %get3A_175, %broadcast_in_dim3A_171 : vector<16xf32>
        %swap3A_177 = arith.index_cast %add3A_168 : i32 to index
        %swap3A_178 = arith.constant 0 : index
        %swap3A_179 = tpu.vector_load %arg11[%swap3A_177, %swap3A_178] {strides = array<i32>} : memref<1008x64xf32, #tpu.memory_space<vmem>>, vector<1x16xf32>,
        %swap3A_180 = vector.shape_cast %swap3A_179 : vector<1x16xf32> to vector<16xf32>
        %swap3A_181 = vector.shape_cast %mul3A_176 : vector<16xf32> to vector<1x16xf32>
        tpu.vector_store %arg11[%swap3A_177, %swap3A_178], %swap3A_181 {strides = array<i32>} : memref<1008x64xf32, #tpu.memory_space<vmem>>, vector<1x16xf32>,
        %get3A_182 = arith.index_cast %add3A_168 : i32 to index
        %get3A_183 = arith.constant 16 : index
        %get3A_184 = tpu.vector_load %arg11[%get3A_182, %get3A_183] {strides = array<i32>} : memref<1008x64xf32, #tpu.memory_space<vmem>>, vector<1x16xf32>,
        %get3A_185 = vector.shape_cast %get3A_184 : vector<1x16xf32> to vector<16xf32>
        %mul3A_186 = arith.mulf %get3A_185, %broadcast_in_dim3A_171 : vector<16xf32>
        %swap3A_187 = arith.index_cast %add3A_168 : i32 to index
        %swap3A_188 = arith.constant 16 : index
        %swap3A_189 = tpu.vector_load %arg11[%swap3A_187, %swap3A_188] {strides = array<i32>} : memref<1008x64xf32, #tpu.memory_space<vmem>>, vector<1x16xf32>,
        %swap3A_190 = vector.shape_cast %swap3A_189 : vector<1x16xf32> to vector<16xf32>
        %swap3A_191 = vector.shape_cast %mul3A_186 : vector<16xf32> to vector<1x16xf32>
        tpu.vector_store %arg11[%swap3A_187, %swap3A_188], %swap3A_191 {strides = array<i32>} : memref<1008x64xf32, #tpu.memory_space<vmem>>, vector<1x16xf32>,
        %get3A_192 = arith.index_cast %add3A_168 : i32 to index
        %get3A_193 = arith.constant 32 : index
        %get3A_194 = tpu.vector_load %arg11[%get3A_192, %get3A_193] {strides = array<i32>} : memref<1008x64xf32, #tpu.memory_space<vmem>>, vector<1x16xf32>,
        %get3A_195 = vector.shape_cast %get3A_194 : vector<1x16xf32> to vector<16xf32>
        %mul3A_196 = arith.mulf %get3A_195, %broadcast_in_dim3A_171 : vector<16xf32>
        %swap3A_197 = arith.index_cast %add3A_168 : i32 to index
        %swap3A_198 = arith.constant 32 : index
        %swap3A_199 = tpu.vector_load %arg11[%swap3A_197, %swap3A_198] {strides = array<i32>} : memref<1008x64xf32, #tpu.memory_space<vmem>>, vector<1x16xf32>,
        %swap3A_200 = vector.shape_cast %swap3A_199 : vector<1x16xf32> to vector<16xf32>
        %swap3A_201 = vector.shape_cast %mul3A_196 : vector<16xf32> to vector<1x16xf32>
        tpu.vector_store %arg11[%swap3A_197, %swap3A_198], %swap3A_201 {strides = array<i32>} : memref<1008x64xf32, #tpu.memory_space<vmem>>, vector<1x16xf32>,
        %get3A_202 = arith.index_cast %add3A_168 : i32 to index
        %get3A_203 = arith.constant 48 : index
        %get3A_204 = tpu.vector_load %arg11[%get3A_202, %get3A_203] {strides = array<i32>} : memref<1008x64xf32, #tpu.memory_space<vmem>>, vector<1x16xf32>,
        %get3A_205 = vector.shape_cast %get3A_204 : vector<1x16xf32> to vector<16xf32>
        %mul3A_206 = arith.mulf %get3A_205, %broadcast_in_dim3A_171 : vector<16xf32>
        %swap3A_207 = arith.index_cast %add3A_168 : i32 to index
        %swap3A_208 = arith.constant 48 : index
        %swap3A_209 = tpu.vector_load %arg11[%swap3A_207, %swap3A_208] {strides = array<i32>} : memref<1008x64xf32, #tpu.memory_space<vmem>>, vector<1x16xf32>,
        %swap3A_210 = vector.shape_cast %swap3A_209 : vector<1x16xf32> to vector<16xf32>
        %swap3A_211 = vector.shape_cast %mul3A_206 : vector<16xf32> to vector<1x16xf32>
        tpu.vector_store %arg11[%swap3A_207, %swap3A_208], %swap3A_211 {strides = array<i32>} : memref<1008x64xf32, #tpu.memory_space<vmem>>, vector<1x16xf32>,
        %mul3A_212 = arith.constant 16 : i32
        %mul3A_213 = arith.muli %scan3A_69, %mul3A_212 : i32
        %add3A_214 = arith.constant 3 : i32
        %add3A_215 = arith.addi %mul3A_213, %add3A_214 : i32
        %slice3A_216 = vector.extract_strided_slice %get3A_74 {offsets = [3], sizes = [1], strides = [1]} : vector<16xf32> to vector<1xf32>
        %squeeze3A_217 = vector.extract %slice3A_216[0] : f32 from vector<1xf32>
        %broadcast_in_dim3A_218 = vector.broadcast %squeeze3A_217 : f32 to vector<16xf32>
        %get3A_219 = arith.index_cast %add3A_215 : i32 to index
        %get3A_220 = arith.constant 0 : index
        %get3A_221 = tpu.vector_load %arg11[%get3A_219, %get3A_220] {strides = array<i32>} : memref<1008x64xf32, #tpu.memory_space<vmem>>, vector<1x16xf32>,
        %get3A_222 = vector.shape_cast %get3A_221 : vector<1x16xf32> to vector<16xf32>
        %mul3A_223 = arith.mulf %get3A_222, %broadcast_in_dim3A_218 : vector<16xf32>
        %swap3A_224 = arith.index_cast %add3A_215 : i32 to index
        %swap3A_225 = arith.constant 0 : index
        %swap3A_226 = tpu.vector_load %arg11[%swap3A_224, %swap3A_225] {strides = array<i32>} : memref<1008x64xf32, #tpu.memory_space<vmem>>, vector<1x16xf32>,
        %swap3A_227 = vector.shape_cast %swap3A_226 : vector<1x16xf32> to vector<16xf32>
        %swap3A_228 = vector.shape_cast %mul3A_223 : vector<16xf32> to vector<1x16xf32>
        tpu.vector_store %arg11[%swap3A_224, %swap3A_225], %swap3A_228 {strides = array<i32>} : memref<1008x64xf32, #tpu.memory_space<vmem>>, vector<1x16xf32>,
        %get3A_229 = arith.index_cast %add3A_215 : i32 to index
        %get3A_230 = arith.constant 16 : index
        %get3A_231 = tpu.vector_load %arg11[%get3A_229, %get3A_230] {strides = array<i32>} : memref<1008x64xf32, #tpu.memory_space<vmem>>, vector<1x16xf32>,
        %get3A_232 = vector.shape_cast %get3A_231 : vector<1x16xf32> to vector<16xf32>
        %mul3A_233 = arith.mulf %get3A_232, %broadcast_in_dim3A_218 : vector<16xf32>
        %swap3A_234 = arith.index_cast %add3A_215 : i32 to index
        %swap3A_235 = arith.constant 16 : index
        %swap3A_236 = tpu.vector_load %arg11[%swap3A_234, %swap3A_235] {strides = array<i32>} : memref<1008x64xf32, #tpu.memory_space<vmem>>, vector<1x16xf32>,
        %swap3A_237 = vector.shape_cast %swap3A_236 : vector<1x16xf32> to vector<16xf32>
        %swap3A_238 = vector.shape_cast %mul3A_233 : vector<16xf32> to vector<1x16xf32>
        tpu.vector_store %arg11[%swap3A_234, %swap3A_235], %swap3A_238 {strides = array<i32>} : memref<1008x64xf32, #tpu.memory_space<vmem>>, vector<1x16xf32>,
        %get3A_239 = arith.index_cast %add3A_215 : i32 to index
        %get3A_240 = arith.constant 32 : index
        %get3A_241 = tpu.vector_load %arg11[%get3A_239, %get3A_240] {strides = array<i32>} : memref<1008x64xf32, #tpu.memory_space<vmem>>, vector<1x16xf32>,
        %get3A_242 = vector.shape_cast %get3A_241 : vector<1x16xf32> to vector<16xf32>
        %mul3A_243 = arith.mulf %get3A_242, %broadcast_in_dim3A_218 : vector<16xf32>
        %swap3A_244 = arith.index_cast %add3A_215 : i32 to index
        %swap3A_245 = arith.constant 32 : index
        %swap3A_246 = tpu.vector_load %arg11[%swap3A_244, %swap3A_245] {strides = array<i32>} : memref<1008x64xf32, #tpu.memory_space<vmem>>, vector<1x16xf32>,
        %swap3A_247 = vector.shape_cast %swap3A_246 : vector<1x16xf32> to vector<16xf32>
        %swap3A_248 = vector.shape_cast %mul3A_243 : vector<16xf32> to vector<1x16xf32>
        tpu.vector_store %arg11[%swap3A_244, %swap3A_245], %swap3A_248 {strides = array<i32>} : memref<1008x64xf32, #tpu.memory_space<vmem>>, vector<1x16xf32>,
        %get3A_249 = arith.index_cast %add3A_215 : i32 to index
        %get3A_250 = arith.constant 48 : index
        %get3A_251 = tpu.vector_load %arg11[%get3A_249, %get3A_250] {strides = array<i32>} : memref<1008x64xf32, #tpu.memory_space<vmem>>, vector<1x16xf32>,
        %get3A_252 = vector.shape_cast %get3A_251 : vector<1x16xf32> to vector<16xf32>
        %mul3A_253 = arith.mulf %get3A_252, %broadcast_in_dim3A_218 : vector<16xf32>
        %swap3A_254 = arith.index_cast %add3A_215 : i32 to index
        %swap3A_255 = arith.constant 48 : index
        %swap3A_256 = tpu.vector_load %arg11[%swap3A_254, %swap3A_255] {strides = array<i32>} : memref<1008x64xf32, #tpu.memory_space<vmem>>, vector<1x16xf32>,
        %swap3A_257 = vector.shape_cast %swap3A_256 : vector<1x16xf32> to vector<16xf32>
        %swap3A_258 = vector.shape_cast %mul3A_253 : vector<16xf32> to vector<1x16xf32>
        tpu.vector_store %arg11[%swap3A_254, %swap3A_255], %swap3A_258 {strides = array<i32>} : memref<1008x64xf32, #tpu.memory_space<vmem>>, vector<1x16xf32>,
        %mul3A_259 = arith.constant 16 : i32
        %mul3A_260 = arith.muli %scan3A_69, %mul3A_259 : i32
        %add3A_261 = arith.constant 4 : i32
        %add3A_262 = arith.addi %mul3A_260, %add3A_261 : i32
        %slice3A_263 = vector.extract_strided_slice %get3A_74 {offsets = [4], sizes = [1], strides = [1]} : vector<16xf32> to vector<1xf32>
        %squeeze3A_264 = vector.extract %slice3A_263[0] : f32 from vector<1xf32>
        %broadcast_in_dim3A_265 = vector.broadcast %squeeze3A_264 : f32 to vector<16xf32>
        %get3A_266 = arith.index_cast %add3A_262 : i32 to index
        %get3A_267 = arith.constant 0 : index
        %get3A_268 = tpu.vector_load %arg11[%get3A_266, %get3A_267] {strides = array<i32>} : memref<1008x64xf32, #tpu.memory_space<vmem>>, vector<1x16xf32>,
        %get3A_269 = vector.shape_cast %get3A_268 : vector<1x16xf32> to vector<16xf32>
        %mul3A_270 = arith.mulf %get3A_269, %broadcast_in_dim3A_265 : vector<16xf32>
        %swap3A_271 = arith.index_cast %add3A_262 : i32 to index
        %swap3A_272 = arith.constant 0 : index
        %swap3A_273 = tpu.vector_load %arg11[%swap3A_271, %swap3A_272] {strides = array<i32>} : memref<1008x64xf32, #tpu.memory_space<vmem>>, vector<1x16xf32>,
        %swap3A_274 = vector.shape_cast %swap3A_273 : vector<1x16xf32> to vector<16xf32>
        %swap3A_275 = vector.shape_cast %mul3A_270 : vector<16xf32> to vector<1x16xf32>
        tpu.vector_store %arg11[%swap3A_271, %swap3A_272], %swap3A_275 {strides = array<i32>} : memref<1008x64xf32, #tpu.memory_space<vmem>>, vector<1x16xf32>,
        %get3A_276 = arith.index_cast %add3A_262 : i32 to index
        %get3A_277 = arith.constant 16 : index
        %get3A_278 = tpu.vector_load %arg11[%get3A_276, %get3A_277] {strides = array<i32>} : memref<1008x64xf32, #tpu.memory_space<vmem>>, vector<1x16xf32>,
        %get3A_279 = vector.shape_cast %get3A_278 : vector<1x16xf32> to vector<16xf32>
        %mul3A_280 = arith.mulf %get3A_279, %broadcast_in_dim3A_265 : vector<16xf32>
        %swap3A_281 = arith.index_cast %add3A_262 : i32 to index
        %swap3A_282 = arith.constant 16 : index
        %swap3A_283 = tpu.vector_load %arg11[%swap3A_281, %swap3A_282] {strides = array<i32>} : memref<1008x64xf32, #tpu.memory_space<vmem>>, vector<1x16xf32>,
        %swap3A_284 = vector.shape_cast %swap3A_283 : vector<1x16xf32> to vector<16xf32>
        %swap3A_285 = vector.shape_cast %mul3A_280 : vector<16xf32> to vector<1x16xf32>
        tpu.vector_store %arg11[%swap3A_281, %swap3A_282], %swap3A_285 {strides = array<i32>} : memref<1008x64xf32, #tpu.memory_space<vmem>>, vector<1x16xf32>,
        %get3A_286 = arith.index_cast %add3A_262 : i32 to index
        %get3A_287 = arith.constant 32 : index
        %get3A_288 = tpu.vector_load %arg11[%get3A_286, %get3A_287] {strides = array<i32>} : memref<1008x64xf32, #tpu.memory_space<vmem>>, vector<1x16xf32>,
        %get3A_289 = vector.shape_cast %get3A_288 : vector<1x16xf32> to vector<16xf32>
        %mul3A_290 = arith.mulf %get3A_289, %broadcast_in_dim3A_265 : vector<16xf32>
        %swap3A_291 = arith.index_cast %add3A_262 : i32 to index
        %swap3A_292 = arith.constant 32 : index
        %swap3A_293 = tpu.vector_load %arg11[%swap3A_291, %swap3A_292] {strides = array<i32>} : memref<1008x64xf32, #tpu.memory_space<vmem>>, vector<1x16xf32>,
        %swap3A_294 = vector.shape_cast %swap3A_293 : vector<1x16xf32> to vector<16xf32>
        %swap3A_295 = vector.shape_cast %mul3A_290 : vector<16xf32> to vector<1x16xf32>
        tpu.vector_store %arg11[%swap3A_291, %swap3A_292], %swap3A_295 {strides = array<i32>} : memref<1008x64xf32, #tpu.memory_space<vmem>>, vector<1x16xf32>,
        %get3A_296 = arith.index_cast %add3A_262 : i32 to index
        %get3A_297 = arith.constant 48 : index
        %get3A_298 = tpu.vector_load %arg11[%get3A_296, %get3A_297] {strides = array<i32>} : memref<1008x64xf32, #tpu.memory_space<vmem>>, vector<1x16xf32>,
        %get3A_299 = vector.shape_cast %get3A_298 : vector<1x16xf32> to vector<16xf32>
        %mul3A_300 = arith.mulf %get3A_299, %broadcast_in_dim3A_265 : vector<16xf32>
        %swap3A_301 = arith.index_cast %add3A_262 : i32 to index
        %swap3A_302 = arith.constant 48 : index
        %swap3A_303 = tpu.vector_load %arg11[%swap3A_301, %swap3A_302] {strides = array<i32>} : memref<1008x64xf32, #tpu.memory_space<vmem>>, vector<1x16xf32>,
        %swap3A_304 = vector.shape_cast %swap3A_303 : vector<1x16xf32> to vector<16xf32>
        %swap3A_305 = vector.shape_cast %mul3A_300 : vector<16xf32> to vector<1x16xf32>
        tpu.vector_store %arg11[%swap3A_301, %swap3A_302], %swap3A_305 {strides = array<i32>} : memref<1008x64xf32, #tpu.memory_space<vmem>>, vector<1x16xf32>,
        %mul3A_306 = arith.constant 16 : i32
        %mul3A_307 = arith.muli %scan3A_69, %mul3A_306 : i32
        %add3A_308 = arith.constant 5 : i32
        %add3A_309 = arith.addi %mul3A_307, %add3A_308 : i32
        %slice3A_310 = vector.extract_strided_slice %get3A_74 {offsets = [5], sizes = [1], strides = [1]} : vector<16xf32> to vector<1xf32>
        %squeeze3A_311 = vector.extract %slice3A_310[0] : f32 from vector<1xf32>
        %broadcast_in_dim3A_312 = vector.broadcast %squeeze3A_311 : f32 to vector<16xf32>
        %get3A_313 = arith.index_cast %add3A_309 : i32 to index
        %get3A_314 = arith.constant 0 : index
        %get3A_315 = tpu.vector_load %arg11[%get3A_313, %get3A_314] {strides = array<i32>} : memref<1008x64xf32, #tpu.memory_space<vmem>>, vector<1x16xf32>,
        %get3A_316 = vector.shape_cast %get3A_315 : vector<1x16xf32> to vector<16xf32>
        %mul3A_317 = arith.mulf %get3A_316, %broadcast_in_dim3A_312 : vector<16xf32>
        %swap3A_318 = arith.index_cast %add3A_309 : i32 to index
        %swap3A_319 = arith.constant 0 : index
        %swap3A_320 = tpu.vector_load %arg11[%swap3A_318, %swap3A_319] {strides = array<i32>} : memref<1008x64xf32, #tpu.memory_space<vmem>>, vector<1x16xf32>,
        %swap3A_321 = vector.shape_cast %swap3A_320 : vector<1x16xf32> to vector<16xf32>
        %swap3A_322 = vector.shape_cast %mul3A_317 : vector<16xf32> to vector<1x16xf32>
        tpu.vector_store %arg11[%swap3A_318, %swap3A_319], %swap3A_322 {strides = array<i32>} : memref<1008x64xf32, #tpu.memory_space<vmem>>, vector<1x16xf32>,
        %get3A_323 = arith.index_cast %add3A_309 : i32 to index
        %get3A_324 = arith.constant 16 : index
        %get3A_325 = tpu.vector_load %arg11[%get3A_323, %get3A_324] {strides = array<i32>} : memref<1008x64xf32, #tpu.memory_space<vmem>>, vector<1x16xf32>,
        %get3A_326 = vector.shape_cast %get3A_325 : vector<1x16xf32> to vector<16xf32>
        %mul3A_327 = arith.mulf %get3A_326, %broadcast_in_dim3A_312 : vector<16xf32>
        %swap3A_328 = arith.index_cast %add3A_309 : i32 to index
        %swap3A_329 = arith.constant 16 : index
        %swap3A_330 = tpu.vector_load %arg11[%swap3A_328, %swap3A_329] {strides = array<i32>} : memref<1008x64xf32, #tpu.memory_space<vmem>>, vector<1x16xf32>,
        %swap3A_331 = vector.shape_cast %swap3A_330 : vector<1x16xf32> to vector<16xf32>
        %swap3A_332 = vector.shape_cast %mul3A_327 : vector<16xf32> to vector<1x16xf32>
        tpu.vector_store %arg11[%swap3A_328, %swap3A_329], %swap3A_332 {strides = array<i32>} : memref<1008x64xf32, #tpu.memory_space<vmem>>, vector<1x16xf32>,
        %get3A_333 = arith.index_cast %add3A_309 : i32 to index
        %get3A_334 = arith.constant 32 : index
        %get3A_335 = tpu.vector_load %arg11[%get3A_333, %get3A_334] {strides = array<i32>} : memref<1008x64xf32, #tpu.memory_space<vmem>>, vector<1x16xf32>,
        %get3A_336 = vector.shape_cast %get3A_335 : vector<1x16xf32> to vector<16xf32>
        %mul3A_337 = arith.mulf %get3A_336, %broadcast_in_dim3A_312 : vector<16xf32>
        %swap3A_338 = arith.index_cast %add3A_309 : i32 to index
        %swap3A_339 = arith.constant 32 : index
        %swap3A_340 = tpu.vector_load %arg11[%swap3A_338, %swap3A_339] {strides = array<i32>} : memref<1008x64xf32, #tpu.memory_space<vmem>>, vector<1x16xf32>,
        %swap3A_341 = vector.shape_cast %swap3A_340 : vector<1x16xf32> to vector<16xf32>
        %swap3A_342 = vector.shape_cast %mul3A_337 : vector<16xf32> to vector<1x16xf32>
        tpu.vector_store %arg11[%swap3A_338, %swap3A_339], %swap3A_342 {strides = array<i32>} : memref<1008x64xf32, #tpu.memory_space<vmem>>, vector<1x16xf32>,
        %get3A_343 = arith.index_cast %add3A_309 : i32 to index
        %get3A_344 = arith.constant 48 : index
        %get3A_345 = tpu.vector_load %arg11[%get3A_343, %get3A_344] {strides = array<i32>} : memref<1008x64xf32, #tpu.memory_space<vmem>>, vector<1x16xf32>,
        %get3A_346 = vector.shape_cast %get3A_345 : vector<1x16xf32> to vector<16xf32>
        %mul3A_347 = arith.mulf %get3A_346, %broadcast_in_dim3A_312 : vector<16xf32>
        %swap3A_348 = arith.index_cast %add3A_309 : i32 to index
        %swap3A_349 = arith.constant 48 : index
        %swap3A_350 = tpu.vector_load %arg11[%swap3A_348, %swap3A_349] {strides = array<i32>} : memref<1008x64xf32, #tpu.memory_space<vmem>>, vector<1x16xf32>,
        %swap3A_351 = vector.shape_cast %swap3A_350 : vector<1x16xf32> to vector<16xf32>
        %swap3A_352 = vector.shape_cast %mul3A_347 : vector<16xf32> to vector<1x16xf32>
        tpu.vector_store %arg11[%swap3A_348, %swap3A_349], %swap3A_352 {strides = array<i32>} : memref<1008x64xf32, #tpu.memory_space<vmem>>, vector<1x16xf32>,
        %mul3A_353 = arith.constant 16 : i32
        %mul3A_354 = arith.muli %scan3A_69, %mul3A_353 : i32
        %add3A_355 = arith.constant 6 : i32
        %add3A_356 = arith.addi %mul3A_354, %add3A_355 : i32
        %slice3A_357 = vector.extract_strided_slice %get3A_74 {offsets = [6], sizes = [1], strides = [1]} : vector<16xf32> to vector<1xf32>
        %squeeze3A_358 = vector.extract %slice3A_357[0] : f32 from vector<1xf32>
        %broadcast_in_dim3A_359 = vector.broadcast %squeeze3A_358 : f32 to vector<16xf32>
        %get3A_360 = arith.index_cast %add3A_356 : i32 to index
        %get3A_361 = arith.constant 0 : index
        %get3A_362 = tpu.vector_load %arg11[%get3A_360, %get3A_361] {strides = array<i32>} : memref<1008x64xf32, #tpu.memory_space<vmem>>, vector<1x16xf32>,
        %get3A_363 = vector.shape_cast %get3A_362 : vector<1x16xf32> to vector<16xf32>
        %mul3A_364 = arith.mulf %get3A_363, %broadcast_in_dim3A_359 : vector<16xf32>
        %swap3A_365 = arith.index_cast %add3A_356 : i32 to index
        %swap3A_366 = arith.constant 0 : index
        %swap3A_367 = tpu.vector_load %arg11[%swap3A_365, %swap3A_366] {strides = array<i32>} : memref<1008x64xf32, #tpu.memory_space<vmem>>, vector<1x16xf32>,
        %swap3A_368 = vector.shape_cast %swap3A_367 : vector<1x16xf32> to vector<16xf32>
        %swap3A_369 = vector.shape_cast %mul3A_364 : vector<16xf32> to vector<1x16xf32>
        tpu.vector_store %arg11[%swap3A_365, %swap3A_366], %swap3A_369 {strides = array<i32>} : memref<1008x64xf32, #tpu.memory_space<vmem>>, vector<1x16xf32>,
        %get3A_370 = arith.index_cast %add3A_356 : i32 to index
        %get3A_371 = arith.constant 16 : index
        %get3A_372 = tpu.vector_load %arg11[%get3A_370, %get3A_371] {strides = array<i32>} : memref<1008x64xf32, #tpu.memory_space<vmem>>, vector<1x16xf32>,
        %get3A_373 = vector.shape_cast %get3A_372 : vector<1x16xf32> to vector<16xf32>
        %mul3A_374 = arith.mulf %get3A_373, %broadcast_in_dim3A_359 : vector<16xf32>
        %swap3A_375 = arith.index_cast %add3A_356 : i32 to index
        %swap3A_376 = arith.constant 16 : index
        %swap3A_377 = tpu.vector_load %arg11[%swap3A_375, %swap3A_376] {strides = array<i32>} : memref<1008x64xf32, #tpu.memory_space<vmem>>, vector<1x16xf32>,
        %swap3A_378 = vector.shape_cast %swap3A_377 : vector<1x16xf32> to vector<16xf32>
        %swap3A_379 = vector.shape_cast %mul3A_374 : vector<16xf32> to vector<1x16xf32>
        tpu.vector_store %arg11[%swap3A_375, %swap3A_376], %swap3A_379 {strides = array<i32>} : memref<1008x64xf32, #tpu.memory_space<vmem>>, vector<1x16xf32>,
        %get3A_380 = arith.index_cast %add3A_356 : i32 to index
        %get3A_381 = arith.constant 32 : index
        %get3A_382 = tpu.vector_load %arg11[%get3A_380, %get3A_381] {strides = array<i32>} : memref<1008x64xf32, #tpu.memory_space<vmem>>, vector<1x16xf32>,
        %get3A_383 = vector.shape_cast %get3A_382 : vector<1x16xf32> to vector<16xf32>
        %mul3A_384 = arith.mulf %get3A_383, %broadcast_in_dim3A_359 : vector<16xf32>
        %swap3A_385 = arith.index_cast %add3A_356 : i32 to index
        %swap3A_386 = arith.constant 32 : index
        %swap3A_387 = tpu.vector_load %arg11[%swap3A_385, %swap3A_386] {strides = array<i32>} : memref<1008x64xf32, #tpu.memory_space<vmem>>, vector<1x16xf32>,
        %swap3A_388 = vector.shape_cast %swap3A_387 : vector<1x16xf32> to vector<16xf32>
        %swap3A_389 = vector.shape_cast %mul3A_384 : vector<16xf32> to vector<1x16xf32>
        tpu.vector_store %arg11[%swap3A_385, %swap3A_386], %swap3A_389 {strides = array<i32>} : memref<1008x64xf32, #tpu.memory_space<vmem>>, vector<1x16xf32>,
        %get3A_390 = arith.index_cast %add3A_356 : i32 to index
        %get3A_391 = arith.constant 48 : index
        %get3A_392 = tpu.vector_load %arg11[%get3A_390, %get3A_391] {strides = array<i32>} : memref<1008x64xf32, #tpu.memory_space<vmem>>, vector<1x16xf32>,
        %get3A_393 = vector.shape_cast %get3A_392 : vector<1x16xf32> to vector<16xf32>
        %mul3A_394 = arith.mulf %get3A_393, %broadcast_in_dim3A_359 : vector<16xf32>
        %swap3A_395 = arith.index_cast %add3A_356 : i32 to index
        %swap3A_396 = arith.constant 48 : index
        %swap3A_397 = tpu.vector_load %arg11[%swap3A_395, %swap3A_396] {strides = array<i32>} : memref<1008x64xf32, #tpu.memory_space<vmem>>, vector<1x16xf32>,
        %swap3A_398 = vector.shape_cast %swap3A_397 : vector<1x16xf32> to vector<16xf32>
        %swap3A_399 = vector.shape_cast %mul3A_394 : vector<16xf32> to vector<1x16xf32>
        tpu.vector_store %arg11[%swap3A_395, %swap3A_396], %swap3A_399 {strides = array<i32>} : memref<1008x64xf32, #tpu.memory_space<vmem>>, vector<1x16xf32>,
        %mul3A_400 = arith.constant 16 : i32
        %mul3A_401 = arith.muli %scan3A_69, %mul3A_400 : i32
        %add3A_402 = arith.constant 7 : i32
        %add3A_403 = arith.addi %mul3A_401, %add3A_402 : i32
        %slice3A_404 = vector.extract_strided_slice %get3A_74 {offsets = [7], sizes = [1], strides = [1]} : vector<16xf32> to vector<1xf32>
        %squeeze3A_405 = vector.extract %slice3A_404[0] : f32 from vector<1xf32>
        %broadcast_in_dim3A_406 = vector.broadcast %squeeze3A_405 : f32 to vector<16xf32>
        %get3A_407 = arith.index_cast %add3A_403 : i32 to index
        %get3A_408 = arith.constant 0 : index
        %get3A_409 = tpu.vector_load %arg11[%get3A_407, %get3A_408] {strides = array<i32>} : memref<1008x64xf32, #tpu.memory_space<vmem>>, vector<1x16xf32>,
        %get3A_410 = vector.shape_cast %get3A_409 : vector<1x16xf32> to vector<16xf32>
        %mul3A_411 = arith.mulf %get3A_410, %broadcast_in_dim3A_406 : vector<16xf32>
        %swap3A_412 = arith.index_cast %add3A_403 : i32 to index
        %swap3A_413 = arith.constant 0 : index
        %swap3A_414 = tpu.vector_load %arg11[%swap3A_412, %swap3A_413] {strides = array<i32>} : memref<1008x64xf32, #tpu.memory_space<vmem>>, vector<1x16xf32>,
        %swap3A_415 = vector.shape_cast %swap3A_414 : vector<1x16xf32> to vector<16xf32>
        %swap3A_416 = vector.shape_cast %mul3A_411 : vector<16xf32> to vector<1x16xf32>
        tpu.vector_store %arg11[%swap3A_412, %swap3A_413], %swap3A_416 {strides = array<i32>} : memref<1008x64xf32, #tpu.memory_space<vmem>>, vector<1x16xf32>,
        %get3A_417 = arith.index_cast %add3A_403 : i32 to index
        %get3A_418 = arith.constant 16 : index
        %get3A_419 = tpu.vector_load %arg11[%get3A_417, %get3A_418] {strides = array<i32>} : memref<1008x64xf32, #tpu.memory_space<vmem>>, vector<1x16xf32>,
        %get3A_420 = vector.shape_cast %get3A_419 : vector<1x16xf32> to vector<16xf32>
        %mul3A_421 = arith.mulf %get3A_420, %broadcast_in_dim3A_406 : vector<16xf32>
        %swap3A_422 = arith.index_cast %add3A_403 : i32 to index
        %swap3A_423 = arith.constant 16 : index
        %swap3A_424 = tpu.vector_load %arg11[%swap3A_422, %swap3A_423] {strides = array<i32>} : memref<1008x64xf32, #tpu.memory_space<vmem>>, vector<1x16xf32>,
        %swap3A_425 = vector.shape_cast %swap3A_424 : vector<1x16xf32> to vector<16xf32>
        %swap3A_426 = vector.shape_cast %mul3A_421 : vector<16xf32> to vector<1x16xf32>
        tpu.vector_store %arg11[%swap3A_422, %swap3A_423], %swap3A_426 {strides = array<i32>} : memref<1008x64xf32, #tpu.memory_space<vmem>>, vector<1x16xf32>,
        %get3A_427 = arith.index_cast %add3A_403 : i32 to index
        %get3A_428 = arith.constant 32 : index
        %get3A_429 = tpu.vector_load %arg11[%get3A_427, %get3A_428] {strides = array<i32>} : memref<1008x64xf32, #tpu.memory_space<vmem>>, vector<1x16xf32>,
        %get3A_430 = vector.shape_cast %get3A_429 : vector<1x16xf32> to vector<16xf32>
        %mul3A_431 = arith.mulf %get3A_430, %broadcast_in_dim3A_406 : vector<16xf32>
        %swap3A_432 = arith.index_cast %add3A_403 : i32 to index
        %swap3A_433 = arith.constant 32 : index
        %swap3A_434 = tpu.vector_load %arg11[%swap3A_432, %swap3A_433] {strides = array<i32>} : memref<1008x64xf32, #tpu.memory_space<vmem>>, vector<1x16xf32>,
        %swap3A_435 = vector.shape_cast %swap3A_434 : vector<1x16xf32> to vector<16xf32>
        %swap3A_436 = vector.shape_cast %mul3A_431 : vector<16xf32> to vector<1x16xf32>
        tpu.vector_store %arg11[%swap3A_432, %swap3A_433], %swap3A_436 {strides = array<i32>} : memref<1008x64xf32, #tpu.memory_space<vmem>>, vector<1x16xf32>,
        %get3A_437 = arith.index_cast %add3A_403 : i32 to index
        %get3A_438 = arith.constant 48 : index
        %get3A_439 = tpu.vector_load %arg11[%get3A_437, %get3A_438] {strides = array<i32>} : memref<1008x64xf32, #tpu.memory_space<vmem>>, vector<1x16xf32>,
        %get3A_440 = vector.shape_cast %get3A_439 : vector<1x16xf32> to vector<16xf32>
        %mul3A_441 = arith.mulf %get3A_440, %broadcast_in_dim3A_406 : vector<16xf32>
        %swap3A_442 = arith.index_cast %add3A_403 : i32 to index
        %swap3A_443 = arith.constant 48 : index
        %swap3A_444 = tpu.vector_load %arg11[%swap3A_442, %swap3A_443] {strides = array<i32>} : memref<1008x64xf32, #tpu.memory_space<vmem>>, vector<1x16xf32>,
        %swap3A_445 = vector.shape_cast %swap3A_444 : vector<1x16xf32> to vector<16xf32>
        %swap3A_446 = vector.shape_cast %mul3A_441 : vector<16xf32> to vector<1x16xf32>
        tpu.vector_store %arg11[%swap3A_442, %swap3A_443], %swap3A_446 {strides = array<i32>} : memref<1008x64xf32, #tpu.memory_space<vmem>>, vector<1x16xf32>,
        %mul3A_447 = arith.constant 16 : i32
        %mul3A_448 = arith.muli %scan3A_69, %mul3A_447 : i32
        %add3A_449 = arith.constant 8 : i32
        %add3A_450 = arith.addi %mul3A_448, %add3A_449 : i32
        %slice3A_451 = vector.extract_strided_slice %get3A_74 {offsets = [8], sizes = [1], strides = [1]} : vector<16xf32> to vector<1xf32>
        %squeeze3A_452 = vector.extract %slice3A_451[0] : f32 from vector<1xf32>
        %broadcast_in_dim3A_453 = vector.broadcast %squeeze3A_452 : f32 to vector<16xf32>
        %get3A_454 = arith.index_cast %add3A_450 : i32 to index
        %get3A_455 = arith.constant 0 : index
        %get3A_456 = tpu.vector_load %arg11[%get3A_454, %get3A_455] {strides = array<i32>} : memref<1008x64xf32, #tpu.memory_space<vmem>>, vector<1x16xf32>,
        %get3A_457 = vector.shape_cast %get3A_456 : vector<1x16xf32> to vector<16xf32>
        %mul3A_458 = arith.mulf %get3A_457, %broadcast_in_dim3A_453 : vector<16xf32>
        %swap3A_459 = arith.index_cast %add3A_450 : i32 to index
        %swap3A_460 = arith.constant 0 : index
        %swap3A_461 = tpu.vector_load %arg11[%swap3A_459, %swap3A_460] {strides = array<i32>} : memref<1008x64xf32, #tpu.memory_space<vmem>>, vector<1x16xf32>,
        %swap3A_462 = vector.shape_cast %swap3A_461 : vector<1x16xf32> to vector<16xf32>
        %swap3A_463 = vector.shape_cast %mul3A_458 : vector<16xf32> to vector<1x16xf32>
        tpu.vector_store %arg11[%swap3A_459, %swap3A_460], %swap3A_463 {strides = array<i32>} : memref<1008x64xf32, #tpu.memory_space<vmem>>, vector<1x16xf32>,
        %get3A_464 = arith.index_cast %add3A_450 : i32 to index
        %get3A_465 = arith.constant 16 : index
        %get3A_466 = tpu.vector_load %arg11[%get3A_464, %get3A_465] {strides = array<i32>} : memref<1008x64xf32, #tpu.memory_space<vmem>>, vector<1x16xf32>,
        %get3A_467 = vector.shape_cast %get3A_466 : vector<1x16xf32> to vector<16xf32>
        %mul3A_468 = arith.mulf %get3A_467, %broadcast_in_dim3A_453 : vector<16xf32>
        %swap3A_469 = arith.index_cast %add3A_450 : i32 to index
        %swap3A_470 = arith.constant 16 : index
        %swap3A_471 = tpu.vector_load %arg11[%swap3A_469, %swap3A_470] {strides = array<i32>} : memref<1008x64xf32, #tpu.memory_space<vmem>>, vector<1x16xf32>,
        %swap3A_472 = vector.shape_cast %swap3A_471 : vector<1x16xf32> to vector<16xf32>
        %swap3A_473 = vector.shape_cast %mul3A_468 : vector<16xf32> to vector<1x16xf32>
        tpu.vector_store %arg11[%swap3A_469, %swap3A_470], %swap3A_473 {strides = array<i32>} : memref<1008x64xf32, #tpu.memory_space<vmem>>, vector<1x16xf32>,
        %get3A_474 = arith.index_cast %add3A_450 : i32 to index
        %get3A_475 = arith.constant 32 : index
        %get3A_476 = tpu.vector_load %arg11[%get3A_474, %get3A_475] {strides = array<i32>} : memref<1008x64xf32, #tpu.memory_space<vmem>>, vector<1x16xf32>,
        %get3A_477 = vector.shape_cast %get3A_476 : vector<1x16xf32> to vector<16xf32>
        %mul3A_478 = arith.mulf %get3A_477, %broadcast_in_dim3A_453 : vector<16xf32>
        %swap3A_479 = arith.index_cast %add3A_450 : i32 to index
        %swap3A_480 = arith.constant 32 : index
        %swap3A_481 = tpu.vector_load %arg11[%swap3A_479, %swap3A_480] {strides = array<i32>} : memref<1008x64xf32, #tpu.memory_space<vmem>>, vector<1x16xf32>,
        %swap3A_482 = vector.shape_cast %swap3A_481 : vector<1x16xf32> to vector<16xf32>
        %swap3A_483 = vector.shape_cast %mul3A_478 : vector<16xf32> to vector<1x16xf32>
        tpu.vector_store %arg11[%swap3A_479, %swap3A_480], %swap3A_483 {strides = array<i32>} : memref<1008x64xf32, #tpu.memory_space<vmem>>, vector<1x16xf32>,
        %get3A_484 = arith.index_cast %add3A_450 : i32 to index
        %get3A_485 = arith.constant 48 : index
        %get3A_486 = tpu.vector_load %arg11[%get3A_484, %get3A_485] {strides = array<i32>} : memref<1008x64xf32, #tpu.memory_space<vmem>>, vector<1x16xf32>,
        %get3A_487 = vector.shape_cast %get3A_486 : vector<1x16xf32> to vector<16xf32>
        %mul3A_488 = arith.mulf %get3A_487, %broadcast_in_dim3A_453 : vector<16xf32>
        %swap3A_489 = arith.index_cast %add3A_450 : i32 to index
        %swap3A_490 = arith.constant 48 : index
        %swap3A_491 = tpu.vector_load %arg11[%swap3A_489, %swap3A_490] {strides = array<i32>} : memref<1008x64xf32, #tpu.memory_space<vmem>>, vector<1x16xf32>,
        %swap3A_492 = vector.shape_cast %swap3A_491 : vector<1x16xf32> to vector<16xf32>
        %swap3A_493 = vector.shape_cast %mul3A_488 : vector<16xf32> to vector<1x16xf32>
        tpu.vector_store %arg11[%swap3A_489, %swap3A_490], %swap3A_493 {strides = array<i32>} : memref<1008x64xf32, #tpu.memory_space<vmem>>, vector<1x16xf32>,
        %mul3A_494 = arith.constant 16 : i32
        %mul3A_495 = arith.muli %scan3A_69, %mul3A_494 : i32
        %add3A_496 = arith.constant 9 : i32
        %add3A_497 = arith.addi %mul3A_495, %add3A_496 : i32
        %slice3A_498 = vector.extract_strided_slice %get3A_74 {offsets = [9], sizes = [1], strides = [1]} : vector<16xf32> to vector<1xf32>
        %squeeze3A_499 = vector.extract %slice3A_498[0] : f32 from vector<1xf32>
        %broadcast_in_dim3A_500 = vector.broadcast %squeeze3A_499 : f32 to vector<16xf32>
        %get3A_501 = arith.index_cast %add3A_497 : i32 to index
        %get3A_502 = arith.constant 0 : index
        %get3A_503 = tpu.vector_load %arg11[%get3A_501, %get3A_502] {strides = array<i32>} : memref<1008x64xf32, #tpu.memory_space<vmem>>, vector<1x16xf32>,
        %get3A_504 = vector.shape_cast %get3A_503 : vector<1x16xf32> to vector<16xf32>
        %mul3A_505 = arith.mulf %get3A_504, %broadcast_in_dim3A_500 : vector<16xf32>
        %swap3A_506 = arith.index_cast %add3A_497 : i32 to index
        %swap3A_507 = arith.constant 0 : index
        %swap3A_508 = tpu.vector_load %arg11[%swap3A_506, %swap3A_507] {strides = array<i32>} : memref<1008x64xf32, #tpu.memory_space<vmem>>, vector<1x16xf32>,
        %swap3A_509 = vector.shape_cast %swap3A_508 : vector<1x16xf32> to vector<16xf32>
        %swap3A_510 = vector.shape_cast %mul3A_505 : vector<16xf32> to vector<1x16xf32>
        tpu.vector_store %arg11[%swap3A_506, %swap3A_507], %swap3A_510 {strides = array<i32>} : memref<1008x64xf32, #tpu.memory_space<vmem>>, vector<1x16xf32>,
        %get3A_511 = arith.index_cast %add3A_497 : i32 to index
        %get3A_512 = arith.constant 16 : index
        %get3A_513 = tpu.vector_load %arg11[%get3A_511, %get3A_512] {strides = array<i32>} : memref<1008x64xf32, #tpu.memory_space<vmem>>, vector<1x16xf32>,
        %get3A_514 = vector.shape_cast %get3A_513 : vector<1x16xf32> to vector<16xf32>
        %mul3A_515 = arith.mulf %get3A_514, %broadcast_in_dim3A_500 : vector<16xf32>
        %swap3A_516 = arith.index_cast %add3A_497 : i32 to index
        %swap3A_517 = arith.constant 16 : index
        %swap3A_518 = tpu.vector_load %arg11[%swap3A_516, %swap3A_517] {strides = array<i32>} : memref<1008x64xf32, #tpu.memory_space<vmem>>, vector<1x16xf32>,
        %swap3A_519 = vector.shape_cast %swap3A_518 : vector<1x16xf32> to vector<16xf32>
        %swap3A_520 = vector.shape_cast %mul3A_515 : vector<16xf32> to vector<1x16xf32>
        tpu.vector_store %arg11[%swap3A_516, %swap3A_517], %swap3A_520 {strides = array<i32>} : memref<1008x64xf32, #tpu.memory_space<vmem>>, vector<1x16xf32>,
        %get3A_521 = arith.index_cast %add3A_497 : i32 to index
        %get3A_522 = arith.constant 32 : index
        %get3A_523 = tpu.vector_load %arg11[%get3A_521, %get3A_522] {strides = array<i32>} : memref<1008x64xf32, #tpu.memory_space<vmem>>, vector<1x16xf32>,
        %get3A_524 = vector.shape_cast %get3A_523 : vector<1x16xf32> to vector<16xf32>
        %mul3A_525 = arith.mulf %get3A_524, %broadcast_in_dim3A_500 : vector<16xf32>
        %swap3A_526 = arith.index_cast %add3A_497 : i32 to index
        %swap3A_527 = arith.constant 32 : index
        %swap3A_528 = tpu.vector_load %arg11[%swap3A_526, %swap3A_527] {strides = array<i32>} : memref<1008x64xf32, #tpu.memory_space<vmem>>, vector<1x16xf32>,
        %swap3A_529 = vector.shape_cast %swap3A_528 : vector<1x16xf32> to vector<16xf32>
        %swap3A_530 = vector.shape_cast %mul3A_525 : vector<16xf32> to vector<1x16xf32>
        tpu.vector_store %arg11[%swap3A_526, %swap3A_527], %swap3A_530 {strides = array<i32>} : memref<1008x64xf32, #tpu.memory_space<vmem>>, vector<1x16xf32>,
        %get3A_531 = arith.index_cast %add3A_497 : i32 to index
        %get3A_532 = arith.constant 48 : index
        %get3A_533 = tpu.vector_load %arg11[%get3A_531, %get3A_532] {strides = array<i32>} : memref<1008x64xf32, #tpu.memory_space<vmem>>, vector<1x16xf32>,
        %get3A_534 = vector.shape_cast %get3A_533 : vector<1x16xf32> to vector<16xf32>
        %mul3A_535 = arith.mulf %get3A_534, %broadcast_in_dim3A_500 : vector<16xf32>
        %swap3A_536 = arith.index_cast %add3A_497 : i32 to index
        %swap3A_537 = arith.constant 48 : index
        %swap3A_538 = tpu.vector_load %arg11[%swap3A_536, %swap3A_537] {strides = array<i32>} : memref<1008x64xf32, #tpu.memory_space<vmem>>, vector<1x16xf32>,
        %swap3A_539 = vector.shape_cast %swap3A_538 : vector<1x16xf32> to vector<16xf32>
        %swap3A_540 = vector.shape_cast %mul3A_535 : vector<16xf32> to vector<1x16xf32>
        tpu.vector_store %arg11[%swap3A_536, %swap3A_537], %swap3A_540 {strides = array<i32>} : memref<1008x64xf32, #tpu.memory_space<vmem>>, vector<1x16xf32>,
        %mul3A_541 = arith.constant 16 : i32
        %mul3A_542 = arith.muli %scan3A_69, %mul3A_541 : i32
        %add3A_543 = arith.constant 10 : i32
        %add3A_544 = arith.addi %mul3A_542, %add3A_543 : i32
        %slice3A_545 = vector.extract_strided_slice %get3A_74 {offsets = [10], sizes = [1], strides = [1]} : vector<16xf32> to vector<1xf32>
        %squeeze3A_546 = vector.extract %slice3A_545[0] : f32 from vector<1xf32>
        %broadcast_in_dim3A_547 = vector.broadcast %squeeze3A_546 : f32 to vector<16xf32>
        %get3A_548 = arith.index_cast %add3A_544 : i32 to index
        %get3A_549 = arith.constant 0 : index
        %get3A_550 = tpu.vector_load %arg11[%get3A_548, %get3A_549] {strides = array<i32>} : memref<1008x64xf32, #tpu.memory_space<vmem>>, vector<1x16xf32>,
        %get3A_551 = vector.shape_cast %get3A_550 : vector<1x16xf32> to vector<16xf32>
        %mul3A_552 = arith.mulf %get3A_551, %broadcast_in_dim3A_547 : vector<16xf32>
        %swap3A_553 = arith.index_cast %add3A_544 : i32 to index
        %swap3A_554 = arith.constant 0 : index
        %swap3A_555 = tpu.vector_load %arg11[%swap3A_553, %swap3A_554] {strides = array<i32>} : memref<1008x64xf32, #tpu.memory_space<vmem>>, vector<1x16xf32>,
        %swap3A_556 = vector.shape_cast %swap3A_555 : vector<1x16xf32> to vector<16xf32>
        %swap3A_557 = vector.shape_cast %mul3A_552 : vector<16xf32> to vector<1x16xf32>
        tpu.vector_store %arg11[%swap3A_553, %swap3A_554], %swap3A_557 {strides = array<i32>} : memref<1008x64xf32, #tpu.memory_space<vmem>>, vector<1x16xf32>,
        %get3A_558 = arith.index_cast %add3A_544 : i32 to index
        %get3A_559 = arith.constant 16 : index
        %get3A_560 = tpu.vector_load %arg11[%get3A_558, %get3A_559] {strides = array<i32>} : memref<1008x64xf32, #tpu.memory_space<vmem>>, vector<1x16xf32>,
        %get3A_561 = vector.shape_cast %get3A_560 : vector<1x16xf32> to vector<16xf32>
        %mul3A_562 = arith.mulf %get3A_561, %broadcast_in_dim3A_547 : vector<16xf32>
        %swap3A_563 = arith.index_cast %add3A_544 : i32 to index
        %swap3A_564 = arith.constant 16 : index
        %swap3A_565 = tpu.vector_load %arg11[%swap3A_563, %swap3A_564] {strides = array<i32>} : memref<1008x64xf32, #tpu.memory_space<vmem>>, vector<1x16xf32>,
        %swap3A_566 = vector.shape_cast %swap3A_565 : vector<1x16xf32> to vector<16xf32>
        %swap3A_567 = vector.shape_cast %mul3A_562 : vector<16xf32> to vector<1x16xf32>
        tpu.vector_store %arg11[%swap3A_563, %swap3A_564], %swap3A_567 {strides = array<i32>} : memref<1008x64xf32, #tpu.memory_space<vmem>>, vector<1x16xf32>,
        %get3A_568 = arith.index_cast %add3A_544 : i32 to index
        %get3A_569 = arith.constant 32 : index
        %get3A_570 = tpu.vector_load %arg11[%get3A_568, %get3A_569] {strides = array<i32>} : memref<1008x64xf32, #tpu.memory_space<vmem>>, vector<1x16xf32>,
        %get3A_571 = vector.shape_cast %get3A_570 : vector<1x16xf32> to vector<16xf32>
        %mul3A_572 = arith.mulf %get3A_571, %broadcast_in_dim3A_547 : vector<16xf32>
        %swap3A_573 = arith.index_cast %add3A_544 : i32 to index
        %swap3A_574 = arith.constant 32 : index
        %swap3A_575 = tpu.vector_load %arg11[%swap3A_573, %swap3A_574] {strides = array<i32>} : memref<1008x64xf32, #tpu.memory_space<vmem>>, vector<1x16xf32>,
        %swap3A_576 = vector.shape_cast %swap3A_575 : vector<1x16xf32> to vector<16xf32>
        %swap3A_577 = vector.shape_cast %mul3A_572 : vector<16xf32> to vector<1x16xf32>
        tpu.vector_store %arg11[%swap3A_573, %swap3A_574], %swap3A_577 {strides = array<i32>} : memref<1008x64xf32, #tpu.memory_space<vmem>>, vector<1x16xf32>,
        %get3A_578 = arith.index_cast %add3A_544 : i32 to index
        %get3A_579 = arith.constant 48 : index
        %get3A_580 = tpu.vector_load %arg11[%get3A_578, %get3A_579] {strides = array<i32>} : memref<1008x64xf32, #tpu.memory_space<vmem>>, vector<1x16xf32>,
        %get3A_581 = vector.shape_cast %get3A_580 : vector<1x16xf32> to vector<16xf32>
        %mul3A_582 = arith.mulf %get3A_581, %broadcast_in_dim3A_547 : vector<16xf32>
        %swap3A_583 = arith.index_cast %add3A_544 : i32 to index
        %swap3A_584 = arith.constant 48 : index
        %swap3A_585 = tpu.vector_load %arg11[%swap3A_583, %swap3A_584] {strides = array<i32>} : memref<1008x64xf32, #tpu.memory_space<vmem>>, vector<1x16xf32>,
        %swap3A_586 = vector.shape_cast %swap3A_585 : vector<1x16xf32> to vector<16xf32>
        %swap3A_587 = vector.shape_cast %mul3A_582 : vector<16xf32> to vector<1x16xf32>
        tpu.vector_store %arg11[%swap3A_583, %swap3A_584], %swap3A_587 {strides = array<i32>} : memref<1008x64xf32, #tpu.memory_space<vmem>>, vector<1x16xf32>,
        %mul3A_588 = arith.constant 16 : i32
        %mul3A_589 = arith.muli %scan3A_69, %mul3A_588 : i32
        %add3A_590 = arith.constant 11 : i32
        %add3A_591 = arith.addi %mul3A_589, %add3A_590 : i32
        %slice3A_592 = vector.extract_strided_slice %get3A_74 {offsets = [11], sizes = [1], strides = [1]} : vector<16xf32> to vector<1xf32>
        %squeeze3A_593 = vector.extract %slice3A_592[0] : f32 from vector<1xf32>
        %broadcast_in_dim3A_594 = vector.broadcast %squeeze3A_593 : f32 to vector<16xf32>
        %get3A_595 = arith.index_cast %add3A_591 : i32 to index
        %get3A_596 = arith.constant 0 : index
        %get3A_597 = tpu.vector_load %arg11[%get3A_595, %get3A_596] {strides = array<i32>} : memref<1008x64xf32, #tpu.memory_space<vmem>>, vector<1x16xf32>,
        %get3A_598 = vector.shape_cast %get3A_597 : vector<1x16xf32> to vector<16xf32>
        %mul3A_599 = arith.mulf %get3A_598, %broadcast_in_dim3A_594 : vector<16xf32>
        %swap3A_600 = arith.index_cast %add3A_591 : i32 to index
        %swap3A_601 = arith.constant 0 : index
        %swap3A_602 = tpu.vector_load %arg11[%swap3A_600, %swap3A_601] {strides = array<i32>} : memref<1008x64xf32, #tpu.memory_space<vmem>>, vector<1x16xf32>,
        %swap3A_603 = vector.shape_cast %swap3A_602 : vector<1x16xf32> to vector<16xf32>
        %swap3A_604 = vector.shape_cast %mul3A_599 : vector<16xf32> to vector<1x16xf32>
        tpu.vector_store %arg11[%swap3A_600, %swap3A_601], %swap3A_604 {strides = array<i32>} : memref<1008x64xf32, #tpu.memory_space<vmem>>, vector<1x16xf32>,
        %get3A_605 = arith.index_cast %add3A_591 : i32 to index
        %get3A_606 = arith.constant 16 : index
        %get3A_607 = tpu.vector_load %arg11[%get3A_605, %get3A_606] {strides = array<i32>} : memref<1008x64xf32, #tpu.memory_space<vmem>>, vector<1x16xf32>,
        %get3A_608 = vector.shape_cast %get3A_607 : vector<1x16xf32> to vector<16xf32>
        %mul3A_609 = arith.mulf %get3A_608, %broadcast_in_dim3A_594 : vector<16xf32>
        %swap3A_610 = arith.index_cast %add3A_591 : i32 to index
        %swap3A_611 = arith.constant 16 : index
        %swap3A_612 = tpu.vector_load %arg11[%swap3A_610, %swap3A_611] {strides = array<i32>} : memref<1008x64xf32, #tpu.memory_space<vmem>>, vector<1x16xf32>,
        %swap3A_613 = vector.shape_cast %swap3A_612 : vector<1x16xf32> to vector<16xf32>
        %swap3A_614 = vector.shape_cast %mul3A_609 : vector<16xf32> to vector<1x16xf32>
        tpu.vector_store %arg11[%swap3A_610, %swap3A_611], %swap3A_614 {strides = array<i32>} : memref<1008x64xf32, #tpu.memory_space<vmem>>, vector<1x16xf32>,
        %get3A_615 = arith.index_cast %add3A_591 : i32 to index
        %get3A_616 = arith.constant 32 : index
        %get3A_617 = tpu.vector_load %arg11[%get3A_615, %get3A_616] {strides = array<i32>} : memref<1008x64xf32, #tpu.memory_space<vmem>>, vector<1x16xf32>,
        %get3A_618 = vector.shape_cast %get3A_617 : vector<1x16xf32> to vector<16xf32>
        %mul3A_619 = arith.mulf %get3A_618, %broadcast_in_dim3A_594 : vector<16xf32>
        %swap3A_620 = arith.index_cast %add3A_591 : i32 to index
        %swap3A_621 = arith.constant 32 : index
        %swap3A_622 = tpu.vector_load %arg11[%swap3A_620, %swap3A_621] {strides = array<i32>} : memref<1008x64xf32, #tpu.memory_space<vmem>>, vector<1x16xf32>,
        %swap3A_623 = vector.shape_cast %swap3A_622 : vector<1x16xf32> to vector<16xf32>
        %swap3A_624 = vector.shape_cast %mul3A_619 : vector<16xf32> to vector<1x16xf32>
        tpu.vector_store %arg11[%swap3A_620, %swap3A_621], %swap3A_624 {strides = array<i32>} : memref<1008x64xf32, #tpu.memory_space<vmem>>, vector<1x16xf32>,
        %get3A_625 = arith.index_cast %add3A_591 : i32 to index
        %get3A_626 = arith.constant 48 : index
        %get3A_627 = tpu.vector_load %arg11[%get3A_625, %get3A_626] {strides = array<i32>} : memref<1008x64xf32, #tpu.memory_space<vmem>>, vector<1x16xf32>,
        %get3A_628 = vector.shape_cast %get3A_627 : vector<1x16xf32> to vector<16xf32>
        %mul3A_629 = arith.mulf %get3A_628, %broadcast_in_dim3A_594 : vector<16xf32>
        %swap3A_630 = arith.index_cast %add3A_591 : i32 to index
        %swap3A_631 = arith.constant 48 : index
        %swap3A_632 = tpu.vector_load %arg11[%swap3A_630, %swap3A_631] {strides = array<i32>} : memref<1008x64xf32, #tpu.memory_space<vmem>>, vector<1x16xf32>,
        %swap3A_633 = vector.shape_cast %swap3A_632 : vector<1x16xf32> to vector<16xf32>
        %swap3A_634 = vector.shape_cast %mul3A_629 : vector<16xf32> to vector<1x16xf32>
        tpu.vector_store %arg11[%swap3A_630, %swap3A_631], %swap3A_634 {strides = array<i32>} : memref<1008x64xf32, #tpu.memory_space<vmem>>, vector<1x16xf32>,
        %mul3A_635 = arith.constant 16 : i32
        %mul3A_636 = arith.muli %scan3A_69, %mul3A_635 : i32
        %add3A_637 = arith.constant 12 : i32
        %add3A_638 = arith.addi %mul3A_636, %add3A_637 : i32
        %slice3A_639 = vector.extract_strided_slice %get3A_74 {offsets = [12], sizes = [1], strides = [1]} : vector<16xf32> to vector<1xf32>
        %squeeze3A_640 = vector.extract %slice3A_639[0] : f32 from vector<1xf32>
        %broadcast_in_dim3A_641 = vector.broadcast %squeeze3A_640 : f32 to vector<16xf32>
        %get3A_642 = arith.index_cast %add3A_638 : i32 to index
        %get3A_643 = arith.constant 0 : index
        %get3A_644 = tpu.vector_load %arg11[%get3A_642, %get3A_643] {strides = array<i32>} : memref<1008x64xf32, #tpu.memory_space<vmem>>, vector<1x16xf32>,
        %get3A_645 = vector.shape_cast %get3A_644 : vector<1x16xf32> to vector<16xf32>
        %mul3A_646 = arith.mulf %get3A_645, %broadcast_in_dim3A_641 : vector<16xf32>
        %swap3A_647 = arith.index_cast %add3A_638 : i32 to index
        %swap3A_648 = arith.constant 0 : index
        %swap3A_649 = tpu.vector_load %arg11[%swap3A_647, %swap3A_648] {strides = array<i32>} : memref<1008x64xf32, #tpu.memory_space<vmem>>, vector<1x16xf32>,
        %swap3A_650 = vector.shape_cast %swap3A_649 : vector<1x16xf32> to vector<16xf32>
        %swap3A_651 = vector.shape_cast %mul3A_646 : vector<16xf32> to vector<1x16xf32>
        tpu.vector_store %arg11[%swap3A_647, %swap3A_648], %swap3A_651 {strides = array<i32>} : memref<1008x64xf32, #tpu.memory_space<vmem>>, vector<1x16xf32>,
        %get3A_652 = arith.index_cast %add3A_638 : i32 to index
        %get3A_653 = arith.constant 16 : index
        %get3A_654 = tpu.vector_load %arg11[%get3A_652, %get3A_653] {strides = array<i32>} : memref<1008x64xf32, #tpu.memory_space<vmem>>, vector<1x16xf32>,
        %get3A_655 = vector.shape_cast %get3A_654 : vector<1x16xf32> to vector<16xf32>
        %mul3A_656 = arith.mulf %get3A_655, %broadcast_in_dim3A_641 : vector<16xf32>
        %swap3A_657 = arith.index_cast %add3A_638 : i32 to index
        %swap3A_658 = arith.constant 16 : index
        %swap3A_659 = tpu.vector_load %arg11[%swap3A_657, %swap3A_658] {strides = array<i32>} : memref<1008x64xf32, #tpu.memory_space<vmem>>, vector<1x16xf32>,
        %swap3A_660 = vector.shape_cast %swap3A_659 : vector<1x16xf32> to vector<16xf32>
        %swap3A_661 = vector.shape_cast %mul3A_656 : vector<16xf32> to vector<1x16xf32>
        tpu.vector_store %arg11[%swap3A_657, %swap3A_658], %swap3A_661 {strides = array<i32>} : memref<1008x64xf32, #tpu.memory_space<vmem>>, vector<1x16xf32>,
        %get3A_662 = arith.index_cast %add3A_638 : i32 to index
        %get3A_663 = arith.constant 32 : index
        %get3A_664 = tpu.vector_load %arg11[%get3A_662, %get3A_663] {strides = array<i32>} : memref<1008x64xf32, #tpu.memory_space<vmem>>, vector<1x16xf32>,
        %get3A_665 = vector.shape_cast %get3A_664 : vector<1x16xf32> to vector<16xf32>
        %mul3A_666 = arith.mulf %get3A_665, %broadcast_in_dim3A_641 : vector<16xf32>
        %swap3A_667 = arith.index_cast %add3A_638 : i32 to index
        %swap3A_668 = arith.constant 32 : index
        %swap3A_669 = tpu.vector_load %arg11[%swap3A_667, %swap3A_668] {strides = array<i32>} : memref<1008x64xf32, #tpu.memory_space<vmem>>, vector<1x16xf32>,
        %swap3A_670 = vector.shape_cast %swap3A_669 : vector<1x16xf32> to vector<16xf32>
        %swap3A_671 = vector.shape_cast %mul3A_666 : vector<16xf32> to vector<1x16xf32>
        tpu.vector_store %arg11[%swap3A_667, %swap3A_668], %swap3A_671 {strides = array<i32>} : memref<1008x64xf32, #tpu.memory_space<vmem>>, vector<1x16xf32>,
        %get3A_672 = arith.index_cast %add3A_638 : i32 to index
        %get3A_673 = arith.constant 48 : index
        %get3A_674 = tpu.vector_load %arg11[%get3A_672, %get3A_673] {strides = array<i32>} : memref<1008x64xf32, #tpu.memory_space<vmem>>, vector<1x16xf32>,
        %get3A_675 = vector.shape_cast %get3A_674 : vector<1x16xf32> to vector<16xf32>
        %mul3A_676 = arith.mulf %get3A_675, %broadcast_in_dim3A_641 : vector<16xf32>
        %swap3A_677 = arith.index_cast %add3A_638 : i32 to index
        %swap3A_678 = arith.constant 48 : index
        %swap3A_679 = tpu.vector_load %arg11[%swap3A_677, %swap3A_678] {strides = array<i32>} : memref<1008x64xf32, #tpu.memory_space<vmem>>, vector<1x16xf32>,
        %swap3A_680 = vector.shape_cast %swap3A_679 : vector<1x16xf32> to vector<16xf32>
        %swap3A_681 = vector.shape_cast %mul3A_676 : vector<16xf32> to vector<1x16xf32>
        tpu.vector_store %arg11[%swap3A_677, %swap3A_678], %swap3A_681 {strides = array<i32>} : memref<1008x64xf32, #tpu.memory_space<vmem>>, vector<1x16xf32>,
        %mul3A_682 = arith.constant 16 : i32
        %mul3A_683 = arith.muli %scan3A_69, %mul3A_682 : i32
        %add3A_684 = arith.constant 13 : i32
        %add3A_685 = arith.addi %mul3A_683, %add3A_684 : i32
        %slice3A_686 = vector.extract_strided_slice %get3A_74 {offsets = [13], sizes = [1], strides = [1]} : vector<16xf32> to vector<1xf32>
        %squeeze3A_687 = vector.extract %slice3A_686[0] : f32 from vector<1xf32>
        %broadcast_in_dim3A_688 = vector.broadcast %squeeze3A_687 : f32 to vector<16xf32>
        %get3A_689 = arith.index_cast %add3A_685 : i32 to index
        %get3A_690 = arith.constant 0 : index
        %get3A_691 = tpu.vector_load %arg11[%get3A_689, %get3A_690] {strides = array<i32>} : memref<1008x64xf32, #tpu.memory_space<vmem>>, vector<1x16xf32>,
        %get3A_692 = vector.shape_cast %get3A_691 : vector<1x16xf32> to vector<16xf32>
        %mul3A_693 = arith.mulf %get3A_692, %broadcast_in_dim3A_688 : vector<16xf32>
        %swap3A_694 = arith.index_cast %add3A_685 : i32 to index
        %swap3A_695 = arith.constant 0 : index
        %swap3A_696 = tpu.vector_load %arg11[%swap3A_694, %swap3A_695] {strides = array<i32>} : memref<1008x64xf32, #tpu.memory_space<vmem>>, vector<1x16xf32>,
        %swap3A_697 = vector.shape_cast %swap3A_696 : vector<1x16xf32> to vector<16xf32>
        %swap3A_698 = vector.shape_cast %mul3A_693 : vector<16xf32> to vector<1x16xf32>
        tpu.vector_store %arg11[%swap3A_694, %swap3A_695], %swap3A_698 {strides = array<i32>} : memref<1008x64xf32, #tpu.memory_space<vmem>>, vector<1x16xf32>,
        %get3A_699 = arith.index_cast %add3A_685 : i32 to index
        %get3A_700 = arith.constant 16 : index
        %get3A_701 = tpu.vector_load %arg11[%get3A_699, %get3A_700] {strides = array<i32>} : memref<1008x64xf32, #tpu.memory_space<vmem>>, vector<1x16xf32>,
        %get3A_702 = vector.shape_cast %get3A_701 : vector<1x16xf32> to vector<16xf32>
        %mul3A_703 = arith.mulf %get3A_702, %broadcast_in_dim3A_688 : vector<16xf32>
        %swap3A_704 = arith.index_cast %add3A_685 : i32 to index
        %swap3A_705 = arith.constant 16 : index
        %swap3A_706 = tpu.vector_load %arg11[%swap3A_704, %swap3A_705] {strides = array<i32>} : memref<1008x64xf32, #tpu.memory_space<vmem>>, vector<1x16xf32>,
        %swap3A_707 = vector.shape_cast %swap3A_706 : vector<1x16xf32> to vector<16xf32>
        %swap3A_708 = vector.shape_cast %mul3A_703 : vector<16xf32> to vector<1x16xf32>
        tpu.vector_store %arg11[%swap3A_704, %swap3A_705], %swap3A_708 {strides = array<i32>} : memref<1008x64xf32, #tpu.memory_space<vmem>>, vector<1x16xf32>,
        %get3A_709 = arith.index_cast %add3A_685 : i32 to index
        %get3A_710 = arith.constant 32 : index
        %get3A_711 = tpu.vector_load %arg11[%get3A_709, %get3A_710] {strides = array<i32>} : memref<1008x64xf32, #tpu.memory_space<vmem>>, vector<1x16xf32>,
        %get3A_712 = vector.shape_cast %get3A_711 : vector<1x16xf32> to vector<16xf32>
        %mul3A_713 = arith.mulf %get3A_712, %broadcast_in_dim3A_688 : vector<16xf32>
        %swap3A_714 = arith.index_cast %add3A_685 : i32 to index
        %swap3A_715 = arith.constant 32 : index
        %swap3A_716 = tpu.vector_load %arg11[%swap3A_714, %swap3A_715] {strides = array<i32>} : memref<1008x64xf32, #tpu.memory_space<vmem>>, vector<1x16xf32>,
        %swap3A_717 = vector.shape_cast %swap3A_716 : vector<1x16xf32> to vector<16xf32>
        %swap3A_718 = vector.shape_cast %mul3A_713 : vector<16xf32> to vector<1x16xf32>
        tpu.vector_store %arg11[%swap3A_714, %swap3A_715], %swap3A_718 {strides = array<i32>} : memref<1008x64xf32, #tpu.memory_space<vmem>>, vector<1x16xf32>,
        %get3A_719 = arith.index_cast %add3A_685 : i32 to index
        %get3A_720 = arith.constant 48 : index
        %get3A_721 = tpu.vector_load %arg11[%get3A_719, %get3A_720] {strides = array<i32>} : memref<1008x64xf32, #tpu.memory_space<vmem>>, vector<1x16xf32>,
        %get3A_722 = vector.shape_cast %get3A_721 : vector<1x16xf32> to vector<16xf32>
        %mul3A_723 = arith.mulf %get3A_722, %broadcast_in_dim3A_688 : vector<16xf32>
        %swap3A_724 = arith.index_cast %add3A_685 : i32 to index
        %swap3A_725 = arith.constant 48 : index
        %swap3A_726 = tpu.vector_load %arg11[%swap3A_724, %swap3A_725] {strides = array<i32>} : memref<1008x64xf32, #tpu.memory_space<vmem>>, vector<1x16xf32>,
        %swap3A_727 = vector.shape_cast %swap3A_726 : vector<1x16xf32> to vector<16xf32>
        %swap3A_728 = vector.shape_cast %mul3A_723 : vector<16xf32> to vector<1x16xf32>
        tpu.vector_store %arg11[%swap3A_724, %swap3A_725], %swap3A_728 {strides = array<i32>} : memref<1008x64xf32, #tpu.memory_space<vmem>>, vector<1x16xf32>,
        %mul3A_729 = arith.constant 16 : i32
        %mul3A_730 = arith.muli %scan3A_69, %mul3A_729 : i32
        %add3A_731 = arith.constant 14 : i32
        %add3A_732 = arith.addi %mul3A_730, %add3A_731 : i32
        %slice3A_733 = vector.extract_strided_slice %get3A_74 {offsets = [14], sizes = [1], strides = [1]} : vector<16xf32> to vector<1xf32>
        %squeeze3A_734 = vector.extract %slice3A_733[0] : f32 from vector<1xf32>
        %broadcast_in_dim3A_735 = vector.broadcast %squeeze3A_734 : f32 to vector<16xf32>
        %get3A_736 = arith.index_cast %add3A_732 : i32 to index
        %get3A_737 = arith.constant 0 : index
        %get3A_738 = tpu.vector_load %arg11[%get3A_736, %get3A_737] {strides = array<i32>} : memref<1008x64xf32, #tpu.memory_space<vmem>>, vector<1x16xf32>,
        %get3A_739 = vector.shape_cast %get3A_738 : vector<1x16xf32> to vector<16xf32>
        %mul3A_740 = arith.mulf %get3A_739, %broadcast_in_dim3A_735 : vector<16xf32>
        %swap3A_741 = arith.index_cast %add3A_732 : i32 to index
        %swap3A_742 = arith.constant 0 : index
        %swap3A_743 = tpu.vector_load %arg11[%swap3A_741, %swap3A_742] {strides = array<i32>} : memref<1008x64xf32, #tpu.memory_space<vmem>>, vector<1x16xf32>,
        %swap3A_744 = vector.shape_cast %swap3A_743 : vector<1x16xf32> to vector<16xf32>
        %swap3A_745 = vector.shape_cast %mul3A_740 : vector<16xf32> to vector<1x16xf32>
        tpu.vector_store %arg11[%swap3A_741, %swap3A_742], %swap3A_745 {strides = array<i32>} : memref<1008x64xf32, #tpu.memory_space<vmem>>, vector<1x16xf32>,
        %get3A_746 = arith.index_cast %add3A_732 : i32 to index
        %get3A_747 = arith.constant 16 : index
        %get3A_748 = tpu.vector_load %arg11[%get3A_746, %get3A_747] {strides = array<i32>} : memref<1008x64xf32, #tpu.memory_space<vmem>>, vector<1x16xf32>,
        %get3A_749 = vector.shape_cast %get3A_748 : vector<1x16xf32> to vector<16xf32>
        %mul3A_750 = arith.mulf %get3A_749, %broadcast_in_dim3A_735 : vector<16xf32>
        %swap3A_751 = arith.index_cast %add3A_732 : i32 to index
        %swap3A_752 = arith.constant 16 : index
        %swap3A_753 = tpu.vector_load %arg11[%swap3A_751, %swap3A_752] {strides = array<i32>} : memref<1008x64xf32, #tpu.memory_space<vmem>>, vector<1x16xf32>,
        %swap3A_754 = vector.shape_cast %swap3A_753 : vector<1x16xf32> to vector<16xf32>
        %swap3A_755 = vector.shape_cast %mul3A_750 : vector<16xf32> to vector<1x16xf32>
        tpu.vector_store %arg11[%swap3A_751, %swap3A_752], %swap3A_755 {strides = array<i32>} : memref<1008x64xf32, #tpu.memory_space<vmem>>, vector<1x16xf32>,
        %get3A_756 = arith.index_cast %add3A_732 : i32 to index
        %get3A_757 = arith.constant 32 : index
        %get3A_758 = tpu.vector_load %arg11[%get3A_756, %get3A_757] {strides = array<i32>} : memref<1008x64xf32, #tpu.memory_space<vmem>>, vector<1x16xf32>,
        %get3A_759 = vector.shape_cast %get3A_758 : vector<1x16xf32> to vector<16xf32>
        %mul3A_760 = arith.mulf %get3A_759, %broadcast_in_dim3A_735 : vector<16xf32>
        %swap3A_761 = arith.index_cast %add3A_732 : i32 to index
        %swap3A_762 = arith.constant 32 : index
        %swap3A_763 = tpu.vector_load %arg11[%swap3A_761, %swap3A_762] {strides = array<i32>} : memref<1008x64xf32, #tpu.memory_space<vmem>>, vector<1x16xf32>,
        %swap3A_764 = vector.shape_cast %swap3A_763 : vector<1x16xf32> to vector<16xf32>
        %swap3A_765 = vector.shape_cast %mul3A_760 : vector<16xf32> to vector<1x16xf32>
        tpu.vector_store %arg11[%swap3A_761, %swap3A_762], %swap3A_765 {strides = array<i32>} : memref<1008x64xf32, #tpu.memory_space<vmem>>, vector<1x16xf32>,
        %get3A_766 = arith.index_cast %add3A_732 : i32 to index
        %get3A_767 = arith.constant 48 : index
        %get3A_768 = tpu.vector_load %arg11[%get3A_766, %get3A_767] {strides = array<i32>} : memref<1008x64xf32, #tpu.memory_space<vmem>>, vector<1x16xf32>,
        %get3A_769 = vector.shape_cast %get3A_768 : vector<1x16xf32> to vector<16xf32>
        %mul3A_770 = arith.mulf %get3A_769, %broadcast_in_dim3A_735 : vector<16xf32>
        %swap3A_771 = arith.index_cast %add3A_732 : i32 to index
        %swap3A_772 = arith.constant 48 : index
        %swap3A_773 = tpu.vector_load %arg11[%swap3A_771, %swap3A_772] {strides = array<i32>} : memref<1008x64xf32, #tpu.memory_space<vmem>>, vector<1x16xf32>,
        %swap3A_774 = vector.shape_cast %swap3A_773 : vector<1x16xf32> to vector<16xf32>
        %swap3A_775 = vector.shape_cast %mul3A_770 : vector<16xf32> to vector<1x16xf32>
        tpu.vector_store %arg11[%swap3A_771, %swap3A_772], %swap3A_775 {strides = array<i32>} : memref<1008x64xf32, #tpu.memory_space<vmem>>, vector<1x16xf32>,
        %mul3A_776 = arith.constant 16 : i32
        %mul3A_777 = arith.muli %scan3A_69, %mul3A_776 : i32
        %add3A_778 = arith.constant 15 : i32
        %add3A_779 = arith.addi %mul3A_777, %add3A_778 : i32
        %slice3A_780 = vector.extract_strided_slice %get3A_74 {offsets = [15], sizes = [1], strides = [1]} : vector<16xf32> to vector<1xf32>
        %squeeze3A_781 = vector.extract %slice3A_780[0] : f32 from vector<1xf32>
        %broadcast_in_dim3A_782 = vector.broadcast %squeeze3A_781 : f32 to vector<16xf32>
        %get3A_783 = arith.index_cast %add3A_779 : i32 to index
        %get3A_784 = arith.constant 0 : index
        %get3A_785 = tpu.vector_load %arg11[%get3A_783, %get3A_784] {strides = array<i32>} : memref<1008x64xf32, #tpu.memory_space<vmem>>, vector<1x16xf32>,
        %get3A_786 = vector.shape_cast %get3A_785 : vector<1x16xf32> to vector<16xf32>
        %mul3A_787 = arith.mulf %get3A_786, %broadcast_in_dim3A_782 : vector<16xf32>
        %swap3A_788 = arith.index_cast %add3A_779 : i32 to index
        %swap3A_789 = arith.constant 0 : index
        %swap3A_790 = tpu.vector_load %arg11[%swap3A_788, %swap3A_789] {strides = array<i32>} : memref<1008x64xf32, #tpu.memory_space<vmem>>, vector<1x16xf32>,
        %swap3A_791 = vector.shape_cast %swap3A_790 : vector<1x16xf32> to vector<16xf32>
        %swap3A_792 = vector.shape_cast %mul3A_787 : vector<16xf32> to vector<1x16xf32>
        tpu.vector_store %arg11[%swap3A_788, %swap3A_789], %swap3A_792 {strides = array<i32>} : memref<1008x64xf32, #tpu.memory_space<vmem>>, vector<1x16xf32>,
        %get3A_793 = arith.index_cast %add3A_779 : i32 to index
        %get3A_794 = arith.constant 16 : index
        %get3A_795 = tpu.vector_load %arg11[%get3A_793, %get3A_794] {strides = array<i32>} : memref<1008x64xf32, #tpu.memory_space<vmem>>, vector<1x16xf32>,
        %get3A_796 = vector.shape_cast %get3A_795 : vector<1x16xf32> to vector<16xf32>
        %mul3A_797 = arith.mulf %get3A_796, %broadcast_in_dim3A_782 : vector<16xf32>
        %swap3A_798 = arith.index_cast %add3A_779 : i32 to index
        %swap3A_799 = arith.constant 16 : index
        %swap3A_800 = tpu.vector_load %arg11[%swap3A_798, %swap3A_799] {strides = array<i32>} : memref<1008x64xf32, #tpu.memory_space<vmem>>, vector<1x16xf32>,
        %swap3A_801 = vector.shape_cast %swap3A_800 : vector<1x16xf32> to vector<16xf32>
        %swap3A_802 = vector.shape_cast %mul3A_797 : vector<16xf32> to vector<1x16xf32>
        tpu.vector_store %arg11[%swap3A_798, %swap3A_799], %swap3A_802 {strides = array<i32>} : memref<1008x64xf32, #tpu.memory_space<vmem>>, vector<1x16xf32>,
        %get3A_803 = arith.index_cast %add3A_779 : i32 to index
        %get3A_804 = arith.constant 32 : index
        %get3A_805 = tpu.vector_load %arg11[%get3A_803, %get3A_804] {strides = array<i32>} : memref<1008x64xf32, #tpu.memory_space<vmem>>, vector<1x16xf32>,
        %get3A_806 = vector.shape_cast %get3A_805 : vector<1x16xf32> to vector<16xf32>
        %mul3A_807 = arith.mulf %get3A_806, %broadcast_in_dim3A_782 : vector<16xf32>
        %swap3A_808 = arith.index_cast %add3A_779 : i32 to index
        %swap3A_809 = arith.constant 32 : index
        %swap3A_810 = tpu.vector_load %arg11[%swap3A_808, %swap3A_809] {strides = array<i32>} : memref<1008x64xf32, #tpu.memory_space<vmem>>, vector<1x16xf32>,
        %swap3A_811 = vector.shape_cast %swap3A_810 : vector<1x16xf32> to vector<16xf32>
        %swap3A_812 = vector.shape_cast %mul3A_807 : vector<16xf32> to vector<1x16xf32>
        tpu.vector_store %arg11[%swap3A_808, %swap3A_809], %swap3A_812 {strides = array<i32>} : memref<1008x64xf32, #tpu.memory_space<vmem>>, vector<1x16xf32>,
        %get3A_813 = arith.index_cast %add3A_779 : i32 to index
        %get3A_814 = arith.constant 48 : index
        %get3A_815 = tpu.vector_load %arg11[%get3A_813, %get3A_814] {strides = array<i32>} : memref<1008x64xf32, #tpu.memory_space<vmem>>, vector<1x16xf32>,
        %get3A_816 = vector.shape_cast %get3A_815 : vector<1x16xf32> to vector<16xf32>
        %mul3A_817 = arith.mulf %get3A_816, %broadcast_in_dim3A_782 : vector<16xf32>
        %swap3A_818 = arith.index_cast %add3A_779 : i32 to index
        %swap3A_819 = arith.constant 48 : index
        %swap3A_820 = tpu.vector_load %arg11[%swap3A_818, %swap3A_819] {strides = array<i32>} : memref<1008x64xf32, #tpu.memory_space<vmem>>, vector<1x16xf32>,
        %swap3A_821 = vector.shape_cast %swap3A_820 : vector<1x16xf32> to vector<16xf32>
        %swap3A_822 = vector.shape_cast %mul3A_817 : vector<16xf32> to vector<1x16xf32>
        tpu.vector_store %arg11[%swap3A_818, %swap3A_819], %swap3A_822 {strides = array<i32>} : memref<1008x64xf32, #tpu.memory_space<vmem>>, vector<1x16xf32>,
      }
      %scan3A_68 = arith.constant 63 : i32
      "tpu.region"() ({
        %run_scoped3A = tpu.sem_alloc : memref<!tpu.dma_semaphore, #tpu.memory_space<semaphore_mem>>
        %dma_start3A_69 = arith.constant 0 : i32
        %dma_start3A_70 = arith.constant 0 : i32
        %dma_start3A_71 = tpu.memref_slice %arg11[%dma_start3A_69, %dma_start3A_70] : memref<1008x64xf32, #tpu.memory_space<vmem>> -> memref<1008x64xf32, #tpu.memory_space<vmem>>
        %dma_start3A_72 = arith.constant 0 : i32
        %dma_start3A_73 = tpu.memref_slice %arg9[%dma_start3A_72] : memref<1008xi32, #tpu.memory_space<vmem>> -> memref<1008xi32, #tpu.memory_space<vmem>>
        %dma_start3A_74 = arith.constant 0 : i32
        %dma_start3A_75 = arith.constant 0 : i32
        %dma_start3A_76 = tpu.memref_slice %arg12[%dma_start3A_74, %dma_start3A_75] : memref<10000x64xf32, #tpu.memory_space<vmem_shared>> -> memref<10000x64xf32, #tpu.memory_space<vmem_shared>>
        tpu.enqueue_indirect_dma source(%dma_start3A_71 : memref<1008x64xf32, #tpu.memory_space<vmem>>) target(%dma_start3A_76 : memref<10000x64xf32, #tpu.memory_space<vmem_shared>>) offsets(%dma_start3A_73 : memref<1008xi32, #tpu.memory_space<vmem>>) semaphore(%run_scoped3A : memref<!tpu.dma_semaphore, #tpu.memory_space<semaphore_mem>>) {add = true}
        %dma_wait3A_77 = arith.constant 0 : i32
        %dma_wait3A_78 = arith.constant 0 : i32
        %dma_wait3A_79 = tpu.memref_slice %arg11[%dma_wait3A_77, %dma_wait3A_78] : memref<1008x64xf32, #tpu.memory_space<vmem>> -> memref<1008x64xf32, #tpu.memory_space<vmem>>
        %dma_wait3A_80 = arith.constant 0 : i32
        %dma_wait3A_81 = tpu.memref_slice %arg9[%dma_wait3A_80] : memref<1008xi32, #tpu.memory_space<vmem>> -> memref<1008xi32, #tpu.memory_space<vmem>>
        %dma_wait3A_82 = arith.constant 0 : i32
        %dma_wait3A_83 = arith.constant 0 : i32
        %dma_wait3A_84 = tpu.memref_slice %arg12[%dma_wait3A_82, %dma_wait3A_83] : memref<10000x64xf32, #tpu.memory_space<vmem_shared>> -> memref<10000x64xf32, #tpu.memory_space<vmem_shared>>
        tpu.wait_indirect_dma semaphore(%run_scoped3A : memref<!tpu.dma_semaphore, #tpu.memory_space<semaphore_mem>>) src(%dma_wait3A_79 : memref<1008x64xf32, #tpu.memory_space<vmem>>) dst(%dma_wait3A_84 : memref<10000x64xf32, #tpu.memory_space<vmem_shared>>)
        tpu.yield
      }) : () -> ()
    }
    %scan3A_12 = arith.constant 9 : i32
    %add3A_13 = arith.constant 9072 : i32
    %add3A_14 = arith.addi %multiple_of3A_7, %add3A_13 : i32
    %multiple_of3A_15 = tpu.assume_multiple %add3A_14, 8 : i32
    "tpu.region"() ({
      %run_scoped3A = tpu.sem_alloc : memref<!tpu.dma_semaphore, #tpu.memory_space<semaphore_mem>>
      %dma_start3A_42 = arith.constant 0 : i32
      %dma_start3A_43 = tpu.memref_slice %arg8[%dma_start3A_42] : memref<1008xi32, #tpu.memory_space<vmem>> -> memref<928xi32, #tpu.memory_space<vmem>>
      %dma_start3A_44 = tpu.memref_slice %arg3[%multiple_of3A_15] : memref<320000xi32, #tpu.memory_space<hbm>> -> memref<928xi32, #tpu.memory_space<hbm>>
      %dma_start3A_45 = arith.constant 0 : i32
      %dma_start3A_46 = tpu.memref_slice %arg8[%dma_start3A_45] : memref<1008xi32, #tpu.memory_space<vmem>> -> memref<928xi32, #tpu.memory_space<vmem>>
      %dma_start3A_47 = tpu.memref_slice %arg3[%multiple_of3A_15] : memref<320000xi32, #tpu.memory_space<hbm>> -> memref<928xi32, #tpu.memory_space<hbm>>
      tpu.enqueue_dma source(%dma_start3A_47 : memref<928xi32, #tpu.memory_space<hbm>>) target(%dma_start3A_46 : memref<928xi32, #tpu.memory_space<vmem>>) target_semaphore(%run_scoped3A : memref<!tpu.dma_semaphore, #tpu.memory_space<semaphore_mem>>)
      %dma_wait3A_48 = arith.constant 0 : i32
      %dma_wait3A_49 = tpu.memref_slice %arg8[%dma_wait3A_48] : memref<1008xi32, #tpu.memory_space<vmem>> -> memref<928xi32, #tpu.memory_space<vmem>>
      %dma_wait3A_50 = tpu.memref_slice %arg3[%multiple_of3A_15] : memref<320000xi32, #tpu.memory_space<hbm>> -> memref<928xi32, #tpu.memory_space<hbm>>
      %dma_wait3A_51 = arith.constant 0 : i32
      %dma_wait3A_52 = tpu.memref_slice %arg8[%dma_wait3A_51] : memref<1008xi32, #tpu.memory_space<vmem>> -> memref<928xi32, #tpu.memory_space<vmem>>
      %dma_wait3A_53 = tpu.memref_slice %arg3[%multiple_of3A_15] : memref<320000xi32, #tpu.memory_space<hbm>> -> memref<928xi32, #tpu.memory_space<hbm>>
      tpu.wait_dma2 semaphore(%run_scoped3A : memref<!tpu.dma_semaphore, #tpu.memory_space<semaphore_mem>>) src(%dma_wait3A_53 : memref<928xi32, #tpu.memory_space<hbm>>) dst(%dma_wait3A_52 : memref<928xi32, #tpu.memory_space<vmem>>)
      tpu.yield
    }) : () -> ()
    "tpu.region"() ({
      %run_scoped3A = tpu.sem_alloc : memref<!tpu.dma_semaphore, #tpu.memory_space<semaphore_mem>>
      %dma_start3A_42 = arith.constant 0 : i32
      %dma_start3A_43 = tpu.memref_slice %arg9[%dma_start3A_42] : memref<1008xi32, #tpu.memory_space<vmem>> -> memref<928xi32, #tpu.memory_space<vmem>>
      %dma_start3A_44 = tpu.memref_slice %arg4[%multiple_of3A_15] : memref<320000xi32, #tpu.memory_space<hbm>> -> memref<928xi32, #tpu.memory_space<hbm>>
      %dma_start3A_45 = arith.constant 0 : i32
      %dma_start3A_46 = tpu.memref_slice %arg9[%dma_start3A_45] : memref<1008xi32, #tpu.memory_space<vmem>> -> memref<928xi32, #tpu.memory_space<vmem>>
      %dma_start3A_47 = tpu.memref_slice %arg4[%multiple_of3A_15] : memref<320000xi32, #tpu.memory_space<hbm>> -> memref<928xi32, #tpu.memory_space<hbm>>
      tpu.enqueue_dma source(%dma_start3A_47 : memref<928xi32, #tpu.memory_space<hbm>>) target(%dma_start3A_46 : memref<928xi32, #tpu.memory_space<vmem>>) target_semaphore(%run_scoped3A : memref<!tpu.dma_semaphore, #tpu.memory_space<semaphore_mem>>)
      %dma_wait3A_48 = arith.constant 0 : i32
      %dma_wait3A_49 = tpu.memref_slice %arg9[%dma_wait3A_48] : memref<1008xi32, #tpu.memory_space<vmem>> -> memref<928xi32, #tpu.memory_space<vmem>>
      %dma_wait3A_50 = tpu.memref_slice %arg4[%multiple_of3A_15] : memref<320000xi32, #tpu.memory_space<hbm>> -> memref<928xi32, #tpu.memory_space<hbm>>
      %dma_wait3A_51 = arith.constant 0 : i32
      %dma_wait3A_52 = tpu.memref_slice %arg9[%dma_wait3A_51] : memref<1008xi32, #tpu.memory_space<vmem>> -> memref<928xi32, #tpu.memory_space<vmem>>
      %dma_wait3A_53 = tpu.memref_slice %arg4[%multiple_of3A_15] : memref<320000xi32, #tpu.memory_space<hbm>> -> memref<928xi32, #tpu.memory_space<hbm>>
      tpu.wait_dma2 semaphore(%run_scoped3A : memref<!tpu.dma_semaphore, #tpu.memory_space<semaphore_mem>>) src(%dma_wait3A_53 : memref<928xi32, #tpu.memory_space<hbm>>) dst(%dma_wait3A_52 : memref<928xi32, #tpu.memory_space<vmem>>)
      tpu.yield
    }) : () -> ()
    "tpu.region"() ({
      %run_scoped3A = tpu.sem_alloc : memref<!tpu.dma_semaphore, #tpu.memory_space<semaphore_mem>>
      %dma_start3A_42 = arith.constant 0 : i32
      %dma_start3A_43 = tpu.memref_slice %arg10[%dma_start3A_42] : memref<1008xf32, #tpu.memory_space<vmem>> -> memref<928xf32, #tpu.memory_space<vmem>>
      %dma_start3A_44 = tpu.memref_slice %arg5[%multiple_of3A_15] : memref<320000xf32, #tpu.memory_space<hbm>> -> memref<928xf32, #tpu.memory_space<hbm>>
      %dma_start3A_45 = arith.constant 0 : i32
      %dma_start3A_46 = tpu.memref_slice %arg10[%dma_start3A_45] : memref<1008xf32, #tpu.memory_space<vmem>> -> memref<928xf32, #tpu.memory_space<vmem>>
      %dma_start3A_47 = tpu.memref_slice %arg5[%multiple_of3A_15] : memref<320000xf32, #tpu.memory_space<hbm>> -> memref<928xf32, #tpu.memory_space<hbm>>
      tpu.enqueue_dma source(%dma_start3A_47 : memref<928xf32, #tpu.memory_space<hbm>>) target(%dma_start3A_46 : memref<928xf32, #tpu.memory_space<vmem>>) target_semaphore(%run_scoped3A : memref<!tpu.dma_semaphore, #tpu.memory_space<semaphore_mem>>)
      %dma_wait3A_48 = arith.constant 0 : i32
      %dma_wait3A_49 = tpu.memref_slice %arg10[%dma_wait3A_48] : memref<1008xf32, #tpu.memory_space<vmem>> -> memref<928xf32, #tpu.memory_space<vmem>>
      %dma_wait3A_50 = tpu.memref_slice %arg5[%multiple_of3A_15] : memref<320000xf32, #tpu.memory_space<hbm>> -> memref<928xf32, #tpu.memory_space<hbm>>
      %dma_wait3A_51 = arith.constant 0 : i32
      %dma_wait3A_52 = tpu.memref_slice %arg10[%dma_wait3A_51] : memref<1008xf32, #tpu.memory_space<vmem>> -> memref<928xf32, #tpu.memory_space<vmem>>
      %dma_wait3A_53 = tpu.memref_slice %arg5[%multiple_of3A_15] : memref<320000xf32, #tpu.memory_space<hbm>> -> memref<928xf32, #tpu.memory_space<hbm>>
      tpu.wait_dma2 semaphore(%run_scoped3A : memref<!tpu.dma_semaphore, #tpu.memory_space<semaphore_mem>>) src(%dma_wait3A_53 : memref<928xf32, #tpu.memory_space<hbm>>) dst(%dma_wait3A_52 : memref<928xf32, #tpu.memory_space<vmem>>)
      tpu.yield
    }) : () -> ()
    %dma_start3A = arith.constant 0 : i32
    %dma_start3A_16 = arith.constant 0 : i32
    %dma_start3A_17 = tpu.memref_slice %arg11[%dma_start3A, %dma_start3A_16] : memref<1008x64xf32, #tpu.memory_space<vmem>> -> memref<928x64xf32, #tpu.memory_space<vmem>>
    %dma_start3A_18 = arith.constant 0 : i32
    %dma_start3A_19 = tpu.memref_slice %arg8[%dma_start3A_18] : memref<1008xi32, #tpu.memory_space<vmem>> -> memref<928xi32, #tpu.memory_space<vmem>>
    %dma_start3A_20 = arith.constant 0 : i32
    %dma_start3A_21 = arith.constant 0 : i32
    %dma_start3A_22 = tpu.memref_slice %arg2[%dma_start3A_20, %dma_start3A_21] : memref<10000x64xf32, #tpu.memory_space<hbm>> -> memref<10000x64xf32, #tpu.memory_space<hbm>>
    tpu.enqueue_indirect_dma source(%dma_start3A_22 : memref<10000x64xf32, #tpu.memory_space<hbm>>) target(%dma_start3A_17 : memref<928x64xf32, #tpu.memory_space<vmem>>) offsets(%dma_start3A_19 : memref<928xi32, #tpu.memory_space<vmem>>) semaphore(%arg13 : memref<!tpu.dma_semaphore, #tpu.memory_space<semaphore_mem>>)
    %dma_wait3A = arith.constant 0 : i32
    %dma_wait3A_23 = arith.constant 0 : i32
    %dma_wait3A_24 = tpu.memref_slice %arg11[%dma_wait3A, %dma_wait3A_23] : memref<1008x64xf32, #tpu.memory_space<vmem>> -> memref<928x64xf32, #tpu.memory_space<vmem>>
    %dma_wait3A_25 = arith.constant 0 : i32
    %dma_wait3A_26 = tpu.memref_slice %arg8[%dma_wait3A_25] : memref<1008xi32, #tpu.memory_space<vmem>> -> memref<928xi32, #tpu.memory_space<vmem>>
    %dma_wait3A_27 = arith.constant 0 : i32
    %dma_wait3A_28 = arith.constant 0 : i32
    %dma_wait3A_29 = tpu.memref_slice %arg2[%dma_wait3A_27, %dma_wait3A_28] : memref<10000x64xf32, #tpu.memory_space<hbm>> -> memref<10000x64xf32, #tpu.memory_space<hbm>>
    tpu.wait_indirect_dma semaphore(%arg13 : memref<!tpu.dma_semaphore, #tpu.memory_space<semaphore_mem>>) src(%dma_wait3A_29 : memref<10000x64xf32, #tpu.memory_space<hbm>>) dst(%dma_wait3A_24 : memref<928x64xf32, #tpu.memory_space<vmem>>)
    %scan3A_30 = arith.constant 0 : i32
    %scan3A_31 = arith.constant 0 : i32
    %scan3A_32 = arith.constant 58 : i32
    %scan3A_33 = arith.addi %scan3A_31, %scan3A_32 : i32
    %scan3A_34 = arith.constant 1 : i32
    scf.for %scan3A_42 = %scan3A_31 to %scan3A_33 step %scan3A_34  : i32 {
      %mul3A_43 = arith.constant 16 : i32
      %mul3A_44 = arith.muli %scan3A_42, %mul3A_43 : i32
      %multiple_of3A_45 = tpu.assume_multiple %mul3A_44, 16 : i32
      %get3A = arith.index_cast %multiple_of3A_45 : i32 to index
      %get3A_46 = tpu.vector_load %arg10[%get3A] {strides = array<i32>} : memref<1008xf32, #tpu.memory_space<vmem>>, vector<16xf32>,
      %get3A_47 = vector.shape_cast %get3A_46 : vector<16xf32> to vector<16xf32>
      %mul3A_48 = arith.constant 16 : i32
      %mul3A_49 = arith.muli %scan3A_42, %mul3A_48 : i32
      %add3A_50 = arith.constant 0 : i32
      %add3A_51 = arith.addi %mul3A_49, %add3A_50 : i32
      %slice3A = vector.extract_strided_slice %get3A_47 {offsets = [0], sizes = [1], strides = [1]} : vector<16xf32> to vector<1xf32>
      %squeeze3A = vector.extract %slice3A[0] : f32 from vector<1xf32>
      %broadcast_in_dim3A = vector.broadcast %squeeze3A : f32 to vector<16xf32>
      %get3A_52 = arith.index_cast %add3A_51 : i32 to index
      %get3A_53 = arith.constant 0 : index
      %get3A_54 = tpu.vector_load %arg11[%get3A_52, %get3A_53] {strides = array<i32>} : memref<1008x64xf32, #tpu.memory_space<vmem>>, vector<1x16xf32>,
      %get3A_55 = vector.shape_cast %get3A_54 : vector<1x16xf32> to vector<16xf32>
      %mul3A_56 = arith.mulf %get3A_55, %broadcast_in_dim3A : vector<16xf32>
      %swap3A = arith.index_cast %add3A_51 : i32 to index
      %swap3A_57 = arith.constant 0 : index
      %swap3A_58 = tpu.vector_load %arg11[%swap3A, %swap3A_57] {strides = array<i32>} : memref<1008x64xf32, #tpu.memory_space<vmem>>, vector<1x16xf32>,
      %swap3A_59 = vector.shape_cast %swap3A_58 : vector<1x16xf32> to vector<16xf32>
      %swap3A_60 = vector.shape_cast %mul3A_56 : vector<16xf32> to vector<1x16xf32>
      tpu.vector_store %arg11[%swap3A, %swap3A_57], %swap3A_60 {strides = array<i32>} : memref<1008x64xf32, #tpu.memory_space<vmem>>, vector<1x16xf32>,
      %get3A_61 = arith.index_cast %add3A_51 : i32 to index
      %get3A_62 = arith.constant 16 : index
      %get3A_63 = tpu.vector_load %arg11[%get3A_61, %get3A_62] {strides = array<i32>} : memref<1008x64xf32, #tpu.memory_space<vmem>>, vector<1x16xf32>,
      %get3A_64 = vector.shape_cast %get3A_63 : vector<1x16xf32> to vector<16xf32>
      %mul3A_65 = arith.mulf %get3A_64, %broadcast_in_dim3A : vector<16xf32>
      %swap3A_66 = arith.index_cast %add3A_51 : i32 to index
      %swap3A_67 = arith.constant 16 : index
      %swap3A_68 = tpu.vector_load %arg11[%swap3A_66, %swap3A_67] {strides = array<i32>} : memref<1008x64xf32, #tpu.memory_space<vmem>>, vector<1x16xf32>,
      %swap3A_69 = vector.shape_cast %swap3A_68 : vector<1x16xf32> to vector<16xf32>
      %swap3A_70 = vector.shape_cast %mul3A_65 : vector<16xf32> to vector<1x16xf32>
      tpu.vector_store %arg11[%swap3A_66, %swap3A_67], %swap3A_70 {strides = array<i32>} : memref<1008x64xf32, #tpu.memory_space<vmem>>, vector<1x16xf32>,
      %get3A_71 = arith.index_cast %add3A_51 : i32 to index
      %get3A_72 = arith.constant 32 : index
      %get3A_73 = tpu.vector_load %arg11[%get3A_71, %get3A_72] {strides = array<i32>} : memref<1008x64xf32, #tpu.memory_space<vmem>>, vector<1x16xf32>,
      %get3A_74 = vector.shape_cast %get3A_73 : vector<1x16xf32> to vector<16xf32>
      %mul3A_75 = arith.mulf %get3A_74, %broadcast_in_dim3A : vector<16xf32>
      %swap3A_76 = arith.index_cast %add3A_51 : i32 to index
      %swap3A_77 = arith.constant 32 : index
      %swap3A_78 = tpu.vector_load %arg11[%swap3A_76, %swap3A_77] {strides = array<i32>} : memref<1008x64xf32, #tpu.memory_space<vmem>>, vector<1x16xf32>,
      %swap3A_79 = vector.shape_cast %swap3A_78 : vector<1x16xf32> to vector<16xf32>
      %swap3A_80 = vector.shape_cast %mul3A_75 : vector<16xf32> to vector<1x16xf32>
      tpu.vector_store %arg11[%swap3A_76, %swap3A_77], %swap3A_80 {strides = array<i32>} : memref<1008x64xf32, #tpu.memory_space<vmem>>, vector<1x16xf32>,
      %get3A_81 = arith.index_cast %add3A_51 : i32 to index
      %get3A_82 = arith.constant 48 : index
      %get3A_83 = tpu.vector_load %arg11[%get3A_81, %get3A_82] {strides = array<i32>} : memref<1008x64xf32, #tpu.memory_space<vmem>>, vector<1x16xf32>,
      %get3A_84 = vector.shape_cast %get3A_83 : vector<1x16xf32> to vector<16xf32>
      %mul3A_85 = arith.mulf %get3A_84, %broadcast_in_dim3A : vector<16xf32>
      %swap3A_86 = arith.index_cast %add3A_51 : i32 to index
      %swap3A_87 = arith.constant 48 : index
      %swap3A_88 = tpu.vector_load %arg11[%swap3A_86, %swap3A_87] {strides = array<i32>} : memref<1008x64xf32, #tpu.memory_space<vmem>>, vector<1x16xf32>,
      %swap3A_89 = vector.shape_cast %swap3A_88 : vector<1x16xf32> to vector<16xf32>
      %swap3A_90 = vector.shape_cast %mul3A_85 : vector<16xf32> to vector<1x16xf32>
      tpu.vector_store %arg11[%swap3A_86, %swap3A_87], %swap3A_90 {strides = array<i32>} : memref<1008x64xf32, #tpu.memory_space<vmem>>, vector<1x16xf32>,
      %mul3A_91 = arith.constant 16 : i32
      %mul3A_92 = arith.muli %scan3A_42, %mul3A_91 : i32
      %add3A_93 = arith.constant 1 : i32
      %add3A_94 = arith.addi %mul3A_92, %add3A_93 : i32
      %slice3A_95 = vector.extract_strided_slice %get3A_47 {offsets = [1], sizes = [1], strides = [1]} : vector<16xf32> to vector<1xf32>
      %squeeze3A_96 = vector.extract %slice3A_95[0] : f32 from vector<1xf32>
      %broadcast_in_dim3A_97 = vector.broadcast %squeeze3A_96 : f32 to vector<16xf32>
      %get3A_98 = arith.index_cast %add3A_94 : i32 to index
      %get3A_99 = arith.constant 0 : index
      %get3A_100 = tpu.vector_load %arg11[%get3A_98, %get3A_99] {strides = array<i32>} : memref<1008x64xf32, #tpu.memory_space<vmem>>, vector<1x16xf32>,
      %get3A_101 = vector.shape_cast %get3A_100 : vector<1x16xf32> to vector<16xf32>
      %mul3A_102 = arith.mulf %get3A_101, %broadcast_in_dim3A_97 : vector<16xf32>
      %swap3A_103 = arith.index_cast %add3A_94 : i32 to index
      %swap3A_104 = arith.constant 0 : index
      %swap3A_105 = tpu.vector_load %arg11[%swap3A_103, %swap3A_104] {strides = array<i32>} : memref<1008x64xf32, #tpu.memory_space<vmem>>, vector<1x16xf32>,
      %swap3A_106 = vector.shape_cast %swap3A_105 : vector<1x16xf32> to vector<16xf32>
      %swap3A_107 = vector.shape_cast %mul3A_102 : vector<16xf32> to vector<1x16xf32>
      tpu.vector_store %arg11[%swap3A_103, %swap3A_104], %swap3A_107 {strides = array<i32>} : memref<1008x64xf32, #tpu.memory_space<vmem>>, vector<1x16xf32>,
      %get3A_108 = arith.index_cast %add3A_94 : i32 to index
      %get3A_109 = arith.constant 16 : index
      %get3A_110 = tpu.vector_load %arg11[%get3A_108, %get3A_109] {strides = array<i32>} : memref<1008x64xf32, #tpu.memory_space<vmem>>, vector<1x16xf32>,
      %get3A_111 = vector.shape_cast %get3A_110 : vector<1x16xf32> to vector<16xf32>
      %mul3A_112 = arith.mulf %get3A_111, %broadcast_in_dim3A_97 : vector<16xf32>
      %swap3A_113 = arith.index_cast %add3A_94 : i32 to index
      %swap3A_114 = arith.constant 16 : index
      %swap3A_115 = tpu.vector_load %arg11[%swap3A_113, %swap3A_114] {strides = array<i32>} : memref<1008x64xf32, #tpu.memory_space<vmem>>, vector<1x16xf32>,
      %swap3A_116 = vector.shape_cast %swap3A_115 : vector<1x16xf32> to vector<16xf32>
      %swap3A_117 = vector.shape_cast %mul3A_112 : vector<16xf32> to vector<1x16xf32>
      tpu.vector_store %arg11[%swap3A_113, %swap3A_114], %swap3A_117 {strides = array<i32>} : memref<1008x64xf32, #tpu.memory_space<vmem>>, vector<1x16xf32>,
      %get3A_118 = arith.index_cast %add3A_94 : i32 to index
      %get3A_119 = arith.constant 32 : index
      %get3A_120 = tpu.vector_load %arg11[%get3A_118, %get3A_119] {strides = array<i32>} : memref<1008x64xf32, #tpu.memory_space<vmem>>, vector<1x16xf32>,
      %get3A_121 = vector.shape_cast %get3A_120 : vector<1x16xf32> to vector<16xf32>
      %mul3A_122 = arith.mulf %get3A_121, %broadcast_in_dim3A_97 : vector<16xf32>
      %swap3A_123 = arith.index_cast %add3A_94 : i32 to index
      %swap3A_124 = arith.constant 32 : index
      %swap3A_125 = tpu.vector_load %arg11[%swap3A_123, %swap3A_124] {strides = array<i32>} : memref<1008x64xf32, #tpu.memory_space<vmem>>, vector<1x16xf32>,
      %swap3A_126 = vector.shape_cast %swap3A_125 : vector<1x16xf32> to vector<16xf32>
      %swap3A_127 = vector.shape_cast %mul3A_122 : vector<16xf32> to vector<1x16xf32>
      tpu.vector_store %arg11[%swap3A_123, %swap3A_124], %swap3A_127 {strides = array<i32>} : memref<1008x64xf32, #tpu.memory_space<vmem>>, vector<1x16xf32>,
      %get3A_128 = arith.index_cast %add3A_94 : i32 to index
      %get3A_129 = arith.constant 48 : index
      %get3A_130 = tpu.vector_load %arg11[%get3A_128, %get3A_129] {strides = array<i32>} : memref<1008x64xf32, #tpu.memory_space<vmem>>, vector<1x16xf32>,
      %get3A_131 = vector.shape_cast %get3A_130 : vector<1x16xf32> to vector<16xf32>
      %mul3A_132 = arith.mulf %get3A_131, %broadcast_in_dim3A_97 : vector<16xf32>
      %swap3A_133 = arith.index_cast %add3A_94 : i32 to index
      %swap3A_134 = arith.constant 48 : index
      %swap3A_135 = tpu.vector_load %arg11[%swap3A_133, %swap3A_134] {strides = array<i32>} : memref<1008x64xf32, #tpu.memory_space<vmem>>, vector<1x16xf32>,
      %swap3A_136 = vector.shape_cast %swap3A_135 : vector<1x16xf32> to vector<16xf32>
      %swap3A_137 = vector.shape_cast %mul3A_132 : vector<16xf32> to vector<1x16xf32>
      tpu.vector_store %arg11[%swap3A_133, %swap3A_134], %swap3A_137 {strides = array<i32>} : memref<1008x64xf32, #tpu.memory_space<vmem>>, vector<1x16xf32>,
      %mul3A_138 = arith.constant 16 : i32
      %mul3A_139 = arith.muli %scan3A_42, %mul3A_138 : i32
      %add3A_140 = arith.constant 2 : i32
      %add3A_141 = arith.addi %mul3A_139, %add3A_140 : i32
      %slice3A_142 = vector.extract_strided_slice %get3A_47 {offsets = [2], sizes = [1], strides = [1]} : vector<16xf32> to vector<1xf32>
      %squeeze3A_143 = vector.extract %slice3A_142[0] : f32 from vector<1xf32>
      %broadcast_in_dim3A_144 = vector.broadcast %squeeze3A_143 : f32 to vector<16xf32>
      %get3A_145 = arith.index_cast %add3A_141 : i32 to index
      %get3A_146 = arith.constant 0 : index
      %get3A_147 = tpu.vector_load %arg11[%get3A_145, %get3A_146] {strides = array<i32>} : memref<1008x64xf32, #tpu.memory_space<vmem>>, vector<1x16xf32>,
      %get3A_148 = vector.shape_cast %get3A_147 : vector<1x16xf32> to vector<16xf32>
      %mul3A_149 = arith.mulf %get3A_148, %broadcast_in_dim3A_144 : vector<16xf32>
      %swap3A_150 = arith.index_cast %add3A_141 : i32 to index
      %swap3A_151 = arith.constant 0 : index
      %swap3A_152 = tpu.vector_load %arg11[%swap3A_150, %swap3A_151] {strides = array<i32>} : memref<1008x64xf32, #tpu.memory_space<vmem>>, vector<1x16xf32>,
      %swap3A_153 = vector.shape_cast %swap3A_152 : vector<1x16xf32> to vector<16xf32>
      %swap3A_154 = vector.shape_cast %mul3A_149 : vector<16xf32> to vector<1x16xf32>
      tpu.vector_store %arg11[%swap3A_150, %swap3A_151], %swap3A_154 {strides = array<i32>} : memref<1008x64xf32, #tpu.memory_space<vmem>>, vector<1x16xf32>,
      %get3A_155 = arith.index_cast %add3A_141 : i32 to index
      %get3A_156 = arith.constant 16 : index
      %get3A_157 = tpu.vector_load %arg11[%get3A_155, %get3A_156] {strides = array<i32>} : memref<1008x64xf32, #tpu.memory_space<vmem>>, vector<1x16xf32>,
      %get3A_158 = vector.shape_cast %get3A_157 : vector<1x16xf32> to vector<16xf32>
      %mul3A_159 = arith.mulf %get3A_158, %broadcast_in_dim3A_144 : vector<16xf32>
      %swap3A_160 = arith.index_cast %add3A_141 : i32 to index
      %swap3A_161 = arith.constant 16 : index
      %swap3A_162 = tpu.vector_load %arg11[%swap3A_160, %swap3A_161] {strides = array<i32>} : memref<1008x64xf32, #tpu.memory_space<vmem>>, vector<1x16xf32>,
      %swap3A_163 = vector.shape_cast %swap3A_162 : vector<1x16xf32> to vector<16xf32>
      %swap3A_164 = vector.shape_cast %mul3A_159 : vector<16xf32> to vector<1x16xf32>
      tpu.vector_store %arg11[%swap3A_160, %swap3A_161], %swap3A_164 {strides = array<i32>} : memref<1008x64xf32, #tpu.memory_space<vmem>>, vector<1x16xf32>,
      %get3A_165 = arith.index_cast %add3A_141 : i32 to index
      %get3A_166 = arith.constant 32 : index
      %get3A_167 = tpu.vector_load %arg11[%get3A_165, %get3A_166] {strides = array<i32>} : memref<1008x64xf32, #tpu.memory_space<vmem>>, vector<1x16xf32>,
      %get3A_168 = vector.shape_cast %get3A_167 : vector<1x16xf32> to vector<16xf32>
      %mul3A_169 = arith.mulf %get3A_168, %broadcast_in_dim3A_144 : vector<16xf32>
      %swap3A_170 = arith.index_cast %add3A_141 : i32 to index
      %swap3A_171 = arith.constant 32 : index
      %swap3A_172 = tpu.vector_load %arg11[%swap3A_170, %swap3A_171] {strides = array<i32>} : memref<1008x64xf32, #tpu.memory_space<vmem>>, vector<1x16xf32>,
      %swap3A_173 = vector.shape_cast %swap3A_172 : vector<1x16xf32> to vector<16xf32>
      %swap3A_174 = vector.shape_cast %mul3A_169 : vector<16xf32> to vector<1x16xf32>
      tpu.vector_store %arg11[%swap3A_170, %swap3A_171], %swap3A_174 {strides = array<i32>} : memref<1008x64xf32, #tpu.memory_space<vmem>>, vector<1x16xf32>,
      %get3A_175 = arith.index_cast %add3A_141 : i32 to index
      %get3A_176 = arith.constant 48 : index
      %get3A_177 = tpu.vector_load %arg11[%get3A_175, %get3A_176] {strides = array<i32>} : memref<1008x64xf32, #tpu.memory_space<vmem>>, vector<1x16xf32>,
      %get3A_178 = vector.shape_cast %get3A_177 : vector<1x16xf32> to vector<16xf32>
      %mul3A_179 = arith.mulf %get3A_178, %broadcast_in_dim3A_144 : vector<16xf32>
      %swap3A_180 = arith.index_cast %add3A_141 : i32 to index
      %swap3A_181 = arith.constant 48 : index
      %swap3A_182 = tpu.vector_load %arg11[%swap3A_180, %swap3A_181] {strides = array<i32>} : memref<1008x64xf32, #tpu.memory_space<vmem>>, vector<1x16xf32>,
      %swap3A_183 = vector.shape_cast %swap3A_182 : vector<1x16xf32> to vector<16xf32>
      %swap3A_184 = vector.shape_cast %mul3A_179 : vector<16xf32> to vector<1x16xf32>
      tpu.vector_store %arg11[%swap3A_180, %swap3A_181], %swap3A_184 {strides = array<i32>} : memref<1008x64xf32, #tpu.memory_space<vmem>>, vector<1x16xf32>,
      %mul3A_185 = arith.constant 16 : i32
      %mul3A_186 = arith.muli %scan3A_42, %mul3A_185 : i32
      %add3A_187 = arith.constant 3 : i32
      %add3A_188 = arith.addi %mul3A_186, %add3A_187 : i32
      %slice3A_189 = vector.extract_strided_slice %get3A_47 {offsets = [3], sizes = [1], strides = [1]} : vector<16xf32> to vector<1xf32>
      %squeeze3A_190 = vector.extract %slice3A_189[0] : f32 from vector<1xf32>
      %broadcast_in_dim3A_191 = vector.broadcast %squeeze3A_190 : f32 to vector<16xf32>
      %get3A_192 = arith.index_cast %add3A_188 : i32 to index
      %get3A_193 = arith.constant 0 : index
      %get3A_194 = tpu.vector_load %arg11[%get3A_192, %get3A_193] {strides = array<i32>} : memref<1008x64xf32, #tpu.memory_space<vmem>>, vector<1x16xf32>,
      %get3A_195 = vector.shape_cast %get3A_194 : vector<1x16xf32> to vector<16xf32>
      %mul3A_196 = arith.mulf %get3A_195, %broadcast_in_dim3A_191 : vector<16xf32>
      %swap3A_197 = arith.index_cast %add3A_188 : i32 to index
      %swap3A_198 = arith.constant 0 : index
      %swap3A_199 = tpu.vector_load %arg11[%swap3A_197, %swap3A_198] {strides = array<i32>} : memref<1008x64xf32, #tpu.memory_space<vmem>>, vector<1x16xf32>,
      %swap3A_200 = vector.shape_cast %swap3A_199 : vector<1x16xf32> to vector<16xf32>
      %swap3A_201 = vector.shape_cast %mul3A_196 : vector<16xf32> to vector<1x16xf32>
      tpu.vector_store %arg11[%swap3A_197, %swap3A_198], %swap3A_201 {strides = array<i32>} : memref<1008x64xf32, #tpu.memory_space<vmem>>, vector<1x16xf32>,
      %get3A_202 = arith.index_cast %add3A_188 : i32 to index
      %get3A_203 = arith.constant 16 : index
      %get3A_204 = tpu.vector_load %arg11[%get3A_202, %get3A_203] {strides = array<i32>} : memref<1008x64xf32, #tpu.memory_space<vmem>>, vector<1x16xf32>,
      %get3A_205 = vector.shape_cast %get3A_204 : vector<1x16xf32> to vector<16xf32>
      %mul3A_206 = arith.mulf %get3A_205, %broadcast_in_dim3A_191 : vector<16xf32>
      %swap3A_207 = arith.index_cast %add3A_188 : i32 to index
      %swap3A_208 = arith.constant 16 : index
      %swap3A_209 = tpu.vector_load %arg11[%swap3A_207, %swap3A_208] {strides = array<i32>} : memref<1008x64xf32, #tpu.memory_space<vmem>>, vector<1x16xf32>,
      %swap3A_210 = vector.shape_cast %swap3A_209 : vector<1x16xf32> to vector<16xf32>
      %swap3A_211 = vector.shape_cast %mul3A_206 : vector<16xf32> to vector<1x16xf32>
      tpu.vector_store %arg11[%swap3A_207, %swap3A_208], %swap3A_211 {strides = array<i32>} : memref<1008x64xf32, #tpu.memory_space<vmem>>, vector<1x16xf32>,
      %get3A_212 = arith.index_cast %add3A_188 : i32 to index
      %get3A_213 = arith.constant 32 : index
      %get3A_214 = tpu.vector_load %arg11[%get3A_212, %get3A_213] {strides = array<i32>} : memref<1008x64xf32, #tpu.memory_space<vmem>>, vector<1x16xf32>,
      %get3A_215 = vector.shape_cast %get3A_214 : vector<1x16xf32> to vector<16xf32>
      %mul3A_216 = arith.mulf %get3A_215, %broadcast_in_dim3A_191 : vector<16xf32>
      %swap3A_217 = arith.index_cast %add3A_188 : i32 to index
      %swap3A_218 = arith.constant 32 : index
      %swap3A_219 = tpu.vector_load %arg11[%swap3A_217, %swap3A_218] {strides = array<i32>} : memref<1008x64xf32, #tpu.memory_space<vmem>>, vector<1x16xf32>,
      %swap3A_220 = vector.shape_cast %swap3A_219 : vector<1x16xf32> to vector<16xf32>
      %swap3A_221 = vector.shape_cast %mul3A_216 : vector<16xf32> to vector<1x16xf32>
      tpu.vector_store %arg11[%swap3A_217, %swap3A_218], %swap3A_221 {strides = array<i32>} : memref<1008x64xf32, #tpu.memory_space<vmem>>, vector<1x16xf32>,
      %get3A_222 = arith.index_cast %add3A_188 : i32 to index
      %get3A_223 = arith.constant 48 : index
      %get3A_224 = tpu.vector_load %arg11[%get3A_222, %get3A_223] {strides = array<i32>} : memref<1008x64xf32, #tpu.memory_space<vmem>>, vector<1x16xf32>,
      %get3A_225 = vector.shape_cast %get3A_224 : vector<1x16xf32> to vector<16xf32>
      %mul3A_226 = arith.mulf %get3A_225, %broadcast_in_dim3A_191 : vector<16xf32>
      %swap3A_227 = arith.index_cast %add3A_188 : i32 to index
      %swap3A_228 = arith.constant 48 : index
      %swap3A_229 = tpu.vector_load %arg11[%swap3A_227, %swap3A_228] {strides = array<i32>} : memref<1008x64xf32, #tpu.memory_space<vmem>>, vector<1x16xf32>,
      %swap3A_230 = vector.shape_cast %swap3A_229 : vector<1x16xf32> to vector<16xf32>
      %swap3A_231 = vector.shape_cast %mul3A_226 : vector<16xf32> to vector<1x16xf32>
      tpu.vector_store %arg11[%swap3A_227, %swap3A_228], %swap3A_231 {strides = array<i32>} : memref<1008x64xf32, #tpu.memory_space<vmem>>, vector<1x16xf32>,
      %mul3A_232 = arith.constant 16 : i32
      %mul3A_233 = arith.muli %scan3A_42, %mul3A_232 : i32
      %add3A_234 = arith.constant 4 : i32
      %add3A_235 = arith.addi %mul3A_233, %add3A_234 : i32
      %slice3A_236 = vector.extract_strided_slice %get3A_47 {offsets = [4], sizes = [1], strides = [1]} : vector<16xf32> to vector<1xf32>
      %squeeze3A_237 = vector.extract %slice3A_236[0] : f32 from vector<1xf32>
      %broadcast_in_dim3A_238 = vector.broadcast %squeeze3A_237 : f32 to vector<16xf32>
      %get3A_239 = arith.index_cast %add3A_235 : i32 to index
      %get3A_240 = arith.constant 0 : index
      %get3A_241 = tpu.vector_load %arg11[%get3A_239, %get3A_240] {strides = array<i32>} : memref<1008x64xf32, #tpu.memory_space<vmem>>, vector<1x16xf32>,
      %get3A_242 = vector.shape_cast %get3A_241 : vector<1x16xf32> to vector<16xf32>
      %mul3A_243 = arith.mulf %get3A_242, %broadcast_in_dim3A_238 : vector<16xf32>
      %swap3A_244 = arith.index_cast %add3A_235 : i32 to index
      %swap3A_245 = arith.constant 0 : index
      %swap3A_246 = tpu.vector_load %arg11[%swap3A_244, %swap3A_245] {strides = array<i32>} : memref<1008x64xf32, #tpu.memory_space<vmem>>, vector<1x16xf32>,
      %swap3A_247 = vector.shape_cast %swap3A_246 : vector<1x16xf32> to vector<16xf32>
      %swap3A_248 = vector.shape_cast %mul3A_243 : vector<16xf32> to vector<1x16xf32>
      tpu.vector_store %arg11[%swap3A_244, %swap3A_245], %swap3A_248 {strides = array<i32>} : memref<1008x64xf32, #tpu.memory_space<vmem>>, vector<1x16xf32>,
      %get3A_249 = arith.index_cast %add3A_235 : i32 to index
      %get3A_250 = arith.constant 16 : index
      %get3A_251 = tpu.vector_load %arg11[%get3A_249, %get3A_250] {strides = array<i32>} : memref<1008x64xf32, #tpu.memory_space<vmem>>, vector<1x16xf32>,
      %get3A_252 = vector.shape_cast %get3A_251 : vector<1x16xf32> to vector<16xf32>
      %mul3A_253 = arith.mulf %get3A_252, %broadcast_in_dim3A_238 : vector<16xf32>
      %swap3A_254 = arith.index_cast %add3A_235 : i32 to index
      %swap3A_255 = arith.constant 16 : index
      %swap3A_256 = tpu.vector_load %arg11[%swap3A_254, %swap3A_255] {strides = array<i32>} : memref<1008x64xf32, #tpu.memory_space<vmem>>, vector<1x16xf32>,
      %swap3A_257 = vector.shape_cast %swap3A_256 : vector<1x16xf32> to vector<16xf32>
      %swap3A_258 = vector.shape_cast %mul3A_253 : vector<16xf32> to vector<1x16xf32>
      tpu.vector_store %arg11[%swap3A_254, %swap3A_255], %swap3A_258 {strides = array<i32>} : memref<1008x64xf32, #tpu.memory_space<vmem>>, vector<1x16xf32>,
      %get3A_259 = arith.index_cast %add3A_235 : i32 to index
      %get3A_260 = arith.constant 32 : index
      %get3A_261 = tpu.vector_load %arg11[%get3A_259, %get3A_260] {strides = array<i32>} : memref<1008x64xf32, #tpu.memory_space<vmem>>, vector<1x16xf32>,
      %get3A_262 = vector.shape_cast %get3A_261 : vector<1x16xf32> to vector<16xf32>
      %mul3A_263 = arith.mulf %get3A_262, %broadcast_in_dim3A_238 : vector<16xf32>
      %swap3A_264 = arith.index_cast %add3A_235 : i32 to index
      %swap3A_265 = arith.constant 32 : index
      %swap3A_266 = tpu.vector_load %arg11[%swap3A_264, %swap3A_265] {strides = array<i32>} : memref<1008x64xf32, #tpu.memory_space<vmem>>, vector<1x16xf32>,
      %swap3A_267 = vector.shape_cast %swap3A_266 : vector<1x16xf32> to vector<16xf32>
      %swap3A_268 = vector.shape_cast %mul3A_263 : vector<16xf32> to vector<1x16xf32>
      tpu.vector_store %arg11[%swap3A_264, %swap3A_265], %swap3A_268 {strides = array<i32>} : memref<1008x64xf32, #tpu.memory_space<vmem>>, vector<1x16xf32>,
      %get3A_269 = arith.index_cast %add3A_235 : i32 to index
      %get3A_270 = arith.constant 48 : index
      %get3A_271 = tpu.vector_load %arg11[%get3A_269, %get3A_270] {strides = array<i32>} : memref<1008x64xf32, #tpu.memory_space<vmem>>, vector<1x16xf32>,
      %get3A_272 = vector.shape_cast %get3A_271 : vector<1x16xf32> to vector<16xf32>
      %mul3A_273 = arith.mulf %get3A_272, %broadcast_in_dim3A_238 : vector<16xf32>
      %swap3A_274 = arith.index_cast %add3A_235 : i32 to index
      %swap3A_275 = arith.constant 48 : index
      %swap3A_276 = tpu.vector_load %arg11[%swap3A_274, %swap3A_275] {strides = array<i32>} : memref<1008x64xf32, #tpu.memory_space<vmem>>, vector<1x16xf32>,
      %swap3A_277 = vector.shape_cast %swap3A_276 : vector<1x16xf32> to vector<16xf32>
      %swap3A_278 = vector.shape_cast %mul3A_273 : vector<16xf32> to vector<1x16xf32>
      tpu.vector_store %arg11[%swap3A_274, %swap3A_275], %swap3A_278 {strides = array<i32>} : memref<1008x64xf32, #tpu.memory_space<vmem>>, vector<1x16xf32>,
      %mul3A_279 = arith.constant 16 : i32
      %mul3A_280 = arith.muli %scan3A_42, %mul3A_279 : i32
      %add3A_281 = arith.constant 5 : i32
      %add3A_282 = arith.addi %mul3A_280, %add3A_281 : i32
      %slice3A_283 = vector.extract_strided_slice %get3A_47 {offsets = [5], sizes = [1], strides = [1]} : vector<16xf32> to vector<1xf32>
      %squeeze3A_284 = vector.extract %slice3A_283[0] : f32 from vector<1xf32>
      %broadcast_in_dim3A_285 = vector.broadcast %squeeze3A_284 : f32 to vector<16xf32>
      %get3A_286 = arith.index_cast %add3A_282 : i32 to index
      %get3A_287 = arith.constant 0 : index
      %get3A_288 = tpu.vector_load %arg11[%get3A_286, %get3A_287] {strides = array<i32>} : memref<1008x64xf32, #tpu.memory_space<vmem>>, vector<1x16xf32>,
      %get3A_289 = vector.shape_cast %get3A_288 : vector<1x16xf32> to vector<16xf32>
      %mul3A_290 = arith.mulf %get3A_289, %broadcast_in_dim3A_285 : vector<16xf32>
      %swap3A_291 = arith.index_cast %add3A_282 : i32 to index
      %swap3A_292 = arith.constant 0 : index
      %swap3A_293 = tpu.vector_load %arg11[%swap3A_291, %swap3A_292] {strides = array<i32>} : memref<1008x64xf32, #tpu.memory_space<vmem>>, vector<1x16xf32>,
      %swap3A_294 = vector.shape_cast %swap3A_293 : vector<1x16xf32> to vector<16xf32>
      %swap3A_295 = vector.shape_cast %mul3A_290 : vector<16xf32> to vector<1x16xf32>
      tpu.vector_store %arg11[%swap3A_291, %swap3A_292], %swap3A_295 {strides = array<i32>} : memref<1008x64xf32, #tpu.memory_space<vmem>>, vector<1x16xf32>,
      %get3A_296 = arith.index_cast %add3A_282 : i32 to index
      %get3A_297 = arith.constant 16 : index
      %get3A_298 = tpu.vector_load %arg11[%get3A_296, %get3A_297] {strides = array<i32>} : memref<1008x64xf32, #tpu.memory_space<vmem>>, vector<1x16xf32>,
      %get3A_299 = vector.shape_cast %get3A_298 : vector<1x16xf32> to vector<16xf32>
      %mul3A_300 = arith.mulf %get3A_299, %broadcast_in_dim3A_285 : vector<16xf32>
      %swap3A_301 = arith.index_cast %add3A_282 : i32 to index
      %swap3A_302 = arith.constant 16 : index
      %swap3A_303 = tpu.vector_load %arg11[%swap3A_301, %swap3A_302] {strides = array<i32>} : memref<1008x64xf32, #tpu.memory_space<vmem>>, vector<1x16xf32>,
      %swap3A_304 = vector.shape_cast %swap3A_303 : vector<1x16xf32> to vector<16xf32>
      %swap3A_305 = vector.shape_cast %mul3A_300 : vector<16xf32> to vector<1x16xf32>
      tpu.vector_store %arg11[%swap3A_301, %swap3A_302], %swap3A_305 {strides = array<i32>} : memref<1008x64xf32, #tpu.memory_space<vmem>>, vector<1x16xf32>,
      %get3A_306 = arith.index_cast %add3A_282 : i32 to index
      %get3A_307 = arith.constant 32 : index
      %get3A_308 = tpu.vector_load %arg11[%get3A_306, %get3A_307] {strides = array<i32>} : memref<1008x64xf32, #tpu.memory_space<vmem>>, vector<1x16xf32>,
      %get3A_309 = vector.shape_cast %get3A_308 : vector<1x16xf32> to vector<16xf32>
      %mul3A_310 = arith.mulf %get3A_309, %broadcast_in_dim3A_285 : vector<16xf32>
      %swap3A_311 = arith.index_cast %add3A_282 : i32 to index
      %swap3A_312 = arith.constant 32 : index
      %swap3A_313 = tpu.vector_load %arg11[%swap3A_311, %swap3A_312] {strides = array<i32>} : memref<1008x64xf32, #tpu.memory_space<vmem>>, vector<1x16xf32>,
      %swap3A_314 = vector.shape_cast %swap3A_313 : vector<1x16xf32> to vector<16xf32>
      %swap3A_315 = vector.shape_cast %mul3A_310 : vector<16xf32> to vector<1x16xf32>
      tpu.vector_store %arg11[%swap3A_311, %swap3A_312], %swap3A_315 {strides = array<i32>} : memref<1008x64xf32, #tpu.memory_space<vmem>>, vector<1x16xf32>,
      %get3A_316 = arith.index_cast %add3A_282 : i32 to index
      %get3A_317 = arith.constant 48 : index
      %get3A_318 = tpu.vector_load %arg11[%get3A_316, %get3A_317] {strides = array<i32>} : memref<1008x64xf32, #tpu.memory_space<vmem>>, vector<1x16xf32>,
      %get3A_319 = vector.shape_cast %get3A_318 : vector<1x16xf32> to vector<16xf32>
      %mul3A_320 = arith.mulf %get3A_319, %broadcast_in_dim3A_285 : vector<16xf32>
      %swap3A_321 = arith.index_cast %add3A_282 : i32 to index
      %swap3A_322 = arith.constant 48 : index
      %swap3A_323 = tpu.vector_load %arg11[%swap3A_321, %swap3A_322] {strides = array<i32>} : memref<1008x64xf32, #tpu.memory_space<vmem>>, vector<1x16xf32>,
      %swap3A_324 = vector.shape_cast %swap3A_323 : vector<1x16xf32> to vector<16xf32>
      %swap3A_325 = vector.shape_cast %mul3A_320 : vector<16xf32> to vector<1x16xf32>
      tpu.vector_store %arg11[%swap3A_321, %swap3A_322], %swap3A_325 {strides = array<i32>} : memref<1008x64xf32, #tpu.memory_space<vmem>>, vector<1x16xf32>,
      %mul3A_326 = arith.constant 16 : i32
      %mul3A_327 = arith.muli %scan3A_42, %mul3A_326 : i32
      %add3A_328 = arith.constant 6 : i32
      %add3A_329 = arith.addi %mul3A_327, %add3A_328 : i32
      %slice3A_330 = vector.extract_strided_slice %get3A_47 {offsets = [6], sizes = [1], strides = [1]} : vector<16xf32> to vector<1xf32>
      %squeeze3A_331 = vector.extract %slice3A_330[0] : f32 from vector<1xf32>
      %broadcast_in_dim3A_332 = vector.broadcast %squeeze3A_331 : f32 to vector<16xf32>
      %get3A_333 = arith.index_cast %add3A_329 : i32 to index
      %get3A_334 = arith.constant 0 : index
      %get3A_335 = tpu.vector_load %arg11[%get3A_333, %get3A_334] {strides = array<i32>} : memref<1008x64xf32, #tpu.memory_space<vmem>>, vector<1x16xf32>,
      %get3A_336 = vector.shape_cast %get3A_335 : vector<1x16xf32> to vector<16xf32>
      %mul3A_337 = arith.mulf %get3A_336, %broadcast_in_dim3A_332 : vector<16xf32>
      %swap3A_338 = arith.index_cast %add3A_329 : i32 to index
      %swap3A_339 = arith.constant 0 : index
      %swap3A_340 = tpu.vector_load %arg11[%swap3A_338, %swap3A_339] {strides = array<i32>} : memref<1008x64xf32, #tpu.memory_space<vmem>>, vector<1x16xf32>,
      %swap3A_341 = vector.shape_cast %swap3A_340 : vector<1x16xf32> to vector<16xf32>
      %swap3A_342 = vector.shape_cast %mul3A_337 : vector<16xf32> to vector<1x16xf32>
      tpu.vector_store %arg11[%swap3A_338, %swap3A_339], %swap3A_342 {strides = array<i32>} : memref<1008x64xf32, #tpu.memory_space<vmem>>, vector<1x16xf32>,
      %get3A_343 = arith.index_cast %add3A_329 : i32 to index
      %get3A_344 = arith.constant 16 : index
      %get3A_345 = tpu.vector_load %arg11[%get3A_343, %get3A_344] {strides = array<i32>} : memref<1008x64xf32, #tpu.memory_space<vmem>>, vector<1x16xf32>,
      %get3A_346 = vector.shape_cast %get3A_345 : vector<1x16xf32> to vector<16xf32>
      %mul3A_347 = arith.mulf %get3A_346, %broadcast_in_dim3A_332 : vector<16xf32>
      %swap3A_348 = arith.index_cast %add3A_329 : i32 to index
      %swap3A_349 = arith.constant 16 : index
      %swap3A_350 = tpu.vector_load %arg11[%swap3A_348, %swap3A_349] {strides = array<i32>} : memref<1008x64xf32, #tpu.memory_space<vmem>>, vector<1x16xf32>,
      %swap3A_351 = vector.shape_cast %swap3A_350 : vector<1x16xf32> to vector<16xf32>
      %swap3A_352 = vector.shape_cast %mul3A_347 : vector<16xf32> to vector<1x16xf32>
      tpu.vector_store %arg11[%swap3A_348, %swap3A_349], %swap3A_352 {strides = array<i32>} : memref<1008x64xf32, #tpu.memory_space<vmem>>, vector<1x16xf32>,
      %get3A_353 = arith.index_cast %add3A_329 : i32 to index
      %get3A_354 = arith.constant 32 : index
      %get3A_355 = tpu.vector_load %arg11[%get3A_353, %get3A_354] {strides = array<i32>} : memref<1008x64xf32, #tpu.memory_space<vmem>>, vector<1x16xf32>,
      %get3A_356 = vector.shape_cast %get3A_355 : vector<1x16xf32> to vector<16xf32>
      %mul3A_357 = arith.mulf %get3A_356, %broadcast_in_dim3A_332 : vector<16xf32>
      %swap3A_358 = arith.index_cast %add3A_329 : i32 to index
      %swap3A_359 = arith.constant 32 : index
      %swap3A_360 = tpu.vector_load %arg11[%swap3A_358, %swap3A_359] {strides = array<i32>} : memref<1008x64xf32, #tpu.memory_space<vmem>>, vector<1x16xf32>,
      %swap3A_361 = vector.shape_cast %swap3A_360 : vector<1x16xf32> to vector<16xf32>
      %swap3A_362 = vector.shape_cast %mul3A_357 : vector<16xf32> to vector<1x16xf32>
      tpu.vector_store %arg11[%swap3A_358, %swap3A_359], %swap3A_362 {strides = array<i32>} : memref<1008x64xf32, #tpu.memory_space<vmem>>, vector<1x16xf32>,
      %get3A_363 = arith.index_cast %add3A_329 : i32 to index
      %get3A_364 = arith.constant 48 : index
      %get3A_365 = tpu.vector_load %arg11[%get3A_363, %get3A_364] {strides = array<i32>} : memref<1008x64xf32, #tpu.memory_space<vmem>>, vector<1x16xf32>,
      %get3A_366 = vector.shape_cast %get3A_365 : vector<1x16xf32> to vector<16xf32>
      %mul3A_367 = arith.mulf %get3A_366, %broadcast_in_dim3A_332 : vector<16xf32>
      %swap3A_368 = arith.index_cast %add3A_329 : i32 to index
      %swap3A_369 = arith.constant 48 : index
      %swap3A_370 = tpu.vector_load %arg11[%swap3A_368, %swap3A_369] {strides = array<i32>} : memref<1008x64xf32, #tpu.memory_space<vmem>>, vector<1x16xf32>,
      %swap3A_371 = vector.shape_cast %swap3A_370 : vector<1x16xf32> to vector<16xf32>
      %swap3A_372 = vector.shape_cast %mul3A_367 : vector<16xf32> to vector<1x16xf32>
      tpu.vector_store %arg11[%swap3A_368, %swap3A_369], %swap3A_372 {strides = array<i32>} : memref<1008x64xf32, #tpu.memory_space<vmem>>, vector<1x16xf32>,
      %mul3A_373 = arith.constant 16 : i32
      %mul3A_374 = arith.muli %scan3A_42, %mul3A_373 : i32
      %add3A_375 = arith.constant 7 : i32
      %add3A_376 = arith.addi %mul3A_374, %add3A_375 : i32
      %slice3A_377 = vector.extract_strided_slice %get3A_47 {offsets = [7], sizes = [1], strides = [1]} : vector<16xf32> to vector<1xf32>
      %squeeze3A_378 = vector.extract %slice3A_377[0] : f32 from vector<1xf32>
      %broadcast_in_dim3A_379 = vector.broadcast %squeeze3A_378 : f32 to vector<16xf32>
      %get3A_380 = arith.index_cast %add3A_376 : i32 to index
      %get3A_381 = arith.constant 0 : index
      %get3A_382 = tpu.vector_load %arg11[%get3A_380, %get3A_381] {strides = array<i32>} : memref<1008x64xf32, #tpu.memory_space<vmem>>, vector<1x16xf32>,
      %get3A_383 = vector.shape_cast %get3A_382 : vector<1x16xf32> to vector<16xf32>
      %mul3A_384 = arith.mulf %get3A_383, %broadcast_in_dim3A_379 : vector<16xf32>
      %swap3A_385 = arith.index_cast %add3A_376 : i32 to index
      %swap3A_386 = arith.constant 0 : index
      %swap3A_387 = tpu.vector_load %arg11[%swap3A_385, %swap3A_386] {strides = array<i32>} : memref<1008x64xf32, #tpu.memory_space<vmem>>, vector<1x16xf32>,
      %swap3A_388 = vector.shape_cast %swap3A_387 : vector<1x16xf32> to vector<16xf32>
      %swap3A_389 = vector.shape_cast %mul3A_384 : vector<16xf32> to vector<1x16xf32>
      tpu.vector_store %arg11[%swap3A_385, %swap3A_386], %swap3A_389 {strides = array<i32>} : memref<1008x64xf32, #tpu.memory_space<vmem>>, vector<1x16xf32>,
      %get3A_390 = arith.index_cast %add3A_376 : i32 to index
      %get3A_391 = arith.constant 16 : index
      %get3A_392 = tpu.vector_load %arg11[%get3A_390, %get3A_391] {strides = array<i32>} : memref<1008x64xf32, #tpu.memory_space<vmem>>, vector<1x16xf32>,
      %get3A_393 = vector.shape_cast %get3A_392 : vector<1x16xf32> to vector<16xf32>
      %mul3A_394 = arith.mulf %get3A_393, %broadcast_in_dim3A_379 : vector<16xf32>
      %swap3A_395 = arith.index_cast %add3A_376 : i32 to index
      %swap3A_396 = arith.constant 16 : index
      %swap3A_397 = tpu.vector_load %arg11[%swap3A_395, %swap3A_396] {strides = array<i32>} : memref<1008x64xf32, #tpu.memory_space<vmem>>, vector<1x16xf32>,
      %swap3A_398 = vector.shape_cast %swap3A_397 : vector<1x16xf32> to vector<16xf32>
      %swap3A_399 = vector.shape_cast %mul3A_394 : vector<16xf32> to vector<1x16xf32>
      tpu.vector_store %arg11[%swap3A_395, %swap3A_396], %swap3A_399 {strides = array<i32>} : memref<1008x64xf32, #tpu.memory_space<vmem>>, vector<1x16xf32>,
      %get3A_400 = arith.index_cast %add3A_376 : i32 to index
      %get3A_401 = arith.constant 32 : index
      %get3A_402 = tpu.vector_load %arg11[%get3A_400, %get3A_401] {strides = array<i32>} : memref<1008x64xf32, #tpu.memory_space<vmem>>, vector<1x16xf32>,
      %get3A_403 = vector.shape_cast %get3A_402 : vector<1x16xf32> to vector<16xf32>
      %mul3A_404 = arith.mulf %get3A_403, %broadcast_in_dim3A_379 : vector<16xf32>
      %swap3A_405 = arith.index_cast %add3A_376 : i32 to index
      %swap3A_406 = arith.constant 32 : index
      %swap3A_407 = tpu.vector_load %arg11[%swap3A_405, %swap3A_406] {strides = array<i32>} : memref<1008x64xf32, #tpu.memory_space<vmem>>, vector<1x16xf32>,
      %swap3A_408 = vector.shape_cast %swap3A_407 : vector<1x16xf32> to vector<16xf32>
      %swap3A_409 = vector.shape_cast %mul3A_404 : vector<16xf32> to vector<1x16xf32>
      tpu.vector_store %arg11[%swap3A_405, %swap3A_406], %swap3A_409 {strides = array<i32>} : memref<1008x64xf32, #tpu.memory_space<vmem>>, vector<1x16xf32>,
      %get3A_410 = arith.index_cast %add3A_376 : i32 to index
      %get3A_411 = arith.constant 48 : index
      %get3A_412 = tpu.vector_load %arg11[%get3A_410, %get3A_411] {strides = array<i32>} : memref<1008x64xf32, #tpu.memory_space<vmem>>, vector<1x16xf32>,
      %get3A_413 = vector.shape_cast %get3A_412 : vector<1x16xf32> to vector<16xf32>
      %mul3A_414 = arith.mulf %get3A_413, %broadcast_in_dim3A_379 : vector<16xf32>
      %swap3A_415 = arith.index_cast %add3A_376 : i32 to index
      %swap3A_416 = arith.constant 48 : index
      %swap3A_417 = tpu.vector_load %arg11[%swap3A_415, %swap3A_416] {strides = array<i32>} : memref<1008x64xf32, #tpu.memory_space<vmem>>, vector<1x16xf32>,
      %swap3A_418 = vector.shape_cast %swap3A_417 : vector<1x16xf32> to vector<16xf32>
      %swap3A_419 = vector.shape_cast %mul3A_414 : vector<16xf32> to vector<1x16xf32>
      tpu.vector_store %arg11[%swap3A_415, %swap3A_416], %swap3A_419 {strides = array<i32>} : memref<1008x64xf32, #tpu.memory_space<vmem>>, vector<1x16xf32>,
      %mul3A_420 = arith.constant 16 : i32
      %mul3A_421 = arith.muli %scan3A_42, %mul3A_420 : i32
      %add3A_422 = arith.constant 8 : i32
      %add3A_423 = arith.addi %mul3A_421, %add3A_422 : i32
      %slice3A_424 = vector.extract_strided_slice %get3A_47 {offsets = [8], sizes = [1], strides = [1]} : vector<16xf32> to vector<1xf32>
      %squeeze3A_425 = vector.extract %slice3A_424[0] : f32 from vector<1xf32>
      %broadcast_in_dim3A_426 = vector.broadcast %squeeze3A_425 : f32 to vector<16xf32>
      %get3A_427 = arith.index_cast %add3A_423 : i32 to index
      %get3A_428 = arith.constant 0 : index
      %get3A_429 = tpu.vector_load %arg11[%get3A_427, %get3A_428] {strides = array<i32>} : memref<1008x64xf32, #tpu.memory_space<vmem>>, vector<1x16xf32>,
      %get3A_430 = vector.shape_cast %get3A_429 : vector<1x16xf32> to vector<16xf32>
      %mul3A_431 = arith.mulf %get3A_430, %broadcast_in_dim3A_426 : vector<16xf32>
      %swap3A_432 = arith.index_cast %add3A_423 : i32 to index
      %swap3A_433 = arith.constant 0 : index
      %swap3A_434 = tpu.vector_load %arg11[%swap3A_432, %swap3A_433] {strides = array<i32>} : memref<1008x64xf32, #tpu.memory_space<vmem>>, vector<1x16xf32>,
      %swap3A_435 = vector.shape_cast %swap3A_434 : vector<1x16xf32> to vector<16xf32>
      %swap3A_436 = vector.shape_cast %mul3A_431 : vector<16xf32> to vector<1x16xf32>
      tpu.vector_store %arg11[%swap3A_432, %swap3A_433], %swap3A_436 {strides = array<i32>} : memref<1008x64xf32, #tpu.memory_space<vmem>>, vector<1x16xf32>,
      %get3A_437 = arith.index_cast %add3A_423 : i32 to index
      %get3A_438 = arith.constant 16 : index
      %get3A_439 = tpu.vector_load %arg11[%get3A_437, %get3A_438] {strides = array<i32>} : memref<1008x64xf32, #tpu.memory_space<vmem>>, vector<1x16xf32>,
      %get3A_440 = vector.shape_cast %get3A_439 : vector<1x16xf32> to vector<16xf32>
      %mul3A_441 = arith.mulf %get3A_440, %broadcast_in_dim3A_426 : vector<16xf32>
      %swap3A_442 = arith.index_cast %add3A_423 : i32 to index
      %swap3A_443 = arith.constant 16 : index
      %swap3A_444 = tpu.vector_load %arg11[%swap3A_442, %swap3A_443] {strides = array<i32>} : memref<1008x64xf32, #tpu.memory_space<vmem>>, vector<1x16xf32>,
      %swap3A_445 = vector.shape_cast %swap3A_444 : vector<1x16xf32> to vector<16xf32>
      %swap3A_446 = vector.shape_cast %mul3A_441 : vector<16xf32> to vector<1x16xf32>
      tpu.vector_store %arg11[%swap3A_442, %swap3A_443], %swap3A_446 {strides = array<i32>} : memref<1008x64xf32, #tpu.memory_space<vmem>>, vector<1x16xf32>,
      %get3A_447 = arith.index_cast %add3A_423 : i32 to index
      %get3A_448 = arith.constant 32 : index
      %get3A_449 = tpu.vector_load %arg11[%get3A_447, %get3A_448] {strides = array<i32>} : memref<1008x64xf32, #tpu.memory_space<vmem>>, vector<1x16xf32>,
      %get3A_450 = vector.shape_cast %get3A_449 : vector<1x16xf32> to vector<16xf32>
      %mul3A_451 = arith.mulf %get3A_450, %broadcast_in_dim3A_426 : vector<16xf32>
      %swap3A_452 = arith.index_cast %add3A_423 : i32 to index
      %swap3A_453 = arith.constant 32 : index
      %swap3A_454 = tpu.vector_load %arg11[%swap3A_452, %swap3A_453] {strides = array<i32>} : memref<1008x64xf32, #tpu.memory_space<vmem>>, vector<1x16xf32>,
      %swap3A_455 = vector.shape_cast %swap3A_454 : vector<1x16xf32> to vector<16xf32>
      %swap3A_456 = vector.shape_cast %mul3A_451 : vector<16xf32> to vector<1x16xf32>
      tpu.vector_store %arg11[%swap3A_452, %swap3A_453], %swap3A_456 {strides = array<i32>} : memref<1008x64xf32, #tpu.memory_space<vmem>>, vector<1x16xf32>,
      %get3A_457 = arith.index_cast %add3A_423 : i32 to index
      %get3A_458 = arith.constant 48 : index
      %get3A_459 = tpu.vector_load %arg11[%get3A_457, %get3A_458] {strides = array<i32>} : memref<1008x64xf32, #tpu.memory_space<vmem>>, vector<1x16xf32>,
      %get3A_460 = vector.shape_cast %get3A_459 : vector<1x16xf32> to vector<16xf32>
      %mul3A_461 = arith.mulf %get3A_460, %broadcast_in_dim3A_426 : vector<16xf32>
      %swap3A_462 = arith.index_cast %add3A_423 : i32 to index
      %swap3A_463 = arith.constant 48 : index
      %swap3A_464 = tpu.vector_load %arg11[%swap3A_462, %swap3A_463] {strides = array<i32>} : memref<1008x64xf32, #tpu.memory_space<vmem>>, vector<1x16xf32>,
      %swap3A_465 = vector.shape_cast %swap3A_464 : vector<1x16xf32> to vector<16xf32>
      %swap3A_466 = vector.shape_cast %mul3A_461 : vector<16xf32> to vector<1x16xf32>
      tpu.vector_store %arg11[%swap3A_462, %swap3A_463], %swap3A_466 {strides = array<i32>} : memref<1008x64xf32, #tpu.memory_space<vmem>>, vector<1x16xf32>,
      %mul3A_467 = arith.constant 16 : i32
      %mul3A_468 = arith.muli %scan3A_42, %mul3A_467 : i32
      %add3A_469 = arith.constant 9 : i32
      %add3A_470 = arith.addi %mul3A_468, %add3A_469 : i32
      %slice3A_471 = vector.extract_strided_slice %get3A_47 {offsets = [9], sizes = [1], strides = [1]} : vector<16xf32> to vector<1xf32>
      %squeeze3A_472 = vector.extract %slice3A_471[0] : f32 from vector<1xf32>
      %broadcast_in_dim3A_473 = vector.broadcast %squeeze3A_472 : f32 to vector<16xf32>
      %get3A_474 = arith.index_cast %add3A_470 : i32 to index
      %get3A_475 = arith.constant 0 : index
      %get3A_476 = tpu.vector_load %arg11[%get3A_474, %get3A_475] {strides = array<i32>} : memref<1008x64xf32, #tpu.memory_space<vmem>>, vector<1x16xf32>,
      %get3A_477 = vector.shape_cast %get3A_476 : vector<1x16xf32> to vector<16xf32>
      %mul3A_478 = arith.mulf %get3A_477, %broadcast_in_dim3A_473 : vector<16xf32>
      %swap3A_479 = arith.index_cast %add3A_470 : i32 to index
      %swap3A_480 = arith.constant 0 : index
      %swap3A_481 = tpu.vector_load %arg11[%swap3A_479, %swap3A_480] {strides = array<i32>} : memref<1008x64xf32, #tpu.memory_space<vmem>>, vector<1x16xf32>,
      %swap3A_482 = vector.shape_cast %swap3A_481 : vector<1x16xf32> to vector<16xf32>
      %swap3A_483 = vector.shape_cast %mul3A_478 : vector<16xf32> to vector<1x16xf32>
      tpu.vector_store %arg11[%swap3A_479, %swap3A_480], %swap3A_483 {strides = array<i32>} : memref<1008x64xf32, #tpu.memory_space<vmem>>, vector<1x16xf32>,
      %get3A_484 = arith.index_cast %add3A_470 : i32 to index
      %get3A_485 = arith.constant 16 : index
      %get3A_486 = tpu.vector_load %arg11[%get3A_484, %get3A_485] {strides = array<i32>} : memref<1008x64xf32, #tpu.memory_space<vmem>>, vector<1x16xf32>,
      %get3A_487 = vector.shape_cast %get3A_486 : vector<1x16xf32> to vector<16xf32>
      %mul3A_488 = arith.mulf %get3A_487, %broadcast_in_dim3A_473 : vector<16xf32>
      %swap3A_489 = arith.index_cast %add3A_470 : i32 to index
      %swap3A_490 = arith.constant 16 : index
      %swap3A_491 = tpu.vector_load %arg11[%swap3A_489, %swap3A_490] {strides = array<i32>} : memref<1008x64xf32, #tpu.memory_space<vmem>>, vector<1x16xf32>,
      %swap3A_492 = vector.shape_cast %swap3A_491 : vector<1x16xf32> to vector<16xf32>
      %swap3A_493 = vector.shape_cast %mul3A_488 : vector<16xf32> to vector<1x16xf32>
      tpu.vector_store %arg11[%swap3A_489, %swap3A_490], %swap3A_493 {strides = array<i32>} : memref<1008x64xf32, #tpu.memory_space<vmem>>, vector<1x16xf32>,
      %get3A_494 = arith.index_cast %add3A_470 : i32 to index
      %get3A_495 = arith.constant 32 : index
      %get3A_496 = tpu.vector_load %arg11[%get3A_494, %get3A_495] {strides = array<i32>} : memref<1008x64xf32, #tpu.memory_space<vmem>>, vector<1x16xf32>,
      %get3A_497 = vector.shape_cast %get3A_496 : vector<1x16xf32> to vector<16xf32>
      %mul3A_498 = arith.mulf %get3A_497, %broadcast_in_dim3A_473 : vector<16xf32>
      %swap3A_499 = arith.index_cast %add3A_470 : i32 to index
      %swap3A_500 = arith.constant 32 : index
      %swap3A_501 = tpu.vector_load %arg11[%swap3A_499, %swap3A_500] {strides = array<i32>} : memref<1008x64xf32, #tpu.memory_space<vmem>>, vector<1x16xf32>,
      %swap3A_502 = vector.shape_cast %swap3A_501 : vector<1x16xf32> to vector<16xf32>
      %swap3A_503 = vector.shape_cast %mul3A_498 : vector<16xf32> to vector<1x16xf32>
      tpu.vector_store %arg11[%swap3A_499, %swap3A_500], %swap3A_503 {strides = array<i32>} : memref<1008x64xf32, #tpu.memory_space<vmem>>, vector<1x16xf32>,
      %get3A_504 = arith.index_cast %add3A_470 : i32 to index
      %get3A_505 = arith.constant 48 : index
      %get3A_506 = tpu.vector_load %arg11[%get3A_504, %get3A_505] {strides = array<i32>} : memref<1008x64xf32, #tpu.memory_space<vmem>>, vector<1x16xf32>,
      %get3A_507 = vector.shape_cast %get3A_506 : vector<1x16xf32> to vector<16xf32>
      %mul3A_508 = arith.mulf %get3A_507, %broadcast_in_dim3A_473 : vector<16xf32>
      %swap3A_509 = arith.index_cast %add3A_470 : i32 to index
      %swap3A_510 = arith.constant 48 : index
      %swap3A_511 = tpu.vector_load %arg11[%swap3A_509, %swap3A_510] {strides = array<i32>} : memref<1008x64xf32, #tpu.memory_space<vmem>>, vector<1x16xf32>,
      %swap3A_512 = vector.shape_cast %swap3A_511 : vector<1x16xf32> to vector<16xf32>
      %swap3A_513 = vector.shape_cast %mul3A_508 : vector<16xf32> to vector<1x16xf32>
      tpu.vector_store %arg11[%swap3A_509, %swap3A_510], %swap3A_513 {strides = array<i32>} : memref<1008x64xf32, #tpu.memory_space<vmem>>, vector<1x16xf32>,
      %mul3A_514 = arith.constant 16 : i32
      %mul3A_515 = arith.muli %scan3A_42, %mul3A_514 : i32
      %add3A_516 = arith.constant 10 : i32
      %add3A_517 = arith.addi %mul3A_515, %add3A_516 : i32
      %slice3A_518 = vector.extract_strided_slice %get3A_47 {offsets = [10], sizes = [1], strides = [1]} : vector<16xf32> to vector<1xf32>
      %squeeze3A_519 = vector.extract %slice3A_518[0] : f32 from vector<1xf32>
      %broadcast_in_dim3A_520 = vector.broadcast %squeeze3A_519 : f32 to vector<16xf32>
      %get3A_521 = arith.index_cast %add3A_517 : i32 to index
      %get3A_522 = arith.constant 0 : index
      %get3A_523 = tpu.vector_load %arg11[%get3A_521, %get3A_522] {strides = array<i32>} : memref<1008x64xf32, #tpu.memory_space<vmem>>, vector<1x16xf32>,
      %get3A_524 = vector.shape_cast %get3A_523 : vector<1x16xf32> to vector<16xf32>
      %mul3A_525 = arith.mulf %get3A_524, %broadcast_in_dim3A_520 : vector<16xf32>
      %swap3A_526 = arith.index_cast %add3A_517 : i32 to index
      %swap3A_527 = arith.constant 0 : index
      %swap3A_528 = tpu.vector_load %arg11[%swap3A_526, %swap3A_527] {strides = array<i32>} : memref<1008x64xf32, #tpu.memory_space<vmem>>, vector<1x16xf32>,
      %swap3A_529 = vector.shape_cast %swap3A_528 : vector<1x16xf32> to vector<16xf32>
      %swap3A_530 = vector.shape_cast %mul3A_525 : vector<16xf32> to vector<1x16xf32>
      tpu.vector_store %arg11[%swap3A_526, %swap3A_527], %swap3A_530 {strides = array<i32>} : memref<1008x64xf32, #tpu.memory_space<vmem>>, vector<1x16xf32>,
      %get3A_531 = arith.index_cast %add3A_517 : i32 to index
      %get3A_532 = arith.constant 16 : index
      %get3A_533 = tpu.vector_load %arg11[%get3A_531, %get3A_532] {strides = array<i32>} : memref<1008x64xf32, #tpu.memory_space<vmem>>, vector<1x16xf32>,
      %get3A_534 = vector.shape_cast %get3A_533 : vector<1x16xf32> to vector<16xf32>
      %mul3A_535 = arith.mulf %get3A_534, %broadcast_in_dim3A_520 : vector<16xf32>
      %swap3A_536 = arith.index_cast %add3A_517 : i32 to index
      %swap3A_537 = arith.constant 16 : index
      %swap3A_538 = tpu.vector_load %arg11[%swap3A_536, %swap3A_537] {strides = array<i32>} : memref<1008x64xf32, #tpu.memory_space<vmem>>, vector<1x16xf32>,
      %swap3A_539 = vector.shape_cast %swap3A_538 : vector<1x16xf32> to vector<16xf32>
      %swap3A_540 = vector.shape_cast %mul3A_535 : vector<16xf32> to vector<1x16xf32>
      tpu.vector_store %arg11[%swap3A_536, %swap3A_537], %swap3A_540 {strides = array<i32>} : memref<1008x64xf32, #tpu.memory_space<vmem>>, vector<1x16xf32>,
      %get3A_541 = arith.index_cast %add3A_517 : i32 to index
      %get3A_542 = arith.constant 32 : index
      %get3A_543 = tpu.vector_load %arg11[%get3A_541, %get3A_542] {strides = array<i32>} : memref<1008x64xf32, #tpu.memory_space<vmem>>, vector<1x16xf32>,
      %get3A_544 = vector.shape_cast %get3A_543 : vector<1x16xf32> to vector<16xf32>
      %mul3A_545 = arith.mulf %get3A_544, %broadcast_in_dim3A_520 : vector<16xf32>
      %swap3A_546 = arith.index_cast %add3A_517 : i32 to index
      %swap3A_547 = arith.constant 32 : index
      %swap3A_548 = tpu.vector_load %arg11[%swap3A_546, %swap3A_547] {strides = array<i32>} : memref<1008x64xf32, #tpu.memory_space<vmem>>, vector<1x16xf32>,
      %swap3A_549 = vector.shape_cast %swap3A_548 : vector<1x16xf32> to vector<16xf32>
      %swap3A_550 = vector.shape_cast %mul3A_545 : vector<16xf32> to vector<1x16xf32>
      tpu.vector_store %arg11[%swap3A_546, %swap3A_547], %swap3A_550 {strides = array<i32>} : memref<1008x64xf32, #tpu.memory_space<vmem>>, vector<1x16xf32>,
      %get3A_551 = arith.index_cast %add3A_517 : i32 to index
      %get3A_552 = arith.constant 48 : index
      %get3A_553 = tpu.vector_load %arg11[%get3A_551, %get3A_552] {strides = array<i32>} : memref<1008x64xf32, #tpu.memory_space<vmem>>, vector<1x16xf32>,
      %get3A_554 = vector.shape_cast %get3A_553 : vector<1x16xf32> to vector<16xf32>
      %mul3A_555 = arith.mulf %get3A_554, %broadcast_in_dim3A_520 : vector<16xf32>
      %swap3A_556 = arith.index_cast %add3A_517 : i32 to index
      %swap3A_557 = arith.constant 48 : index
      %swap3A_558 = tpu.vector_load %arg11[%swap3A_556, %swap3A_557] {strides = array<i32>} : memref<1008x64xf32, #tpu.memory_space<vmem>>, vector<1x16xf32>,
      %swap3A_559 = vector.shape_cast %swap3A_558 : vector<1x16xf32> to vector<16xf32>
      %swap3A_560 = vector.shape_cast %mul3A_555 : vector<16xf32> to vector<1x16xf32>
      tpu.vector_store %arg11[%swap3A_556, %swap3A_557], %swap3A_560 {strides = array<i32>} : memref<1008x64xf32, #tpu.memory_space<vmem>>, vector<1x16xf32>,
      %mul3A_561 = arith.constant 16 : i32
      %mul3A_562 = arith.muli %scan3A_42, %mul3A_561 : i32
      %add3A_563 = arith.constant 11 : i32
      %add3A_564 = arith.addi %mul3A_562, %add3A_563 : i32
      %slice3A_565 = vector.extract_strided_slice %get3A_47 {offsets = [11], sizes = [1], strides = [1]} : vector<16xf32> to vector<1xf32>
      %squeeze3A_566 = vector.extract %slice3A_565[0] : f32 from vector<1xf32>
      %broadcast_in_dim3A_567 = vector.broadcast %squeeze3A_566 : f32 to vector<16xf32>
      %get3A_568 = arith.index_cast %add3A_564 : i32 to index
      %get3A_569 = arith.constant 0 : index
      %get3A_570 = tpu.vector_load %arg11[%get3A_568, %get3A_569] {strides = array<i32>} : memref<1008x64xf32, #tpu.memory_space<vmem>>, vector<1x16xf32>,
      %get3A_571 = vector.shape_cast %get3A_570 : vector<1x16xf32> to vector<16xf32>
      %mul3A_572 = arith.mulf %get3A_571, %broadcast_in_dim3A_567 : vector<16xf32>
      %swap3A_573 = arith.index_cast %add3A_564 : i32 to index
      %swap3A_574 = arith.constant 0 : index
      %swap3A_575 = tpu.vector_load %arg11[%swap3A_573, %swap3A_574] {strides = array<i32>} : memref<1008x64xf32, #tpu.memory_space<vmem>>, vector<1x16xf32>,
      %swap3A_576 = vector.shape_cast %swap3A_575 : vector<1x16xf32> to vector<16xf32>
      %swap3A_577 = vector.shape_cast %mul3A_572 : vector<16xf32> to vector<1x16xf32>
      tpu.vector_store %arg11[%swap3A_573, %swap3A_574], %swap3A_577 {strides = array<i32>} : memref<1008x64xf32, #tpu.memory_space<vmem>>, vector<1x16xf32>,
      %get3A_578 = arith.index_cast %add3A_564 : i32 to index
      %get3A_579 = arith.constant 16 : index
      %get3A_580 = tpu.vector_load %arg11[%get3A_578, %get3A_579] {strides = array<i32>} : memref<1008x64xf32, #tpu.memory_space<vmem>>, vector<1x16xf32>,
      %get3A_581 = vector.shape_cast %get3A_580 : vector<1x16xf32> to vector<16xf32>
      %mul3A_582 = arith.mulf %get3A_581, %broadcast_in_dim3A_567 : vector<16xf32>
      %swap3A_583 = arith.index_cast %add3A_564 : i32 to index
      %swap3A_584 = arith.constant 16 : index
      %swap3A_585 = tpu.vector_load %arg11[%swap3A_583, %swap3A_584] {strides = array<i32>} : memref<1008x64xf32, #tpu.memory_space<vmem>>, vector<1x16xf32>,
      %swap3A_586 = vector.shape_cast %swap3A_585 : vector<1x16xf32> to vector<16xf32>
      %swap3A_587 = vector.shape_cast %mul3A_582 : vector<16xf32> to vector<1x16xf32>
      tpu.vector_store %arg11[%swap3A_583, %swap3A_584], %swap3A_587 {strides = array<i32>} : memref<1008x64xf32, #tpu.memory_space<vmem>>, vector<1x16xf32>,
      %get3A_588 = arith.index_cast %add3A_564 : i32 to index
      %get3A_589 = arith.constant 32 : index
      %get3A_590 = tpu.vector_load %arg11[%get3A_588, %get3A_589] {strides = array<i32>} : memref<1008x64xf32, #tpu.memory_space<vmem>>, vector<1x16xf32>,
      %get3A_591 = vector.shape_cast %get3A_590 : vector<1x16xf32> to vector<16xf32>
      %mul3A_592 = arith.mulf %get3A_591, %broadcast_in_dim3A_567 : vector<16xf32>
      %swap3A_593 = arith.index_cast %add3A_564 : i32 to index
      %swap3A_594 = arith.constant 32 : index
      %swap3A_595 = tpu.vector_load %arg11[%swap3A_593, %swap3A_594] {strides = array<i32>} : memref<1008x64xf32, #tpu.memory_space<vmem>>, vector<1x16xf32>,
      %swap3A_596 = vector.shape_cast %swap3A_595 : vector<1x16xf32> to vector<16xf32>
      %swap3A_597 = vector.shape_cast %mul3A_592 : vector<16xf32> to vector<1x16xf32>
      tpu.vector_store %arg11[%swap3A_593, %swap3A_594], %swap3A_597 {strides = array<i32>} : memref<1008x64xf32, #tpu.memory_space<vmem>>, vector<1x16xf32>,
      %get3A_598 = arith.index_cast %add3A_564 : i32 to index
      %get3A_599 = arith.constant 48 : index
      %get3A_600 = tpu.vector_load %arg11[%get3A_598, %get3A_599] {strides = array<i32>} : memref<1008x64xf32, #tpu.memory_space<vmem>>, vector<1x16xf32>,
      %get3A_601 = vector.shape_cast %get3A_600 : vector<1x16xf32> to vector<16xf32>
      %mul3A_602 = arith.mulf %get3A_601, %broadcast_in_dim3A_567 : vector<16xf32>
      %swap3A_603 = arith.index_cast %add3A_564 : i32 to index
      %swap3A_604 = arith.constant 48 : index
      %swap3A_605 = tpu.vector_load %arg11[%swap3A_603, %swap3A_604] {strides = array<i32>} : memref<1008x64xf32, #tpu.memory_space<vmem>>, vector<1x16xf32>,
      %swap3A_606 = vector.shape_cast %swap3A_605 : vector<1x16xf32> to vector<16xf32>
      %swap3A_607 = vector.shape_cast %mul3A_602 : vector<16xf32> to vector<1x16xf32>
      tpu.vector_store %arg11[%swap3A_603, %swap3A_604], %swap3A_607 {strides = array<i32>} : memref<1008x64xf32, #tpu.memory_space<vmem>>, vector<1x16xf32>,
      %mul3A_608 = arith.constant 16 : i32
      %mul3A_609 = arith.muli %scan3A_42, %mul3A_608 : i32
      %add3A_610 = arith.constant 12 : i32
      %add3A_611 = arith.addi %mul3A_609, %add3A_610 : i32
      %slice3A_612 = vector.extract_strided_slice %get3A_47 {offsets = [12], sizes = [1], strides = [1]} : vector<16xf32> to vector<1xf32>
      %squeeze3A_613 = vector.extract %slice3A_612[0] : f32 from vector<1xf32>
      %broadcast_in_dim3A_614 = vector.broadcast %squeeze3A_613 : f32 to vector<16xf32>
      %get3A_615 = arith.index_cast %add3A_611 : i32 to index
      %get3A_616 = arith.constant 0 : index
      %get3A_617 = tpu.vector_load %arg11[%get3A_615, %get3A_616] {strides = array<i32>} : memref<1008x64xf32, #tpu.memory_space<vmem>>, vector<1x16xf32>,
      %get3A_618 = vector.shape_cast %get3A_617 : vector<1x16xf32> to vector<16xf32>
      %mul3A_619 = arith.mulf %get3A_618, %broadcast_in_dim3A_614 : vector<16xf32>
      %swap3A_620 = arith.index_cast %add3A_611 : i32 to index
      %swap3A_621 = arith.constant 0 : index
      %swap3A_622 = tpu.vector_load %arg11[%swap3A_620, %swap3A_621] {strides = array<i32>} : memref<1008x64xf32, #tpu.memory_space<vmem>>, vector<1x16xf32>,
      %swap3A_623 = vector.shape_cast %swap3A_622 : vector<1x16xf32> to vector<16xf32>
      %swap3A_624 = vector.shape_cast %mul3A_619 : vector<16xf32> to vector<1x16xf32>
      tpu.vector_store %arg11[%swap3A_620, %swap3A_621], %swap3A_624 {strides = array<i32>} : memref<1008x64xf32, #tpu.memory_space<vmem>>, vector<1x16xf32>,
      %get3A_625 = arith.index_cast %add3A_611 : i32 to index
      %get3A_626 = arith.constant 16 : index
      %get3A_627 = tpu.vector_load %arg11[%get3A_625, %get3A_626] {strides = array<i32>} : memref<1008x64xf32, #tpu.memory_space<vmem>>, vector<1x16xf32>,
      %get3A_628 = vector.shape_cast %get3A_627 : vector<1x16xf32> to vector<16xf32>
      %mul3A_629 = arith.mulf %get3A_628, %broadcast_in_dim3A_614 : vector<16xf32>
      %swap3A_630 = arith.index_cast %add3A_611 : i32 to index
      %swap3A_631 = arith.constant 16 : index
      %swap3A_632 = tpu.vector_load %arg11[%swap3A_630, %swap3A_631] {strides = array<i32>} : memref<1008x64xf32, #tpu.memory_space<vmem>>, vector<1x16xf32>,
      %swap3A_633 = vector.shape_cast %swap3A_632 : vector<1x16xf32> to vector<16xf32>
      %swap3A_634 = vector.shape_cast %mul3A_629 : vector<16xf32> to vector<1x16xf32>
      tpu.vector_store %arg11[%swap3A_630, %swap3A_631], %swap3A_634 {strides = array<i32>} : memref<1008x64xf32, #tpu.memory_space<vmem>>, vector<1x16xf32>,
      %get3A_635 = arith.index_cast %add3A_611 : i32 to index
      %get3A_636 = arith.constant 32 : index
      %get3A_637 = tpu.vector_load %arg11[%get3A_635, %get3A_636] {strides = array<i32>} : memref<1008x64xf32, #tpu.memory_space<vmem>>, vector<1x16xf32>,
      %get3A_638 = vector.shape_cast %get3A_637 : vector<1x16xf32> to vector<16xf32>
      %mul3A_639 = arith.mulf %get3A_638, %broadcast_in_dim3A_614 : vector<16xf32>
      %swap3A_640 = arith.index_cast %add3A_611 : i32 to index
      %swap3A_641 = arith.constant 32 : index
      %swap3A_642 = tpu.vector_load %arg11[%swap3A_640, %swap3A_641] {strides = array<i32>} : memref<1008x64xf32, #tpu.memory_space<vmem>>, vector<1x16xf32>,
      %swap3A_643 = vector.shape_cast %swap3A_642 : vector<1x16xf32> to vector<16xf32>
      %swap3A_644 = vector.shape_cast %mul3A_639 : vector<16xf32> to vector<1x16xf32>
      tpu.vector_store %arg11[%swap3A_640, %swap3A_641], %swap3A_644 {strides = array<i32>} : memref<1008x64xf32, #tpu.memory_space<vmem>>, vector<1x16xf32>,
      %get3A_645 = arith.index_cast %add3A_611 : i32 to index
      %get3A_646 = arith.constant 48 : index
      %get3A_647 = tpu.vector_load %arg11[%get3A_645, %get3A_646] {strides = array<i32>} : memref<1008x64xf32, #tpu.memory_space<vmem>>, vector<1x16xf32>,
      %get3A_648 = vector.shape_cast %get3A_647 : vector<1x16xf32> to vector<16xf32>
      %mul3A_649 = arith.mulf %get3A_648, %broadcast_in_dim3A_614 : vector<16xf32>
      %swap3A_650 = arith.index_cast %add3A_611 : i32 to index
      %swap3A_651 = arith.constant 48 : index
      %swap3A_652 = tpu.vector_load %arg11[%swap3A_650, %swap3A_651] {strides = array<i32>} : memref<1008x64xf32, #tpu.memory_space<vmem>>, vector<1x16xf32>,
      %swap3A_653 = vector.shape_cast %swap3A_652 : vector<1x16xf32> to vector<16xf32>
      %swap3A_654 = vector.shape_cast %mul3A_649 : vector<16xf32> to vector<1x16xf32>
      tpu.vector_store %arg11[%swap3A_650, %swap3A_651], %swap3A_654 {strides = array<i32>} : memref<1008x64xf32, #tpu.memory_space<vmem>>, vector<1x16xf32>,
      %mul3A_655 = arith.constant 16 : i32
      %mul3A_656 = arith.muli %scan3A_42, %mul3A_655 : i32
      %add3A_657 = arith.constant 13 : i32
      %add3A_658 = arith.addi %mul3A_656, %add3A_657 : i32
      %slice3A_659 = vector.extract_strided_slice %get3A_47 {offsets = [13], sizes = [1], strides = [1]} : vector<16xf32> to vector<1xf32>
      %squeeze3A_660 = vector.extract %slice3A_659[0] : f32 from vector<1xf32>
      %broadcast_in_dim3A_661 = vector.broadcast %squeeze3A_660 : f32 to vector<16xf32>
      %get3A_662 = arith.index_cast %add3A_658 : i32 to index
      %get3A_663 = arith.constant 0 : index
      %get3A_664 = tpu.vector_load %arg11[%get3A_662, %get3A_663] {strides = array<i32>} : memref<1008x64xf32, #tpu.memory_space<vmem>>, vector<1x16xf32>,
      %get3A_665 = vector.shape_cast %get3A_664 : vector<1x16xf32> to vector<16xf32>
      %mul3A_666 = arith.mulf %get3A_665, %broadcast_in_dim3A_661 : vector<16xf32>
      %swap3A_667 = arith.index_cast %add3A_658 : i32 to index
      %swap3A_668 = arith.constant 0 : index
      %swap3A_669 = tpu.vector_load %arg11[%swap3A_667, %swap3A_668] {strides = array<i32>} : memref<1008x64xf32, #tpu.memory_space<vmem>>, vector<1x16xf32>,
      %swap3A_670 = vector.shape_cast %swap3A_669 : vector<1x16xf32> to vector<16xf32>
      %swap3A_671 = vector.shape_cast %mul3A_666 : vector<16xf32> to vector<1x16xf32>
      tpu.vector_store %arg11[%swap3A_667, %swap3A_668], %swap3A_671 {strides = array<i32>} : memref<1008x64xf32, #tpu.memory_space<vmem>>, vector<1x16xf32>,
      %get3A_672 = arith.index_cast %add3A_658 : i32 to index
      %get3A_673 = arith.constant 16 : index
      %get3A_674 = tpu.vector_load %arg11[%get3A_672, %get3A_673] {strides = array<i32>} : memref<1008x64xf32, #tpu.memory_space<vmem>>, vector<1x16xf32>,
      %get3A_675 = vector.shape_cast %get3A_674 : vector<1x16xf32> to vector<16xf32>
      %mul3A_676 = arith.mulf %get3A_675, %broadcast_in_dim3A_661 : vector<16xf32>
      %swap3A_677 = arith.index_cast %add3A_658 : i32 to index
      %swap3A_678 = arith.constant 16 : index
      %swap3A_679 = tpu.vector_load %arg11[%swap3A_677, %swap3A_678] {strides = array<i32>} : memref<1008x64xf32, #tpu.memory_space<vmem>>, vector<1x16xf32>,
      %swap3A_680 = vector.shape_cast %swap3A_679 : vector<1x16xf32> to vector<16xf32>
      %swap3A_681 = vector.shape_cast %mul3A_676 : vector<16xf32> to vector<1x16xf32>
      tpu.vector_store %arg11[%swap3A_677, %swap3A_678], %swap3A_681 {strides = array<i32>} : memref<1008x64xf32, #tpu.memory_space<vmem>>, vector<1x16xf32>,
      %get3A_682 = arith.index_cast %add3A_658 : i32 to index
      %get3A_683 = arith.constant 32 : index
      %get3A_684 = tpu.vector_load %arg11[%get3A_682, %get3A_683] {strides = array<i32>} : memref<1008x64xf32, #tpu.memory_space<vmem>>, vector<1x16xf32>,
      %get3A_685 = vector.shape_cast %get3A_684 : vector<1x16xf32> to vector<16xf32>
      %mul3A_686 = arith.mulf %get3A_685, %broadcast_in_dim3A_661 : vector<16xf32>
      %swap3A_687 = arith.index_cast %add3A_658 : i32 to index
      %swap3A_688 = arith.constant 32 : index
      %swap3A_689 = tpu.vector_load %arg11[%swap3A_687, %swap3A_688] {strides = array<i32>} : memref<1008x64xf32, #tpu.memory_space<vmem>>, vector<1x16xf32>,
      %swap3A_690 = vector.shape_cast %swap3A_689 : vector<1x16xf32> to vector<16xf32>
      %swap3A_691 = vector.shape_cast %mul3A_686 : vector<16xf32> to vector<1x16xf32>
      tpu.vector_store %arg11[%swap3A_687, %swap3A_688], %swap3A_691 {strides = array<i32>} : memref<1008x64xf32, #tpu.memory_space<vmem>>, vector<1x16xf32>,
      %get3A_692 = arith.index_cast %add3A_658 : i32 to index
      %get3A_693 = arith.constant 48 : index
      %get3A_694 = tpu.vector_load %arg11[%get3A_692, %get3A_693] {strides = array<i32>} : memref<1008x64xf32, #tpu.memory_space<vmem>>, vector<1x16xf32>,
      %get3A_695 = vector.shape_cast %get3A_694 : vector<1x16xf32> to vector<16xf32>
      %mul3A_696 = arith.mulf %get3A_695, %broadcast_in_dim3A_661 : vector<16xf32>
      %swap3A_697 = arith.index_cast %add3A_658 : i32 to index
      %swap3A_698 = arith.constant 48 : index
      %swap3A_699 = tpu.vector_load %arg11[%swap3A_697, %swap3A_698] {strides = array<i32>} : memref<1008x64xf32, #tpu.memory_space<vmem>>, vector<1x16xf32>,
      %swap3A_700 = vector.shape_cast %swap3A_699 : vector<1x16xf32> to vector<16xf32>
      %swap3A_701 = vector.shape_cast %mul3A_696 : vector<16xf32> to vector<1x16xf32>
      tpu.vector_store %arg11[%swap3A_697, %swap3A_698], %swap3A_701 {strides = array<i32>} : memref<1008x64xf32, #tpu.memory_space<vmem>>, vector<1x16xf32>,
      %mul3A_702 = arith.constant 16 : i32
      %mul3A_703 = arith.muli %scan3A_42, %mul3A_702 : i32
      %add3A_704 = arith.constant 14 : i32
      %add3A_705 = arith.addi %mul3A_703, %add3A_704 : i32
      %slice3A_706 = vector.extract_strided_slice %get3A_47 {offsets = [14], sizes = [1], strides = [1]} : vector<16xf32> to vector<1xf32>
      %squeeze3A_707 = vector.extract %slice3A_706[0] : f32 from vector<1xf32>
      %broadcast_in_dim3A_708 = vector.broadcast %squeeze3A_707 : f32 to vector<16xf32>
      %get3A_709 = arith.index_cast %add3A_705 : i32 to index
      %get3A_710 = arith.constant 0 : index
      %get3A_711 = tpu.vector_load %arg11[%get3A_709, %get3A_710] {strides = array<i32>} : memref<1008x64xf32, #tpu.memory_space<vmem>>, vector<1x16xf32>,
      %get3A_712 = vector.shape_cast %get3A_711 : vector<1x16xf32> to vector<16xf32>
      %mul3A_713 = arith.mulf %get3A_712, %broadcast_in_dim3A_708 : vector<16xf32>
      %swap3A_714 = arith.index_cast %add3A_705 : i32 to index
      %swap3A_715 = arith.constant 0 : index
      %swap3A_716 = tpu.vector_load %arg11[%swap3A_714, %swap3A_715] {strides = array<i32>} : memref<1008x64xf32, #tpu.memory_space<vmem>>, vector<1x16xf32>,
      %swap3A_717 = vector.shape_cast %swap3A_716 : vector<1x16xf32> to vector<16xf32>
      %swap3A_718 = vector.shape_cast %mul3A_713 : vector<16xf32> to vector<1x16xf32>
      tpu.vector_store %arg11[%swap3A_714, %swap3A_715], %swap3A_718 {strides = array<i32>} : memref<1008x64xf32, #tpu.memory_space<vmem>>, vector<1x16xf32>,
      %get3A_719 = arith.index_cast %add3A_705 : i32 to index
      %get3A_720 = arith.constant 16 : index
      %get3A_721 = tpu.vector_load %arg11[%get3A_719, %get3A_720] {strides = array<i32>} : memref<1008x64xf32, #tpu.memory_space<vmem>>, vector<1x16xf32>,
      %get3A_722 = vector.shape_cast %get3A_721 : vector<1x16xf32> to vector<16xf32>
      %mul3A_723 = arith.mulf %get3A_722, %broadcast_in_dim3A_708 : vector<16xf32>
      %swap3A_724 = arith.index_cast %add3A_705 : i32 to index
      %swap3A_725 = arith.constant 16 : index
      %swap3A_726 = tpu.vector_load %arg11[%swap3A_724, %swap3A_725] {strides = array<i32>} : memref<1008x64xf32, #tpu.memory_space<vmem>>, vector<1x16xf32>,
      %swap3A_727 = vector.shape_cast %swap3A_726 : vector<1x16xf32> to vector<16xf32>
      %swap3A_728 = vector.shape_cast %mul3A_723 : vector<16xf32> to vector<1x16xf32>
      tpu.vector_store %arg11[%swap3A_724, %swap3A_725], %swap3A_728 {strides = array<i32>} : memref<1008x64xf32, #tpu.memory_space<vmem>>, vector<1x16xf32>,
      %get3A_729 = arith.index_cast %add3A_705 : i32 to index
      %get3A_730 = arith.constant 32 : index
      %get3A_731 = tpu.vector_load %arg11[%get3A_729, %get3A_730] {strides = array<i32>} : memref<1008x64xf32, #tpu.memory_space<vmem>>, vector<1x16xf32>,
      %get3A_732 = vector.shape_cast %get3A_731 : vector<1x16xf32> to vector<16xf32>
      %mul3A_733 = arith.mulf %get3A_732, %broadcast_in_dim3A_708 : vector<16xf32>
      %swap3A_734 = arith.index_cast %add3A_705 : i32 to index
      %swap3A_735 = arith.constant 32 : index
      %swap3A_736 = tpu.vector_load %arg11[%swap3A_734, %swap3A_735] {strides = array<i32>} : memref<1008x64xf32, #tpu.memory_space<vmem>>, vector<1x16xf32>,
      %swap3A_737 = vector.shape_cast %swap3A_736 : vector<1x16xf32> to vector<16xf32>
      %swap3A_738 = vector.shape_cast %mul3A_733 : vector<16xf32> to vector<1x16xf32>
      tpu.vector_store %arg11[%swap3A_734, %swap3A_735], %swap3A_738 {strides = array<i32>} : memref<1008x64xf32, #tpu.memory_space<vmem>>, vector<1x16xf32>,
      %get3A_739 = arith.index_cast %add3A_705 : i32 to index
      %get3A_740 = arith.constant 48 : index
      %get3A_741 = tpu.vector_load %arg11[%get3A_739, %get3A_740] {strides = array<i32>} : memref<1008x64xf32, #tpu.memory_space<vmem>>, vector<1x16xf32>,
      %get3A_742 = vector.shape_cast %get3A_741 : vector<1x16xf32> to vector<16xf32>
      %mul3A_743 = arith.mulf %get3A_742, %broadcast_in_dim3A_708 : vector<16xf32>
      %swap3A_744 = arith.index_cast %add3A_705 : i32 to index
      %swap3A_745 = arith.constant 48 : index
      %swap3A_746 = tpu.vector_load %arg11[%swap3A_744, %swap3A_745] {strides = array<i32>} : memref<1008x64xf32, #tpu.memory_space<vmem>>, vector<1x16xf32>,
      %swap3A_747 = vector.shape_cast %swap3A_746 : vector<1x16xf32> to vector<16xf32>
      %swap3A_748 = vector.shape_cast %mul3A_743 : vector<16xf32> to vector<1x16xf32>
      tpu.vector_store %arg11[%swap3A_744, %swap3A_745], %swap3A_748 {strides = array<i32>} : memref<1008x64xf32, #tpu.memory_space<vmem>>, vector<1x16xf32>,
      %mul3A_749 = arith.constant 16 : i32
      %mul3A_750 = arith.muli %scan3A_42, %mul3A_749 : i32
      %add3A_751 = arith.constant 15 : i32
      %add3A_752 = arith.addi %mul3A_750, %add3A_751 : i32
      %slice3A_753 = vector.extract_strided_slice %get3A_47 {offsets = [15], sizes = [1], strides = [1]} : vector<16xf32> to vector<1xf32>
      %squeeze3A_754 = vector.extract %slice3A_753[0] : f32 from vector<1xf32>
      %broadcast_in_dim3A_755 = vector.broadcast %squeeze3A_754 : f32 to vector<16xf32>
      %get3A_756 = arith.index_cast %add3A_752 : i32 to index
      %get3A_757 = arith.constant 0 : index
      %get3A_758 = tpu.vector_load %arg11[%get3A_756, %get3A_757] {strides = array<i32>} : memref<1008x64xf32, #tpu.memory_space<vmem>>, vector<1x16xf32>,
      %get3A_759 = vector.shape_cast %get3A_758 : vector<1x16xf32> to vector<16xf32>
      %mul3A_760 = arith.mulf %get3A_759, %broadcast_in_dim3A_755 : vector<16xf32>
      %swap3A_761 = arith.index_cast %add3A_752 : i32 to index
      %swap3A_762 = arith.constant 0 : index
      %swap3A_763 = tpu.vector_load %arg11[%swap3A_761, %swap3A_762] {strides = array<i32>} : memref<1008x64xf32, #tpu.memory_space<vmem>>, vector<1x16xf32>,
      %swap3A_764 = vector.shape_cast %swap3A_763 : vector<1x16xf32> to vector<16xf32>
      %swap3A_765 = vector.shape_cast %mul3A_760 : vector<16xf32> to vector<1x16xf32>
      tpu.vector_store %arg11[%swap3A_761, %swap3A_762], %swap3A_765 {strides = array<i32>} : memref<1008x64xf32, #tpu.memory_space<vmem>>, vector<1x16xf32>,
      %get3A_766 = arith.index_cast %add3A_752 : i32 to index
      %get3A_767 = arith.constant 16 : index
      %get3A_768 = tpu.vector_load %arg11[%get3A_766, %get3A_767] {strides = array<i32>} : memref<1008x64xf32, #tpu.memory_space<vmem>>, vector<1x16xf32>,
      %get3A_769 = vector.shape_cast %get3A_768 : vector<1x16xf32> to vector<16xf32>
      %mul3A_770 = arith.mulf %get3A_769, %broadcast_in_dim3A_755 : vector<16xf32>
      %swap3A_771 = arith.index_cast %add3A_752 : i32 to index
      %swap3A_772 = arith.constant 16 : index
      %swap3A_773 = tpu.vector_load %arg11[%swap3A_771, %swap3A_772] {strides = array<i32>} : memref<1008x64xf32, #tpu.memory_space<vmem>>, vector<1x16xf32>,
      %swap3A_774 = vector.shape_cast %swap3A_773 : vector<1x16xf32> to vector<16xf32>
      %swap3A_775 = vector.shape_cast %mul3A_770 : vector<16xf32> to vector<1x16xf32>
      tpu.vector_store %arg11[%swap3A_771, %swap3A_772], %swap3A_775 {strides = array<i32>} : memref<1008x64xf32, #tpu.memory_space<vmem>>, vector<1x16xf32>,
      %get3A_776 = arith.index_cast %add3A_752 : i32 to index
      %get3A_777 = arith.constant 32 : index
      %get3A_778 = tpu.vector_load %arg11[%get3A_776, %get3A_777] {strides = array<i32>} : memref<1008x64xf32, #tpu.memory_space<vmem>>, vector<1x16xf32>,
      %get3A_779 = vector.shape_cast %get3A_778 : vector<1x16xf32> to vector<16xf32>
      %mul3A_780 = arith.mulf %get3A_779, %broadcast_in_dim3A_755 : vector<16xf32>
      %swap3A_781 = arith.index_cast %add3A_752 : i32 to index
      %swap3A_782 = arith.constant 32 : index
      %swap3A_783 = tpu.vector_load %arg11[%swap3A_781, %swap3A_782] {strides = array<i32>} : memref<1008x64xf32, #tpu.memory_space<vmem>>, vector<1x16xf32>,
      %swap3A_784 = vector.shape_cast %swap3A_783 : vector<1x16xf32> to vector<16xf32>
      %swap3A_785 = vector.shape_cast %mul3A_780 : vector<16xf32> to vector<1x16xf32>
      tpu.vector_store %arg11[%swap3A_781, %swap3A_782], %swap3A_785 {strides = array<i32>} : memref<1008x64xf32, #tpu.memory_space<vmem>>, vector<1x16xf32>,
      %get3A_786 = arith.index_cast %add3A_752 : i32 to index
      %get3A_787 = arith.constant 48 : index
      %get3A_788 = tpu.vector_load %arg11[%get3A_786, %get3A_787] {strides = array<i32>} : memref<1008x64xf32, #tpu.memory_space<vmem>>, vector<1x16xf32>,
      %get3A_789 = vector.shape_cast %get3A_788 : vector<1x16xf32> to vector<16xf32>
      %mul3A_790 = arith.mulf %get3A_789, %broadcast_in_dim3A_755 : vector<16xf32>
      %swap3A_791 = arith.index_cast %add3A_752 : i32 to index
      %swap3A_792 = arith.constant 48 : index
      %swap3A_793 = tpu.vector_load %arg11[%swap3A_791, %swap3A_792] {strides = array<i32>} : memref<1008x64xf32, #tpu.memory_space<vmem>>, vector<1x16xf32>,
      %swap3A_794 = vector.shape_cast %swap3A_793 : vector<1x16xf32> to vector<16xf32>
      %swap3A_795 = vector.shape_cast %mul3A_790 : vector<16xf32> to vector<1x16xf32>
      tpu.vector_store %arg11[%swap3A_791, %swap3A_792], %swap3A_795 {strides = array<i32>} : memref<1008x64xf32, #tpu.memory_space<vmem>>, vector<1x16xf32>,
    }
    %scan3A_35 = arith.constant 58 : i32
    "tpu.region"() ({
      %run_scoped3A = tpu.sem_alloc : memref<!tpu.dma_semaphore, #tpu.memory_space<semaphore_mem>>
      %dma_start3A_42 = arith.constant 0 : i32
      %dma_start3A_43 = arith.constant 0 : i32
      %dma_start3A_44 = tpu.memref_slice %arg11[%dma_start3A_42, %dma_start3A_43] : memref<1008x64xf32, #tpu.memory_space<vmem>> -> memref<928x64xf32, #tpu.memory_space<vmem>>
      %dma_start3A_45 = arith.constant 0 : i32
      %dma_start3A_46 = tpu.memref_slice %arg9[%dma_start3A_45] : memref<1008xi32, #tpu.memory_space<vmem>> -> memref<928xi32, #tpu.memory_space<vmem>>
      %dma_start3A_47 = arith.constant 0 : i32
      %dma_start3A_48 = arith.constant 0 : i32
      %dma_start3A_49 = tpu.memref_slice %arg12[%dma_start3A_47, %dma_start3A_48] : memref<10000x64xf32, #tpu.memory_space<vmem_shared>> -> memref<10000x64xf32, #tpu.memory_space<vmem_shared>>
      tpu.enqueue_indirect_dma source(%dma_start3A_44 : memref<928x64xf32, #tpu.memory_space<vmem>>) target(%dma_start3A_49 : memref<10000x64xf32, #tpu.memory_space<vmem_shared>>) offsets(%dma_start3A_46 : memref<928xi32, #tpu.memory_space<vmem>>) semaphore(%run_scoped3A : memref<!tpu.dma_semaphore, #tpu.memory_space<semaphore_mem>>) {add = true}
      %dma_wait3A_50 = arith.constant 0 : i32
      %dma_wait3A_51 = arith.constant 0 : i32
      %dma_wait3A_52 = tpu.memref_slice %arg11[%dma_wait3A_50, %dma_wait3A_51] : memref<1008x64xf32, #tpu.memory_space<vmem>> -> memref<928x64xf32, #tpu.memory_space<vmem>>
      %dma_wait3A_53 = arith.constant 0 : i32
      %dma_wait3A_54 = tpu.memref_slice %arg9[%dma_wait3A_53] : memref<1008xi32, #tpu.memory_space<vmem>> -> memref<928xi32, #tpu.memory_space<vmem>>
      %dma_wait3A_55 = arith.constant 0 : i32
      %dma_wait3A_56 = arith.constant 0 : i32
      %dma_wait3A_57 = tpu.memref_slice %arg12[%dma_wait3A_55, %dma_wait3A_56] : memref<10000x64xf32, #tpu.memory_space<vmem_shared>> -> memref<10000x64xf32, #tpu.memory_space<vmem_shared>>
      tpu.wait_indirect_dma semaphore(%run_scoped3A : memref<!tpu.dma_semaphore, #tpu.memory_space<semaphore_mem>>) src(%dma_wait3A_52 : memref<928x64xf32, #tpu.memory_space<vmem>>) dst(%dma_wait3A_57 : memref<10000x64xf32, #tpu.memory_space<vmem_shared>>)
      tpu.yield
    }) : () -> ()
    %barrier3A_36 = arith.constant 0 : index
    tpu.barrier barrier_id(%barrier3A_36)
    "tpu.region"() ({
      %run_scoped3A = tpu.sem_alloc : memref<!tpu.dma_semaphore, #tpu.memory_space<semaphore_mem>>
      %dma_start3A_42 = arith.constant 0 : i32
      %dma_start3A_43 = tpu.memref_slice %arg7[%arg0, %multiple_of3A, %dma_start3A_42] : memref<2x10000x64xf32, #tpu.memory_space<hbm>> -> memref<1x624x64xf32, #tpu.memory_space<hbm>>
      %dma_start3A_44 = tpu.memref_squeeze %dma_start3A_43 : memref<1x624x64xf32, #tpu.memory_space<hbm>> -> memref<624x64xf32, #tpu.memory_space<hbm>>
      %dma_start3A_45 = arith.constant 0 : i32
      %dma_start3A_46 = tpu.memref_slice %arg12[%multiple_of3A, %dma_start3A_45] : memref<10000x64xf32, #tpu.memory_space<vmem_shared>> -> memref<624x64xf32, #tpu.memory_space<vmem_shared>>
      tpu.enqueue_dma source(%dma_start3A_46 : memref<624x64xf32, #tpu.memory_space<vmem_shared>>) target(%dma_start3A_44 : memref<624x64xf32, #tpu.memory_space<hbm>>) target_semaphore(%run_scoped3A : memref<!tpu.dma_semaphore, #tpu.memory_space<semaphore_mem>>)
      %dma_wait3A_47 = arith.constant 0 : i32
      %dma_wait3A_48 = tpu.memref_slice %arg7[%arg0, %multiple_of3A, %dma_wait3A_47] : memref<2x10000x64xf32, #tpu.memory_space<hbm>> -> memref<1x624x64xf32, #tpu.memory_space<hbm>>
      %dma_wait3A_49 = tpu.memref_squeeze %dma_wait3A_48 : memref<1x624x64xf32, #tpu.memory_space<hbm>> -> memref<624x64xf32, #tpu.memory_space<hbm>>
      %dma_wait3A_50 = arith.constant 0 : i32
      %dma_wait3A_51 = tpu.memref_slice %arg12[%multiple_of3A, %dma_wait3A_50] : memref<10000x64xf32, #tpu.memory_space<vmem_shared>> -> memref<624x64xf32, #tpu.memory_space<vmem_shared>>
      tpu.wait_dma2 semaphore(%run_scoped3A : memref<!tpu.dma_semaphore, #tpu.memory_space<semaphore_mem>>) src(%dma_wait3A_51 : memref<624x64xf32, #tpu.memory_space<vmem_shared>>) dst(%dma_wait3A_49 : memref<624x64xf32, #tpu.memory_space<hbm>>)
      tpu.yield
    }) : () -> ()
    %eq3A_37 = arith.constant 0 : i32
    %eq3A_38 = arith.cmpi eq, %arg1, %eq3A_37 : i32
    %convert_element_type3A_39 = arith.extui %eq3A_38 : i1 to i32
    %cond3A_40 = arith.constant 0 : i32
    %cond3A_41 = arith.cmpi ne, %convert_element_type3A_39, %cond3A_40 : i32
    scf.if %cond3A_41 {
      "tpu.region"() ({
        %run_scoped3A = tpu.sem_alloc : memref<!tpu.dma_semaphore, #tpu.memory_space<semaphore_mem>>
        %dma_start3A_42 = arith.constant 9984 : i32
        %dma_start3A_43 = arith.constant 0 : i32
        %dma_start3A_44 = tpu.memref_slice %arg7[%arg0, %dma_start3A_42, %dma_start3A_43] : memref<2x10000x64xf32, #tpu.memory_space<hbm>> -> memref<1x16x64xf32, #tpu.memory_space<hbm>>
        %dma_start3A_45 = tpu.memref_squeeze %dma_start3A_44 : memref<1x16x64xf32, #tpu.memory_space<hbm>> -> memref<16x64xf32, #tpu.memory_space<hbm>>
        %dma_start3A_46 = arith.constant 9984 : i32
        %dma_start3A_47 = arith.constant 0 : i32
        %dma_start3A_48 = tpu.memref_slice %arg12[%dma_start3A_46, %dma_start3A_47] : memref<10000x64xf32, #tpu.memory_space<vmem_shared>> -> memref<16x64xf32, #tpu.memory_space<vmem_shared>>
        tpu.enqueue_dma source(%dma_start3A_48 : memref<16x64xf32, #tpu.memory_space<vmem_shared>>) target(%dma_start3A_45 : memref<16x64xf32, #tpu.memory_space<hbm>>) target_semaphore(%run_scoped3A : memref<!tpu.dma_semaphore, #tpu.memory_space<semaphore_mem>>)
        %dma_wait3A_49 = arith.constant 9984 : i32
        %dma_wait3A_50 = arith.constant 0 : i32
        %dma_wait3A_51 = tpu.memref_slice %arg7[%arg0, %dma_wait3A_49, %dma_wait3A_50] : memref<2x10000x64xf32, #tpu.memory_space<hbm>> -> memref<1x16x64xf32, #tpu.memory_space<hbm>>
        %dma_wait3A_52 = tpu.memref_squeeze %dma_wait3A_51 : memref<1x16x64xf32, #tpu.memory_space<hbm>> -> memref<16x64xf32, #tpu.memory_space<hbm>>
        %dma_wait3A_53 = arith.constant 9984 : i32
        %dma_wait3A_54 = arith.constant 0 : i32
        %dma_wait3A_55 = tpu.memref_slice %arg12[%dma_wait3A_53, %dma_wait3A_54] : memref<10000x64xf32, #tpu.memory_space<vmem_shared>> -> memref<16x64xf32, #tpu.memory_space<vmem_shared>>
        tpu.wait_dma2 semaphore(%run_scoped3A : memref<!tpu.dma_semaphore, #tpu.memory_space<semaphore_mem>>) src(%dma_wait3A_55 : memref<16x64xf32, #tpu.memory_space<vmem_shared>>) dst(%dma_wait3A_52 : memref<16x64xf32, #tpu.memory_space<hbm>>)
        tpu.yield
      }) : () -> ()
    } else {
    }
    return
  }
}

module attributes {stable_mosaic.version = 14 : i64} {
  func.func @_mm1_body(%arg0: i32, %arg1: memref<1000x128xf32, #tpu.memory_space<vmem>>, %arg2: memref<128x64xf32, #tpu.memory_space<vmem>>, %arg3: memref<1000x64xf32, #tpu.memory_space<vmem>>) attributes {dimension_semantics = [#tpu.dimension_semantics<arbitrary>], iteration_bounds = array<i64: 10>, scalar_prefetch = 0 : i64, scratch_operands = 0 : i64, tpu.core_type = #tpu.core_type<tc>, window_params = [{transform_indices = @transform_0, window_bounds = array<i64: 1000, 128>}, {pipeline_mode = #tpu.pipeline_mode<synchronous>, transform_indices = @transform_1, window_bounds = array<i64: 128, 64>}, {transform_indices = @transform_2, window_bounds = array<i64: 1000, 64>}]} {
    %get3A = arith.constant 0 : index
    %get3A_0 = arith.constant 0 : index
    %get3A_1 = vector.load %arg1[%get3A, %get3A_0] : memref<1000x128xf32, #tpu.memory_space<vmem>>, vector<1000x128xf32>
    %get3A_2 = arith.constant 0 : index
    %get3A_3 = arith.constant 0 : index
    %get3A_4 = vector.load %arg2[%get3A_2, %get3A_3] : memref<128x64xf32, #tpu.memory_space<vmem>>, vector<128x64xf32>
    %dot_general3A = arith.constant dense<0.000000e+00> : vector<1000x64xf32>
    %dot_general3A_5 = tpu.matmul %get3A_1, %get3A_4, %dot_general3A {dimension_numbers = #tpu.dot_dimension_numbers<[1], [0], [0], [1], [0, 0, 1, 1], [], []>, transpose_lhs_hint = false} : vector<1000x128xf32>, vector<128x64xf32>, vector<1000x64xf32> -> vector<1000x64xf32>
    %swap3A = arith.constant 0 : index
    %swap3A_6 = arith.constant 0 : index
    %swap3A_7 = vector.load %arg3[%swap3A, %swap3A_6] : memref<1000x64xf32, #tpu.memory_space<vmem>>, vector<1000x64xf32>
    tpu.vector_store %arg3[%swap3A, %swap3A_6], %dot_general3A_5 {strides = array<i32>} : memref<1000x64xf32, #tpu.memory_space<vmem>>, vector<1000x64xf32>,
    return
  }
  func.func @transform_0(%arg0: i32) -> (i32, i32) {
    %c0_i32 = arith.constant 0 : i32
    %c0_i32_0 = arith.constant 0 : i32
    return %arg0, %c0_i32 : i32, i32
  }
  func.func @transform_1(%arg0: i32) -> (i32, i32) {
    %c0_i32 = arith.constant 0 : i32
    %c0_i32_0 = arith.constant 0 : i32
    %c0_i32_1 = arith.constant 0 : i32
    return %c0_i32, %c0_i32_0 : i32, i32
  }
  func.func @transform_2(%arg0: i32) -> (i32, i32) {
    %c0_i32 = arith.constant 0 : i32
    %c0_i32_0 = arith.constant 0 : i32
    return %arg0, %c0_i32 : i32, i32
  }
}

module attributes {stable_mosaic.version = 14 : i64} {
  func.func @_mid_body(%arg0: i32, %arg1: memref<2x1000x64xf32, #tpu.memory_space<vmem>>, %arg2: memref<64x64xf32, #tpu.memory_space<vmem>>, %arg3: memref<1000x64xf32, #tpu.memory_space<vmem>>) attributes {dimension_semantics = [#tpu.dimension_semantics<arbitrary>], iteration_bounds = array<i64: 10>, scalar_prefetch = 0 : i64, scratch_operands = 0 : i64, tpu.core_type = #tpu.core_type<tc>, window_params = [{transform_indices = @transform_0, window_bounds = array<i64: 2, 1000, 64>}, {pipeline_mode = #tpu.pipeline_mode<synchronous>, transform_indices = @transform_1, window_bounds = array<i64: 64, 64>}, {transform_indices = @transform_2, window_bounds = array<i64: 1000, 64>}]} {
    %get3A = arith.constant 0 : index
    %get3A_0 = arith.constant 0 : index
    %get3A_1 = arith.constant 0 : index
    %get3A_2 = vector.load %arg1[%get3A, %get3A_0, %get3A_1] : memref<2x1000x64xf32, #tpu.memory_space<vmem>>, vector<1x1000x64xf32>
    %get3A_3 = vector.shape_cast %get3A_2 : vector<1x1000x64xf32> to vector<1000x64xf32>
    %get3A_4 = arith.constant 1 : index
    %get3A_5 = arith.constant 0 : index
    %get3A_6 = arith.constant 0 : index
    %get3A_7 = vector.load %arg1[%get3A_4, %get3A_5, %get3A_6] : memref<2x1000x64xf32, #tpu.memory_space<vmem>>, vector<1x1000x64xf32>
    %get3A_8 = vector.shape_cast %get3A_7 : vector<1x1000x64xf32> to vector<1000x64xf32>
    %add3A = arith.addf %get3A_3, %get3A_8 : vector<1000x64xf32>
    %max3A = arith.constant 0.000000e+00 : f32
    %max3A_9 = vector.broadcast %max3A : f32 to vector<1000x64xf32>
    %max3A_10 = arith.maximumf %add3A, %max3A_9 : vector<1000x64xf32>
    %get3A_11 = arith.constant 0 : index
    %get3A_12 = arith.constant 0 : index
    %get3A_13 = vector.load %arg2[%get3A_11, %get3A_12] : memref<64x64xf32, #tpu.memory_space<vmem>>, vector<64x64xf32>
    %dot_general3A = arith.constant dense<0.000000e+00> : vector<1000x64xf32>
    %dot_general3A_14 = tpu.matmul %max3A_10, %get3A_13, %dot_general3A {dimension_numbers = #tpu.dot_dimension_numbers<[1], [0], [0], [1], [0, 0, 1, 1], [], []>, transpose_lhs_hint = false} : vector<1000x64xf32>, vector<64x64xf32>, vector<1000x64xf32> -> vector<1000x64xf32>
    %swap3A = arith.constant 0 : index
    %swap3A_15 = arith.constant 0 : index
    %swap3A_16 = vector.load %arg3[%swap3A, %swap3A_15] : memref<1000x64xf32, #tpu.memory_space<vmem>>, vector<1000x64xf32>
    tpu.vector_store %arg3[%swap3A, %swap3A_15], %dot_general3A_14 {strides = array<i32>} : memref<1000x64xf32, #tpu.memory_space<vmem>>, vector<1000x64xf32>,
    return
  }
  func.func @transform_0(%arg0: i32) -> (i32, i32, i32) {
    %c0_i32 = arith.constant 0 : i32
    %c0_i32_0 = arith.constant 0 : i32
    %c0_i32_1 = arith.constant 0 : i32
    return %c0_i32, %arg0, %c0_i32_0 : i32, i32, i32
  }
  func.func @transform_1(%arg0: i32) -> (i32, i32) {
    %c0_i32 = arith.constant 0 : i32
    %c0_i32_0 = arith.constant 0 : i32
    %c0_i32_1 = arith.constant 0 : i32
    return %c0_i32, %c0_i32_0 : i32, i32
  }
  func.func @transform_2(%arg0: i32) -> (i32, i32) {
    %c0_i32 = arith.constant 0 : i32
    %c0_i32_0 = arith.constant 0 : i32
    return %arg0, %c0_i32 : i32, i32
  }
}

module attributes {stable_mosaic.version = 14 : i64} {
  func.func @_fin_body(%arg0: i32, %arg1: memref<2x1000x64xf32, #tpu.memory_space<vmem>>, %arg2: memref<1000x32xf32, #tpu.memory_space<vmem>>, %arg3: memref<1000x32xf32, #tpu.memory_space<vmem>>) attributes {dimension_semantics = [#tpu.dimension_semantics<arbitrary>], iteration_bounds = array<i64: 10>, scalar_prefetch = 0 : i64, scratch_operands = 0 : i64, tpu.core_type = #tpu.core_type<tc>, window_params = [{transform_indices = @transform_0, window_bounds = array<i64: 2, 1000, 64>}, {transform_indices = @transform_1, window_bounds = array<i64: 1000, 32>}, {transform_indices = @transform_2, window_bounds = array<i64: 1000, 32>}]} {
    %get3A = arith.constant 0 : index
    %get3A_0 = arith.constant 0 : index
    %get3A_1 = arith.constant 0 : index
    %get3A_2 = vector.load %arg1[%get3A, %get3A_0, %get3A_1] : memref<2x1000x64xf32, #tpu.memory_space<vmem>>, vector<1x1000x64xf32>
    %get3A_3 = vector.shape_cast %get3A_2 : vector<1x1000x64xf32> to vector<1000x64xf32>
    %get3A_4 = arith.constant 1 : index
    %get3A_5 = arith.constant 0 : index
    %get3A_6 = arith.constant 0 : index
    %get3A_7 = vector.load %arg1[%get3A_4, %get3A_5, %get3A_6] : memref<2x1000x64xf32, #tpu.memory_space<vmem>>, vector<1x1000x64xf32>
    %get3A_8 = vector.shape_cast %get3A_7 : vector<1x1000x64xf32> to vector<1000x64xf32>
    %add3A = arith.addf %get3A_3, %get3A_8 : vector<1000x64xf32>
    %slice3A = vector.extract_strided_slice %add3A {offsets = [0, 0], sizes = [1000, 32], strides = [1, 1]} : vector<1000x64xf32> to vector<1000x32xf32>
    %slice3A_9 = vector.extract_strided_slice %add3A {offsets = [0, 32], sizes = [1000, 32], strides = [1, 1]} : vector<1000x64xf32> to vector<1000x32xf32>
    %get3A_10 = arith.constant 0 : index
    %get3A_11 = arith.constant 0 : index
    %get3A_12 = vector.load %arg2[%get3A_10, %get3A_11] : memref<1000x32xf32, #tpu.memory_space<vmem>>, vector<1000x32xf32>
    %mul3A = arith.constant 5.000000e-01 : f32
    %mul3A_13 = vector.broadcast %mul3A : f32 to vector<1000x32xf32>
    %mul3A_14 = arith.mulf %slice3A_9, %mul3A_13 : vector<1000x32xf32>
    %exp3A = math.exp %mul3A_14 : vector<1000x32xf32>
    %mul3A_15 = arith.mulf %get3A_12, %exp3A : vector<1000x32xf32>
    %add3A_16 = arith.addf %mul3A_15, %slice3A : vector<1000x32xf32>
    %swap3A = arith.constant 0 : index
    %swap3A_17 = arith.constant 0 : index
    %swap3A_18 = vector.load %arg3[%swap3A, %swap3A_17] : memref<1000x32xf32, #tpu.memory_space<vmem>>, vector<1000x32xf32>
    tpu.vector_store %arg3[%swap3A, %swap3A_17], %add3A_16 {strides = array<i32>} : memref<1000x32xf32, #tpu.memory_space<vmem>>, vector<1000x32xf32>,
    return
  }
  func.func @transform_0(%arg0: i32) -> (i32, i32, i32) {
    %c0_i32 = arith.constant 0 : i32
    %c0_i32_0 = arith.constant 0 : i32
    %c0_i32_1 = arith.constant 0 : i32
    return %c0_i32, %arg0, %c0_i32_0 : i32, i32, i32
  }
  func.func @transform_1(%arg0: i32) -> (i32, i32) {
    %c0_i32 = arith.constant 0 : i32
    %c0_i32_0 = arith.constant 0 : i32
    return %arg0, %c0_i32 : i32, i32
  }
  func.func @transform_2(%arg0: i32) -> (i32, i32) {
    %c0_i32 = arith.constant 0 : i32
    %c0_i32_0 = arith.constant 0 : i32
    return %arg0, %c0_i32 : i32, i32
  }
}

</mosaic_0001>

<sc_bundles>
// kernel: kernel.10.cloned.1.call-start
scs
__scs_entry_jumppad:
0x0: {  	(pc) =	sbr.rel $0x88, $3  }
0x1: {  	(tag) =	ssettag $0x0;
	lr =	simm.s32 $0x1  }
0x2: {  	[smem:$0x3F9A] =	sst lr;
	_ =	strace $0xD0000000  }
0x3: {  	_ = 	snop  }
0x4: {  	_ = 	snop  }
0x5: {  	_ = 	snop  }
0x6: {  	_ = 	snop  }
0x7: {  	_ = 	snop  }
__scs_overlays_trampoline_lowered:
0x8: {  	[smem:$0x3FA9] =	sst s0  }
0x9: {  	[smem:$0x3FAA] =	sst s1  }
0xa: {  	[smem:$0x3FAB] =	sst s2  }
0xb: {  	[smem:$0x3FAC] =	sst s3  }
0xc: {  	[smem:$0x3FAD] =	sst s4  }
0xd: {  	[smem:$0x3FAE] =	sst s5  }
0xe: {  	[smem:$0x3FAF] =	sst s6  }
0xf: {  	[smem:$0x3FB0] =	sst s7  }
0x10: {  	[smem:$0x3FB1] =	sst s8  }
0x11: {  	[smem:$0x3FB2] =	sst s9;
	s0 =	simm.s32 @!p0 $0x0  }
0x12: {  	s1 =	sld [smem:$0x3F98];
	s0 =	simm.s32 @p0 $0x1  }
0x13: {  	[smem:$0x3FB3] =	sst s0;
	s0 =	simm.s32 @!p1 $0x0  }
0x14: {  	s2 =	sld [smem:$0x3F97];
	s0 =	simm.s32 @p1 $0x1  }
0x15: {  	[smem:$0x3FB4] =	sst s0;
	s0 =	simm.s32 @!p2 $0x0  }
0x16: {  	s3 =	sld [smem:$0x3FDB];
	s0 =	simm.s32 @p2 $0x1  }
0x17: {  	s4 =	simm.s32 $0x1BF5;
	[smem:$0x3FB6] =	sst s0  }
0x18: {  	s0 =	sld [smem:$0x3F99];
	_ =	swait.ge [sflag:s4], $0x0  }
0x19: {  	s7 =	sld [smem:$0x3F9A]  }
0x1a: {  	s8 =	sadd.s32 $0xFFFFE003, lr  }
0x1b: {  	s9 =	sadd.s32 $0xFFFFFEF7, lr;
	s5 =	simm.s32 $0xFFFFFFFF;
	p2 =	slt.u32 s8, $0xFFFFF086  }
0x1c: {  	p1 =	slt.u32 s9, $0xF7A;
	s5 =	simm.s32 @!p2 $0x0  }
0x1d: {  	s5 =	simm.s32 @p1 $0x1;
	p0 =	seq.s32 s7, s2  }
0x1e: {  	s7 =	smul.u32 @!p0 $0xF7A, s2;
	p2 =	seq.s32 @!p0 s5, $0x0  }
0x1f: {  	s9 =	smul.u32 $0xF7A, s1;
	s8 =	simm.s32 @!p0 $0x1BF5;
	p2 =	por !p2, p0  }
0x20: {  	[sflag:s8] =	ssyncset.s32 @!p0 $0xFFFFF086;
	s6 =	sadd.s32 @!p0 s3, s7;
	s7 =	simm.s32 @!p0 $0x108  }
0x21: {  	s3 =	sadd.s32 s3, s9;
	s6 =	sadd.s32 @!p0 $0x88, s6;
	s7 =	simm.s32 @p2 $0x1082  }
0x22: {  	[simem:s7], [sflag:s8] =	dma.local @!p0 [hbm:s6], $0xF7A  }
0x23: {  	s9 =	sor.u32 $0xD0000000, s2;
	s6 =	simm.s32 $0x108;
	_ =	swait.ge @!p0 [sflag:s8], $0x0  }
0x24: {  	s3 =	sadd.s32 $0x88, s3;
	s6 =	simm.s32 @!p1 $0x1082;
	[sflag:s4] =	ssyncset.s32 $0xFFFFF086  }
0x25: {  	[simem:s6], [sflag:s4] =	dma.local [hbm:s3], $0xF7A  }
0x26: {  	[smem:$0x3F9A] =	sst s1;
	(tag) =	ssettag s2;
	_ =	strace s9  }
0x27: {  	s1 =	sld [smem:$0x3FAA]  }
0x28: {  	s2 =	sld [smem:$0x3FAB]  }
0x29: {  	s4 =	sld [smem:$0x3FAD]  }
0x2a: {  	p0 =	seq.s32 s5, $0x0;
	s5 =	sld [smem:$0x3FAE]  }
0x2b: {  	s6 =	sld [smem:$0x3FAF]  }
0x2c: {  	s7 =	sld [smem:$0x3FB0]  }
0x2d: {  	s3 =	simm.s32 $0x108;
	s8 =	sld [smem:$0x3FB1]  }
0x2e: {  	s3 =	simm.s32 @!p0 $0x1082;
	s9 =	sld [smem:$0x3FB2]  }
0x2f: {  	lr =	sadd.s32 s0, s3;
	s0 =	sld [smem:$0x3FA9]  }
0x30: {  	s3 =	sld [smem:$0x3FAC]  }
0x31: {  	[smem:$0x3FB5] =	sst s10  }
0x32: {  	s10 =	sld [smem:$0x3FB3];
	_ =	sdelay $0x3  }
0x33: {  	p0 =	seq.s32 s10, $0x1;
	s10 =	sld [smem:$0x3FB5];
	_ =	sdelay $0x3  }
0x34: {  	[smem:$0x3FB5] =	sst s10  }
0x35: {  	s10 =	sld [smem:$0x3FB4];
	_ =	sdelay $0x3  }
0x36: {  	p1 =	seq.s32 s10, $0x1;
	s10 =	sld [smem:$0x3FB5];
	_ =	sdelay $0x3  }
0x37: {  	[smem:$0x3FB5] =	sst s10  }
0x38: {  	s10 =	sld [smem:$0x3FB6]  }
0x39: {  	_ = 	snop;
	(pc) =	sbr.ind lr, $3  }
0x3a: {  	_ = 	snop  }
0x3b: {  	_ = 	snop  }
0x3c: {  	p2 =	seq.s32 s10, $0x1;
	s10 =	sld [smem:$0x3FB5]  }
0x3d: {  	_ =	shalt  }
0x3e: {  	_ =	shalt  }
0x3f: {  	_ =	shalt  }
0x40: {  	_ =	shalt  }
0x41: {  	_ =	shalt  }
0x42: {  	_ =	shalt  }
0x43: {  	_ =	shalt  }
0x44: {  	_ =	shalt  }
0x45: {  	_ =	shalt  }
0x46: {  	_ =	shalt  }
0x47: {  	_ =	shalt  }
0x48: {  	_ =	shalt  }
0x49: {  	_ =	shalt  }
0x4a: {  	_ =	shalt  }
0x4b: {  	_ =	shalt  }
0x4c: {  	_ =	shalt  }
0x4d: {  	_ =	shalt  }
0x4e: {  	_ =	shalt  }
0x4f: {  	_ =	shalt  }
0x50: {  	_ =	shalt  }
0x51: {  	_ =	shalt  }
0x52: {  	_ =	shalt  }
0x53: {  	_ =	shalt  }
0x54: {  	_ =	shalt  }
0x55: {  	_ =	shalt  }
0x56: {  	_ =	shalt  }
0x57: {  	_ =	shalt  }
0x58: {  	_ =	shalt  }
0x59: {  	_ =	shalt  }
0x5a: {  	_ =	shalt  }
0x5b: {  	_ =	shalt  }
0x5c: {  	_ =	shalt  }
0x5d: {  	_ =	shalt  }
0x5e: {  	_ =	shalt  }
0x5f: {  	_ =	shalt  }
0x60: {  	_ =	shalt  }
0x61: {  	_ =	shalt  }
0x62: {  	_ =	shalt  }
0x63: {  	_ =	shalt  }
0x64: {  	_ =	shalt  }
0x65: {  	_ =	shalt  }
0x66: {  	_ =	shalt  }
0x67: {  	_ =	shalt  }
0x68: {  	_ =	shalt  }
0x69: {  	_ =	shalt  }
0x6a: {  	_ =	shalt  }
0x6b: {  	_ =	shalt  }
0x6c: {  	_ =	shalt  }
0x6d: {  	_ =	shalt  }
0x6e: {  	_ =	shalt  }
0x6f: {  	_ =	shalt  }
0x70: {  	_ =	shalt  }
0x71: {  	_ =	shalt  }
0x72: {  	_ =	shalt  }
0x73: {  	_ =	shalt  }
0x74: {  	_ =	shalt  }
0x75: {  	_ =	shalt  }
0x76: {  	_ =	shalt  }
0x77: {  	_ =	shalt  }
0x78: {  	_ =	shalt  }
0x79: {  	_ =	shalt  }
0x7a: {  	_ =	shalt  }
0x7b: {  	_ =	shalt  }
0x7c: {  	_ =	shalt  }
0x7d: {  	_ =	shalt  }
0x7e: {  	_ =	shalt  }
0x7f: {  	_ =	shalt  }
0x80: {  	_ =	shalt  }
0x81: {  	_ =	shalt  }
0x82: {  	_ =	shalt  }
0x83: {  	_ =	shalt  }
0x84: {  	_ =	shalt  }
0x85: {  	_ =	shalt  }
0x86: {  	_ =	shalt  }
0x87: {  	_ =	shalt  }
.Lfunc_end0:
.L_simem_size_0:
called_computation.1_lowered:
.L_overlay_start_0:
0x88: {  	s2 =	sld [smem:$0x3FD9]  }
0x89: {  	s3 =	sld [smem:$0x3FFE];
	_ =	sdelay $0x1  }
0x8a: {  	s1 =	srdreg.scid  }
0x8b: {  	s0 =	sand.u32 $0x1, s1  }
0x8c: {  	s17 =	sshll.u32 s0, $0xA;
	s2 =	sadd.s32 s3, s2  }
0x8d: {  	s2 =	sadd.s32 s2, s17  }
0x8e: {  	[smem:$0x3FC1] =	sst s2  }
0x8f: {  	_ = 	snop  }
0x90: {  	s2 =	sld [smem:$0x3FC7]  }
0x91: {  	s18 =	sld [smem:$0x3FD0];
	(tm) =	ssettm $0x1  }
0x92: {  	s4 =	sld [smem:$0x3FFB];
	_ =	sdelay $0x3  }
0x93: {  	_ =	strace s4  }
0x94: {  	s4 =	sld [smem:$0x3FFC];
	_ =	sdelay $0x3  }
0x95: {  	_ =	strace s4  }
0x96: {  	s4 =	sld [smem:$0x3FFD];
	_ =	sdelay $0x3  }
0x97: {  	_ =	strace s4  }
0x98: {  	_ =	strace $0x8FFFFFFF  }
0x99: {  	s19 =	sld [smem:$0x3FDB];
	_ =	sdelay $0x1  }
0x9a: {  	s5 =	simm.s32 $_scs_section_size  }
0x9b: {  	s6 =	simm.s32 $_size__tile_overlayer_lowered;
	s7 =	simm.s32 $_tile_overlayer_lowered  }
0x9c: {  	s22 =	simm.s32 $0x1BFF;
	s21 =	sshll.u32 s7, $0x1;
	s4 =	sadd.s32 s5, s19  }
0x9d: {  	s8 =	simm.s32 $0x0;
	s20 =	sshll.u32 s6, $0x1;
	s6 =	sadd.s32 s21, s4  }
0x9e: {  	[timem:s8], [sflag:s22] =	dma.local [hbm:s6], s20  }
0x9f: {  	_ =	swait.ge [sflag:s22], s20  }
0xa0: {  	s5 =	ssub.s32 $0x0, s20;
	[sflag:s22] =	ssyncset.done $0x0  }
0xa1: {  	[sflag:s22] =	ssyncadd.s32 s5;
	_ =	sdelay $0x1  }
0xa2: {  	s23 =	simm.s32 $0x1B8B  }
0xa3: {  	_ =	swait.ge [sflag:s23], $0x1  }
0xa4: {  	[sflag:s23] =	ssyncset.done $0x0  }
0xa5: {  	s25 =	simm.s32 $0x1B8E;
	s24 =	sld [smem:$0x3FFE];
	[sflag:s23] =	ssyncadd.s32 $0xFFFFFFFF  }
0xa6: {  	s26 =	simm.s32 $execute0_lowered;
	[smem:$0x3FD2] =	sst s25  }
0xa7: {  	s6 =	sshll.u32 s26, $0x1;
	_ =	strace $0x80000049;
	[dreg:$0x1] =	wrdreg $0xFFFFFFFF  }
0xa8: {  	s28 =	simm.s32 $_size_execute0_lowered;
	s4 =	sadd.s32 s4, s6;
	[dreg:$0x0] =	wrdreg $0x0  }
0xa9: {  	s6 =	sshll.u32 s28, $0x1;
	[dreg:$0x2] =	wrdreg s4  }
0xaa: {  	[dreg:$0x3] =	wrdreg s6  }
0xab: {  	[dreg:$0x4] =	wrdreg $0xC0  }
0xac: {  	_ =	task [dreg:s8], $0x5FFFF  }
0xad: {  	[dreg:$0x1] =	wrdreg $0xFFFFFFFF  }
0xae: {  	[dreg:$0x0] =	wrdreg $0x60  }
0xaf: {  	[dreg:$0x2] =	wrdreg s24  }
0xb0: {  	[dreg:$0x3] =	wrdreg s18  }
0xb1: {  	[dreg:$0x4] =	wrdreg s2  }
0xb2: {  	[dreg:$0x5] =	wrdreg $0x107D00  }
0xb3: {  	[dreg:$0x6] =	wrdreg $0x9  }
0xb4: {  	_ =	task.clear_ibuf [dreg:s8], $0x7FFFF;
	_ =	strace $0x90000049  }
0xb5: {  	s29 =	simm.s32 $0x9;
	_ =	strace $0x8000004B  }
0xb6: {  	_ =	swait.ge [sflag:s29], $0x1  }
0xb7: {  	[sflag:s29] =	ssyncadd.s32 $0xFFFFFFFF  }
0xb8: {  	_ =	strace $0x9000004B  }
0xb9: {  	_ =	sfence  }
0xba: {  	s30 =	sld [smem:$0x0];
	_ =	sdelay $0x2  }
0xbb: {  	s31 =	sshll.u32 s1, $0xD;
	s1 =	sshrl.u32 s1, $0x2  }
0xbc: {  	s3 =	sand.u32 $0x4000, s31;
	s1 =	sadd.s32 s1, s30  }
0xbd: {  	s0 =	sor.u32 s3, s0;
	s1 =	sshll.u32 s1, $0x11  }
0xbe: {  	s0 =	sor.u32 s1, s0  }
0xbf: {  	s0 =	sadd.s32 $0x8F2B, s0  }
0xc0: {  	[sflag:s0] =	ssyncadd.remote.s32 $0x1  }
0xc1: {  	_ =	sfence.sel $0xFFFF  }
0xc2: {  	[dreg:$0x0] =	wrdreg $0xFFFFFFFF;
	(pc) =	sbr.abs _section_cstart, $3  }
0xc3: {  	[dreg:$0x1] =	wrdreg $0xFFFFFFFF  }
0xc4: {  	_ =	task.clear_ibuf [dreg:s8], $0x2FFFF;
	_ =	strace $0x9FFFFFFF  }
0xc5: {  	(tm) =	ssettm $0x7FFFFFFF  }
tec
execute0_lowered:
.L_overlay_start_1:
0x0: {  	(tag) =	ssettag $0x1  }
0x1: {  	s10 =	rddreg [dreg:$0x0]  }
0x2: {  	s1 =	rddreg [dreg:$0x1]  }
0x3: {  	s2 =	rddreg [dreg:$0x2]  }
0x4: {  	s3 =	rddreg [dreg:$0x3]  }
0x5: {  	s0 =	rddreg [dreg:$0x4];
	s4 =	simm.s32 $0x0  }
0x6: {  	s17 =	stileid.u32;
	s7 =	srdreg.scid;
	s22 =	simm.s32 $0xBD0  }
0x7: {  	s23 =	simm.s32 $0x1;
	s24 =	simm.s32 $0x3A0;
	[smem:$0x7FF] =	sst s4  }
0x8: {  	s5 =	sadd.s32 $0xA600, s10;
	s13 =	smul.u32 $0x9C00, s17;
	s6 =	sadd.s32 $0x800, s10  }
0x9: {  	s11 =	sand.u32 $0x1, s7;
	s28 =	sshll.u32 s17, $0x1;
	s14 =	sadd.s32 $0x31A00, s10  }
0xa: {  	s29 =	sshll.u32 s17, $0x6;
	s20 =	sadd.s32 $0x9C000, s3;
	p0 =	sne.s32 s17, $0x0  }
0xb: {  	_ =	strace $0x8000004A;
	s9 =	ssub.s32 $0x2, s11;
	s7 =	sor.u32 s11, s28  }
0xc: {  	s19 =	smul.u32 $0x9C400, s11;
	s8 =	sshrl.u32 s13, $0x3;
	s12 =	sshrl.u32 s9, $0x1  }
0xd: {  	s7 =	smul.u32 $0x2710, s7;
	s18 =	sadd.s32 s13, s3;
	s8 =	sadd.s32 s8, s10  }
0xe: {  	s16 =	ssub.s32 s9, s12;
	s9 =	sor.u32 $0x1C02, s29;
	s10 =	sadd.s32 $0x31800, s10  }
0xf: {  	s21 =	sadd.s32 s13, s19;
	s19 =	sshrl.u32 s19, $0x3;
	s17 =	sshrl.u32 s18, $0x3  }
0x10: {  	s18 =	simm.s32 $0x2;
	s8 =	sadd.s32 $0x1E000, s8;
	s30 =	sshrl.u32 s7, $0x3  }
0x11: {  	s31 =	sshrl.u32 s21, $0x3;
	s19 =	sadd.s32 s14, s19;
	s16 =	smax.u32 s16, $0x1  }
0x12: {  	s21 =	simm.s32 $0x7E0;
	s15 =	sadd.s32 $0x46E, s30;
	s14 =	sadd.s32 s14, s31  }
0x13: {  	s11 =	sadd.s32 s6, s15;
	s12 =	sadd.s32 s1, s15;
	s13 =	sadd.s32 s2, s15  }
0x14: {  	s15 =	sadd.s32 $0x13800, s19;
	s19 =	sshrl.u32 @!p0 s20, $0x3;
	s20 =	simm.s32 $0x3F0  }
.LBB2_1:
0x15: {  	[spmem:s17], [sflag:s9] =	dma.local [hbm:s8], $0x1380  }
0x16: {  	_ =	swait.ge [sflag:s18], $0x1380  }
0x17: {  	[sflag:s18] =	ssyncset.done $0x0  }
0x18: {  	s25 =	simm.s32 @!p0 $0x2;
	[sflag:s18] =	ssyncadd.s32 $0xFFFFEC80  }
0x19: {  	[spmem:s19], [sflag:s9] =	dma.local @!p0 [hbm:s10], $0x80  }
0x1a: {  	_ =	swait.ge @!p0 [sflag:s25], $0x80  }
0x1b: {  	[sflag:s25] =	ssyncset.done @!p0 $0x0  }
0x1c: {  	[sflag:s25] =	ssyncadd.s32 @!p0 $0xFFFFFF80  }
0x1d: {  	s25 =	simm.s32 $0x0;
	[bflag:$0x0] =	sbarrier.arrive $0xFFFF  }
.LBB2_2:
0x1e: {  	s26 =	smul.u32 $0x3F0, s25;
	_ =	sdelay $0x1  }
0x1f: {  	s26 =	sadd.s32 s7, s26  }
0x20: {  	s28 =	sshrl.u32 s26, $0x3  }
0x21: {  	s26 =	simm.s32 $0x0;
	s29 =	sadd.s32 s6, s28  }
0x22: {  	[tilespmem:s26], [sflag:$0x2] =	stream.linear.gather [hbm4b:s29+s26], $0x3F0, $0x38;
	[tilespmem:$0x1A410] =	vst v63  }
0x23: {  	_ =	swait.ge [sflag:s18], $0x3F0  }
0x24: {  	[sflag:s18] =	ssyncset.done $0x0  }
0x25: {  	s31 =	sadd.s32 s1, s28;
	[sflag:s18] =	ssyncadd.s32 $0xFFFFFC10  }
0x26: {  	[tilespmem:s20], [sflag:$0x2] =	stream.linear.gather [hbm4b:s31+s26], $0x3F0, $0x38;
	[tilespmem:$0x1A410] =	vst v63  }
0x27: {  	_ =	swait.ge [sflag:s18], $0x3F0  }
0x28: {  	[sflag:s18] =	ssyncset.done $0x0  }
0x29: {  	s28 =	sadd.s32 s2, s28;
	[sflag:s18] =	ssyncadd.s32 $0xFFFFFC10  }
0x2a: {  	[tilespmem:s21], [sflag:$0x2] =	stream.linear.gather [hbm4b:s28+s26], $0x3F0, $0x38;
	[tilespmem:$0x1A410] =	vst v63  }
0x2b: {  	_ =	swait.ge [sflag:s18], $0x3F0  }
0x2c: {  	[sflag:s18] =	ssyncset.done $0x0  }
0x2d: {  	[sflag:s18] =	ssyncadd.s32 $0xFFFFFC10  }
0x2e: {  	[tilespmem:s22], [sflag:$0x1] =	stream.indirect.gather [hbm4b:s5+s20], $0x40, s26, s20, $0xb8;
	[tilespmem:$0x1A410] =	vst v63  }
0x2f: {  	_ =	swait.ge [sflag:s23], $0xFC00  }
0x30: {  	[sflag:s23] =	ssyncset.done $0x0  }
0x31: {  	s28 =	simm.s32 $0xDD0;
	[sflag:s23] =	ssyncadd.s32 $0xFFFF0400  }
.LBB2_3:
0x32: {  	s29 =	sshra.s32 s26, $0x2  }
0x33: {  	v0 =	vld [tilespmem:s29+$0x7E0];
	_ =	sdelay $0x1  }
0x34: {  	v1 =	vld [tilespmem:s28+$0xFFFFFE00];
	_ =	sdelay $0x1  }
0x35: {  	v47 =	vld [tilespmem:s28+$0xFFFFFE10]  }
0x36: {  	v2 =	vbroadcast v0, $0x0  }
0x37: {  	v48 =	vld [tilespmem:s28+$0xFFFFFE20]  }
0x38: {  	v1 =	vmul.f32 v2, v1  }
0x39: {  	v49 =	vld [tilespmem:s28+$0xFFFFFE30]  }
0x3a: {  	[tilespmem:s28+$0xFFFFFE00] =	vst v1;
	v1 =	vmul.f32 v47, v2  }
0x3b: {  	v50 =	vld [tilespmem:s28+$0xFFFFFE40]  }
0x3c: {  	[tilespmem:s28+$0xFFFFFE10] =	vst v1;
	v1 =	vmul.f32 v48, v2  }
0x3d: {  	v52 =	vld [tilespmem:s28+$0xFFFFFE50]  }
0x3e: {  	v51 =	vbroadcast v0, $0x1;
	[tilespmem:s28+$0xFFFFFE20] =	vst v1;
	v1 =	vmul.f32 v49, v2  }
0x3f: {  	v53 =	vld [tilespmem:s28+$0xFFFFFE60]  }
0x40: {  	[tilespmem:s28+$0xFFFFFE30] =	vst v1;
	v1 =	vmul.f32 v50, v51  }
0x41: {  	v54 =	vld [tilespmem:s28+$0xFFFFFE70]  }
0x42: {  	[tilespmem:s28+$0xFFFFFE40] =	vst v1;
	v1 =	vmul.f32 v52, v51  }
0x43: {  	v55 =	vld [tilespmem:s28+$0xFFFFFE80]  }
0x44: {  	[tilespmem:s28+$0xFFFFFE50] =	vst v1;
	v1 =	vmul.f32 v53, v51  }
0x45: {  	v57 =	vld [tilespmem:s28+$0xFFFFFE90]  }
0x46: {  	v56 =	vbroadcast v0, $0x2;
	[tilespmem:s28+$0xFFFFFE60] =	vst v1;
	v1 =	vmul.f32 v54, v51  }
0x47: {  	v58 =	vld [tilespmem:s28+$0xFFFFFEA0]  }
0x48: {  	[tilespmem:s28+$0xFFFFFE70] =	vst v1;
	v1 =	vmul.f32 v55, v56  }
0x49: {  	v59 =	vld [tilespmem:s28+$0xFFFFFEB0]  }
0x4a: {  	[tilespmem:s28+$0xFFFFFE80] =	vst v1;
	v1 =	vmul.f32 v57, v56  }
0x4b: {  	v60 =	vld [tilespmem:s28+$0xFFFFFEC0]  }
0x4c: {  	[tilespmem:s28+$0xFFFFFE90] =	vst v1;
	v1 =	vmul.f32 v58, v56  }
0x4d: {  	v62 =	vld [tilespmem:s28+$0xFFFFFED0]  }
0x4e: {  	v61 =	vbroadcast v0, $0x3;
	[tilespmem:s28+$0xFFFFFEA0] =	vst v1;
	v1 =	vmul.f32 v59, v56  }
0x4f: {  	v63 =	vld [tilespmem:s28+$0xFFFFFEE0]  }
0x50: {  	[tilespmem:s28+$0xFFFFFEB0] =	vst v1;
	v1 =	vmul.f32 v60, v61  }
0x51: {  	v4 =	vld [tilespmem:s28+$0xFFFFFEF0]  }
0x52: {  	[tilespmem:s28+$0xFFFFFEC0] =	vst v1;
	v1 =	vmul.f32 v62, v61  }
0x53: {  	v5 =	vld [tilespmem:s28+$0xFFFFFF00]  }
0x54: {  	[tilespmem:s28+$0xFFFFFED0] =	vst v1;
	v1 =	vmul.f32 v63, v61  }
0x55: {  	v7 =	vld [tilespmem:s28+$0xFFFFFF10]  }
0x56: {  	v6 =	vbroadcast v0, $0x4;
	[tilespmem:s28+$0xFFFFFEE0] =	vst v1;
	v1 =	vmul.f32 v4, v61  }
0x57: {  	v8 =	vld [tilespmem:s28+$0xFFFFFF20]  }
0x58: {  	[tilespmem:s28+$0xFFFFFEF0] =	vst v1;
	v1 =	vmul.f32 v5, v6  }
0x59: {  	v9 =	vld [tilespmem:s28+$0xFFFFFF30]  }
0x5a: {  	[tilespmem:s28+$0xFFFFFF00] =	vst v1;
	v1 =	vmul.f32 v7, v6  }
0x5b: {  	v10 =	vld [tilespmem:s28+$0xFFFFFF40]  }
0x5c: {  	[tilespmem:s28+$0xFFFFFF10] =	vst v1;
	v1 =	vmul.f32 v8, v6  }
0x5d: {  	v12 =	vld [tilespmem:s28+$0xFFFFFF50]  }
0x5e: {  	v11 =	vbroadcast v0, $0x5;
	[tilespmem:s28+$0xFFFFFF20] =	vst v1;
	v1 =	vmul.f32 v9, v6  }
0x5f: {  	v13 =	vld [tilespmem:s28+$0xFFFFFF60]  }
0x60: {  	[tilespmem:s28+$0xFFFFFF30] =	vst v1;
	v1 =	vmul.f32 v10, v11  }
0x61: {  	v14 =	vld [tilespmem:s28+$0xFFFFFF70]  }
0x62: {  	[tilespmem:s28+$0xFFFFFF40] =	vst v1;
	v1 =	vmul.f32 v12, v11  }
0x63: {  	v15 =	vld [tilespmem:s28+$0xFFFFFF80]  }
0x64: {  	[tilespmem:s28+$0xFFFFFF50] =	vst v1;
	v1 =	vmul.f32 v13, v11  }
0x65: {  	v17 =	vld [tilespmem:s28+$0xFFFFFF90]  }
0x66: {  	v16 =	vbroadcast v0, $0x6;
	[tilespmem:s28+$0xFFFFFF60] =	vst v1;
	v1 =	vmul.f32 v14, v11  }
0x67: {  	v18 =	vld [tilespmem:s28+$0xFFFFFFA0]  }
0x68: {  	[tilespmem:s28+$0xFFFFFF70] =	vst v1;
	v1 =	vmul.f32 v15, v16  }
0x69: {  	v19 =	vld [tilespmem:s28+$0xFFFFFFB0]  }
0x6a: {  	[tilespmem:s28+$0xFFFFFF80] =	vst v1;
	v1 =	vmul.f32 v17, v16  }
0x6b: {  	v20 =	vld [tilespmem:s28+$0xFFFFFFC0]  }
0x6c: {  	[tilespmem:s28+$0xFFFFFF90] =	vst v1;
	v1 =	vmul.f32 v18, v16  }
0x6d: {  	v22 =	vld [tilespmem:s28+$0xFFFFFFD0]  }
0x6e: {  	v21 =	vbroadcast v0, $0x7;
	[tilespmem:s28+$0xFFFFFFA0] =	vst v1;
	v1 =	vmul.f32 v19, v16  }
0x6f: {  	v23 =	vld [tilespmem:s28+$0xFFFFFFE0]  }
0x70: {  	[tilespmem:s28+$0xFFFFFFB0] =	vst v1;
	v1 =	vmul.f32 v20, v21  }
0x71: {  	v24 =	vld [tilespmem:s28+$0xFFFFFFF0]  }
0x72: {  	[tilespmem:s28+$0xFFFFFFC0] =	vst v1;
	v1 =	vmul.f32 v22, v21  }
0x73: {  	v25 =	vld [tilespmem:s28+$0x0]  }
0x74: {  	[tilespmem:s28+$0xFFFFFFD0] =	vst v1;
	v1 =	vmul.f32 v23, v21  }
0x75: {  	v27 =	vld [tilespmem:s28+$0x10]  }
0x76: {  	v26 =	vbroadcast v0, $0x8;
	[tilespmem:s28+$0xFFFFFFE0] =	vst v1;
	v1 =	vmul.f32 v24, v21  }
0x77: {  	v28 =	vld [tilespmem:s28+$0x20]  }
0x78: {  	[tilespmem:s28+$0xFFFFFFF0] =	vst v1;
	v1 =	vmul.f32 v25, v26  }
0x79: {  	v29 =	vld [tilespmem:s28+$0x30]  }
0x7a: {  	[tilespmem:s28+$0x0] =	vst v1;
	v1 =	vmul.f32 v27, v26  }
0x7b: {  	v30 =	vld [tilespmem:s28+$0x40]  }
0x7c: {  	[tilespmem:s28+$0x10] =	vst v1;
	v1 =	vmul.f32 v28, v26  }
0x7d: {  	v32 =	vld [tilespmem:s28+$0x50]  }
0x7e: {  	v31 =	vbroadcast v0, $0x9;
	[tilespmem:s28+$0x20] =	vst v1;
	v1 =	vmul.f32 v29, v26  }
0x7f: {  	v33 =	vld [tilespmem:s28+$0x60]  }
0x80: {  	[tilespmem:s28+$0x30] =	vst v1;
	v1 =	vmul.f32 v30, v31  }
0x81: {  	v34 =	vld [tilespmem:s28+$0x70]  }
0x82: {  	[tilespmem:s28+$0x40] =	vst v1;
	v1 =	vmul.f32 v32, v31  }
0x83: {  	v35 =	vld [tilespmem:s28+$0x80]  }
0x84: {  	[tilespmem:s28+$0x50] =	vst v1;
	v1 =	vmul.f32 v33, v31  }
0x85: {  	v37 =	vld [tilespmem:s28+$0x90]  }
0x86: {  	v36 =	vbroadcast v0, $0xA;
	[tilespmem:s28+$0x60] =	vst v1;
	v1 =	vmul.f32 v34, v31  }
0x87: {  	v38 =	vld [tilespmem:s28+$0xA0]  }
0x88: {  	[tilespmem:s28+$0x70] =	vst v1;
	v1 =	vmul.f32 v35, v36  }
0x89: {  	v39 =	vld [tilespmem:s28+$0xB0]  }
0x8a: {  	[tilespmem:s28+$0x80] =	vst v1;
	v1 =	vmul.f32 v37, v36  }
0x8b: {  	v40 =	vld [tilespmem:s28+$0xC0]  }
0x8c: {  	[tilespmem:s28+$0x90] =	vst v1;
	v1 =	vmul.f32 v38, v36  }
0x8d: {  	v42 =	vld [tilespmem:s28+$0xD0]  }
0x8e: {  	v41 =	vbroadcast v0, $0xB;
	[tilespmem:s28+$0xA0] =	vst v1;
	v1 =	vmul.f32 v39, v36  }
0x8f: {  	v43 =	vld [tilespmem:s28+$0xE0]  }
0x90: {  	[tilespmem:s28+$0xB0] =	vst v1;
	v1 =	vmul.f32 v40, v41  }
0x91: {  	v44 =	vld [tilespmem:s28+$0xF0]  }
0x92: {  	[tilespmem:s28+$0xC0] =	vst v1;
	v1 =	vmul.f32 v42, v41  }
0x93: {  	v45 =	vld [tilespmem:s28+$0x100]  }
0x94: {  	[tilespmem:s28+$0xD0] =	vst v1;
	v1 =	vmul.f32 v43, v41  }
0x95: {  	v47 =	vld [tilespmem:s28+$0x110]  }
0x96: {  	v46 =	vbroadcast v0, $0xC;
	[tilespmem:s28+$0xE0] =	vst v1;
	v1 =	vmul.f32 v44, v41  }
0x97: {  	v48 =	vld [tilespmem:s28+$0x120]  }
0x98: {  	[tilespmem:s28+$0xF0] =	vst v1;
	v1 =	vmul.f32 v45, v46  }
0x99: {  	v49 =	vld [tilespmem:s28+$0x130]  }
0x9a: {  	[tilespmem:s28+$0x100] =	vst v1;
	v1 =	vmul.f32 v47, v46  }
0x9b: {  	v50 =	vld [tilespmem:s28+$0x140]  }
0x9c: {  	[tilespmem:s28+$0x110] =	vst v1;
	v1 =	vmul.f32 v48, v46  }
0x9d: {  	v52 =	vld [tilespmem:s28+$0x150]  }
0x9e: {  	v51 =	vbroadcast v0, $0xD;
	[tilespmem:s28+$0x120] =	vst v1;
	v1 =	vmul.f32 v49, v46  }
0x9f: {  	v53 =	vld [tilespmem:s28+$0x160]  }
0xa0: {  	[tilespmem:s28+$0x130] =	vst v1;
	v1 =	vmul.f32 v50, v51  }
0xa1: {  	v54 =	vld [tilespmem:s28+$0x170]  }
0xa2: {  	[tilespmem:s28+$0x140] =	vst v1;
	v1 =	vmul.f32 v52, v51  }
0xa3: {  	v55 =	vld [tilespmem:s28+$0x180]  }
0xa4: {  	[tilespmem:s28+$0x150] =	vst v1;
	v1 =	vmul.f32 v53, v51  }
0xa5: {  	v57 =	vld [tilespmem:s28+$0x190]  }
0xa6: {  	v56 =	vbroadcast v0, $0xE;
	[tilespmem:s28+$0x160] =	vst v1;
	v1 =	vmul.f32 v54, v51  }
0xa7: {  	v58 =	vld [tilespmem:s28+$0x1A0]  }
0xa8: {  	[tilespmem:s28+$0x170] =	vst v1;
	v1 =	vmul.f32 v55, v56  }
0xa9: {  	v59 =	vld [tilespmem:s28+$0x1B0]  }
0xaa: {  	[tilespmem:s28+$0x180] =	vst v1;
	v1 =	vmul.f32 v57, v56  }
0xab: {  	v60 =	vld [tilespmem:s28+$0x1C0]  }
0xac: {  	[tilespmem:s28+$0x190] =	vst v1;
	v1 =	vmul.f32 v58, v56  }
0xad: {  	v61 =	vld [tilespmem:s28+$0x1D0]  }
0xae: {  	v0 =	vbroadcast v0, $0xF;
	[tilespmem:s28+$0x1A0] =	vst v1;
	v1 =	vmul.f32 v59, v56  }
0xaf: {  	v62 =	vld [tilespmem:s28+$0x1E0]  }
0xb0: {  	v63 =	vld [tilespmem:s28+$0x1F0];
	[tilespmem:s28+$0x1B0] =	vst v1;
	v1 =	vmul.f32 v60, v0;
	_ =	sdelay $0x1  }
0xb1: {  	p1 =	sne.s32 s26, $0xF80;
	[tilespmem:s28+$0x1C0] =	vst v1;
	v1 =	vmul.f32 v61, v0  }
.Ltmp0:
0xb2: {  	_ = 	snop;
	(pc) =	sbr.rel @p1 .LBB2_3-.Ltmp0, $4  }
0xb3: {  	[tilespmem:s28+$0x1D0] =	vst v1;
	v1 =	vmul.f32 v62, v0  }
0xb4: {  	v0 =	vmul.f32 v63, v0  }
0xb5: {  	[tilespmem:s28+$0x1E0] =	vst v1  }
0xb6: {  	s26 =	sadd.s32 $0x40, s26;
	[tilespmem:s28+$0x1F0] =	vst v0;
	s28 =	sadd.s32 $0x400, s28  }
0xb7: {  	s25 =	sadd.s32 $0x1, s25  }
0xb8: {  	p1 =	sne.s32 s25, $0x9  }
.Ltmp1:
0xb9: {  	_ = 	snop;
	(pc) =	sbr.rel @p1 .LBB2_2-.Ltmp1, $4  }
0xba: {  	[spmem:s3] =	stream.indirect.scatter.add.f32 [tilespmem:s22], [sflag:$0x2], $0x40, s20, s20, $0xb8;
	[tilespmem:$0x1A410] =	vst v63  }
0xbb: {  	_ =	swait.ge [sflag:s18], $0xFC00  }
0xbc: {  	[sflag:s18] =	ssyncset.done $0x0  }
0xbd: {  	[sflag:s18] =	ssyncadd.s32 $0xFFFF0400  }
0xbe: {  	s25 =	simm.s32 $0x0  }
0xbf: {  	[tilespmem:s25], [sflag:$0x2] =	stream.linear.gather [hbm4b:s11+s25], $0x3A0, $0x38;
	[tilespmem:$0x1A410] =	vst v63  }
0xc0: {  	_ =	swait.ge [sflag:s18], $0x3A0  }
0xc1: {  	[sflag:s18] =	ssyncset.done $0x0  }
0xc2: {  	[sflag:s18] =	ssyncadd.s32 $0xFFFFFC60  }
0xc3: {  	[tilespmem:s20], [sflag:$0x2] =	stream.linear.gather [hbm4b:s12+s25], $0x3A0, $0x38;
	[tilespmem:$0x1A410] =	vst v63  }
0xc4: {  	_ =	swait.ge [sflag:s18], $0x3A0  }
0xc5: {  	[sflag:s18] =	ssyncset.done $0x0  }
0xc6: {  	[sflag:s18] =	ssyncadd.s32 $0xFFFFFC60  }
0xc7: {  	[tilespmem:s21], [sflag:$0x2] =	stream.linear.gather [hbm4b:s13+s25], $0x3A0, $0x38;
	[tilespmem:$0x1A410] =	vst v63  }
0xc8: {  	_ =	swait.ge [sflag:s18], $0x3A0  }
0xc9: {  	[sflag:s18] =	ssyncset.done $0x0  }
0xca: {  	[sflag:s18] =	ssyncadd.s32 $0xFFFFFC60  }
0xcb: {  	[tilespmem:s22], [sflag:$0x1] =	stream.indirect.gather [hbm4b:s5+s24], $0x40, s25, s24, $0xb8;
	[tilespmem:$0x1A410] =	vst v63  }
0xcc: {  	_ =	swait.ge [sflag:s23], $0xE800  }
0xcd: {  	[sflag:s23] =	ssyncset.done $0x0  }
0xce: {  	s26 =	simm.s32 $0xDD0;
	[sflag:s23] =	ssyncadd.s32 $0xFFFF1800  }
.LBB2_6:
0xcf: {  	s28 =	sshra.s32 s25, $0x2  }
0xd0: {  	v0 =	vld [tilespmem:s28+$0x7E0];
	_ =	sdelay $0x1  }
0xd1: {  	v1 =	vld [tilespmem:s26+$0xFFFFFE00];
	_ =	sdelay $0x1  }
0xd2: {  	v47 =	vld [tilespmem:s26+$0xFFFFFE10]  }
0xd3: {  	v2 =	vbroadcast v0, $0x0  }
0xd4: {  	v48 =	vld [tilespmem:s26+$0xFFFFFE20]  }
0xd5: {  	v1 =	vmul.f32 v2, v1  }
0xd6: {  	v49 =	vld [tilespmem:s26+$0xFFFFFE30]  }
0xd7: {  	[tilespmem:s26+$0xFFFFFE00] =	vst v1;
	v1 =	vmul.f32 v47, v2  }
0xd8: {  	v50 =	vld [tilespmem:s26+$0xFFFFFE40]  }
0xd9: {  	[tilespmem:s26+$0xFFFFFE10] =	vst v1;
	v1 =	vmul.f32 v48, v2  }
0xda: {  	v52 =	vld [tilespmem:s26+$0xFFFFFE50]  }
0xdb: {  	v51 =	vbroadcast v0, $0x1;
	[tilespmem:s26+$0xFFFFFE20] =	vst v1;
	v1 =	vmul.f32 v49, v2  }
0xdc: {  	v53 =	vld [tilespmem:s26+$0xFFFFFE60]  }
0xdd: {  	[tilespmem:s26+$0xFFFFFE30] =	vst v1;
	v1 =	vmul.f32 v50, v51  }
0xde: {  	v54 =	vld [tilespmem:s26+$0xFFFFFE70]  }
0xdf: {  	[tilespmem:s26+$0xFFFFFE40] =	vst v1;
	v1 =	vmul.f32 v52, v51  }
0xe0: {  	v55 =	vld [tilespmem:s26+$0xFFFFFE80]  }
0xe1: {  	[tilespmem:s26+$0xFFFFFE50] =	vst v1;
	v1 =	vmul.f32 v53, v51  }
0xe2: {  	v57 =	vld [tilespmem:s26+$0xFFFFFE90]  }
0xe3: {  	v56 =	vbroadcast v0, $0x2;
	[tilespmem:s26+$0xFFFFFE60] =	vst v1;
	v1 =	vmul.f32 v54, v51  }
0xe4: {  	v58 =	vld [tilespmem:s26+$0xFFFFFEA0]  }
0xe5: {  	[tilespmem:s26+$0xFFFFFE70] =	vst v1;
	v1 =	vmul.f32 v55, v56  }
0xe6: {  	v59 =	vld [tilespmem:s26+$0xFFFFFEB0]  }
0xe7: {  	[tilespmem:s26+$0xFFFFFE80] =	vst v1;
	v1 =	vmul.f32 v57, v56  }
0xe8: {  	v60 =	vld [tilespmem:s26+$0xFFFFFEC0]  }
0xe9: {  	[tilespmem:s26+$0xFFFFFE90] =	vst v1;
	v1 =	vmul.f32 v58, v56  }
0xea: {  	v62 =	vld [tilespmem:s26+$0xFFFFFED0]  }
0xeb: {  	v61 =	vbroadcast v0, $0x3;
	[tilespmem:s26+$0xFFFFFEA0] =	vst v1;
	v1 =	vmul.f32 v59, v56  }
0xec: {  	v63 =	vld [tilespmem:s26+$0xFFFFFEE0]  }
0xed: {  	[tilespmem:s26+$0xFFFFFEB0] =	vst v1;
	v1 =	vmul.f32 v60, v61  }
0xee: {  	v4 =	vld [tilespmem:s26+$0xFFFFFEF0]  }
0xef: {  	[tilespmem:s26+$0xFFFFFEC0] =	vst v1;
	v1 =	vmul.f32 v62, v61  }
0xf0: {  	v5 =	vld [tilespmem:s26+$0xFFFFFF00]  }
0xf1: {  	[tilespmem:s26+$0xFFFFFED0] =	vst v1;
	v1 =	vmul.f32 v63, v61  }
0xf2: {  	v7 =	vld [tilespmem:s26+$0xFFFFFF10]  }
0xf3: {  	v6 =	vbroadcast v0, $0x4;
	[tilespmem:s26+$0xFFFFFEE0] =	vst v1;
	v1 =	vmul.f32 v4, v61  }
0xf4: {  	v8 =	vld [tilespmem:s26+$0xFFFFFF20]  }
0xf5: {  	[tilespmem:s26+$0xFFFFFEF0] =	vst v1;
	v1 =	vmul.f32 v5, v6  }
0xf6: {  	v9 =	vld [tilespmem:s26+$0xFFFFFF30]  }
0xf7: {  	[tilespmem:s26+$0xFFFFFF00] =	vst v1;
	v1 =	vmul.f32 v7, v6  }
0xf8: {  	v10 =	vld [tilespmem:s26+$0xFFFFFF40]  }
0xf9: {  	[tilespmem:s26+$0xFFFFFF10] =	vst v1;
	v1 =	vmul.f32 v8, v6  }
0xfa: {  	v12 =	vld [tilespmem:s26+$0xFFFFFF50]  }
0xfb: {  	v11 =	vbroadcast v0, $0x5;
	[tilespmem:s26+$0xFFFFFF20] =	vst v1;
	v1 =	vmul.f32 v9, v6  }
0xfc: {  	v13 =	vld [tilespmem:s26+$0xFFFFFF60]  }
0xfd: {  	[tilespmem:s26+$0xFFFFFF30] =	vst v1;
	v1 =	vmul.f32 v10, v11  }
0xfe: {  	v14 =	vld [tilespmem:s26+$0xFFFFFF70]  }
0xff: {  	[tilespmem:s26+$0xFFFFFF40] =	vst v1;
	v1 =	vmul.f32 v12, v11  }
0x100: {  	v15 =	vld [tilespmem:s26+$0xFFFFFF80]  }
0x101: {  	[tilespmem:s26+$0xFFFFFF50] =	vst v1;
	v1 =	vmul.f32 v13, v11  }
0x102: {  	v17 =	vld [tilespmem:s26+$0xFFFFFF90]  }
0x103: {  	v16 =	vbroadcast v0, $0x6;
	[tilespmem:s26+$0xFFFFFF60] =	vst v1;
	v1 =	vmul.f32 v14, v11  }
0x104: {  	v18 =	vld [tilespmem:s26+$0xFFFFFFA0]  }
0x105: {  	[tilespmem:s26+$0xFFFFFF70] =	vst v1;
	v1 =	vmul.f32 v15, v16  }
0x106: {  	v19 =	vld [tilespmem:s26+$0xFFFFFFB0]  }
0x107: {  	[tilespmem:s26+$0xFFFFFF80] =	vst v1;
	v1 =	vmul.f32 v17, v16  }
0x108: {  	v20 =	vld [tilespmem:s26+$0xFFFFFFC0]  }
0x109: {  	[tilespmem:s26+$0xFFFFFF90] =	vst v1;
	v1 =	vmul.f32 v18, v16  }
0x10a: {  	v22 =	vld [tilespmem:s26+$0xFFFFFFD0]  }
0x10b: {  	v21 =	vbroadcast v0, $0x7;
	[tilespmem:s26+$0xFFFFFFA0] =	vst v1;
	v1 =	vmul.f32 v19, v16  }
0x10c: {  	v23 =	vld [tilespmem:s26+$0xFFFFFFE0]  }
0x10d: {  	[tilespmem:s26+$0xFFFFFFB0] =	vst v1;
	v1 =	vmul.f32 v20, v21  }
0x10e: {  	v24 =	vld [tilespmem:s26+$0xFFFFFFF0]  }
0x10f: {  	[tilespmem:s26+$0xFFFFFFC0] =	vst v1;
	v1 =	vmul.f32 v22, v21  }
0x110: {  	v25 =	vld [tilespmem:s26+$0x0]  }
0x111: {  	[tilespmem:s26+$0xFFFFFFD0] =	vst v1;
	v1 =	vmul.f32 v23, v21  }
0x112: {  	v27 =	vld [tilespmem:s26+$0x10]  }
0x113: {  	v26 =	vbroadcast v0, $0x8;
	[tilespmem:s26+$0xFFFFFFE0] =	vst v1;
	v1 =	vmul.f32 v24, v21  }
0x114: {  	v28 =	vld [tilespmem:s26+$0x20]  }
0x115: {  	[tilespmem:s26+$0xFFFFFFF0] =	vst v1;
	v1 =	vmul.f32 v25, v26  }
0x116: {  	v29 =	vld [tilespmem:s26+$0x30]  }
0x117: {  	[tilespmem:s26+$0x0] =	vst v1;
	v1 =	vmul.f32 v27, v26  }
0x118: {  	v30 =	vld [tilespmem:s26+$0x40]  }
0x119: {  	[tilespmem:s26+$0x10] =	vst v1;
	v1 =	vmul.f32 v28, v26  }
0x11a: {  	v32 =	vld [tilespmem:s26+$0x50]  }
0x11b: {  	v31 =	vbroadcast v0, $0x9;
	[tilespmem:s26+$0x20] =	vst v1;
	v1 =	vmul.f32 v29, v26  }
0x11c: {  	v33 =	vld [tilespmem:s26+$0x60]  }
0x11d: {  	[tilespmem:s26+$0x30] =	vst v1;
	v1 =	vmul.f32 v30, v31  }
0x11e: {  	v34 =	vld [tilespmem:s26+$0x70]  }
0x11f: {  	[tilespmem:s26+$0x40] =	vst v1;
	v1 =	vmul.f32 v32, v31  }
0x120: {  	v35 =	vld [tilespmem:s26+$0x80]  }
0x121: {  	[tilespmem:s26+$0x50] =	vst v1;
	v1 =	vmul.f32 v33, v31  }
0x122: {  	v37 =	vld [tilespmem:s26+$0x90]  }
0x123: {  	v36 =	vbroadcast v0, $0xA;
	[tilespmem:s26+$0x60] =	vst v1;
	v1 =	vmul.f32 v34, v31  }
0x124: {  	v38 =	vld [tilespmem:s26+$0xA0]  }
0x125: {  	[tilespmem:s26+$0x70] =	vst v1;
	v1 =	vmul.f32 v35, v36  }
0x126: {  	v39 =	vld [tilespmem:s26+$0xB0]  }
0x127: {  	[tilespmem:s26+$0x80] =	vst v1;
	v1 =	vmul.f32 v37, v36  }
0x128: {  	v40 =	vld [tilespmem:s26+$0xC0]  }
0x129: {  	[tilespmem:s26+$0x90] =	vst v1;
	v1 =	vmul.f32 v38, v36  }
0x12a: {  	v42 =	vld [tilespmem:s26+$0xD0]  }
0x12b: {  	v41 =	vbroadcast v0, $0xB;
	[tilespmem:s26+$0xA0] =	vst v1;
	v1 =	vmul.f32 v39, v36  }
0x12c: {  	v43 =	vld [tilespmem:s26+$0xE0]  }
0x12d: {  	[tilespmem:s26+$0xB0] =	vst v1;
	v1 =	vmul.f32 v40, v41  }
0x12e: {  	v44 =	vld [tilespmem:s26+$0xF0]  }
0x12f: {  	[tilespmem:s26+$0xC0] =	vst v1;
	v1 =	vmul.f32 v42, v41  }
0x130: {  	v45 =	vld [tilespmem:s26+$0x100]  }
0x131: {  	[tilespmem:s26+$0xD0] =	vst v1;
	v1 =	vmul.f32 v43, v41  }
0x132: {  	v47 =	vld [tilespmem:s26+$0x110]  }
0x133: {  	v46 =	vbroadcast v0, $0xC;
	[tilespmem:s26+$0xE0] =	vst v1;
	v1 =	vmul.f32 v44, v41  }
0x134: {  	v48 =	vld [tilespmem:s26+$0x120]  }
0x135: {  	[tilespmem:s26+$0xF0] =	vst v1;
	v1 =	vmul.f32 v45, v46  }
0x136: {  	v49 =	vld [tilespmem:s26+$0x130]  }
0x137: {  	[tilespmem:s26+$0x100] =	vst v1;
	v1 =	vmul.f32 v47, v46  }
0x138: {  	v50 =	vld [tilespmem:s26+$0x140]  }
0x139: {  	[tilespmem:s26+$0x110] =	vst v1;
	v1 =	vmul.f32 v48, v46  }
0x13a: {  	v52 =	vld [tilespmem:s26+$0x150]  }
0x13b: {  	v51 =	vbroadcast v0, $0xD;
	[tilespmem:s26+$0x120] =	vst v1;
	v1 =	vmul.f32 v49, v46  }
0x13c: {  	v53 =	vld [tilespmem:s26+$0x160]  }
0x13d: {  	[tilespmem:s26+$0x130] =	vst v1;
	v1 =	vmul.f32 v50, v51  }
0x13e: {  	v54 =	vld [tilespmem:s26+$0x170]  }
0x13f: {  	[tilespmem:s26+$0x140] =	vst v1;
	v1 =	vmul.f32 v52, v51  }
0x140: {  	v55 =	vld [tilespmem:s26+$0x180]  }
0x141: {  	[tilespmem:s26+$0x150] =	vst v1;
	v1 =	vmul.f32 v53, v51  }
0x142: {  	v57 =	vld [tilespmem:s26+$0x190]  }
0x143: {  	v56 =	vbroadcast v0, $0xE;
	[tilespmem:s26+$0x160] =	vst v1;
	v1 =	vmul.f32 v54, v51  }
0x144: {  	v58 =	vld [tilespmem:s26+$0x1A0]  }
0x145: {  	[tilespmem:s26+$0x170] =	vst v1;
	v1 =	vmul.f32 v55, v56  }
0x146: {  	v59 =	vld [tilespmem:s26+$0x1B0]  }
0x147: {  	[tilespmem:s26+$0x180] =	vst v1;
	v1 =	vmul.f32 v57, v56  }
0x148: {  	v60 =	vld [tilespmem:s26+$0x1C0]  }
0x149: {  	[tilespmem:s26+$0x190] =	vst v1;
	v1 =	vmul.f32 v58, v56  }
0x14a: {  	v61 =	vld [tilespmem:s26+$0x1D0]  }
0x14b: {  	v0 =	vbroadcast v0, $0xF;
	[tilespmem:s26+$0x1A0] =	vst v1;
	v1 =	vmul.f32 v59, v56  }
0x14c: {  	v62 =	vld [tilespmem:s26+$0x1E0]  }
0x14d: {  	v63 =	vld [tilespmem:s26+$0x1F0];
	[tilespmem:s26+$0x1B0] =	vst v1;
	v1 =	vmul.f32 v60, v0;
	_ =	sdelay $0x1  }
0x14e: {  	p1 =	sne.s32 s25, $0xE40;
	[tilespmem:s26+$0x1C0] =	vst v1;
	v1 =	vmul.f32 v61, v0  }
.Ltmp2:
0x14f: {  	_ = 	snop;
	(pc) =	sbr.rel @p1 .LBB2_6-.Ltmp2, $4  }
0x150: {  	[tilespmem:s26+$0x1D0] =	vst v1;
	v1 =	vmul.f32 v62, v0  }
0x151: {  	v0 =	vmul.f32 v63, v0  }
0x152: {  	[tilespmem:s26+$0x1E0] =	vst v1  }
0x153: {  	s25 =	sadd.s32 $0x40, s25;
	[tilespmem:s26+$0x1F0] =	vst v0;
	s26 =	sadd.s32 $0x400, s26  }
0x154: {  	[spmem:s3] =	stream.indirect.scatter.add.f32 [tilespmem:s22], [sflag:$0x2], $0x40, s20, s24, $0xb8;
	[tilespmem:$0x1A410] =	vst v63  }
0x155: {  	_ =	swait.ge [sflag:s18], $0xE800  }
0x156: {  	[sflag:s18] =	ssyncset.done $0x0  }
0x157: {  	[sflag:s18] =	ssyncadd.s32 $0xFFFF1800  }
0x158: {  	[bflag:$0x0] =	sbarrier.arrive $0xFFFF  }
0x159: {  	[hbm:s14], [sflag:s9] =	dma.local [spmem:s17], $0x1380  }
0x15a: {  	s4 =	sadd.s32 $0x1, s4;
	_ =	swait.ge [sflag:s18], $0x1380  }
0x15b: {  	p1 =	sne.s32 s4, s16;
	[sflag:s18] =	ssyncset.done $0x0  }
.Ltmp3:
0x15c: {  	s25 =	simm.s32 @!p0 $0x2;
	[sflag:s18] =	ssyncadd.s32 $0xFFFFEC80;
	(pc) =	sbr.rel @p1 .LBB2_1-.Ltmp3, $4  }
0x15d: {  	[hbm:s15], [sflag:s9] =	dma.local @!p0 [spmem:s19], $0x80  }
0x15e: {  	_ =	swait.ge @!p0 [sflag:s25], $0x80  }
0x15f: {  	[sflag:s25] =	ssyncset.done @!p0 $0x0  }
0x160: {  	[sflag:s25] =	ssyncadd.s32 @!p0 $0xFFFFFF80  }
0x161: {  	_ =	sfence.sel $0x180000  }
0x162: {  	[bflag:$0x0] =	sbarrier.arrive $0xFFFF  }
0x163: {  	_ =	strace $0x9000004A  }
0x164: {  	s0 =	sadd.s32 @!p0 $0x100000, s0;
	[bflag:$0x2] =	sbarrier.arrive $0xFFFF  }
0x165: {  	[sflag:s0] =	ssyncadd.tile.s32 @!p0 $0x1;
	_ =	shalt  }
.Lfunc_end2:
_tile_overlayer_lowered:
.L_overlay_start_2:
0x166: {  	(tag) =	ssettag $0x2  }
0x167: {  	s0 =	rddreg [dreg:$0x0];
	s2 =	stileid.u32  }
0x168: {  	s1 =	rddreg [dreg:$0x1];
	p0 =	sne.s32 s2, $0x0  }
0x169: {  	s3 =	rddreg [dreg:$0x2];
	[bflag:$0x3] =	sbarrier.arrive $0xFFFF;
	s2 =	simm.s32 @!p0 $0x1C02  }
0x16a: {  	[timem:s3], [sflag:s2] =	dma.local @!p0 [hbm:s0], s1  }
0x16b: {  	s0 =	simm.s32 @!p0 $0x2  }
0x16c: {  	_ =	swait.ge @!p0 [sflag:s0], s1  }
0x16d: {  	s1 =	ssub.s32 @!p0 $0x0, s1;
	[sflag:s0] =	ssyncset.done @!p0 $0x0  }
0x16e: {  	[sflag:s0] =	ssyncadd.s32 @!p0 s1  }
0x16f: {  	[bflag:$0x3] =	sbarrier.arrive $0xFFFF  }
0x170: {  	_ =	shalt  }

// kernel: kernel.7.cloned.1.call-start
scs
__scs_entry_jumppad:
0x0: {  	(pc) =	sbr.rel $0x88, $3  }
0x1: {  	(tag) =	ssettag $0x0;
	lr =	simm.s32 $0x1  }
0x2: {  	[smem:$0x3F9A] =	sst lr;
	_ =	strace $0xD0000000  }
0x3: {  	_ = 	snop  }
0x4: {  	_ = 	snop  }
0x5: {  	_ = 	snop  }
0x6: {  	_ = 	snop  }
0x7: {  	_ = 	snop  }
__scs_overlays_trampoline_lowered:
0x8: {  	[smem:$0x3FA9] =	sst s0  }
0x9: {  	[smem:$0x3FAA] =	sst s1  }
0xa: {  	[smem:$0x3FAB] =	sst s2  }
0xb: {  	[smem:$0x3FAC] =	sst s3  }
0xc: {  	[smem:$0x3FAD] =	sst s4  }
0xd: {  	[smem:$0x3FAE] =	sst s5  }
0xe: {  	[smem:$0x3FAF] =	sst s6  }
0xf: {  	[smem:$0x3FB0] =	sst s7  }
0x10: {  	[smem:$0x3FB1] =	sst s8  }
0x11: {  	[smem:$0x3FB2] =	sst s9;
	s0 =	simm.s32 @!p0 $0x0  }
0x12: {  	s1 =	sld [smem:$0x3F98];
	s0 =	simm.s32 @p0 $0x1  }
0x13: {  	[smem:$0x3FB3] =	sst s0;
	s0 =	simm.s32 @!p1 $0x0  }
0x14: {  	s2 =	sld [smem:$0x3F97];
	s0 =	simm.s32 @p1 $0x1  }
0x15: {  	[smem:$0x3FB4] =	sst s0;
	s0 =	simm.s32 @!p2 $0x0  }
0x16: {  	s3 =	sld [smem:$0x3FDB];
	s0 =	simm.s32 @p2 $0x1  }
0x17: {  	s4 =	simm.s32 $0x1BF5;
	[smem:$0x3FB6] =	sst s0  }
0x18: {  	s0 =	sld [smem:$0x3F99];
	_ =	swait.ge [sflag:s4], $0x0  }
0x19: {  	s7 =	sld [smem:$0x3F9A]  }
0x1a: {  	s8 =	sadd.s32 $0xFFFFE003, lr  }
0x1b: {  	s9 =	sadd.s32 $0xFFFFFEF7, lr;
	s5 =	simm.s32 $0xFFFFFFFF;
	p2 =	slt.u32 s8, $0xFFFFF086  }
0x1c: {  	p1 =	slt.u32 s9, $0xF7A;
	s5 =	simm.s32 @!p2 $0x0  }
0x1d: {  	s5 =	simm.s32 @p1 $0x1;
	p0 =	seq.s32 s7, s2  }
0x1e: {  	s7 =	smul.u32 @!p0 $0xF7A, s2;
	p2 =	seq.s32 @!p0 s5, $0x0  }
0x1f: {  	s9 =	smul.u32 $0xF7A, s1;
	s8 =	simm.s32 @!p0 $0x1BF5;
	p2 =	por !p2, p0  }
0x20: {  	[sflag:s8] =	ssyncset.s32 @!p0 $0xFFFFF086;
	s6 =	sadd.s32 @!p0 s3, s7;
	s7 =	simm.s32 @!p0 $0x108  }
0x21: {  	s3 =	sadd.s32 s3, s9;
	s6 =	sadd.s32 @!p0 $0x88, s6;
	s7 =	simm.s32 @p2 $0x1082  }
0x22: {  	[simem:s7], [sflag:s8] =	dma.local @!p0 [hbm:s6], $0xF7A  }
0x23: {  	s9 =	sor.u32 $0xD0000000, s2;
	s6 =	simm.s32 $0x108;
	_ =	swait.ge @!p0 [sflag:s8], $0x0  }
0x24: {  	s3 =	sadd.s32 $0x88, s3;
	s6 =	simm.s32 @!p1 $0x1082;
	[sflag:s4] =	ssyncset.s32 $0xFFFFF086  }
0x25: {  	[simem:s6], [sflag:s4] =	dma.local [hbm:s3], $0xF7A  }
0x26: {  	[smem:$0x3F9A] =	sst s1;
	(tag) =	ssettag s2;
	_ =	strace s9  }
0x27: {  	s1 =	sld [smem:$0x3FAA]  }
0x28: {  	s2 =	sld [smem:$0x3FAB]  }
0x29: {  	s4 =	sld [smem:$0x3FAD]  }
0x2a: {  	p0 =	seq.s32 s5, $0x0;
	s5 =	sld [smem:$0x3FAE]  }
0x2b: {  	s6 =	sld [smem:$0x3FAF]  }
0x2c: {  	s7 =	sld [smem:$0x3FB0]  }
0x2d: {  	s3 =	simm.s32 $0x108;
	s8 =	sld [smem:$0x3FB1]  }
0x2e: {  	s3 =	simm.s32 @!p0 $0x1082;
	s9 =	sld [smem:$0x3FB2]  }
0x2f: {  	lr =	sadd.s32 s0, s3;
	s0 =	sld [smem:$0x3FA9]  }
0x30: {  	s3 =	sld [smem:$0x3FAC]  }
0x31: {  	[smem:$0x3FB5] =	sst s10  }
0x32: {  	s10 =	sld [smem:$0x3FB3];
	_ =	sdelay $0x3  }
0x33: {  	p0 =	seq.s32 s10, $0x1;
	s10 =	sld [smem:$0x3FB5];
	_ =	sdelay $0x3  }
0x34: {  	[smem:$0x3FB5] =	sst s10  }
0x35: {  	s10 =	sld [smem:$0x3FB4];
	_ =	sdelay $0x3  }
0x36: {  	p1 =	seq.s32 s10, $0x1;
	s10 =	sld [smem:$0x3FB5];
	_ =	sdelay $0x3  }
0x37: {  	[smem:$0x3FB5] =	sst s10  }
0x38: {  	s10 =	sld [smem:$0x3FB6]  }
0x39: {  	_ = 	snop;
	(pc) =	sbr.ind lr, $3  }
0x3a: {  	_ = 	snop  }
0x3b: {  	_ = 	snop  }
0x3c: {  	p2 =	seq.s32 s10, $0x1;
	s10 =	sld [smem:$0x3FB5]  }
0x3d: {  	_ =	shalt  }
0x3e: {  	_ =	shalt  }
0x3f: {  	_ =	shalt  }
0x40: {  	_ =	shalt  }
0x41: {  	_ =	shalt  }
0x42: {  	_ =	shalt  }
0x43: {  	_ =	shalt  }
0x44: {  	_ =	shalt  }
0x45: {  	_ =	shalt  }
0x46: {  	_ =	shalt  }
0x47: {  	_ =	shalt  }
0x48: {  	_ =	shalt  }
0x49: {  	_ =	shalt  }
0x4a: {  	_ =	shalt  }
0x4b: {  	_ =	shalt  }
0x4c: {  	_ =	shalt  }
0x4d: {  	_ =	shalt  }
0x4e: {  	_ =	shalt  }
0x4f: {  	_ =	shalt  }
0x50: {  	_ =	shalt  }
0x51: {  	_ =	shalt  }
0x52: {  	_ =	shalt  }
0x53: {  	_ =	shalt  }
0x54: {  	_ =	shalt  }
0x55: {  	_ =	shalt  }
0x56: {  	_ =	shalt  }
0x57: {  	_ =	shalt  }
0x58: {  	_ =	shalt  }
0x59: {  	_ =	shalt  }
0x5a: {  	_ =	shalt  }
0x5b: {  	_ =	shalt  }
0x5c: {  	_ =	shalt  }
0x5d: {  	_ =	shalt  }
0x5e: {  	_ =	shalt  }
0x5f: {  	_ =	shalt  }
0x60: {  	_ =	shalt  }
0x61: {  	_ =	shalt  }
0x62: {  	_ =	shalt  }
0x63: {  	_ =	shalt  }
0x64: {  	_ =	shalt  }
0x65: {  	_ =	shalt  }
0x66: {  	_ =	shalt  }
0x67: {  	_ =	shalt  }
0x68: {  	_ =	shalt  }
0x69: {  	_ =	shalt  }
0x6a: {  	_ =	shalt  }
0x6b: {  	_ =	shalt  }
0x6c: {  	_ =	shalt  }
0x6d: {  	_ =	shalt  }
0x6e: {  	_ =	shalt  }
0x6f: {  	_ =	shalt  }
0x70: {  	_ =	shalt  }
0x71: {  	_ =	shalt  }
0x72: {  	_ =	shalt  }
0x73: {  	_ =	shalt  }
0x74: {  	_ =	shalt  }
0x75: {  	_ =	shalt  }
0x76: {  	_ =	shalt  }
0x77: {  	_ =	shalt  }
0x78: {  	_ =	shalt  }
0x79: {  	_ =	shalt  }
0x7a: {  	_ =	shalt  }
0x7b: {  	_ =	shalt  }
0x7c: {  	_ =	shalt  }
0x7d: {  	_ =	shalt  }
0x7e: {  	_ =	shalt  }
0x7f: {  	_ =	shalt  }
0x80: {  	_ =	shalt  }
0x81: {  	_ =	shalt  }
0x82: {  	_ =	shalt  }
0x83: {  	_ =	shalt  }
0x84: {  	_ =	shalt  }
0x85: {  	_ =	shalt  }
0x86: {  	_ =	shalt  }
0x87: {  	_ =	shalt  }
.Lfunc_end0:
.L_simem_size_0:
called_computation_lowered:
.L_overlay_start_0:
0x88: {  	s2 =	sld [smem:$0x3FD9]  }
0x89: {  	s3 =	sld [smem:$0x3FFE];
	_ =	sdelay $0x1  }
0x8a: {  	s1 =	srdreg.scid  }
0x8b: {  	s0 =	sand.u32 $0x1, s1  }
0x8c: {  	s17 =	sshll.u32 s0, $0xA;
	s2 =	sadd.s32 s3, s2  }
0x8d: {  	s2 =	sadd.s32 s2, s17  }
0x8e: {  	[smem:$0x3FC1] =	sst s2  }
0x8f: {  	_ = 	snop  }
0x90: {  	s2 =	sld [smem:$0x3FC7]  }
0x91: {  	s18 =	sld [smem:$0x3FD0];
	(tm) =	ssettm $0x1  }
0x92: {  	s4 =	sld [smem:$0x3FFB];
	_ =	sdelay $0x3  }
0x93: {  	_ =	strace s4  }
0x94: {  	s4 =	sld [smem:$0x3FFC];
	_ =	sdelay $0x3  }
0x95: {  	_ =	strace s4  }
0x96: {  	s4 =	sld [smem:$0x3FFD];
	_ =	sdelay $0x3  }
0x97: {  	_ =	strace s4  }
0x98: {  	_ =	strace $0x8FFFFFFF  }
0x99: {  	s19 =	sld [smem:$0x3FDB];
	_ =	sdelay $0x1  }
0x9a: {  	s5 =	simm.s32 $_scs_section_size  }
0x9b: {  	s6 =	simm.s32 $_size__tile_overlayer_lowered;
	s7 =	simm.s32 $_tile_overlayer_lowered  }
0x9c: {  	s22 =	simm.s32 $0x1BFF;
	s21 =	sshll.u32 s7, $0x1;
	s4 =	sadd.s32 s5, s19  }
0x9d: {  	s8 =	simm.s32 $0x0;
	s20 =	sshll.u32 s6, $0x1;
	s6 =	sadd.s32 s21, s4  }
0x9e: {  	[timem:s8], [sflag:s22] =	dma.local [hbm:s6], s20  }
0x9f: {  	_ =	swait.ge [sflag:s22], s20  }
0xa0: {  	s5 =	ssub.s32 $0x0, s20;
	[sflag:s22] =	ssyncset.done $0x0  }
0xa1: {  	[sflag:s22] =	ssyncadd.s32 s5;
	_ =	sdelay $0x1  }
0xa2: {  	s23 =	simm.s32 $0x1B8B  }
0xa3: {  	_ =	swait.ge [sflag:s23], $0x1  }
0xa4: {  	[sflag:s23] =	ssyncset.done $0x0  }
0xa5: {  	s25 =	simm.s32 $0x1B8E;
	s24 =	sld [smem:$0x3FFE];
	[sflag:s23] =	ssyncadd.s32 $0xFFFFFFFF  }
0xa6: {  	s26 =	simm.s32 $execute0_lowered;
	[smem:$0x3FD2] =	sst s25  }
0xa7: {  	s6 =	sshll.u32 s26, $0x1;
	_ =	strace $0x80000046;
	[dreg:$0x1] =	wrdreg $0xFFFFFFFF  }
0xa8: {  	s28 =	simm.s32 $_size_execute0_lowered;
	s4 =	sadd.s32 s4, s6;
	[dreg:$0x0] =	wrdreg $0x0  }
0xa9: {  	s6 =	sshll.u32 s28, $0x1;
	[dreg:$0x2] =	wrdreg s4  }
0xaa: {  	[dreg:$0x3] =	wrdreg s6  }
0xab: {  	[dreg:$0x4] =	wrdreg $0xC0  }
0xac: {  	_ =	task [dreg:s8], $0x5FFFF  }
0xad: {  	[dreg:$0x1] =	wrdreg $0xFFFFFFFF  }
0xae: {  	[dreg:$0x0] =	wrdreg $0x60  }
0xaf: {  	[dreg:$0x2] =	wrdreg s24  }
0xb0: {  	[dreg:$0x3] =	wrdreg s18  }
0xb1: {  	[dreg:$0x4] =	wrdreg s2  }
0xb2: {  	[dreg:$0x5] =	wrdreg $0x107D00  }
0xb3: {  	[dreg:$0x6] =	wrdreg $0x9  }
0xb4: {  	_ =	task.clear_ibuf [dreg:s8], $0x7FFFF;
	_ =	strace $0x90000046  }
0xb5: {  	s29 =	simm.s32 $0x9;
	_ =	strace $0x80000048  }
0xb6: {  	_ =	swait.ge [sflag:s29], $0x1  }
0xb7: {  	[sflag:s29] =	ssyncadd.s32 $0xFFFFFFFF  }
0xb8: {  	_ =	strace $0x90000048  }
0xb9: {  	_ =	sfence  }
0xba: {  	s30 =	sld [smem:$0x0];
	_ =	sdelay $0x2  }
0xbb: {  	s31 =	sshll.u32 s1, $0xD;
	s1 =	sshrl.u32 s1, $0x2  }
0xbc: {  	s3 =	sand.u32 $0x4000, s31;
	s1 =	sadd.s32 s1, s30  }
0xbd: {  	s0 =	sor.u32 s3, s0;
	s1 =	sshll.u32 s1, $0x11  }
0xbe: {  	s0 =	sor.u32 s1, s0  }
0xbf: {  	s0 =	sadd.s32 $0x8F2B, s0  }
0xc0: {  	[sflag:s0] =	ssyncadd.remote.s32 $0x1  }
0xc1: {  	_ =	sfence.sel $0xFFFF  }
0xc2: {  	[dreg:$0x0] =	wrdreg $0xFFFFFFFF;
	(pc) =	sbr.abs _section_cstart, $3  }
0xc3: {  	[dreg:$0x1] =	wrdreg $0xFFFFFFFF  }
0xc4: {  	_ =	task.clear_ibuf [dreg:s8], $0x2FFFF;
	_ =	strace $0x9FFFFFFF  }
0xc5: {  	(tm) =	ssettm $0x7FFFFFFF  }
tec
execute0_lowered:
.L_overlay_start_1:
0x0: {  	(tag) =	ssettag $0x1  }
0x1: {  	s10 =	rddreg [dreg:$0x0]  }
0x2: {  	s1 =	rddreg [dreg:$0x1]  }
0x3: {  	s2 =	rddreg [dreg:$0x2]  }
0x4: {  	s3 =	rddreg [dreg:$0x3]  }
0x5: {  	s0 =	rddreg [dreg:$0x4];
	s4 =	simm.s32 $0x0  }
0x6: {  	s17 =	stileid.u32;
	s7 =	srdreg.scid;
	s22 =	simm.s32 $0xBD0  }
0x7: {  	s23 =	simm.s32 $0x1;
	s24 =	simm.s32 $0x3A0;
	[smem:$0x7FF] =	sst s4  }
0x8: {  	s5 =	sadd.s32 $0xA600, s10;
	s13 =	smul.u32 $0x9C00, s17;
	s6 =	sadd.s32 $0x800, s10  }
0x9: {  	s11 =	sand.u32 $0x1, s7;
	s28 =	sshll.u32 s17, $0x1;
	s14 =	sadd.s32 $0x31A00, s10  }
0xa: {  	s29 =	sshll.u32 s17, $0x6;
	s20 =	sadd.s32 $0x9C000, s3;
	p0 =	sne.s32 s17, $0x0  }
0xb: {  	_ =	strace $0x80000047;
	s9 =	ssub.s32 $0x2, s11;
	s7 =	sor.u32 s11, s28  }
0xc: {  	s19 =	smul.u32 $0x9C400, s11;
	s8 =	sshrl.u32 s13, $0x3;
	s12 =	sshrl.u32 s9, $0x1  }
0xd: {  	s7 =	smul.u32 $0x2710, s7;
	s18 =	sadd.s32 s13, s3;
	s8 =	sadd.s32 s8, s10  }
0xe: {  	s16 =	ssub.s32 s9, s12;
	s9 =	sor.u32 $0x1C02, s29;
	s10 =	sadd.s32 $0x31800, s10  }
0xf: {  	s21 =	sadd.s32 s13, s19;
	s19 =	sshrl.u32 s19, $0x3;
	s17 =	sshrl.u32 s18, $0x3  }
0x10: {  	s18 =	simm.s32 $0x2;
	s8 =	sadd.s32 $0x1E000, s8;
	s30 =	sshrl.u32 s7, $0x3  }
0x11: {  	s31 =	sshrl.u32 s21, $0x3;
	s19 =	sadd.s32 s14, s19;
	s16 =	smax.u32 s16, $0x1  }
0x12: {  	s21 =	simm.s32 $0x7E0;
	s15 =	sadd.s32 $0x46E, s30;
	s14 =	sadd.s32 s14, s31  }
0x13: {  	s11 =	sadd.s32 s6, s15;
	s12 =	sadd.s32 s1, s15;
	s13 =	sadd.s32 s2, s15  }
0x14: {  	s15 =	sadd.s32 $0x13800, s19;
	s19 =	sshrl.u32 @!p0 s20, $0x3;
	s20 =	simm.s32 $0x3F0  }
.LBB2_1:
0x15: {  	[spmem:s17], [sflag:s9] =	dma.local [hbm:s8], $0x1380  }
0x16: {  	_ =	swait.ge [sflag:s18], $0x1380  }
0x17: {  	[sflag:s18] =	ssyncset.done $0x0  }
0x18: {  	s25 =	simm.s32 @!p0 $0x2;
	[sflag:s18] =	ssyncadd.s32 $0xFFFFEC80  }
0x19: {  	[spmem:s19], [sflag:s9] =	dma.local @!p0 [hbm:s10], $0x80  }
0x1a: {  	_ =	swait.ge @!p0 [sflag:s25], $0x80  }
0x1b: {  	[sflag:s25] =	ssyncset.done @!p0 $0x0  }
0x1c: {  	[sflag:s25] =	ssyncadd.s32 @!p0 $0xFFFFFF80  }
0x1d: {  	s25 =	simm.s32 $0x0;
	[bflag:$0x0] =	sbarrier.arrive $0xFFFF  }
.LBB2_2:
0x1e: {  	s26 =	smul.u32 $0x3F0, s25;
	_ =	sdelay $0x1  }
0x1f: {  	s26 =	sadd.s32 s7, s26  }
0x20: {  	s28 =	sshrl.u32 s26, $0x3  }
0x21: {  	s26 =	simm.s32 $0x0;
	s29 =	sadd.s32 s6, s28  }
0x22: {  	[tilespmem:s26], [sflag:$0x2] =	stream.linear.gather [hbm4b:s29+s26], $0x3F0, $0x38;
	[tilespmem:$0x1A410] =	vst v63  }
0x23: {  	_ =	swait.ge [sflag:s18], $0x3F0  }
0x24: {  	[sflag:s18] =	ssyncset.done $0x0  }
0x25: {  	s31 =	sadd.s32 s1, s28;
	[sflag:s18] =	ssyncadd.s32 $0xFFFFFC10  }
0x26: {  	[tilespmem:s20], [sflag:$0x2] =	stream.linear.gather [hbm4b:s31+s26], $0x3F0, $0x38;
	[tilespmem:$0x1A410] =	vst v63  }
0x27: {  	_ =	swait.ge [sflag:s18], $0x3F0  }
0x28: {  	[sflag:s18] =	ssyncset.done $0x0  }
0x29: {  	s28 =	sadd.s32 s2, s28;
	[sflag:s18] =	ssyncadd.s32 $0xFFFFFC10  }
0x2a: {  	[tilespmem:s21], [sflag:$0x2] =	stream.linear.gather [hbm4b:s28+s26], $0x3F0, $0x38;
	[tilespmem:$0x1A410] =	vst v63  }
0x2b: {  	_ =	swait.ge [sflag:s18], $0x3F0  }
0x2c: {  	[sflag:s18] =	ssyncset.done $0x0  }
0x2d: {  	[sflag:s18] =	ssyncadd.s32 $0xFFFFFC10  }
0x2e: {  	[tilespmem:s22], [sflag:$0x1] =	stream.indirect.gather [hbm4b:s5+s20], $0x40, s26, s20, $0xb8;
	[tilespmem:$0x1A410] =	vst v63  }
0x2f: {  	_ =	swait.ge [sflag:s23], $0xFC00  }
0x30: {  	[sflag:s23] =	ssyncset.done $0x0  }
0x31: {  	s28 =	simm.s32 $0xDD0;
	[sflag:s23] =	ssyncadd.s32 $0xFFFF0400  }
.LBB2_3:
0x32: {  	s29 =	sshra.s32 s26, $0x2  }
0x33: {  	v0 =	vld [tilespmem:s29+$0x7E0];
	_ =	sdelay $0x1  }
0x34: {  	v1 =	vld [tilespmem:s28+$0xFFFFFE00];
	_ =	sdelay $0x1  }
0x35: {  	v47 =	vld [tilespmem:s28+$0xFFFFFE10]  }
0x36: {  	v2 =	vbroadcast v0, $0x0  }
0x37: {  	v48 =	vld [tilespmem:s28+$0xFFFFFE20]  }
0x38: {  	v1 =	vmul.f32 v2, v1  }
0x39: {  	v49 =	vld [tilespmem:s28+$0xFFFFFE30]  }
0x3a: {  	[tilespmem:s28+$0xFFFFFE00] =	vst v1;
	v1 =	vmul.f32 v47, v2  }
0x3b: {  	v50 =	vld [tilespmem:s28+$0xFFFFFE40]  }
0x3c: {  	[tilespmem:s28+$0xFFFFFE10] =	vst v1;
	v1 =	vmul.f32 v48, v2  }
0x3d: {  	v52 =	vld [tilespmem:s28+$0xFFFFFE50]  }
0x3e: {  	v51 =	vbroadcast v0, $0x1;
	[tilespmem:s28+$0xFFFFFE20] =	vst v1;
	v1 =	vmul.f32 v49, v2  }
0x3f: {  	v53 =	vld [tilespmem:s28+$0xFFFFFE60]  }
0x40: {  	[tilespmem:s28+$0xFFFFFE30] =	vst v1;
	v1 =	vmul.f32 v50, v51  }
0x41: {  	v54 =	vld [tilespmem:s28+$0xFFFFFE70]  }
0x42: {  	[tilespmem:s28+$0xFFFFFE40] =	vst v1;
	v1 =	vmul.f32 v52, v51  }
0x43: {  	v55 =	vld [tilespmem:s28+$0xFFFFFE80]  }
0x44: {  	[tilespmem:s28+$0xFFFFFE50] =	vst v1;
	v1 =	vmul.f32 v53, v51  }
0x45: {  	v57 =	vld [tilespmem:s28+$0xFFFFFE90]  }
0x46: {  	v56 =	vbroadcast v0, $0x2;
	[tilespmem:s28+$0xFFFFFE60] =	vst v1;
	v1 =	vmul.f32 v54, v51  }
0x47: {  	v58 =	vld [tilespmem:s28+$0xFFFFFEA0]  }
0x48: {  	[tilespmem:s28+$0xFFFFFE70] =	vst v1;
	v1 =	vmul.f32 v55, v56  }
0x49: {  	v59 =	vld [tilespmem:s28+$0xFFFFFEB0]  }
0x4a: {  	[tilespmem:s28+$0xFFFFFE80] =	vst v1;
	v1 =	vmul.f32 v57, v56  }
0x4b: {  	v60 =	vld [tilespmem:s28+$0xFFFFFEC0]  }
0x4c: {  	[tilespmem:s28+$0xFFFFFE90] =	vst v1;
	v1 =	vmul.f32 v58, v56  }
0x4d: {  	v62 =	vld [tilespmem:s28+$0xFFFFFED0]  }
0x4e: {  	v61 =	vbroadcast v0, $0x3;
	[tilespmem:s28+$0xFFFFFEA0] =	vst v1;
	v1 =	vmul.f32 v59, v56  }
0x4f: {  	v63 =	vld [tilespmem:s28+$0xFFFFFEE0]  }
0x50: {  	[tilespmem:s28+$0xFFFFFEB0] =	vst v1;
	v1 =	vmul.f32 v60, v61  }
0x51: {  	v4 =	vld [tilespmem:s28+$0xFFFFFEF0]  }
0x52: {  	[tilespmem:s28+$0xFFFFFEC0] =	vst v1;
	v1 =	vmul.f32 v62, v61  }
0x53: {  	v5 =	vld [tilespmem:s28+$0xFFFFFF00]  }
0x54: {  	[tilespmem:s28+$0xFFFFFED0] =	vst v1;
	v1 =	vmul.f32 v63, v61  }
0x55: {  	v7 =	vld [tilespmem:s28+$0xFFFFFF10]  }
0x56: {  	v6 =	vbroadcast v0, $0x4;
	[tilespmem:s28+$0xFFFFFEE0] =	vst v1;
	v1 =	vmul.f32 v4, v61  }
0x57: {  	v8 =	vld [tilespmem:s28+$0xFFFFFF20]  }
0x58: {  	[tilespmem:s28+$0xFFFFFEF0] =	vst v1;
	v1 =	vmul.f32 v5, v6  }
0x59: {  	v9 =	vld [tilespmem:s28+$0xFFFFFF30]  }
0x5a: {  	[tilespmem:s28+$0xFFFFFF00] =	vst v1;
	v1 =	vmul.f32 v7, v6  }
0x5b: {  	v10 =	vld [tilespmem:s28+$0xFFFFFF40]  }
0x5c: {  	[tilespmem:s28+$0xFFFFFF10] =	vst v1;
	v1 =	vmul.f32 v8, v6  }
0x5d: {  	v12 =	vld [tilespmem:s28+$0xFFFFFF50]  }
0x5e: {  	v11 =	vbroadcast v0, $0x5;
	[tilespmem:s28+$0xFFFFFF20] =	vst v1;
	v1 =	vmul.f32 v9, v6  }
0x5f: {  	v13 =	vld [tilespmem:s28+$0xFFFFFF60]  }
0x60: {  	[tilespmem:s28+$0xFFFFFF30] =	vst v1;
	v1 =	vmul.f32 v10, v11  }
0x61: {  	v14 =	vld [tilespmem:s28+$0xFFFFFF70]  }
0x62: {  	[tilespmem:s28+$0xFFFFFF40] =	vst v1;
	v1 =	vmul.f32 v12, v11  }
0x63: {  	v15 =	vld [tilespmem:s28+$0xFFFFFF80]  }
0x64: {  	[tilespmem:s28+$0xFFFFFF50] =	vst v1;
	v1 =	vmul.f32 v13, v11  }
0x65: {  	v17 =	vld [tilespmem:s28+$0xFFFFFF90]  }
0x66: {  	v16 =	vbroadcast v0, $0x6;
	[tilespmem:s28+$0xFFFFFF60] =	vst v1;
	v1 =	vmul.f32 v14, v11  }
0x67: {  	v18 =	vld [tilespmem:s28+$0xFFFFFFA0]  }
0x68: {  	[tilespmem:s28+$0xFFFFFF70] =	vst v1;
	v1 =	vmul.f32 v15, v16  }
0x69: {  	v19 =	vld [tilespmem:s28+$0xFFFFFFB0]  }
0x6a: {  	[tilespmem:s28+$0xFFFFFF80] =	vst v1;
	v1 =	vmul.f32 v17, v16  }
0x6b: {  	v20 =	vld [tilespmem:s28+$0xFFFFFFC0]  }
0x6c: {  	[tilespmem:s28+$0xFFFFFF90] =	vst v1;
	v1 =	vmul.f32 v18, v16  }
0x6d: {  	v22 =	vld [tilespmem:s28+$0xFFFFFFD0]  }
0x6e: {  	v21 =	vbroadcast v0, $0x7;
	[tilespmem:s28+$0xFFFFFFA0] =	vst v1;
	v1 =	vmul.f32 v19, v16  }
0x6f: {  	v23 =	vld [tilespmem:s28+$0xFFFFFFE0]  }
0x70: {  	[tilespmem:s28+$0xFFFFFFB0] =	vst v1;
	v1 =	vmul.f32 v20, v21  }
0x71: {  	v24 =	vld [tilespmem:s28+$0xFFFFFFF0]  }
0x72: {  	[tilespmem:s28+$0xFFFFFFC0] =	vst v1;
	v1 =	vmul.f32 v22, v21  }
0x73: {  	v25 =	vld [tilespmem:s28+$0x0]  }
0x74: {  	[tilespmem:s28+$0xFFFFFFD0] =	vst v1;
	v1 =	vmul.f32 v23, v21  }
0x75: {  	v27 =	vld [tilespmem:s28+$0x10]  }
0x76: {  	v26 =	vbroadcast v0, $0x8;
	[tilespmem:s28+$0xFFFFFFE0] =	vst v1;
	v1 =	vmul.f32 v24, v21  }
0x77: {  	v28 =	vld [tilespmem:s28+$0x20]  }
0x78: {  	[tilespmem:s28+$0xFFFFFFF0] =	vst v1;
	v1 =	vmul.f32 v25, v26  }
0x79: {  	v29 =	vld [tilespmem:s28+$0x30]  }
0x7a: {  	[tilespmem:s28+$0x0] =	vst v1;
	v1 =	vmul.f32 v27, v26  }
0x7b: {  	v30 =	vld [tilespmem:s28+$0x40]  }
0x7c: {  	[tilespmem:s28+$0x10] =	vst v1;
	v1 =	vmul.f32 v28, v26  }
0x7d: {  	v32 =	vld [tilespmem:s28+$0x50]  }
0x7e: {  	v31 =	vbroadcast v0, $0x9;
	[tilespmem:s28+$0x20] =	vst v1;
	v1 =	vmul.f32 v29, v26  }
0x7f: {  	v33 =	vld [tilespmem:s28+$0x60]  }
0x80: {  	[tilespmem:s28+$0x30] =	vst v1;
	v1 =	vmul.f32 v30, v31  }
0x81: {  	v34 =	vld [tilespmem:s28+$0x70]  }
0x82: {  	[tilespmem:s28+$0x40] =	vst v1;
	v1 =	vmul.f32 v32, v31  }
0x83: {  	v35 =	vld [tilespmem:s28+$0x80]  }
0x84: {  	[tilespmem:s28+$0x50] =	vst v1;
	v1 =	vmul.f32 v33, v31  }
0x85: {  	v37 =	vld [tilespmem:s28+$0x90]  }
0x86: {  	v36 =	vbroadcast v0, $0xA;
	[tilespmem:s28+$0x60] =	vst v1;
	v1 =	vmul.f32 v34, v31  }
0x87: {  	v38 =	vld [tilespmem:s28+$0xA0]  }
0x88: {  	[tilespmem:s28+$0x70] =	vst v1;
	v1 =	vmul.f32 v35, v36  }
0x89: {  	v39 =	vld [tilespmem:s28+$0xB0]  }
0x8a: {  	[tilespmem:s28+$0x80] =	vst v1;
	v1 =	vmul.f32 v37, v36  }
0x8b: {  	v40 =	vld [tilespmem:s28+$0xC0]  }
0x8c: {  	[tilespmem:s28+$0x90] =	vst v1;
	v1 =	vmul.f32 v38, v36  }
0x8d: {  	v42 =	vld [tilespmem:s28+$0xD0]  }
0x8e: {  	v41 =	vbroadcast v0, $0xB;
	[tilespmem:s28+$0xA0] =	vst v1;
	v1 =	vmul.f32 v39, v36  }
0x8f: {  	v43 =	vld [tilespmem:s28+$0xE0]  }
0x90: {  	[tilespmem:s28+$0xB0] =	vst v1;
	v1 =	vmul.f32 v40, v41  }
0x91: {  	v44 =	vld [tilespmem:s28+$0xF0]  }
0x92: {  	[tilespmem:s28+$0xC0] =	vst v1;
	v1 =	vmul.f32 v42, v41  }
0x93: {  	v45 =	vld [tilespmem:s28+$0x100]  }
0x94: {  	[tilespmem:s28+$0xD0] =	vst v1;
	v1 =	vmul.f32 v43, v41  }
0x95: {  	v47 =	vld [tilespmem:s28+$0x110]  }
0x96: {  	v46 =	vbroadcast v0, $0xC;
	[tilespmem:s28+$0xE0] =	vst v1;
	v1 =	vmul.f32 v44, v41  }
0x97: {  	v48 =	vld [tilespmem:s28+$0x120]  }
0x98: {  	[tilespmem:s28+$0xF0] =	vst v1;
	v1 =	vmul.f32 v45, v46  }
0x99: {  	v49 =	vld [tilespmem:s28+$0x130]  }
0x9a: {  	[tilespmem:s28+$0x100] =	vst v1;
	v1 =	vmul.f32 v47, v46  }
0x9b: {  	v50 =	vld [tilespmem:s28+$0x140]  }
0x9c: {  	[tilespmem:s28+$0x110] =	vst v1;
	v1 =	vmul.f32 v48, v46  }
0x9d: {  	v52 =	vld [tilespmem:s28+$0x150]  }
0x9e: {  	v51 =	vbroadcast v0, $0xD;
	[tilespmem:s28+$0x120] =	vst v1;
	v1 =	vmul.f32 v49, v46  }
0x9f: {  	v53 =	vld [tilespmem:s28+$0x160]  }
0xa0: {  	[tilespmem:s28+$0x130] =	vst v1;
	v1 =	vmul.f32 v50, v51  }
0xa1: {  	v54 =	vld [tilespmem:s28+$0x170]  }
0xa2: {  	[tilespmem:s28+$0x140] =	vst v1;
	v1 =	vmul.f32 v52, v51  }
0xa3: {  	v55 =	vld [tilespmem:s28+$0x180]  }
0xa4: {  	[tilespmem:s28+$0x150] =	vst v1;
	v1 =	vmul.f32 v53, v51  }
0xa5: {  	v57 =	vld [tilespmem:s28+$0x190]  }
0xa6: {  	v56 =	vbroadcast v0, $0xE;
	[tilespmem:s28+$0x160] =	vst v1;
	v1 =	vmul.f32 v54, v51  }
0xa7: {  	v58 =	vld [tilespmem:s28+$0x1A0]  }
0xa8: {  	[tilespmem:s28+$0x170] =	vst v1;
	v1 =	vmul.f32 v55, v56  }
0xa9: {  	v59 =	vld [tilespmem:s28+$0x1B0]  }
0xaa: {  	[tilespmem:s28+$0x180] =	vst v1;
	v1 =	vmul.f32 v57, v56  }
0xab: {  	v60 =	vld [tilespmem:s28+$0x1C0]  }
0xac: {  	[tilespmem:s28+$0x190] =	vst v1;
	v1 =	vmul.f32 v58, v56  }
0xad: {  	v61 =	vld [tilespmem:s28+$0x1D0]  }
0xae: {  	v0 =	vbroadcast v0, $0xF;
	[tilespmem:s28+$0x1A0] =	vst v1;
	v1 =	vmul.f32 v59, v56  }
0xaf: {  	v62 =	vld [tilespmem:s28+$0x1E0]  }
0xb0: {  	v63 =	vld [tilespmem:s28+$0x1F0];
	[tilespmem:s28+$0x1B0] =	vst v1;
	v1 =	vmul.f32 v60, v0;
	_ =	sdelay $0x1  }
0xb1: {  	p1 =	sne.s32 s26, $0xF80;
	[tilespmem:s28+$0x1C0] =	vst v1;
	v1 =	vmul.f32 v61, v0  }
.Ltmp0:
0xb2: {  	_ = 	snop;
	(pc) =	sbr.rel @p1 .LBB2_3-.Ltmp0, $4  }
0xb3: {  	[tilespmem:s28+$0x1D0] =	vst v1;
	v1 =	vmul.f32 v62, v0  }
0xb4: {  	v0 =	vmul.f32 v63, v0  }
0xb5: {  	[tilespmem:s28+$0x1E0] =	vst v1  }
0xb6: {  	s26 =	sadd.s32 $0x40, s26;
	[tilespmem:s28+$0x1F0] =	vst v0;
	s28 =	sadd.s32 $0x400, s28  }
0xb7: {  	s25 =	sadd.s32 $0x1, s25  }
0xb8: {  	p1 =	sne.s32 s25, $0x9  }
.Ltmp1:
0xb9: {  	_ = 	snop;
	(pc) =	sbr.rel @p1 .LBB2_2-.Ltmp1, $4  }
0xba: {  	[spmem:s3] =	stream.indirect.scatter.add.f32 [tilespmem:s22], [sflag:$0x2], $0x40, s20, s20, $0xb8;
	[tilespmem:$0x1A410] =	vst v63  }
0xbb: {  	_ =	swait.ge [sflag:s18], $0xFC00  }
0xbc: {  	[sflag:s18] =	ssyncset.done $0x0  }
0xbd: {  	[sflag:s18] =	ssyncadd.s32 $0xFFFF0400  }
0xbe: {  	s25 =	simm.s32 $0x0  }
0xbf: {  	[tilespmem:s25], [sflag:$0x2] =	stream.linear.gather [hbm4b:s11+s25], $0x3A0, $0x38;
	[tilespmem:$0x1A410] =	vst v63  }
0xc0: {  	_ =	swait.ge [sflag:s18], $0x3A0  }
0xc1: {  	[sflag:s18] =	ssyncset.done $0x0  }
0xc2: {  	[sflag:s18] =	ssyncadd.s32 $0xFFFFFC60  }
0xc3: {  	[tilespmem:s20], [sflag:$0x2] =	stream.linear.gather [hbm4b:s12+s25], $0x3A0, $0x38;
	[tilespmem:$0x1A410] =	vst v63  }
0xc4: {  	_ =	swait.ge [sflag:s18], $0x3A0  }
0xc5: {  	[sflag:s18] =	ssyncset.done $0x0  }
0xc6: {  	[sflag:s18] =	ssyncadd.s32 $0xFFFFFC60  }
0xc7: {  	[tilespmem:s21], [sflag:$0x2] =	stream.linear.gather [hbm4b:s13+s25], $0x3A0, $0x38;
	[tilespmem:$0x1A410] =	vst v63  }
0xc8: {  	_ =	swait.ge [sflag:s18], $0x3A0  }
0xc9: {  	[sflag:s18] =	ssyncset.done $0x0  }
0xca: {  	[sflag:s18] =	ssyncadd.s32 $0xFFFFFC60  }
0xcb: {  	[tilespmem:s22], [sflag:$0x1] =	stream.indirect.gather [hbm4b:s5+s24], $0x40, s25, s24, $0xb8;
	[tilespmem:$0x1A410] =	vst v63  }
0xcc: {  	_ =	swait.ge [sflag:s23], $0xE800  }
0xcd: {  	[sflag:s23] =	ssyncset.done $0x0  }
0xce: {  	s26 =	simm.s32 $0xDD0;
	[sflag:s23] =	ssyncadd.s32 $0xFFFF1800  }
.LBB2_6:
0xcf: {  	s28 =	sshra.s32 s25, $0x2  }
0xd0: {  	v0 =	vld [tilespmem:s28+$0x7E0];
	_ =	sdelay $0x1  }
0xd1: {  	v1 =	vld [tilespmem:s26+$0xFFFFFE00];
	_ =	sdelay $0x1  }
0xd2: {  	v47 =	vld [tilespmem:s26+$0xFFFFFE10]  }
0xd3: {  	v2 =	vbroadcast v0, $0x0  }
0xd4: {  	v48 =	vld [tilespmem:s26+$0xFFFFFE20]  }
0xd5: {  	v1 =	vmul.f32 v2, v1  }
0xd6: {  	v49 =	vld [tilespmem:s26+$0xFFFFFE30]  }
0xd7: {  	[tilespmem:s26+$0xFFFFFE00] =	vst v1;
	v1 =	vmul.f32 v47, v2  }
0xd8: {  	v50 =	vld [tilespmem:s26+$0xFFFFFE40]  }
0xd9: {  	[tilespmem:s26+$0xFFFFFE10] =	vst v1;
	v1 =	vmul.f32 v48, v2  }
0xda: {  	v52 =	vld [tilespmem:s26+$0xFFFFFE50]  }
0xdb: {  	v51 =	vbroadcast v0, $0x1;
	[tilespmem:s26+$0xFFFFFE20] =	vst v1;
	v1 =	vmul.f32 v49, v2  }
0xdc: {  	v53 =	vld [tilespmem:s26+$0xFFFFFE60]  }
0xdd: {  	[tilespmem:s26+$0xFFFFFE30] =	vst v1;
	v1 =	vmul.f32 v50, v51  }
0xde: {  	v54 =	vld [tilespmem:s26+$0xFFFFFE70]  }
0xdf: {  	[tilespmem:s26+$0xFFFFFE40] =	vst v1;
	v1 =	vmul.f32 v52, v51  }
0xe0: {  	v55 =	vld [tilespmem:s26+$0xFFFFFE80]  }
0xe1: {  	[tilespmem:s26+$0xFFFFFE50] =	vst v1;
	v1 =	vmul.f32 v53, v51  }
0xe2: {  	v57 =	vld [tilespmem:s26+$0xFFFFFE90]  }
0xe3: {  	v56 =	vbroadcast v0, $0x2;
	[tilespmem:s26+$0xFFFFFE60] =	vst v1;
	v1 =	vmul.f32 v54, v51  }
0xe4: {  	v58 =	vld [tilespmem:s26+$0xFFFFFEA0]  }
0xe5: {  	[tilespmem:s26+$0xFFFFFE70] =	vst v1;
	v1 =	vmul.f32 v55, v56  }
0xe6: {  	v59 =	vld [tilespmem:s26+$0xFFFFFEB0]  }
0xe7: {  	[tilespmem:s26+$0xFFFFFE80] =	vst v1;
	v1 =	vmul.f32 v57, v56  }
0xe8: {  	v60 =	vld [tilespmem:s26+$0xFFFFFEC0]  }
0xe9: {  	[tilespmem:s26+$0xFFFFFE90] =	vst v1;
	v1 =	vmul.f32 v58, v56  }
0xea: {  	v62 =	vld [tilespmem:s26+$0xFFFFFED0]  }
0xeb: {  	v61 =	vbroadcast v0, $0x3;
	[tilespmem:s26+$0xFFFFFEA0] =	vst v1;
	v1 =	vmul.f32 v59, v56  }
0xec: {  	v63 =	vld [tilespmem:s26+$0xFFFFFEE0]  }
0xed: {  	[tilespmem:s26+$0xFFFFFEB0] =	vst v1;
	v1 =	vmul.f32 v60, v61  }
0xee: {  	v4 =	vld [tilespmem:s26+$0xFFFFFEF0]  }
0xef: {  	[tilespmem:s26+$0xFFFFFEC0] =	vst v1;
	v1 =	vmul.f32 v62, v61  }
0xf0: {  	v5 =	vld [tilespmem:s26+$0xFFFFFF00]  }
0xf1: {  	[tilespmem:s26+$0xFFFFFED0] =	vst v1;
	v1 =	vmul.f32 v63, v61  }
0xf2: {  	v7 =	vld [tilespmem:s26+$0xFFFFFF10]  }
0xf3: {  	v6 =	vbroadcast v0, $0x4;
	[tilespmem:s26+$0xFFFFFEE0] =	vst v1;
	v1 =	vmul.f32 v4, v61  }
0xf4: {  	v8 =	vld [tilespmem:s26+$0xFFFFFF20]  }
0xf5: {  	[tilespmem:s26+$0xFFFFFEF0] =	vst v1;
	v1 =	vmul.f32 v5, v6  }
0xf6: {  	v9 =	vld [tilespmem:s26+$0xFFFFFF30]  }
0xf7: {  	[tilespmem:s26+$0xFFFFFF00] =	vst v1;
	v1 =	vmul.f32 v7, v6  }
0xf8: {  	v10 =	vld [tilespmem:s26+$0xFFFFFF40]  }
0xf9: {  	[tilespmem:s26+$0xFFFFFF10] =	vst v1;
	v1 =	vmul.f32 v8, v6  }
0xfa: {  	v12 =	vld [tilespmem:s26+$0xFFFFFF50]  }
0xfb: {  	v11 =	vbroadcast v0, $0x5;
	[tilespmem:s26+$0xFFFFFF20] =	vst v1;
	v1 =	vmul.f32 v9, v6  }
0xfc: {  	v13 =	vld [tilespmem:s26+$0xFFFFFF60]  }
0xfd: {  	[tilespmem:s26+$0xFFFFFF30] =	vst v1;
	v1 =	vmul.f32 v10, v11  }
0xfe: {  	v14 =	vld [tilespmem:s26+$0xFFFFFF70]  }
0xff: {  	[tilespmem:s26+$0xFFFFFF40] =	vst v1;
	v1 =	vmul.f32 v12, v11  }
0x100: {  	v15 =	vld [tilespmem:s26+$0xFFFFFF80]  }
0x101: {  	[tilespmem:s26+$0xFFFFFF50] =	vst v1;
	v1 =	vmul.f32 v13, v11  }
0x102: {  	v17 =	vld [tilespmem:s26+$0xFFFFFF90]  }
0x103: {  	v16 =	vbroadcast v0, $0x6;
	[tilespmem:s26+$0xFFFFFF60] =	vst v1;
	v1 =	vmul.f32 v14, v11  }
0x104: {  	v18 =	vld [tilespmem:s26+$0xFFFFFFA0]  }
0x105: {  	[tilespmem:s26+$0xFFFFFF70] =	vst v1;
	v1 =	vmul.f32 v15, v16  }
0x106: {  	v19 =	vld [tilespmem:s26+$0xFFFFFFB0]  }
0x107: {  	[tilespmem:s26+$0xFFFFFF80] =	vst v1;
	v1 =	vmul.f32 v17, v16  }
0x108: {  	v20 =	vld [tilespmem:s26+$0xFFFFFFC0]  }
0x109: {  	[tilespmem:s26+$0xFFFFFF90] =	vst v1;
	v1 =	vmul.f32 v18, v16  }
0x10a: {  	v22 =	vld [tilespmem:s26+$0xFFFFFFD0]  }
0x10b: {  	v21 =	vbroadcast v0, $0x7;
	[tilespmem:s26+$0xFFFFFFA0] =	vst v1;
	v1 =	vmul.f32 v19, v16  }
0x10c: {  	v23 =	vld [tilespmem:s26+$0xFFFFFFE0]  }
0x10d: {  	[tilespmem:s26+$0xFFFFFFB0] =	vst v1;
	v1 =	vmul.f32 v20, v21  }
0x10e: {  	v24 =	vld [tilespmem:s26+$0xFFFFFFF0]  }
0x10f: {  	[tilespmem:s26+$0xFFFFFFC0] =	vst v1;
	v1 =	vmul.f32 v22, v21  }
0x110: {  	v25 =	vld [tilespmem:s26+$0x0]  }
0x111: {  	[tilespmem:s26+$0xFFFFFFD0] =	vst v1;
	v1 =	vmul.f32 v23, v21  }
0x112: {  	v27 =	vld [tilespmem:s26+$0x10]  }
0x113: {  	v26 =	vbroadcast v0, $0x8;
	[tilespmem:s26+$0xFFFFFFE0] =	vst v1;
	v1 =	vmul.f32 v24, v21  }
0x114: {  	v28 =	vld [tilespmem:s26+$0x20]  }
0x115: {  	[tilespmem:s26+$0xFFFFFFF0] =	vst v1;
	v1 =	vmul.f32 v25, v26  }
0x116: {  	v29 =	vld [tilespmem:s26+$0x30]  }
0x117: {  	[tilespmem:s26+$0x0] =	vst v1;
	v1 =	vmul.f32 v27, v26  }
0x118: {  	v30 =	vld [tilespmem:s26+$0x40]  }
0x119: {  	[tilespmem:s26+$0x10] =	vst v1;
	v1 =	vmul.f32 v28, v26  }
0x11a: {  	v32 =	vld [tilespmem:s26+$0x50]  }
0x11b: {  	v31 =	vbroadcast v0, $0x9;
	[tilespmem:s26+$0x20] =	vst v1;
	v1 =	vmul.f32 v29, v26  }
0x11c: {  	v33 =	vld [tilespmem:s26+$0x60]  }
0x11d: {  	[tilespmem:s26+$0x30] =	vst v1;
	v1 =	vmul.f32 v30, v31  }
0x11e: {  	v34 =	vld [tilespmem:s26+$0x70]  }
0x11f: {  	[tilespmem:s26+$0x40] =	vst v1;
	v1 =	vmul.f32 v32, v31  }
0x120: {  	v35 =	vld [tilespmem:s26+$0x80]  }
0x121: {  	[tilespmem:s26+$0x50] =	vst v1;
	v1 =	vmul.f32 v33, v31  }
0x122: {  	v37 =	vld [tilespmem:s26+$0x90]  }
0x123: {  	v36 =	vbroadcast v0, $0xA;
	[tilespmem:s26+$0x60] =	vst v1;
	v1 =	vmul.f32 v34, v31  }
0x124: {  	v38 =	vld [tilespmem:s26+$0xA0]  }
0x125: {  	[tilespmem:s26+$0x70] =	vst v1;
	v1 =	vmul.f32 v35, v36  }
0x126: {  	v39 =	vld [tilespmem:s26+$0xB0]  }
0x127: {  	[tilespmem:s26+$0x80] =	vst v1;
	v1 =	vmul.f32 v37, v36  }
0x128: {  	v40 =	vld [tilespmem:s26+$0xC0]  }
0x129: {  	[tilespmem:s26+$0x90] =	vst v1;
	v1 =	vmul.f32 v38, v36  }
0x12a: {  	v42 =	vld [tilespmem:s26+$0xD0]  }
0x12b: {  	v41 =	vbroadcast v0, $0xB;
	[tilespmem:s26+$0xA0] =	vst v1;
	v1 =	vmul.f32 v39, v36  }
0x12c: {  	v43 =	vld [tilespmem:s26+$0xE0]  }
0x12d: {  	[tilespmem:s26+$0xB0] =	vst v1;
	v1 =	vmul.f32 v40, v41  }
0x12e: {  	v44 =	vld [tilespmem:s26+$0xF0]  }
0x12f: {  	[tilespmem:s26+$0xC0] =	vst v1;
	v1 =	vmul.f32 v42, v41  }
0x130: {  	v45 =	vld [tilespmem:s26+$0x100]  }
0x131: {  	[tilespmem:s26+$0xD0] =	vst v1;
	v1 =	vmul.f32 v43, v41  }
0x132: {  	v47 =	vld [tilespmem:s26+$0x110]  }
0x133: {  	v46 =	vbroadcast v0, $0xC;
	[tilespmem:s26+$0xE0] =	vst v1;
	v1 =	vmul.f32 v44, v41  }
0x134: {  	v48 =	vld [tilespmem:s26+$0x120]  }
0x135: {  	[tilespmem:s26+$0xF0] =	vst v1;
	v1 =	vmul.f32 v45, v46  }
0x136: {  	v49 =	vld [tilespmem:s26+$0x130]  }
0x137: {  	[tilespmem:s26+$0x100] =	vst v1;
	v1 =	vmul.f32 v47, v46  }
0x138: {  	v50 =	vld [tilespmem:s26+$0x140]  }
0x139: {  	[tilespmem:s26+$0x110] =	vst v1;
	v1 =	vmul.f32 v48, v46  }
0x13a: {  	v52 =	vld [tilespmem:s26+$0x150]  }
0x13b: {  	v51 =	vbroadcast v0, $0xD;
	[tilespmem:s26+$0x120] =	vst v1;
	v1 =	vmul.f32 v49, v46  }
0x13c: {  	v53 =	vld [tilespmem:s26+$0x160]  }
0x13d: {  	[tilespmem:s26+$0x130] =	vst v1;
	v1 =	vmul.f32 v50, v51  }
0x13e: {  	v54 =	vld [tilespmem:s26+$0x170]  }
0x13f: {  	[tilespmem:s26+$0x140] =	vst v1;
	v1 =	vmul.f32 v52, v51  }
0x140: {  	v55 =	vld [tilespmem:s26+$0x180]  }
0x141: {  	[tilespmem:s26+$0x150] =	vst v1;
	v1 =	vmul.f32 v53, v51  }
0x142: {  	v57 =	vld [tilespmem:s26+$0x190]  }
0x143: {  	v56 =	vbroadcast v0, $0xE;
	[tilespmem:s26+$0x160] =	vst v1;
	v1 =	vmul.f32 v54, v51  }
0x144: {  	v58 =	vld [tilespmem:s26+$0x1A0]  }
0x145: {  	[tilespmem:s26+$0x170] =	vst v1;
	v1 =	vmul.f32 v55, v56  }
0x146: {  	v59 =	vld [tilespmem:s26+$0x1B0]  }
0x147: {  	[tilespmem:s26+$0x180] =	vst v1;
	v1 =	vmul.f32 v57, v56  }
0x148: {  	v60 =	vld [tilespmem:s26+$0x1C0]  }
0x149: {  	[tilespmem:s26+$0x190] =	vst v1;
	v1 =	vmul.f32 v58, v56  }
0x14a: {  	v61 =	vld [tilespmem:s26+$0x1D0]  }
0x14b: {  	v0 =	vbroadcast v0, $0xF;
	[tilespmem:s26+$0x1A0] =	vst v1;
	v1 =	vmul.f32 v59, v56  }
0x14c: {  	v62 =	vld [tilespmem:s26+$0x1E0]  }
0x14d: {  	v63 =	vld [tilespmem:s26+$0x1F0];
	[tilespmem:s26+$0x1B0] =	vst v1;
	v1 =	vmul.f32 v60, v0;
	_ =	sdelay $0x1  }
0x14e: {  	p1 =	sne.s32 s25, $0xE40;
	[tilespmem:s26+$0x1C0] =	vst v1;
	v1 =	vmul.f32 v61, v0  }
.Ltmp2:
0x14f: {  	_ = 	snop;
	(pc) =	sbr.rel @p1 .LBB2_6-.Ltmp2, $4  }
0x150: {  	[tilespmem:s26+$0x1D0] =	vst v1;
	v1 =	vmul.f32 v62, v0  }
0x151: {  	v0 =	vmul.f32 v63, v0  }
0x152: {  	[tilespmem:s26+$0x1E0] =	vst v1  }
0x153: {  	s25 =	sadd.s32 $0x40, s25;
	[tilespmem:s26+$0x1F0] =	vst v0;
	s26 =	sadd.s32 $0x400, s26  }
0x154: {  	[spmem:s3] =	stream.indirect.scatter.add.f32 [tilespmem:s22], [sflag:$0x2], $0x40, s20, s24, $0xb8;
	[tilespmem:$0x1A410] =	vst v63  }
0x155: {  	_ =	swait.ge [sflag:s18], $0xE800  }
0x156: {  	[sflag:s18] =	ssyncset.done $0x0  }
0x157: {  	[sflag:s18] =	ssyncadd.s32 $0xFFFF1800  }
0x158: {  	[bflag:$0x0] =	sbarrier.arrive $0xFFFF  }
0x159: {  	[hbm:s14], [sflag:s9] =	dma.local [spmem:s17], $0x1380  }
0x15a: {  	s4 =	sadd.s32 $0x1, s4;
	_ =	swait.ge [sflag:s18], $0x1380  }
0x15b: {  	p1 =	sne.s32 s4, s16;
	[sflag:s18] =	ssyncset.done $0x0  }
.Ltmp3:
0x15c: {  	s25 =	simm.s32 @!p0 $0x2;
	[sflag:s18] =	ssyncadd.s32 $0xFFFFEC80;
	(pc) =	sbr.rel @p1 .LBB2_1-.Ltmp3, $4  }
0x15d: {  	[hbm:s15], [sflag:s9] =	dma.local @!p0 [spmem:s19], $0x80  }
0x15e: {  	_ =	swait.ge @!p0 [sflag:s25], $0x80  }
0x15f: {  	[sflag:s25] =	ssyncset.done @!p0 $0x0  }
0x160: {  	[sflag:s25] =	ssyncadd.s32 @!p0 $0xFFFFFF80  }
0x161: {  	_ =	sfence.sel $0x180000  }
0x162: {  	[bflag:$0x0] =	sbarrier.arrive $0xFFFF  }
0x163: {  	_ =	strace $0x90000047  }
0x164: {  	s0 =	sadd.s32 @!p0 $0x100000, s0;
	[bflag:$0x2] =	sbarrier.arrive $0xFFFF  }
0x165: {  	[sflag:s0] =	ssyncadd.tile.s32 @!p0 $0x1;
	_ =	shalt  }
.Lfunc_end2:
_tile_overlayer_lowered:
.L_overlay_start_2:
0x166: {  	(tag) =	ssettag $0x2  }
0x167: {  	s0 =	rddreg [dreg:$0x0];
	s2 =	stileid.u32  }
0x168: {  	s1 =	rddreg [dreg:$0x1];
	p0 =	sne.s32 s2, $0x0  }
0x169: {  	s3 =	rddreg [dreg:$0x2];
	[bflag:$0x3] =	sbarrier.arrive $0xFFFF;
	s2 =	simm.s32 @!p0 $0x1C02  }
0x16a: {  	[timem:s3], [sflag:s2] =	dma.local @!p0 [hbm:s0], s1  }
0x16b: {  	s0 =	simm.s32 @!p0 $0x2  }
0x16c: {  	_ =	swait.ge @!p0 [sflag:s0], s1  }
0x16d: {  	s1 =	ssub.s32 @!p0 $0x0, s1;
	[sflag:s0] =	ssyncset.done @!p0 $0x0  }
0x16e: {  	[sflag:s0] =	ssyncadd.s32 @!p0 s1  }
0x16f: {  	[bflag:$0x3] =	sbarrier.arrive $0xFFFF  }
0x170: {  	_ =	shalt  }

</sc_bundles>
